<compile_context>
chip_gen: v7x
topology: tpu7x:2x2x1
jax: 0.10.2.dev20260603
libtpu: 0.0.44.dev20260713+nightly
codegen_flags: <defaults>
</compile_context>

<pallas_src>
import functools

import jax
import jax.numpy as jnp
from jax import lax
from jax.experimental import pallas as pl
from jax.experimental.pallas import tpu as pltpu
from jax.experimental.pallas import tpu_sc as plsc

VOCAB = 1000000
EMB_DIM = 64
BATCH = 16384
HIST = 50

NC = 2
NS = 16
NW = NC * NS

TOTAL = BATCH * HIST
B_PER_W = BATCH // NW
PER_W = B_PER_W * HIST
CHUNK = 256
QN = CHUNK // 128
NCHUNK = PER_W // CHUNK
LANES = 16
ROW_BYTES_OUT = BATCH * 4
TILE_ROW = 128 * 1024

_mesh = plsc.VectorSubcoreMesh(
    core_axis_name="c", subcore_axis_name="s", num_cores=NC, num_subcores=NS
)


@functools.partial(
    pl.kernel,
    out_type=jax.ShapeDtypeStruct((HIST * 8 * TILE_ROW,), jnp.float32),
    mesh=_mesh,
    scratch_types=[
        pltpu.VMEM((PER_W,), jnp.int32),
        [pltpu.VMEM((CHUNK, EMB_DIM), jnp.float32) for _ in range(2)],
        [pltpu.VMEM((8 * QN * 1024,), jnp.float32) for _ in range(2)],
        pltpu.SemaphoreType.DMA,
        [pltpu.SemaphoreType.DMA for _ in range(2)],
        [pltpu.SemaphoreType.DMA for _ in range(2)],
    ],
    compiler_params=pltpu.CompilerParams(
        use_tc_tiling_on_sc=False, needs_layout_passes=False
    ),
)
def _emb_lookup(idx_hbm, table_hbm, out_hbm, idx_all, rows, rowsT, isem, gsems, wsems):
    wid = lax.axis_index("s") * NC + lax.axis_index("c")
    b0 = wid * B_PER_W

    for h in range(HIST):
        pltpu.async_copy(
            idx_hbm.at[pl.ds(h * BATCH + b0, B_PER_W)],
            idx_all.at[pl.ds(h * B_PER_W, B_PER_W)],
            isem,
        )
    for h in range(HIST):
        pltpu.make_async_copy(
            idx_hbm.at[pl.ds(0, B_PER_W)], idx_all.at[pl.ds(0, B_PER_W)], isem
        ).wait()

    lane = lax.iota(jnp.int32, LANES)
    jvecs = [lane + jnp.int32(jb * LANES) for jb in range(CHUNK // LANES)]
    wstat = [
        lane + jnp.int32(((jb * LANES) // 128) * 1024 + (jb * LANES) % 128)
        for jb in range(CHUNK // LANES)
    ]

    def fire_gather(c, b):
        pltpu.async_copy(
            table_hbm.at[idx_all.at[pl.ds(c * CHUNK, CHUNK)]], rows[b], gsems[b]
        )

    def wait_gather(b):
        pltpu.make_async_copy(
            table_hbm.at[idx_all.at[pl.ds(0, CHUNK)]], rows[b], gsems[b]
        ).wait()

    def fire_writeback(c, b):
        h = c // 2
        tc0 = 4 * wid + (c % 2) * QN
        for tr in range(8):
            pltpu.async_copy(
                rowsT[b].at[pl.ds(tr * (QN * 1024), QN * 1024)],
                out_hbm.at[pl.ds((h * 8 + tr) * TILE_ROW + tc0 * 1024, QN * 1024)],
                wsems[b],
            )

    def wait_writeback(b):
        for tr in range(8):
            pltpu.make_async_copy(
                rowsT[b].at[pl.ds(0, QN * 1024)],
                out_hbm.at[pl.ds(0, QN * 1024)],
                wsems[b],
            ).wait()

    def transpose_chunk(b):
        @plsc.parallel_loop(0, EMB_DIM, 1, unroll=4)
        def tbody(d0):
            dmod = (jnp.full((LANES,), d0, dtype=jnp.int32) + lane) & 63
            wvec = (dmod >> 3) * jnp.int32(QN * 1024) + (dmod & 7) * jnp.int32(128)
            for jb in range(CHUNK // LANES):
                vals = plsc.load_gather(rows[b], [jvecs[jb], dmod])
                plsc.store_scatter(rowsT[b], [wvec + wstat[jb]], vals)

    fire_gather(0, 0)

    def body(g, carry):
        for b in range(2):
            c = g * 2 + b

            @pl.when(c + 1 < NCHUNK)
            def _():
                fire_gather(c + 1, 1 - b)

            wait_gather(b)

            @pl.when(g > 0)
            def _():
                wait_writeback(b)

            transpose_chunk(b)
            fire_writeback(c, b)
        return carry

    lax.fori_loop(0, NCHUNK // 2, body, 0)
    for b in range(2):
        wait_writeback(b)


def kernel(idx, emb):
    flat = jnp.transpose(idx).reshape(TOTAL)
    o3 = _emb_lookup(flat, emb)
    return (
        o3.reshape(HIST, 8, 128, 8, 128)
        .transpose(2, 4, 0, 1, 3)
        .reshape(BATCH, HIST, EMB_DIM)
    )

# --- scband reference (transcript-rebuilt; emitter-appended) ---
"""Pipeline reference for scband-static-emb-33844342292622 (READ-ONLY COPY).

The authoritative reference and input builder live on the scoring server;
editing this copy changes nothing except your own understanding.
"""

import jax, jax.numpy as jnp
import numpy as np

VOCAB = 1000000
EMB_DIM = 64
BATCH = 16384
HIST = 50

def setup_inputs(seed: int = 0) -> dict:
    key = jax.random.key(seed)
    k_emb, k_idx = jax.random.split(key)
    emb = jax.random.normal(k_emb, (VOCAB, EMB_DIM), dtype=jnp.float32)
    idx = jax.random.randint(k_idx, (BATCH, HIST), 0, VOCAB, dtype=jnp.int64 if jax.config.read('jax_enable_x64') else jnp.int32)
    return {"idx": idx, "emb": emb}

def reference(idx, emb):
    # Faithful translation of StaticEmb.forward: self.emb[idx]
    return jnp.take(emb, idx, axis=0)

if __name__ == "__main__":
    import jax
    _d = setup_inputs()
    print(jax.jit(kernel)(*tuple(_d.values())))

</pallas_src>

<mosaic_0001>
#map = affine_map<(d0, d1) -> (0)>
#map1 = affine_map<(d0, d1) -> (0, 0)>
module attributes {stable_mosaic.version = 14 : i64} {
  func.func @_emb_lookup(%arg0: i32, %arg1: i32, %arg2: memref<819200xi32, #tpu.memory_space<hbm>>, %arg3: memref<1000000x64xf32, #tpu.memory_space<hbm>>, %arg4: memref<52428800xf32, #tpu.memory_space<hbm>>, %arg5: memref<25600xi32, #tpu.memory_space<vmem>>, %arg6: memref<256x64xf32, #tpu.memory_space<vmem>>, %arg7: memref<256x64xf32, #tpu.memory_space<vmem>>, %arg8: memref<16384xf32, #tpu.memory_space<vmem>>, %arg9: memref<16384xf32, #tpu.memory_space<vmem>>, %arg10: memref<!tpu.dma_semaphore, #tpu.memory_space<semaphore_mem>>, %arg11: memref<!tpu.dma_semaphore, #tpu.memory_space<semaphore_mem>>, %arg12: memref<!tpu.dma_semaphore, #tpu.memory_space<semaphore_mem>>, %arg13: memref<!tpu.dma_semaphore, #tpu.memory_space<semaphore_mem>>, %arg14: memref<!tpu.dma_semaphore, #tpu.memory_space<semaphore_mem>>) attributes {dimension_semantics = [#tpu.dimension_semantics<core_parallel>, #tpu.dimension_semantics<subcore_parallel>], iteration_bounds = array<i64: 2, 16>, scalar_prefetch = 0 : i64, scratch_operands = 10 : i64, tpu.core_type = #tpu.core_type<sc_vector_subcore>, window_params = [{transform_indices = #map}, {transform_indices = #map1}, {transform_indices = #map}]} {
    %mul3A = arith.constant 2 : i32
    %mul3A_0 = arith.muli %arg1, %mul3A : i32
    %add3A = arith.addi %mul3A_0, %arg0 : i32
    %mul3A_1 = arith.constant 512 : i32
    %mul3A_2 = arith.muli %add3A, %mul3A_1 : i32
    %add3A_3 = arith.constant 0 : i32
    %add3A_4 = arith.addi %add3A_3, %mul3A_2 : i32
    %dma_start3A = arith.constant 0 : i32
    %dma_start3A_5 = tpu.memref_slice %arg5[%dma_start3A] : memref<25600xi32, #tpu.memory_space<vmem>> -> memref<512xi32, #tpu.memory_space<vmem>>
    %dma_start3A_6 = tpu.memref_slice %arg2[%add3A_4] : memref<819200xi32, #tpu.memory_space<hbm>> -> memref<512xi32, #tpu.memory_space<hbm>>
    %dma_start3A_7 = arith.constant 0 : i32
    %dma_start3A_8 = tpu.memref_slice %arg5[%dma_start3A_7] : memref<25600xi32, #tpu.memory_space<vmem>> -> memref<512xi32, #tpu.memory_space<vmem>>
    %dma_start3A_9 = tpu.memref_slice %arg2[%add3A_4] : memref<819200xi32, #tpu.memory_space<hbm>> -> memref<512xi32, #tpu.memory_space<hbm>>
    tpu.enqueue_dma source(%dma_start3A_9 : memref<512xi32, #tpu.memory_space<hbm>>) target(%dma_start3A_8 : memref<512xi32, #tpu.memory_space<vmem>>) target_semaphore(%arg10 : memref<!tpu.dma_semaphore, #tpu.memory_space<semaphore_mem>>)
    %add3A_10 = arith.constant 16384 : i32
    %add3A_11 = arith.addi %add3A_10, %mul3A_2 : i32
    %dma_start3A_12 = arith.constant 512 : i32
    %dma_start3A_13 = tpu.memref_slice %arg5[%dma_start3A_12] : memref<25600xi32, #tpu.memory_space<vmem>> -> memref<512xi32, #tpu.memory_space<vmem>>
    %dma_start3A_14 = tpu.memref_slice %arg2[%add3A_11] : memref<819200xi32, #tpu.memory_space<hbm>> -> memref<512xi32, #tpu.memory_space<hbm>>
    %dma_start3A_15 = arith.constant 512 : i32
    %dma_start3A_16 = tpu.memref_slice %arg5[%dma_start3A_15] : memref<25600xi32, #tpu.memory_space<vmem>> -> memref<512xi32, #tpu.memory_space<vmem>>
    %dma_start3A_17 = tpu.memref_slice %arg2[%add3A_11] : memref<819200xi32, #tpu.memory_space<hbm>> -> memref<512xi32, #tpu.memory_space<hbm>>
    tpu.enqueue_dma source(%dma_start3A_17 : memref<512xi32, #tpu.memory_space<hbm>>) target(%dma_start3A_16 : memref<512xi32, #tpu.memory_space<vmem>>) target_semaphore(%arg10 : memref<!tpu.dma_semaphore, #tpu.memory_space<semaphore_mem>>)
    %add3A_18 = arith.constant 32768 : i32
    %add3A_19 = arith.addi %add3A_18, %mul3A_2 : i32
    %dma_start3A_20 = arith.constant 1024 : i32
    %dma_start3A_21 = tpu.memref_slice %arg5[%dma_start3A_20] : memref<25600xi32, #tpu.memory_space<vmem>> -> memref<512xi32, #tpu.memory_space<vmem>>
    %dma_start3A_22 = tpu.memref_slice %arg2[%add3A_19] : memref<819200xi32, #tpu.memory_space<hbm>> -> memref<512xi32, #tpu.memory_space<hbm>>
    %dma_start3A_23 = arith.constant 1024 : i32
    %dma_start3A_24 = tpu.memref_slice %arg5[%dma_start3A_23] : memref<25600xi32, #tpu.memory_space<vmem>> -> memref<512xi32, #tpu.memory_space<vmem>>
    %dma_start3A_25 = tpu.memref_slice %arg2[%add3A_19] : memref<819200xi32, #tpu.memory_space<hbm>> -> memref<512xi32, #tpu.memory_space<hbm>>
    tpu.enqueue_dma source(%dma_start3A_25 : memref<512xi32, #tpu.memory_space<hbm>>) target(%dma_start3A_24 : memref<512xi32, #tpu.memory_space<vmem>>) target_semaphore(%arg10 : memref<!tpu.dma_semaphore, #tpu.memory_space<semaphore_mem>>)
    %add3A_26 = arith.constant 49152 : i32
    %add3A_27 = arith.addi %add3A_26, %mul3A_2 : i32
    %dma_start3A_28 = arith.constant 1536 : i32
    %dma_start3A_29 = tpu.memref_slice %arg5[%dma_start3A_28] : memref<25600xi32, #tpu.memory_space<vmem>> -> memref<512xi32, #tpu.memory_space<vmem>>
    %dma_start3A_30 = tpu.memref_slice %arg2[%add3A_27] : memref<819200xi32, #tpu.memory_space<hbm>> -> memref<512xi32, #tpu.memory_space<hbm>>
    %dma_start3A_31 = arith.constant 1536 : i32
    %dma_start3A_32 = tpu.memref_slice %arg5[%dma_start3A_31] : memref<25600xi32, #tpu.memory_space<vmem>> -> memref<512xi32, #tpu.memory_space<vmem>>
    %dma_start3A_33 = tpu.memref_slice %arg2[%add3A_27] : memref<819200xi32, #tpu.memory_space<hbm>> -> memref<512xi32, #tpu.memory_space<hbm>>
    tpu.enqueue_dma source(%dma_start3A_33 : memref<512xi32, #tpu.memory_space<hbm>>) target(%dma_start3A_32 : memref<512xi32, #tpu.memory_space<vmem>>) target_semaphore(%arg10 : memref<!tpu.dma_semaphore, #tpu.memory_space<semaphore_mem>>)
    %add3A_34 = arith.constant 65536 : i32
    %add3A_35 = arith.addi %add3A_34, %mul3A_2 : i32
    %dma_start3A_36 = arith.constant 2048 : i32
    %dma_start3A_37 = tpu.memref_slice %arg5[%dma_start3A_36] : memref<25600xi32, #tpu.memory_space<vmem>> -> memref<512xi32, #tpu.memory_space<vmem>>
    %dma_start3A_38 = tpu.memref_slice %arg2[%add3A_35] : memref<819200xi32, #tpu.memory_space<hbm>> -> memref<512xi32, #tpu.memory_space<hbm>>
    %dma_start3A_39 = arith.constant 2048 : i32
    %dma_start3A_40 = tpu.memref_slice %arg5[%dma_start3A_39] : memref<25600xi32, #tpu.memory_space<vmem>> -> memref<512xi32, #tpu.memory_space<vmem>>
    %dma_start3A_41 = tpu.memref_slice %arg2[%add3A_35] : memref<819200xi32, #tpu.memory_space<hbm>> -> memref<512xi32, #tpu.memory_space<hbm>>
    tpu.enqueue_dma source(%dma_start3A_41 : memref<512xi32, #tpu.memory_space<hbm>>) target(%dma_start3A_40 : memref<512xi32, #tpu.memory_space<vmem>>) target_semaphore(%arg10 : memref<!tpu.dma_semaphore, #tpu.memory_space<semaphore_mem>>)
    %add3A_42 = arith.constant 81920 : i32
    %add3A_43 = arith.addi %add3A_42, %mul3A_2 : i32
    %dma_start3A_44 = arith.constant 2560 : i32
    %dma_start3A_45 = tpu.memref_slice %arg5[%dma_start3A_44] : memref<25600xi32, #tpu.memory_space<vmem>> -> memref<512xi32, #tpu.memory_space<vmem>>
    %dma_start3A_46 = tpu.memref_slice %arg2[%add3A_43] : memref<819200xi32, #tpu.memory_space<hbm>> -> memref<512xi32, #tpu.memory_space<hbm>>
    %dma_start3A_47 = arith.constant 2560 : i32
    %dma_start3A_48 = tpu.memref_slice %arg5[%dma_start3A_47] : memref<25600xi32, #tpu.memory_space<vmem>> -> memref<512xi32, #tpu.memory_space<vmem>>
    %dma_start3A_49 = tpu.memref_slice %arg2[%add3A_43] : memref<819200xi32, #tpu.memory_space<hbm>> -> memref<512xi32, #tpu.memory_space<hbm>>
    tpu.enqueue_dma source(%dma_start3A_49 : memref<512xi32, #tpu.memory_space<hbm>>) target(%dma_start3A_48 : memref<512xi32, #tpu.memory_space<vmem>>) target_semaphore(%arg10 : memref<!tpu.dma_semaphore, #tpu.memory_space<semaphore_mem>>)
    %add3A_50 = arith.constant 98304 : i32
    %add3A_51 = arith.addi %add3A_50, %mul3A_2 : i32
    %dma_start3A_52 = arith.constant 3072 : i32
    %dma_start3A_53 = tpu.memref_slice %arg5[%dma_start3A_52] : memref<25600xi32, #tpu.memory_space<vmem>> -> memref<512xi32, #tpu.memory_space<vmem>>
    %dma_start3A_54 = tpu.memref_slice %arg2[%add3A_51] : memref<819200xi32, #tpu.memory_space<hbm>> -> memref<512xi32, #tpu.memory_space<hbm>>
    %dma_start3A_55 = arith.constant 3072 : i32
    %dma_start3A_56 = tpu.memref_slice %arg5[%dma_start3A_55] : memref<25600xi32, #tpu.memory_space<vmem>> -> memref<512xi32, #tpu.memory_space<vmem>>
    %dma_start3A_57 = tpu.memref_slice %arg2[%add3A_51] : memref<819200xi32, #tpu.memory_space<hbm>> -> memref<512xi32, #tpu.memory_space<hbm>>
    tpu.enqueue_dma source(%dma_start3A_57 : memref<512xi32, #tpu.memory_space<hbm>>) target(%dma_start3A_56 : memref<512xi32, #tpu.memory_space<vmem>>) target_semaphore(%arg10 : memref<!tpu.dma_semaphore, #tpu.memory_space<semaphore_mem>>)
    %add3A_58 = arith.constant 114688 : i32
    %add3A_59 = arith.addi %add3A_58, %mul3A_2 : i32
    %dma_start3A_60 = arith.constant 3584 : i32
    %dma_start3A_61 = tpu.memref_slice %arg5[%dma_start3A_60] : memref<25600xi32, #tpu.memory_space<vmem>> -> memref<512xi32, #tpu.memory_space<vmem>>
    %dma_start3A_62 = tpu.memref_slice %arg2[%add3A_59] : memref<819200xi32, #tpu.memory_space<hbm>> -> memref<512xi32, #tpu.memory_space<hbm>>
    %dma_start3A_63 = arith.constant 3584 : i32
    %dma_start3A_64 = tpu.memref_slice %arg5[%dma_start3A_63] : memref<25600xi32, #tpu.memory_space<vmem>> -> memref<512xi32, #tpu.memory_space<vmem>>
    %dma_start3A_65 = tpu.memref_slice %arg2[%add3A_59] : memref<819200xi32, #tpu.memory_space<hbm>> -> memref<512xi32, #tpu.memory_space<hbm>>
    tpu.enqueue_dma source(%dma_start3A_65 : memref<512xi32, #tpu.memory_space<hbm>>) target(%dma_start3A_64 : memref<512xi32, #tpu.memory_space<vmem>>) target_semaphore(%arg10 : memref<!tpu.dma_semaphore, #tpu.memory_space<semaphore_mem>>)
    %add3A_66 = arith.constant 131072 : i32
    %add3A_67 = arith.addi %add3A_66, %mul3A_2 : i32
    %dma_start3A_68 = arith.constant 4096 : i32
    %dma_start3A_69 = tpu.memref_slice %arg5[%dma_start3A_68] : memref<25600xi32, #tpu.memory_space<vmem>> -> memref<512xi32, #tpu.memory_space<vmem>>
    %dma_start3A_70 = tpu.memref_slice %arg2[%add3A_67] : memref<819200xi32, #tpu.memory_space<hbm>> -> memref<512xi32, #tpu.memory_space<hbm>>
    %dma_start3A_71 = arith.constant 4096 : i32
    %dma_start3A_72 = tpu.memref_slice %arg5[%dma_start3A_71] : memref<25600xi32, #tpu.memory_space<vmem>> -> memref<512xi32, #tpu.memory_space<vmem>>
    %dma_start3A_73 = tpu.memref_slice %arg2[%add3A_67] : memref<819200xi32, #tpu.memory_space<hbm>> -> memref<512xi32, #tpu.memory_space<hbm>>
    tpu.enqueue_dma source(%dma_start3A_73 : memref<512xi32, #tpu.memory_space<hbm>>) target(%dma_start3A_72 : memref<512xi32, #tpu.memory_space<vmem>>) target_semaphore(%arg10 : memref<!tpu.dma_semaphore, #tpu.memory_space<semaphore_mem>>)
    %add3A_74 = arith.constant 147456 : i32
    %add3A_75 = arith.addi %add3A_74, %mul3A_2 : i32
    %dma_start3A_76 = arith.constant 4608 : i32
    %dma_start3A_77 = tpu.memref_slice %arg5[%dma_start3A_76] : memref<25600xi32, #tpu.memory_space<vmem>> -> memref<512xi32, #tpu.memory_space<vmem>>
    %dma_start3A_78 = tpu.memref_slice %arg2[%add3A_75] : memref<819200xi32, #tpu.memory_space<hbm>> -> memref<512xi32, #tpu.memory_space<hbm>>
    %dma_start3A_79 = arith.constant 4608 : i32
    %dma_start3A_80 = tpu.memref_slice %arg5[%dma_start3A_79] : memref<25600xi32, #tpu.memory_space<vmem>> -> memref<512xi32, #tpu.memory_space<vmem>>
    %dma_start3A_81 = tpu.memref_slice %arg2[%add3A_75] : memref<819200xi32, #tpu.memory_space<hbm>> -> memref<512xi32, #tpu.memory_space<hbm>>
    tpu.enqueue_dma source(%dma_start3A_81 : memref<512xi32, #tpu.memory_space<hbm>>) target(%dma_start3A_80 : memref<512xi32, #tpu.memory_space<vmem>>) target_semaphore(%arg10 : memref<!tpu.dma_semaphore, #tpu.memory_space<semaphore_mem>>)
    %add3A_82 = arith.constant 163840 : i32
    %add3A_83 = arith.addi %add3A_82, %mul3A_2 : i32
    %dma_start3A_84 = arith.constant 5120 : i32
    %dma_start3A_85 = tpu.memref_slice %arg5[%dma_start3A_84] : memref<25600xi32, #tpu.memory_space<vmem>> -> memref<512xi32, #tpu.memory_space<vmem>>
    %dma_start3A_86 = tpu.memref_slice %arg2[%add3A_83] : memref<819200xi32, #tpu.memory_space<hbm>> -> memref<512xi32, #tpu.memory_space<hbm>>
    %dma_start3A_87 = arith.constant 5120 : i32
    %dma_start3A_88 = tpu.memref_slice %arg5[%dma_start3A_87] : memref<25600xi32, #tpu.memory_space<vmem>> -> memref<512xi32, #tpu.memory_space<vmem>>
    %dma_start3A_89 = tpu.memref_slice %arg2[%add3A_83] : memref<819200xi32, #tpu.memory_space<hbm>> -> memref<512xi32, #tpu.memory_space<hbm>>
    tpu.enqueue_dma source(%dma_start3A_89 : memref<512xi32, #tpu.memory_space<hbm>>) target(%dma_start3A_88 : memref<512xi32, #tpu.memory_space<vmem>>) target_semaphore(%arg10 : memref<!tpu.dma_semaphore, #tpu.memory_space<semaphore_mem>>)
    %add3A_90 = arith.constant 180224 : i32
    %add3A_91 = arith.addi %add3A_90, %mul3A_2 : i32
    %dma_start3A_92 = arith.constant 5632 : i32
    %dma_start3A_93 = tpu.memref_slice %arg5[%dma_start3A_92] : memref<25600xi32, #tpu.memory_space<vmem>> -> memref<512xi32, #tpu.memory_space<vmem>>
    %dma_start3A_94 = tpu.memref_slice %arg2[%add3A_91] : memref<819200xi32, #tpu.memory_space<hbm>> -> memref<512xi32, #tpu.memory_space<hbm>>
    %dma_start3A_95 = arith.constant 5632 : i32
    %dma_start3A_96 = tpu.memref_slice %arg5[%dma_start3A_95] : memref<25600xi32, #tpu.memory_space<vmem>> -> memref<512xi32, #tpu.memory_space<vmem>>
    %dma_start3A_97 = tpu.memref_slice %arg2[%add3A_91] : memref<819200xi32, #tpu.memory_space<hbm>> -> memref<512xi32, #tpu.memory_space<hbm>>
    tpu.enqueue_dma source(%dma_start3A_97 : memref<512xi32, #tpu.memory_space<hbm>>) target(%dma_start3A_96 : memref<512xi32, #tpu.memory_space<vmem>>) target_semaphore(%arg10 : memref<!tpu.dma_semaphore, #tpu.memory_space<semaphore_mem>>)
    %add3A_98 = arith.constant 196608 : i32
    %add3A_99 = arith.addi %add3A_98, %mul3A_2 : i32
    %dma_start3A_100 = arith.constant 6144 : i32
    %dma_start3A_101 = tpu.memref_slice %arg5[%dma_start3A_100] : memref<25600xi32, #tpu.memory_space<vmem>> -> memref<512xi32, #tpu.memory_space<vmem>>
    %dma_start3A_102 = tpu.memref_slice %arg2[%add3A_99] : memref<819200xi32, #tpu.memory_space<hbm>> -> memref<512xi32, #tpu.memory_space<hbm>>
    %dma_start3A_103 = arith.constant 6144 : i32
    %dma_start3A_104 = tpu.memref_slice %arg5[%dma_start3A_103] : memref<25600xi32, #tpu.memory_space<vmem>> -> memref<512xi32, #tpu.memory_space<vmem>>
    %dma_start3A_105 = tpu.memref_slice %arg2[%add3A_99] : memref<819200xi32, #tpu.memory_space<hbm>> -> memref<512xi32, #tpu.memory_space<hbm>>
    tpu.enqueue_dma source(%dma_start3A_105 : memref<512xi32, #tpu.memory_space<hbm>>) target(%dma_start3A_104 : memref<512xi32, #tpu.memory_space<vmem>>) target_semaphore(%arg10 : memref<!tpu.dma_semaphore, #tpu.memory_space<semaphore_mem>>)
    %add3A_106 = arith.constant 212992 : i32
    %add3A_107 = arith.addi %add3A_106, %mul3A_2 : i32
    %dma_start3A_108 = arith.constant 6656 : i32
    %dma_start3A_109 = tpu.memref_slice %arg5[%dma_start3A_108] : memref<25600xi32, #tpu.memory_space<vmem>> -> memref<512xi32, #tpu.memory_space<vmem>>
    %dma_start3A_110 = tpu.memref_slice %arg2[%add3A_107] : memref<819200xi32, #tpu.memory_space<hbm>> -> memref<512xi32, #tpu.memory_space<hbm>>
    %dma_start3A_111 = arith.constant 6656 : i32
    %dma_start3A_112 = tpu.memref_slice %arg5[%dma_start3A_111] : memref<25600xi32, #tpu.memory_space<vmem>> -> memref<512xi32, #tpu.memory_space<vmem>>
    %dma_start3A_113 = tpu.memref_slice %arg2[%add3A_107] : memref<819200xi32, #tpu.memory_space<hbm>> -> memref<512xi32, #tpu.memory_space<hbm>>
    tpu.enqueue_dma source(%dma_start3A_113 : memref<512xi32, #tpu.memory_space<hbm>>) target(%dma_start3A_112 : memref<512xi32, #tpu.memory_space<vmem>>) target_semaphore(%arg10 : memref<!tpu.dma_semaphore, #tpu.memory_space<semaphore_mem>>)
    %add3A_114 = arith.constant 229376 : i32
    %add3A_115 = arith.addi %add3A_114, %mul3A_2 : i32
    %dma_start3A_116 = arith.constant 7168 : i32
    %dma_start3A_117 = tpu.memref_slice %arg5[%dma_start3A_116] : memref<25600xi32, #tpu.memory_space<vmem>> -> memref<512xi32, #tpu.memory_space<vmem>>
    %dma_start3A_118 = tpu.memref_slice %arg2[%add3A_115] : memref<819200xi32, #tpu.memory_space<hbm>> -> memref<512xi32, #tpu.memory_space<hbm>>
    %dma_start3A_119 = arith.constant 7168 : i32
    %dma_start3A_120 = tpu.memref_slice %arg5[%dma_start3A_119] : memref<25600xi32, #tpu.memory_space<vmem>> -> memref<512xi32, #tpu.memory_space<vmem>>
    %dma_start3A_121 = tpu.memref_slice %arg2[%add3A_115] : memref<819200xi32, #tpu.memory_space<hbm>> -> memref<512xi32, #tpu.memory_space<hbm>>
    tpu.enqueue_dma source(%dma_start3A_121 : memref<512xi32, #tpu.memory_space<hbm>>) target(%dma_start3A_120 : memref<512xi32, #tpu.memory_space<vmem>>) target_semaphore(%arg10 : memref<!tpu.dma_semaphore, #tpu.memory_space<semaphore_mem>>)
    %add3A_122 = arith.constant 245760 : i32
    %add3A_123 = arith.addi %add3A_122, %mul3A_2 : i32
    %dma_start3A_124 = arith.constant 7680 : i32
    %dma_start3A_125 = tpu.memref_slice %arg5[%dma_start3A_124] : memref<25600xi32, #tpu.memory_space<vmem>> -> memref<512xi32, #tpu.memory_space<vmem>>
    %dma_start3A_126 = tpu.memref_slice %arg2[%add3A_123] : memref<819200xi32, #tpu.memory_space<hbm>> -> memref<512xi32, #tpu.memory_space<hbm>>
    %dma_start3A_127 = arith.constant 7680 : i32
    %dma_start3A_128 = tpu.memref_slice %arg5[%dma_start3A_127] : memref<25600xi32, #tpu.memory_space<vmem>> -> memref<512xi32, #tpu.memory_space<vmem>>
    %dma_start3A_129 = tpu.memref_slice %arg2[%add3A_123] : memref<819200xi32, #tpu.memory_space<hbm>> -> memref<512xi32, #tpu.memory_space<hbm>>
    tpu.enqueue_dma source(%dma_start3A_129 : memref<512xi32, #tpu.memory_space<hbm>>) target(%dma_start3A_128 : memref<512xi32, #tpu.memory_space<vmem>>) target_semaphore(%arg10 : memref<!tpu.dma_semaphore, #tpu.memory_space<semaphore_mem>>)
    %add3A_130 = arith.constant 262144 : i32
    %add3A_131 = arith.addi %add3A_130, %mul3A_2 : i32
    %dma_start3A_132 = arith.constant 8192 : i32
    %dma_start3A_133 = tpu.memref_slice %arg5[%dma_start3A_132] : memref<25600xi32, #tpu.memory_space<vmem>> -> memref<512xi32, #tpu.memory_space<vmem>>
    %dma_start3A_134 = tpu.memref_slice %arg2[%add3A_131] : memref<819200xi32, #tpu.memory_space<hbm>> -> memref<512xi32, #tpu.memory_space<hbm>>
    %dma_start3A_135 = arith.constant 8192 : i32
    %dma_start3A_136 = tpu.memref_slice %arg5[%dma_start3A_135] : memref<25600xi32, #tpu.memory_space<vmem>> -> memref<512xi32, #tpu.memory_space<vmem>>
    %dma_start3A_137 = tpu.memref_slice %arg2[%add3A_131] : memref<819200xi32, #tpu.memory_space<hbm>> -> memref<512xi32, #tpu.memory_space<hbm>>
    tpu.enqueue_dma source(%dma_start3A_137 : memref<512xi32, #tpu.memory_space<hbm>>) target(%dma_start3A_136 : memref<512xi32, #tpu.memory_space<vmem>>) target_semaphore(%arg10 : memref<!tpu.dma_semaphore, #tpu.memory_space<semaphore_mem>>)
    %add3A_138 = arith.constant 278528 : i32
    %add3A_139 = arith.addi %add3A_138, %mul3A_2 : i32
    %dma_start3A_140 = arith.constant 8704 : i32
    %dma_start3A_141 = tpu.memref_slice %arg5[%dma_start3A_140] : memref<25600xi32, #tpu.memory_space<vmem>> -> memref<512xi32, #tpu.memory_space<vmem>>
    %dma_start3A_142 = tpu.memref_slice %arg2[%add3A_139] : memref<819200xi32, #tpu.memory_space<hbm>> -> memref<512xi32, #tpu.memory_space<hbm>>
    %dma_start3A_143 = arith.constant 8704 : i32
    %dma_start3A_144 = tpu.memref_slice %arg5[%dma_start3A_143] : memref<25600xi32, #tpu.memory_space<vmem>> -> memref<512xi32, #tpu.memory_space<vmem>>
    %dma_start3A_145 = tpu.memref_slice %arg2[%add3A_139] : memref<819200xi32, #tpu.memory_space<hbm>> -> memref<512xi32, #tpu.memory_space<hbm>>
    tpu.enqueue_dma source(%dma_start3A_145 : memref<512xi32, #tpu.memory_space<hbm>>) target(%dma_start3A_144 : memref<512xi32, #tpu.memory_space<vmem>>) target_semaphore(%arg10 : memref<!tpu.dma_semaphore, #tpu.memory_space<semaphore_mem>>)
    %add3A_146 = arith.constant 294912 : i32
    %add3A_147 = arith.addi %add3A_146, %mul3A_2 : i32
    %dma_start3A_148 = arith.constant 9216 : i32
    %dma_start3A_149 = tpu.memref_slice %arg5[%dma_start3A_148] : memref<25600xi32, #tpu.memory_space<vmem>> -> memref<512xi32, #tpu.memory_space<vmem>>
    %dma_start3A_150 = tpu.memref_slice %arg2[%add3A_147] : memref<819200xi32, #tpu.memory_space<hbm>> -> memref<512xi32, #tpu.memory_space<hbm>>
    %dma_start3A_151 = arith.constant 9216 : i32
    %dma_start3A_152 = tpu.memref_slice %arg5[%dma_start3A_151] : memref<25600xi32, #tpu.memory_space<vmem>> -> memref<512xi32, #tpu.memory_space<vmem>>
    %dma_start3A_153 = tpu.memref_slice %arg2[%add3A_147] : memref<819200xi32, #tpu.memory_space<hbm>> -> memref<512xi32, #tpu.memory_space<hbm>>
    tpu.enqueue_dma source(%dma_start3A_153 : memref<512xi32, #tpu.memory_space<hbm>>) target(%dma_start3A_152 : memref<512xi32, #tpu.memory_space<vmem>>) target_semaphore(%arg10 : memref<!tpu.dma_semaphore, #tpu.memory_space<semaphore_mem>>)
    %add3A_154 = arith.constant 311296 : i32
    %add3A_155 = arith.addi %add3A_154, %mul3A_2 : i32
    %dma_start3A_156 = arith.constant 9728 : i32
    %dma_start3A_157 = tpu.memref_slice %arg5[%dma_start3A_156] : memref<25600xi32, #tpu.memory_space<vmem>> -> memref<512xi32, #tpu.memory_space<vmem>>
    %dma_start3A_158 = tpu.memref_slice %arg2[%add3A_155] : memref<819200xi32, #tpu.memory_space<hbm>> -> memref<512xi32, #tpu.memory_space<hbm>>
    %dma_start3A_159 = arith.constant 9728 : i32
    %dma_start3A_160 = tpu.memref_slice %arg5[%dma_start3A_159] : memref<25600xi32, #tpu.memory_space<vmem>> -> memref<512xi32, #tpu.memory_space<vmem>>
    %dma_start3A_161 = tpu.memref_slice %arg2[%add3A_155] : memref<819200xi32, #tpu.memory_space<hbm>> -> memref<512xi32, #tpu.memory_space<hbm>>
    tpu.enqueue_dma source(%dma_start3A_161 : memref<512xi32, #tpu.memory_space<hbm>>) target(%dma_start3A_160 : memref<512xi32, #tpu.memory_space<vmem>>) target_semaphore(%arg10 : memref<!tpu.dma_semaphore, #tpu.memory_space<semaphore_mem>>)
    %add3A_162 = arith.constant 327680 : i32
    %add3A_163 = arith.addi %add3A_162, %mul3A_2 : i32
    %dma_start3A_164 = arith.constant 10240 : i32
    %dma_start3A_165 = tpu.memref_slice %arg5[%dma_start3A_164] : memref<25600xi32, #tpu.memory_space<vmem>> -> memref<512xi32, #tpu.memory_space<vmem>>
    %dma_start3A_166 = tpu.memref_slice %arg2[%add3A_163] : memref<819200xi32, #tpu.memory_space<hbm>> -> memref<512xi32, #tpu.memory_space<hbm>>
    %dma_start3A_167 = arith.constant 10240 : i32
    %dma_start3A_168 = tpu.memref_slice %arg5[%dma_start3A_167] : memref<25600xi32, #tpu.memory_space<vmem>> -> memref<512xi32, #tpu.memory_space<vmem>>
    %dma_start3A_169 = tpu.memref_slice %arg2[%add3A_163] : memref<819200xi32, #tpu.memory_space<hbm>> -> memref<512xi32, #tpu.memory_space<hbm>>
    tpu.enqueue_dma source(%dma_start3A_169 : memref<512xi32, #tpu.memory_space<hbm>>) target(%dma_start3A_168 : memref<512xi32, #tpu.memory_space<vmem>>) target_semaphore(%arg10 : memref<!tpu.dma_semaphore, #tpu.memory_space<semaphore_mem>>)
    %add3A_170 = arith.constant 344064 : i32
    %add3A_171 = arith.addi %add3A_170, %mul3A_2 : i32
    %dma_start3A_172 = arith.constant 10752 : i32
    %dma_start3A_173 = tpu.memref_slice %arg5[%dma_start3A_172] : memref<25600xi32, #tpu.memory_space<vmem>> -> memref<512xi32, #tpu.memory_space<vmem>>
    %dma_start3A_174 = tpu.memref_slice %arg2[%add3A_171] : memref<819200xi32, #tpu.memory_space<hbm>> -> memref<512xi32, #tpu.memory_space<hbm>>
    %dma_start3A_175 = arith.constant 10752 : i32
    %dma_start3A_176 = tpu.memref_slice %arg5[%dma_start3A_175] : memref<25600xi32, #tpu.memory_space<vmem>> -> memref<512xi32, #tpu.memory_space<vmem>>
    %dma_start3A_177 = tpu.memref_slice %arg2[%add3A_171] : memref<819200xi32, #tpu.memory_space<hbm>> -> memref<512xi32, #tpu.memory_space<hbm>>
    tpu.enqueue_dma source(%dma_start3A_177 : memref<512xi32, #tpu.memory_space<hbm>>) target(%dma_start3A_176 : memref<512xi32, #tpu.memory_space<vmem>>) target_semaphore(%arg10 : memref<!tpu.dma_semaphore, #tpu.memory_space<semaphore_mem>>)
    %add3A_178 = arith.constant 360448 : i32
    %add3A_179 = arith.addi %add3A_178, %mul3A_2 : i32
    %dma_start3A_180 = arith.constant 11264 : i32
    %dma_start3A_181 = tpu.memref_slice %arg5[%dma_start3A_180] : memref<25600xi32, #tpu.memory_space<vmem>> -> memref<512xi32, #tpu.memory_space<vmem>>
    %dma_start3A_182 = tpu.memref_slice %arg2[%add3A_179] : memref<819200xi32, #tpu.memory_space<hbm>> -> memref<512xi32, #tpu.memory_space<hbm>>
    %dma_start3A_183 = arith.constant 11264 : i32
    %dma_start3A_184 = tpu.memref_slice %arg5[%dma_start3A_183] : memref<25600xi32, #tpu.memory_space<vmem>> -> memref<512xi32, #tpu.memory_space<vmem>>
    %dma_start3A_185 = tpu.memref_slice %arg2[%add3A_179] : memref<819200xi32, #tpu.memory_space<hbm>> -> memref<512xi32, #tpu.memory_space<hbm>>
    tpu.enqueue_dma source(%dma_start3A_185 : memref<512xi32, #tpu.memory_space<hbm>>) target(%dma_start3A_184 : memref<512xi32, #tpu.memory_space<vmem>>) target_semaphore(%arg10 : memref<!tpu.dma_semaphore, #tpu.memory_space<semaphore_mem>>)
    %add3A_186 = arith.constant 376832 : i32
    %add3A_187 = arith.addi %add3A_186, %mul3A_2 : i32
    %dma_start3A_188 = arith.constant 11776 : i32
    %dma_start3A_189 = tpu.memref_slice %arg5[%dma_start3A_188] : memref<25600xi32, #tpu.memory_space<vmem>> -> memref<512xi32, #tpu.memory_space<vmem>>
    %dma_start3A_190 = tpu.memref_slice %arg2[%add3A_187] : memref<819200xi32, #tpu.memory_space<hbm>> -> memref<512xi32, #tpu.memory_space<hbm>>
    %dma_start3A_191 = arith.constant 11776 : i32
    %dma_start3A_192 = tpu.memref_slice %arg5[%dma_start3A_191] : memref<25600xi32, #tpu.memory_space<vmem>> -> memref<512xi32, #tpu.memory_space<vmem>>
    %dma_start3A_193 = tpu.memref_slice %arg2[%add3A_187] : memref<819200xi32, #tpu.memory_space<hbm>> -> memref<512xi32, #tpu.memory_space<hbm>>
    tpu.enqueue_dma source(%dma_start3A_193 : memref<512xi32, #tpu.memory_space<hbm>>) target(%dma_start3A_192 : memref<512xi32, #tpu.memory_space<vmem>>) target_semaphore(%arg10 : memref<!tpu.dma_semaphore, #tpu.memory_space<semaphore_mem>>)
    %add3A_194 = arith.constant 393216 : i32
    %add3A_195 = arith.addi %add3A_194, %mul3A_2 : i32
    %dma_start3A_196 = arith.constant 12288 : i32
    %dma_start3A_197 = tpu.memref_slice %arg5[%dma_start3A_196] : memref<25600xi32, #tpu.memory_space<vmem>> -> memref<512xi32, #tpu.memory_space<vmem>>
    %dma_start3A_198 = tpu.memref_slice %arg2[%add3A_195] : memref<819200xi32, #tpu.memory_space<hbm>> -> memref<512xi32, #tpu.memory_space<hbm>>
    %dma_start3A_199 = arith.constant 12288 : i32
    %dma_start3A_200 = tpu.memref_slice %arg5[%dma_start3A_199] : memref<25600xi32, #tpu.memory_space<vmem>> -> memref<512xi32, #tpu.memory_space<vmem>>
    %dma_start3A_201 = tpu.memref_slice %arg2[%add3A_195] : memref<819200xi32, #tpu.memory_space<hbm>> -> memref<512xi32, #tpu.memory_space<hbm>>
    tpu.enqueue_dma source(%dma_start3A_201 : memref<512xi32, #tpu.memory_space<hbm>>) target(%dma_start3A_200 : memref<512xi32, #tpu.memory_space<vmem>>) target_semaphore(%arg10 : memref<!tpu.dma_semaphore, #tpu.memory_space<semaphore_mem>>)
    %add3A_202 = arith.constant 409600 : i32
    %add3A_203 = arith.addi %add3A_202, %mul3A_2 : i32
    %dma_start3A_204 = arith.constant 12800 : i32
    %dma_start3A_205 = tpu.memref_slice %arg5[%dma_start3A_204] : memref<25600xi32, #tpu.memory_space<vmem>> -> memref<512xi32, #tpu.memory_space<vmem>>
    %dma_start3A_206 = tpu.memref_slice %arg2[%add3A_203] : memref<819200xi32, #tpu.memory_space<hbm>> -> memref<512xi32, #tpu.memory_space<hbm>>
    %dma_start3A_207 = arith.constant 12800 : i32
    %dma_start3A_208 = tpu.memref_slice %arg5[%dma_start3A_207] : memref<25600xi32, #tpu.memory_space<vmem>> -> memref<512xi32, #tpu.memory_space<vmem>>
    %dma_start3A_209 = tpu.memref_slice %arg2[%add3A_203] : memref<819200xi32, #tpu.memory_space<hbm>> -> memref<512xi32, #tpu.memory_space<hbm>>
    tpu.enqueue_dma source(%dma_start3A_209 : memref<512xi32, #tpu.memory_space<hbm>>) target(%dma_start3A_208 : memref<512xi32, #tpu.memory_space<vmem>>) target_semaphore(%arg10 : memref<!tpu.dma_semaphore, #tpu.memory_space<semaphore_mem>>)
    %add3A_210 = arith.constant 425984 : i32
    %add3A_211 = arith.addi %add3A_210, %mul3A_2 : i32
    %dma_start3A_212 = arith.constant 13312 : i32
    %dma_start3A_213 = tpu.memref_slice %arg5[%dma_start3A_212] : memref<25600xi32, #tpu.memory_space<vmem>> -> memref<512xi32, #tpu.memory_space<vmem>>
    %dma_start3A_214 = tpu.memref_slice %arg2[%add3A_211] : memref<819200xi32, #tpu.memory_space<hbm>> -> memref<512xi32, #tpu.memory_space<hbm>>
    %dma_start3A_215 = arith.constant 13312 : i32
    %dma_start3A_216 = tpu.memref_slice %arg5[%dma_start3A_215] : memref<25600xi32, #tpu.memory_space<vmem>> -> memref<512xi32, #tpu.memory_space<vmem>>
    %dma_start3A_217 = tpu.memref_slice %arg2[%add3A_211] : memref<819200xi32, #tpu.memory_space<hbm>> -> memref<512xi32, #tpu.memory_space<hbm>>
    tpu.enqueue_dma source(%dma_start3A_217 : memref<512xi32, #tpu.memory_space<hbm>>) target(%dma_start3A_216 : memref<512xi32, #tpu.memory_space<vmem>>) target_semaphore(%arg10 : memref<!tpu.dma_semaphore, #tpu.memory_space<semaphore_mem>>)
    %add3A_218 = arith.constant 442368 : i32
    %add3A_219 = arith.addi %add3A_218, %mul3A_2 : i32
    %dma_start3A_220 = arith.constant 13824 : i32
    %dma_start3A_221 = tpu.memref_slice %arg5[%dma_start3A_220] : memref<25600xi32, #tpu.memory_space<vmem>> -> memref<512xi32, #tpu.memory_space<vmem>>
    %dma_start3A_222 = tpu.memref_slice %arg2[%add3A_219] : memref<819200xi32, #tpu.memory_space<hbm>> -> memref<512xi32, #tpu.memory_space<hbm>>
    %dma_start3A_223 = arith.constant 13824 : i32
    %dma_start3A_224 = tpu.memref_slice %arg5[%dma_start3A_223] : memref<25600xi32, #tpu.memory_space<vmem>> -> memref<512xi32, #tpu.memory_space<vmem>>
    %dma_start3A_225 = tpu.memref_slice %arg2[%add3A_219] : memref<819200xi32, #tpu.memory_space<hbm>> -> memref<512xi32, #tpu.memory_space<hbm>>
    tpu.enqueue_dma source(%dma_start3A_225 : memref<512xi32, #tpu.memory_space<hbm>>) target(%dma_start3A_224 : memref<512xi32, #tpu.memory_space<vmem>>) target_semaphore(%arg10 : memref<!tpu.dma_semaphore, #tpu.memory_space<semaphore_mem>>)
    %add3A_226 = arith.constant 458752 : i32
    %add3A_227 = arith.addi %add3A_226, %mul3A_2 : i32
    %dma_start3A_228 = arith.constant 14336 : i32
    %dma_start3A_229 = tpu.memref_slice %arg5[%dma_start3A_228] : memref<25600xi32, #tpu.memory_space<vmem>> -> memref<512xi32, #tpu.memory_space<vmem>>
    %dma_start3A_230 = tpu.memref_slice %arg2[%add3A_227] : memref<819200xi32, #tpu.memory_space<hbm>> -> memref<512xi32, #tpu.memory_space<hbm>>
    %dma_start3A_231 = arith.constant 14336 : i32
    %dma_start3A_232 = tpu.memref_slice %arg5[%dma_start3A_231] : memref<25600xi32, #tpu.memory_space<vmem>> -> memref<512xi32, #tpu.memory_space<vmem>>
    %dma_start3A_233 = tpu.memref_slice %arg2[%add3A_227] : memref<819200xi32, #tpu.memory_space<hbm>> -> memref<512xi32, #tpu.memory_space<hbm>>
    tpu.enqueue_dma source(%dma_start3A_233 : memref<512xi32, #tpu.memory_space<hbm>>) target(%dma_start3A_232 : memref<512xi32, #tpu.memory_space<vmem>>) target_semaphore(%arg10 : memref<!tpu.dma_semaphore, #tpu.memory_space<semaphore_mem>>)
    %add3A_234 = arith.constant 475136 : i32
    %add3A_235 = arith.addi %add3A_234, %mul3A_2 : i32
    %dma_start3A_236 = arith.constant 14848 : i32
    %dma_start3A_237 = tpu.memref_slice %arg5[%dma_start3A_236] : memref<25600xi32, #tpu.memory_space<vmem>> -> memref<512xi32, #tpu.memory_space<vmem>>
    %dma_start3A_238 = tpu.memref_slice %arg2[%add3A_235] : memref<819200xi32, #tpu.memory_space<hbm>> -> memref<512xi32, #tpu.memory_space<hbm>>
    %dma_start3A_239 = arith.constant 14848 : i32
    %dma_start3A_240 = tpu.memref_slice %arg5[%dma_start3A_239] : memref<25600xi32, #tpu.memory_space<vmem>> -> memref<512xi32, #tpu.memory_space<vmem>>
    %dma_start3A_241 = tpu.memref_slice %arg2[%add3A_235] : memref<819200xi32, #tpu.memory_space<hbm>> -> memref<512xi32, #tpu.memory_space<hbm>>
    tpu.enqueue_dma source(%dma_start3A_241 : memref<512xi32, #tpu.memory_space<hbm>>) target(%dma_start3A_240 : memref<512xi32, #tpu.memory_space<vmem>>) target_semaphore(%arg10 : memref<!tpu.dma_semaphore, #tpu.memory_space<semaphore_mem>>)
    %add3A_242 = arith.constant 491520 : i32
    %add3A_243 = arith.addi %add3A_242, %mul3A_2 : i32
    %dma_start3A_244 = arith.constant 15360 : i32
    %dma_start3A_245 = tpu.memref_slice %arg5[%dma_start3A_244] : memref<25600xi32, #tpu.memory_space<vmem>> -> memref<512xi32, #tpu.memory_space<vmem>>
    %dma_start3A_246 = tpu.memref_slice %arg2[%add3A_243] : memref<819200xi32, #tpu.memory_space<hbm>> -> memref<512xi32, #tpu.memory_space<hbm>>
    %dma_start3A_247 = arith.constant 15360 : i32
    %dma_start3A_248 = tpu.memref_slice %arg5[%dma_start3A_247] : memref<25600xi32, #tpu.memory_space<vmem>> -> memref<512xi32, #tpu.memory_space<vmem>>
    %dma_start3A_249 = tpu.memref_slice %arg2[%add3A_243] : memref<819200xi32, #tpu.memory_space<hbm>> -> memref<512xi32, #tpu.memory_space<hbm>>
    tpu.enqueue_dma source(%dma_start3A_249 : memref<512xi32, #tpu.memory_space<hbm>>) target(%dma_start3A_248 : memref<512xi32, #tpu.memory_space<vmem>>) target_semaphore(%arg10 : memref<!tpu.dma_semaphore, #tpu.memory_space<semaphore_mem>>)
    %add3A_250 = arith.constant 507904 : i32
    %add3A_251 = arith.addi %add3A_250, %mul3A_2 : i32
    %dma_start3A_252 = arith.constant 15872 : i32
    %dma_start3A_253 = tpu.memref_slice %arg5[%dma_start3A_252] : memref<25600xi32, #tpu.memory_space<vmem>> -> memref<512xi32, #tpu.memory_space<vmem>>
    %dma_start3A_254 = tpu.memref_slice %arg2[%add3A_251] : memref<819200xi32, #tpu.memory_space<hbm>> -> memref<512xi32, #tpu.memory_space<hbm>>
    %dma_start3A_255 = arith.constant 15872 : i32
    %dma_start3A_256 = tpu.memref_slice %arg5[%dma_start3A_255] : memref<25600xi32, #tpu.memory_space<vmem>> -> memref<512xi32, #tpu.memory_space<vmem>>
    %dma_start3A_257 = tpu.memref_slice %arg2[%add3A_251] : memref<819200xi32, #tpu.memory_space<hbm>> -> memref<512xi32, #tpu.memory_space<hbm>>
    tpu.enqueue_dma source(%dma_start3A_257 : memref<512xi32, #tpu.memory_space<hbm>>) target(%dma_start3A_256 : memref<512xi32, #tpu.memory_space<vmem>>) target_semaphore(%arg10 : memref<!tpu.dma_semaphore, #tpu.memory_space<semaphore_mem>>)
    %add3A_258 = arith.constant 524288 : i32
    %add3A_259 = arith.addi %add3A_258, %mul3A_2 : i32
    %dma_start3A_260 = arith.constant 16384 : i32
    %dma_start3A_261 = tpu.memref_slice %arg5[%dma_start3A_260] : memref<25600xi32, #tpu.memory_space<vmem>> -> memref<512xi32, #tpu.memory_space<vmem>>
    %dma_start3A_262 = tpu.memref_slice %arg2[%add3A_259] : memref<819200xi32, #tpu.memory_space<hbm>> -> memref<512xi32, #tpu.memory_space<hbm>>
    %dma_start3A_263 = arith.constant 16384 : i32
    %dma_start3A_264 = tpu.memref_slice %arg5[%dma_start3A_263] : memref<25600xi32, #tpu.memory_space<vmem>> -> memref<512xi32, #tpu.memory_space<vmem>>
    %dma_start3A_265 = tpu.memref_slice %arg2[%add3A_259] : memref<819200xi32, #tpu.memory_space<hbm>> -> memref<512xi32, #tpu.memory_space<hbm>>
    tpu.enqueue_dma source(%dma_start3A_265 : memref<512xi32, #tpu.memory_space<hbm>>) target(%dma_start3A_264 : memref<512xi32, #tpu.memory_space<vmem>>) target_semaphore(%arg10 : memref<!tpu.dma_semaphore, #tpu.memory_space<semaphore_mem>>)
    %add3A_266 = arith.constant 540672 : i32
    %add3A_267 = arith.addi %add3A_266, %mul3A_2 : i32
    %dma_start3A_268 = arith.constant 16896 : i32
    %dma_start3A_269 = tpu.memref_slice %arg5[%dma_start3A_268] : memref<25600xi32, #tpu.memory_space<vmem>> -> memref<512xi32, #tpu.memory_space<vmem>>
    %dma_start3A_270 = tpu.memref_slice %arg2[%add3A_267] : memref<819200xi32, #tpu.memory_space<hbm>> -> memref<512xi32, #tpu.memory_space<hbm>>
    %dma_start3A_271 = arith.constant 16896 : i32
    %dma_start3A_272 = tpu.memref_slice %arg5[%dma_start3A_271] : memref<25600xi32, #tpu.memory_space<vmem>> -> memref<512xi32, #tpu.memory_space<vmem>>
    %dma_start3A_273 = tpu.memref_slice %arg2[%add3A_267] : memref<819200xi32, #tpu.memory_space<hbm>> -> memref<512xi32, #tpu.memory_space<hbm>>
    tpu.enqueue_dma source(%dma_start3A_273 : memref<512xi32, #tpu.memory_space<hbm>>) target(%dma_start3A_272 : memref<512xi32, #tpu.memory_space<vmem>>) target_semaphore(%arg10 : memref<!tpu.dma_semaphore, #tpu.memory_space<semaphore_mem>>)
    %add3A_274 = arith.constant 557056 : i32
    %add3A_275 = arith.addi %add3A_274, %mul3A_2 : i32
    %dma_start3A_276 = arith.constant 17408 : i32
    %dma_start3A_277 = tpu.memref_slice %arg5[%dma_start3A_276] : memref<25600xi32, #tpu.memory_space<vmem>> -> memref<512xi32, #tpu.memory_space<vmem>>
    %dma_start3A_278 = tpu.memref_slice %arg2[%add3A_275] : memref<819200xi32, #tpu.memory_space<hbm>> -> memref<512xi32, #tpu.memory_space<hbm>>
    %dma_start3A_279 = arith.constant 17408 : i32
    %dma_start3A_280 = tpu.memref_slice %arg5[%dma_start3A_279] : memref<25600xi32, #tpu.memory_space<vmem>> -> memref<512xi32, #tpu.memory_space<vmem>>
    %dma_start3A_281 = tpu.memref_slice %arg2[%add3A_275] : memref<819200xi32, #tpu.memory_space<hbm>> -> memref<512xi32, #tpu.memory_space<hbm>>
    tpu.enqueue_dma source(%dma_start3A_281 : memref<512xi32, #tpu.memory_space<hbm>>) target(%dma_start3A_280 : memref<512xi32, #tpu.memory_space<vmem>>) target_semaphore(%arg10 : memref<!tpu.dma_semaphore, #tpu.memory_space<semaphore_mem>>)
    %add3A_282 = arith.constant 573440 : i32
    %add3A_283 = arith.addi %add3A_282, %mul3A_2 : i32
    %dma_start3A_284 = arith.constant 17920 : i32
    %dma_start3A_285 = tpu.memref_slice %arg5[%dma_start3A_284] : memref<25600xi32, #tpu.memory_space<vmem>> -> memref<512xi32, #tpu.memory_space<vmem>>
    %dma_start3A_286 = tpu.memref_slice %arg2[%add3A_283] : memref<819200xi32, #tpu.memory_space<hbm>> -> memref<512xi32, #tpu.memory_space<hbm>>
    %dma_start3A_287 = arith.constant 17920 : i32
    %dma_start3A_288 = tpu.memref_slice %arg5[%dma_start3A_287] : memref<25600xi32, #tpu.memory_space<vmem>> -> memref<512xi32, #tpu.memory_space<vmem>>
    %dma_start3A_289 = tpu.memref_slice %arg2[%add3A_283] : memref<819200xi32, #tpu.memory_space<hbm>> -> memref<512xi32, #tpu.memory_space<hbm>>
    tpu.enqueue_dma source(%dma_start3A_289 : memref<512xi32, #tpu.memory_space<hbm>>) target(%dma_start3A_288 : memref<512xi32, #tpu.memory_space<vmem>>) target_semaphore(%arg10 : memref<!tpu.dma_semaphore, #tpu.memory_space<semaphore_mem>>)
    %add3A_290 = arith.constant 589824 : i32
    %add3A_291 = arith.addi %add3A_290, %mul3A_2 : i32
    %dma_start3A_292 = arith.constant 18432 : i32
    %dma_start3A_293 = tpu.memref_slice %arg5[%dma_start3A_292] : memref<25600xi32, #tpu.memory_space<vmem>> -> memref<512xi32, #tpu.memory_space<vmem>>
    %dma_start3A_294 = tpu.memref_slice %arg2[%add3A_291] : memref<819200xi32, #tpu.memory_space<hbm>> -> memref<512xi32, #tpu.memory_space<hbm>>
    %dma_start3A_295 = arith.constant 18432 : i32
    %dma_start3A_296 = tpu.memref_slice %arg5[%dma_start3A_295] : memref<25600xi32, #tpu.memory_space<vmem>> -> memref<512xi32, #tpu.memory_space<vmem>>
    %dma_start3A_297 = tpu.memref_slice %arg2[%add3A_291] : memref<819200xi32, #tpu.memory_space<hbm>> -> memref<512xi32, #tpu.memory_space<hbm>>
    tpu.enqueue_dma source(%dma_start3A_297 : memref<512xi32, #tpu.memory_space<hbm>>) target(%dma_start3A_296 : memref<512xi32, #tpu.memory_space<vmem>>) target_semaphore(%arg10 : memref<!tpu.dma_semaphore, #tpu.memory_space<semaphore_mem>>)
    %add3A_298 = arith.constant 606208 : i32
    %add3A_299 = arith.addi %add3A_298, %mul3A_2 : i32
    %dma_start3A_300 = arith.constant 18944 : i32
    %dma_start3A_301 = tpu.memref_slice %arg5[%dma_start3A_300] : memref<25600xi32, #tpu.memory_space<vmem>> -> memref<512xi32, #tpu.memory_space<vmem>>
    %dma_start3A_302 = tpu.memref_slice %arg2[%add3A_299] : memref<819200xi32, #tpu.memory_space<hbm>> -> memref<512xi32, #tpu.memory_space<hbm>>
    %dma_start3A_303 = arith.constant 18944 : i32
    %dma_start3A_304 = tpu.memref_slice %arg5[%dma_start3A_303] : memref<25600xi32, #tpu.memory_space<vmem>> -> memref<512xi32, #tpu.memory_space<vmem>>
    %dma_start3A_305 = tpu.memref_slice %arg2[%add3A_299] : memref<819200xi32, #tpu.memory_space<hbm>> -> memref<512xi32, #tpu.memory_space<hbm>>
    tpu.enqueue_dma source(%dma_start3A_305 : memref<512xi32, #tpu.memory_space<hbm>>) target(%dma_start3A_304 : memref<512xi32, #tpu.memory_space<vmem>>) target_semaphore(%arg10 : memref<!tpu.dma_semaphore, #tpu.memory_space<semaphore_mem>>)
    %add3A_306 = arith.constant 622592 : i32
    %add3A_307 = arith.addi %add3A_306, %mul3A_2 : i32
    %dma_start3A_308 = arith.constant 19456 : i32
    %dma_start3A_309 = tpu.memref_slice %arg5[%dma_start3A_308] : memref<25600xi32, #tpu.memory_space<vmem>> -> memref<512xi32, #tpu.memory_space<vmem>>
    %dma_start3A_310 = tpu.memref_slice %arg2[%add3A_307] : memref<819200xi32, #tpu.memory_space<hbm>> -> memref<512xi32, #tpu.memory_space<hbm>>
    %dma_start3A_311 = arith.constant 19456 : i32
    %dma_start3A_312 = tpu.memref_slice %arg5[%dma_start3A_311] : memref<25600xi32, #tpu.memory_space<vmem>> -> memref<512xi32, #tpu.memory_space<vmem>>
    %dma_start3A_313 = tpu.memref_slice %arg2[%add3A_307] : memref<819200xi32, #tpu.memory_space<hbm>> -> memref<512xi32, #tpu.memory_space<hbm>>
    tpu.enqueue_dma source(%dma_start3A_313 : memref<512xi32, #tpu.memory_space<hbm>>) target(%dma_start3A_312 : memref<512xi32, #tpu.memory_space<vmem>>) target_semaphore(%arg10 : memref<!tpu.dma_semaphore, #tpu.memory_space<semaphore_mem>>)
    %add3A_314 = arith.constant 638976 : i32
    %add3A_315 = arith.addi %add3A_314, %mul3A_2 : i32
    %dma_start3A_316 = arith.constant 19968 : i32
    %dma_start3A_317 = tpu.memref_slice %arg5[%dma_start3A_316] : memref<25600xi32, #tpu.memory_space<vmem>> -> memref<512xi32, #tpu.memory_space<vmem>>
    %dma_start3A_318 = tpu.memref_slice %arg2[%add3A_315] : memref<819200xi32, #tpu.memory_space<hbm>> -> memref<512xi32, #tpu.memory_space<hbm>>
    %dma_start3A_319 = arith.constant 19968 : i32
    %dma_start3A_320 = tpu.memref_slice %arg5[%dma_start3A_319] : memref<25600xi32, #tpu.memory_space<vmem>> -> memref<512xi32, #tpu.memory_space<vmem>>
    %dma_start3A_321 = tpu.memref_slice %arg2[%add3A_315] : memref<819200xi32, #tpu.memory_space<hbm>> -> memref<512xi32, #tpu.memory_space<hbm>>
    tpu.enqueue_dma source(%dma_start3A_321 : memref<512xi32, #tpu.memory_space<hbm>>) target(%dma_start3A_320 : memref<512xi32, #tpu.memory_space<vmem>>) target_semaphore(%arg10 : memref<!tpu.dma_semaphore, #tpu.memory_space<semaphore_mem>>)
    %add3A_322 = arith.constant 655360 : i32
    %add3A_323 = arith.addi %add3A_322, %mul3A_2 : i32
    %dma_start3A_324 = arith.constant 20480 : i32
    %dma_start3A_325 = tpu.memref_slice %arg5[%dma_start3A_324] : memref<25600xi32, #tpu.memory_space<vmem>> -> memref<512xi32, #tpu.memory_space<vmem>>
    %dma_start3A_326 = tpu.memref_slice %arg2[%add3A_323] : memref<819200xi32, #tpu.memory_space<hbm>> -> memref<512xi32, #tpu.memory_space<hbm>>
    %dma_start3A_327 = arith.constant 20480 : i32
    %dma_start3A_328 = tpu.memref_slice %arg5[%dma_start3A_327] : memref<25600xi32, #tpu.memory_space<vmem>> -> memref<512xi32, #tpu.memory_space<vmem>>
    %dma_start3A_329 = tpu.memref_slice %arg2[%add3A_323] : memref<819200xi32, #tpu.memory_space<hbm>> -> memref<512xi32, #tpu.memory_space<hbm>>
    tpu.enqueue_dma source(%dma_start3A_329 : memref<512xi32, #tpu.memory_space<hbm>>) target(%dma_start3A_328 : memref<512xi32, #tpu.memory_space<vmem>>) target_semaphore(%arg10 : memref<!tpu.dma_semaphore, #tpu.memory_space<semaphore_mem>>)
    %add3A_330 = arith.constant 671744 : i32
    %add3A_331 = arith.addi %add3A_330, %mul3A_2 : i32
    %dma_start3A_332 = arith.constant 20992 : i32
    %dma_start3A_333 = tpu.memref_slice %arg5[%dma_start3A_332] : memref<25600xi32, #tpu.memory_space<vmem>> -> memref<512xi32, #tpu.memory_space<vmem>>
    %dma_start3A_334 = tpu.memref_slice %arg2[%add3A_331] : memref<819200xi32, #tpu.memory_space<hbm>> -> memref<512xi32, #tpu.memory_space<hbm>>
    %dma_start3A_335 = arith.constant 20992 : i32
    %dma_start3A_336 = tpu.memref_slice %arg5[%dma_start3A_335] : memref<25600xi32, #tpu.memory_space<vmem>> -> memref<512xi32, #tpu.memory_space<vmem>>
    %dma_start3A_337 = tpu.memref_slice %arg2[%add3A_331] : memref<819200xi32, #tpu.memory_space<hbm>> -> memref<512xi32, #tpu.memory_space<hbm>>
    tpu.enqueue_dma source(%dma_start3A_337 : memref<512xi32, #tpu.memory_space<hbm>>) target(%dma_start3A_336 : memref<512xi32, #tpu.memory_space<vmem>>) target_semaphore(%arg10 : memref<!tpu.dma_semaphore, #tpu.memory_space<semaphore_mem>>)
    %add3A_338 = arith.constant 688128 : i32
    %add3A_339 = arith.addi %add3A_338, %mul3A_2 : i32
    %dma_start3A_340 = arith.constant 21504 : i32
    %dma_start3A_341 = tpu.memref_slice %arg5[%dma_start3A_340] : memref<25600xi32, #tpu.memory_space<vmem>> -> memref<512xi32, #tpu.memory_space<vmem>>
    %dma_start3A_342 = tpu.memref_slice %arg2[%add3A_339] : memref<819200xi32, #tpu.memory_space<hbm>> -> memref<512xi32, #tpu.memory_space<hbm>>
    %dma_start3A_343 = arith.constant 21504 : i32
    %dma_start3A_344 = tpu.memref_slice %arg5[%dma_start3A_343] : memref<25600xi32, #tpu.memory_space<vmem>> -> memref<512xi32, #tpu.memory_space<vmem>>
    %dma_start3A_345 = tpu.memref_slice %arg2[%add3A_339] : memref<819200xi32, #tpu.memory_space<hbm>> -> memref<512xi32, #tpu.memory_space<hbm>>
    tpu.enqueue_dma source(%dma_start3A_345 : memref<512xi32, #tpu.memory_space<hbm>>) target(%dma_start3A_344 : memref<512xi32, #tpu.memory_space<vmem>>) target_semaphore(%arg10 : memref<!tpu.dma_semaphore, #tpu.memory_space<semaphore_mem>>)
    %add3A_346 = arith.constant 704512 : i32
    %add3A_347 = arith.addi %add3A_346, %mul3A_2 : i32
    %dma_start3A_348 = arith.constant 22016 : i32
    %dma_start3A_349 = tpu.memref_slice %arg5[%dma_start3A_348] : memref<25600xi32, #tpu.memory_space<vmem>> -> memref<512xi32, #tpu.memory_space<vmem>>
    %dma_start3A_350 = tpu.memref_slice %arg2[%add3A_347] : memref<819200xi32, #tpu.memory_space<hbm>> -> memref<512xi32, #tpu.memory_space<hbm>>
    %dma_start3A_351 = arith.constant 22016 : i32
    %dma_start3A_352 = tpu.memref_slice %arg5[%dma_start3A_351] : memref<25600xi32, #tpu.memory_space<vmem>> -> memref<512xi32, #tpu.memory_space<vmem>>
    %dma_start3A_353 = tpu.memref_slice %arg2[%add3A_347] : memref<819200xi32, #tpu.memory_space<hbm>> -> memref<512xi32, #tpu.memory_space<hbm>>
    tpu.enqueue_dma source(%dma_start3A_353 : memref<512xi32, #tpu.memory_space<hbm>>) target(%dma_start3A_352 : memref<512xi32, #tpu.memory_space<vmem>>) target_semaphore(%arg10 : memref<!tpu.dma_semaphore, #tpu.memory_space<semaphore_mem>>)
    %add3A_354 = arith.constant 720896 : i32
    %add3A_355 = arith.addi %add3A_354, %mul3A_2 : i32
    %dma_start3A_356 = arith.constant 22528 : i32
    %dma_start3A_357 = tpu.memref_slice %arg5[%dma_start3A_356] : memref<25600xi32, #tpu.memory_space<vmem>> -> memref<512xi32, #tpu.memory_space<vmem>>
    %dma_start3A_358 = tpu.memref_slice %arg2[%add3A_355] : memref<819200xi32, #tpu.memory_space<hbm>> -> memref<512xi32, #tpu.memory_space<hbm>>
    %dma_start3A_359 = arith.constant 22528 : i32
    %dma_start3A_360 = tpu.memref_slice %arg5[%dma_start3A_359] : memref<25600xi32, #tpu.memory_space<vmem>> -> memref<512xi32, #tpu.memory_space<vmem>>
    %dma_start3A_361 = tpu.memref_slice %arg2[%add3A_355] : memref<819200xi32, #tpu.memory_space<hbm>> -> memref<512xi32, #tpu.memory_space<hbm>>
    tpu.enqueue_dma source(%dma_start3A_361 : memref<512xi32, #tpu.memory_space<hbm>>) target(%dma_start3A_360 : memref<512xi32, #tpu.memory_space<vmem>>) target_semaphore(%arg10 : memref<!tpu.dma_semaphore, #tpu.memory_space<semaphore_mem>>)
    %add3A_362 = arith.constant 737280 : i32
    %add3A_363 = arith.addi %add3A_362, %mul3A_2 : i32
    %dma_start3A_364 = arith.constant 23040 : i32
    %dma_start3A_365 = tpu.memref_slice %arg5[%dma_start3A_364] : memref<25600xi32, #tpu.memory_space<vmem>> -> memref<512xi32, #tpu.memory_space<vmem>>
    %dma_start3A_366 = tpu.memref_slice %arg2[%add3A_363] : memref<819200xi32, #tpu.memory_space<hbm>> -> memref<512xi32, #tpu.memory_space<hbm>>
    %dma_start3A_367 = arith.constant 23040 : i32
    %dma_start3A_368 = tpu.memref_slice %arg5[%dma_start3A_367] : memref<25600xi32, #tpu.memory_space<vmem>> -> memref<512xi32, #tpu.memory_space<vmem>>
    %dma_start3A_369 = tpu.memref_slice %arg2[%add3A_363] : memref<819200xi32, #tpu.memory_space<hbm>> -> memref<512xi32, #tpu.memory_space<hbm>>
    tpu.enqueue_dma source(%dma_start3A_369 : memref<512xi32, #tpu.memory_space<hbm>>) target(%dma_start3A_368 : memref<512xi32, #tpu.memory_space<vmem>>) target_semaphore(%arg10 : memref<!tpu.dma_semaphore, #tpu.memory_space<semaphore_mem>>)
    %add3A_370 = arith.constant 753664 : i32
    %add3A_371 = arith.addi %add3A_370, %mul3A_2 : i32
    %dma_start3A_372 = arith.constant 23552 : i32
    %dma_start3A_373 = tpu.memref_slice %arg5[%dma_start3A_372] : memref<25600xi32, #tpu.memory_space<vmem>> -> memref<512xi32, #tpu.memory_space<vmem>>
    %dma_start3A_374 = tpu.memref_slice %arg2[%add3A_371] : memref<819200xi32, #tpu.memory_space<hbm>> -> memref<512xi32, #tpu.memory_space<hbm>>
    %dma_start3A_375 = arith.constant 23552 : i32
    %dma_start3A_376 = tpu.memref_slice %arg5[%dma_start3A_375] : memref<25600xi32, #tpu.memory_space<vmem>> -> memref<512xi32, #tpu.memory_space<vmem>>
    %dma_start3A_377 = tpu.memref_slice %arg2[%add3A_371] : memref<819200xi32, #tpu.memory_space<hbm>> -> memref<512xi32, #tpu.memory_space<hbm>>
    tpu.enqueue_dma source(%dma_start3A_377 : memref<512xi32, #tpu.memory_space<hbm>>) target(%dma_start3A_376 : memref<512xi32, #tpu.memory_space<vmem>>) target_semaphore(%arg10 : memref<!tpu.dma_semaphore, #tpu.memory_space<semaphore_mem>>)
    %add3A_378 = arith.constant 770048 : i32
    %add3A_379 = arith.addi %add3A_378, %mul3A_2 : i32
    %dma_start3A_380 = arith.constant 24064 : i32
    %dma_start3A_381 = tpu.memref_slice %arg5[%dma_start3A_380] : memref<25600xi32, #tpu.memory_space<vmem>> -> memref<512xi32, #tpu.memory_space<vmem>>
    %dma_start3A_382 = tpu.memref_slice %arg2[%add3A_379] : memref<819200xi32, #tpu.memory_space<hbm>> -> memref<512xi32, #tpu.memory_space<hbm>>
    %dma_start3A_383 = arith.constant 24064 : i32
    %dma_start3A_384 = tpu.memref_slice %arg5[%dma_start3A_383] : memref<25600xi32, #tpu.memory_space<vmem>> -> memref<512xi32, #tpu.memory_space<vmem>>
    %dma_start3A_385 = tpu.memref_slice %arg2[%add3A_379] : memref<819200xi32, #tpu.memory_space<hbm>> -> memref<512xi32, #tpu.memory_space<hbm>>
    tpu.enqueue_dma source(%dma_start3A_385 : memref<512xi32, #tpu.memory_space<hbm>>) target(%dma_start3A_384 : memref<512xi32, #tpu.memory_space<vmem>>) target_semaphore(%arg10 : memref<!tpu.dma_semaphore, #tpu.memory_space<semaphore_mem>>)
    %add3A_386 = arith.constant 786432 : i32
    %add3A_387 = arith.addi %add3A_386, %mul3A_2 : i32
    %dma_start3A_388 = arith.constant 24576 : i32
    %dma_start3A_389 = tpu.memref_slice %arg5[%dma_start3A_388] : memref<25600xi32, #tpu.memory_space<vmem>> -> memref<512xi32, #tpu.memory_space<vmem>>
    %dma_start3A_390 = tpu.memref_slice %arg2[%add3A_387] : memref<819200xi32, #tpu.memory_space<hbm>> -> memref<512xi32, #tpu.memory_space<hbm>>
    %dma_start3A_391 = arith.constant 24576 : i32
    %dma_start3A_392 = tpu.memref_slice %arg5[%dma_start3A_391] : memref<25600xi32, #tpu.memory_space<vmem>> -> memref<512xi32, #tpu.memory_space<vmem>>
    %dma_start3A_393 = tpu.memref_slice %arg2[%add3A_387] : memref<819200xi32, #tpu.memory_space<hbm>> -> memref<512xi32, #tpu.memory_space<hbm>>
    tpu.enqueue_dma source(%dma_start3A_393 : memref<512xi32, #tpu.memory_space<hbm>>) target(%dma_start3A_392 : memref<512xi32, #tpu.memory_space<vmem>>) target_semaphore(%arg10 : memref<!tpu.dma_semaphore, #tpu.memory_space<semaphore_mem>>)
    %add3A_394 = arith.constant 802816 : i32
    %add3A_395 = arith.addi %add3A_394, %mul3A_2 : i32
    %dma_start3A_396 = arith.constant 25088 : i32
    %dma_start3A_397 = tpu.memref_slice %arg5[%dma_start3A_396] : memref<25600xi32, #tpu.memory_space<vmem>> -> memref<512xi32, #tpu.memory_space<vmem>>
    %dma_start3A_398 = tpu.memref_slice %arg2[%add3A_395] : memref<819200xi32, #tpu.memory_space<hbm>> -> memref<512xi32, #tpu.memory_space<hbm>>
    %dma_start3A_399 = arith.constant 25088 : i32
    %dma_start3A_400 = tpu.memref_slice %arg5[%dma_start3A_399] : memref<25600xi32, #tpu.memory_space<vmem>> -> memref<512xi32, #tpu.memory_space<vmem>>
    %dma_start3A_401 = tpu.memref_slice %arg2[%add3A_395] : memref<819200xi32, #tpu.memory_space<hbm>> -> memref<512xi32, #tpu.memory_space<hbm>>
    tpu.enqueue_dma source(%dma_start3A_401 : memref<512xi32, #tpu.memory_space<hbm>>) target(%dma_start3A_400 : memref<512xi32, #tpu.memory_space<vmem>>) target_semaphore(%arg10 : memref<!tpu.dma_semaphore, #tpu.memory_space<semaphore_mem>>)
    %dma_wait3A = arith.constant 0 : i32
    %dma_wait3A_402 = tpu.memref_slice %arg5[%dma_wait3A] : memref<25600xi32, #tpu.memory_space<vmem>> -> memref<512xi32, #tpu.memory_space<vmem>>
    %dma_wait3A_403 = arith.constant 0 : i32
    %dma_wait3A_404 = tpu.memref_slice %arg2[%dma_wait3A_403] : memref<819200xi32, #tpu.memory_space<hbm>> -> memref<512xi32, #tpu.memory_space<hbm>>
    %dma_wait3A_405 = arith.constant 0 : i32
    %dma_wait3A_406 = tpu.memref_slice %arg5[%dma_wait3A_405] : memref<25600xi32, #tpu.memory_space<vmem>> -> memref<512xi32, #tpu.memory_space<vmem>>
    %dma_wait3A_407 = arith.constant 0 : i32
    %dma_wait3A_408 = tpu.memref_slice %arg2[%dma_wait3A_407] : memref<819200xi32, #tpu.memory_space<hbm>> -> memref<512xi32, #tpu.memory_space<hbm>>
    tpu.wait_dma2 semaphore(%arg10 : memref<!tpu.dma_semaphore, #tpu.memory_space<semaphore_mem>>) src(%dma_wait3A_408 : memref<512xi32, #tpu.memory_space<hbm>>) dst(%dma_wait3A_406 : memref<512xi32, #tpu.memory_space<vmem>>)
    %dma_wait3A_409 = arith.constant 0 : i32
    %dma_wait3A_410 = tpu.memref_slice %arg5[%dma_wait3A_409] : memref<25600xi32, #tpu.memory_space<vmem>> -> memref<512xi32, #tpu.memory_space<vmem>>
    %dma_wait3A_411 = arith.constant 0 : i32
    %dma_wait3A_412 = tpu.memref_slice %arg2[%dma_wait3A_411] : memref<819200xi32, #tpu.memory_space<hbm>> -> memref<512xi32, #tpu.memory_space<hbm>>
    %dma_wait3A_413 = arith.constant 0 : i32
    %dma_wait3A_414 = tpu.memref_slice %arg5[%dma_wait3A_413] : memref<25600xi32, #tpu.memory_space<vmem>> -> memref<512xi32, #tpu.memory_space<vmem>>
    %dma_wait3A_415 = arith.constant 0 : i32
    %dma_wait3A_416 = tpu.memref_slice %arg2[%dma_wait3A_415] : memref<819200xi32, #tpu.memory_space<hbm>> -> memref<512xi32, #tpu.memory_space<hbm>>
    tpu.wait_dma2 semaphore(%arg10 : memref<!tpu.dma_semaphore, #tpu.memory_space<semaphore_mem>>) src(%dma_wait3A_416 : memref<512xi32, #tpu.memory_space<hbm>>) dst(%dma_wait3A_414 : memref<512xi32, #tpu.memory_space<vmem>>)
    %dma_wait3A_417 = arith.constant 0 : i32
    %dma_wait3A_418 = tpu.memref_slice %arg5[%dma_wait3A_417] : memref<25600xi32, #tpu.memory_space<vmem>> -> memref<512xi32, #tpu.memory_space<vmem>>
    %dma_wait3A_419 = arith.constant 0 : i32
    %dma_wait3A_420 = tpu.memref_slice %arg2[%dma_wait3A_419] : memref<819200xi32, #tpu.memory_space<hbm>> -> memref<512xi32, #tpu.memory_space<hbm>>
    %dma_wait3A_421 = arith.constant 0 : i32
    %dma_wait3A_422 = tpu.memref_slice %arg5[%dma_wait3A_421] : memref<25600xi32, #tpu.memory_space<vmem>> -> memref<512xi32, #tpu.memory_space<vmem>>
    %dma_wait3A_423 = arith.constant 0 : i32
    %dma_wait3A_424 = tpu.memref_slice %arg2[%dma_wait3A_423] : memref<819200xi32, #tpu.memory_space<hbm>> -> memref<512xi32, #tpu.memory_space<hbm>>
    tpu.wait_dma2 semaphore(%arg10 : memref<!tpu.dma_semaphore, #tpu.memory_space<semaphore_mem>>) src(%dma_wait3A_424 : memref<512xi32, #tpu.memory_space<hbm>>) dst(%dma_wait3A_422 : memref<512xi32, #tpu.memory_space<vmem>>)
    %dma_wait3A_425 = arith.constant 0 : i32
    %dma_wait3A_426 = tpu.memref_slice %arg5[%dma_wait3A_425] : memref<25600xi32, #tpu.memory_space<vmem>> -> memref<512xi32, #tpu.memory_space<vmem>>
    %dma_wait3A_427 = arith.constant 0 : i32
    %dma_wait3A_428 = tpu.memref_slice %arg2[%dma_wait3A_427] : memref<819200xi32, #tpu.memory_space<hbm>> -> memref<512xi32, #tpu.memory_space<hbm>>
    %dma_wait3A_429 = arith.constant 0 : i32
    %dma_wait3A_430 = tpu.memref_slice %arg5[%dma_wait3A_429] : memref<25600xi32, #tpu.memory_space<vmem>> -> memref<512xi32, #tpu.memory_space<vmem>>
    %dma_wait3A_431 = arith.constant 0 : i32
    %dma_wait3A_432 = tpu.memref_slice %arg2[%dma_wait3A_431] : memref<819200xi32, #tpu.memory_space<hbm>> -> memref<512xi32, #tpu.memory_space<hbm>>
    tpu.wait_dma2 semaphore(%arg10 : memref<!tpu.dma_semaphore, #tpu.memory_space<semaphore_mem>>) src(%dma_wait3A_432 : memref<512xi32, #tpu.memory_space<hbm>>) dst(%dma_wait3A_430 : memref<512xi32, #tpu.memory_space<vmem>>)
    %dma_wait3A_433 = arith.constant 0 : i32
    %dma_wait3A_434 = tpu.memref_slice %arg5[%dma_wait3A_433] : memref<25600xi32, #tpu.memory_space<vmem>> -> memref<512xi32, #tpu.memory_space<vmem>>
    %dma_wait3A_435 = arith.constant 0 : i32
    %dma_wait3A_436 = tpu.memref_slice %arg2[%dma_wait3A_435] : memref<819200xi32, #tpu.memory_space<hbm>> -> memref<512xi32, #tpu.memory_space<hbm>>
    %dma_wait3A_437 = arith.constant 0 : i32
    %dma_wait3A_438 = tpu.memref_slice %arg5[%dma_wait3A_437] : memref<25600xi32, #tpu.memory_space<vmem>> -> memref<512xi32, #tpu.memory_space<vmem>>
    %dma_wait3A_439 = arith.constant 0 : i32
    %dma_wait3A_440 = tpu.memref_slice %arg2[%dma_wait3A_439] : memref<819200xi32, #tpu.memory_space<hbm>> -> memref<512xi32, #tpu.memory_space<hbm>>
    tpu.wait_dma2 semaphore(%arg10 : memref<!tpu.dma_semaphore, #tpu.memory_space<semaphore_mem>>) src(%dma_wait3A_440 : memref<512xi32, #tpu.memory_space<hbm>>) dst(%dma_wait3A_438 : memref<512xi32, #tpu.memory_space<vmem>>)
    %dma_wait3A_441 = arith.constant 0 : i32
    %dma_wait3A_442 = tpu.memref_slice %arg5[%dma_wait3A_441] : memref<25600xi32, #tpu.memory_space<vmem>> -> memref<512xi32, #tpu.memory_space<vmem>>
    %dma_wait3A_443 = arith.constant 0 : i32
    %dma_wait3A_444 = tpu.memref_slice %arg2[%dma_wait3A_443] : memref<819200xi32, #tpu.memory_space<hbm>> -> memref<512xi32, #tpu.memory_space<hbm>>
    %dma_wait3A_445 = arith.constant 0 : i32
    %dma_wait3A_446 = tpu.memref_slice %arg5[%dma_wait3A_445] : memref<25600xi32, #tpu.memory_space<vmem>> -> memref<512xi32, #tpu.memory_space<vmem>>
    %dma_wait3A_447 = arith.constant 0 : i32
    %dma_wait3A_448 = tpu.memref_slice %arg2[%dma_wait3A_447] : memref<819200xi32, #tpu.memory_space<hbm>> -> memref<512xi32, #tpu.memory_space<hbm>>
    tpu.wait_dma2 semaphore(%arg10 : memref<!tpu.dma_semaphore, #tpu.memory_space<semaphore_mem>>) src(%dma_wait3A_448 : memref<512xi32, #tpu.memory_space<hbm>>) dst(%dma_wait3A_446 : memref<512xi32, #tpu.memory_space<vmem>>)
    %dma_wait3A_449 = arith.constant 0 : i32
    %dma_wait3A_450 = tpu.memref_slice %arg5[%dma_wait3A_449] : memref<25600xi32, #tpu.memory_space<vmem>> -> memref<512xi32, #tpu.memory_space<vmem>>
    %dma_wait3A_451 = arith.constant 0 : i32
    %dma_wait3A_452 = tpu.memref_slice %arg2[%dma_wait3A_451] : memref<819200xi32, #tpu.memory_space<hbm>> -> memref<512xi32, #tpu.memory_space<hbm>>
    %dma_wait3A_453 = arith.constant 0 : i32
    %dma_wait3A_454 = tpu.memref_slice %arg5[%dma_wait3A_453] : memref<25600xi32, #tpu.memory_space<vmem>> -> memref<512xi32, #tpu.memory_space<vmem>>
    %dma_wait3A_455 = arith.constant 0 : i32
    %dma_wait3A_456 = tpu.memref_slice %arg2[%dma_wait3A_455] : memref<819200xi32, #tpu.memory_space<hbm>> -> memref<512xi32, #tpu.memory_space<hbm>>
    tpu.wait_dma2 semaphore(%arg10 : memref<!tpu.dma_semaphore, #tpu.memory_space<semaphore_mem>>) src(%dma_wait3A_456 : memref<512xi32, #tpu.memory_space<hbm>>) dst(%dma_wait3A_454 : memref<512xi32, #tpu.memory_space<vmem>>)
    %dma_wait3A_457 = arith.constant 0 : i32
    %dma_wait3A_458 = tpu.memref_slice %arg5[%dma_wait3A_457] : memref<25600xi32, #tpu.memory_space<vmem>> -> memref<512xi32, #tpu.memory_space<vmem>>
    %dma_wait3A_459 = arith.constant 0 : i32
    %dma_wait3A_460 = tpu.memref_slice %arg2[%dma_wait3A_459] : memref<819200xi32, #tpu.memory_space<hbm>> -> memref<512xi32, #tpu.memory_space<hbm>>
    %dma_wait3A_461 = arith.constant 0 : i32
    %dma_wait3A_462 = tpu.memref_slice %arg5[%dma_wait3A_461] : memref<25600xi32, #tpu.memory_space<vmem>> -> memref<512xi32, #tpu.memory_space<vmem>>
    %dma_wait3A_463 = arith.constant 0 : i32
    %dma_wait3A_464 = tpu.memref_slice %arg2[%dma_wait3A_463] : memref<819200xi32, #tpu.memory_space<hbm>> -> memref<512xi32, #tpu.memory_space<hbm>>
    tpu.wait_dma2 semaphore(%arg10 : memref<!tpu.dma_semaphore, #tpu.memory_space<semaphore_mem>>) src(%dma_wait3A_464 : memref<512xi32, #tpu.memory_space<hbm>>) dst(%dma_wait3A_462 : memref<512xi32, #tpu.memory_space<vmem>>)
    %dma_wait3A_465 = arith.constant 0 : i32
    %dma_wait3A_466 = tpu.memref_slice %arg5[%dma_wait3A_465] : memref<25600xi32, #tpu.memory_space<vmem>> -> memref<512xi32, #tpu.memory_space<vmem>>
    %dma_wait3A_467 = arith.constant 0 : i32
    %dma_wait3A_468 = tpu.memref_slice %arg2[%dma_wait3A_467] : memref<819200xi32, #tpu.memory_space<hbm>> -> memref<512xi32, #tpu.memory_space<hbm>>
    %dma_wait3A_469 = arith.constant 0 : i32
    %dma_wait3A_470 = tpu.memref_slice %arg5[%dma_wait3A_469] : memref<25600xi32, #tpu.memory_space<vmem>> -> memref<512xi32, #tpu.memory_space<vmem>>
    %dma_wait3A_471 = arith.constant 0 : i32
    %dma_wait3A_472 = tpu.memref_slice %arg2[%dma_wait3A_471] : memref<819200xi32, #tpu.memory_space<hbm>> -> memref<512xi32, #tpu.memory_space<hbm>>
    tpu.wait_dma2 semaphore(%arg10 : memref<!tpu.dma_semaphore, #tpu.memory_space<semaphore_mem>>) src(%dma_wait3A_472 : memref<512xi32, #tpu.memory_space<hbm>>) dst(%dma_wait3A_470 : memref<512xi32, #tpu.memory_space<vmem>>)
    %dma_wait3A_473 = arith.constant 0 : i32
    %dma_wait3A_474 = tpu.memref_slice %arg5[%dma_wait3A_473] : memref<25600xi32, #tpu.memory_space<vmem>> -> memref<512xi32, #tpu.memory_space<vmem>>
    %dma_wait3A_475 = arith.constant 0 : i32
    %dma_wait3A_476 = tpu.memref_slice %arg2[%dma_wait3A_475] : memref<819200xi32, #tpu.memory_space<hbm>> -> memref<512xi32, #tpu.memory_space<hbm>>
    %dma_wait3A_477 = arith.constant 0 : i32
    %dma_wait3A_478 = tpu.memref_slice %arg5[%dma_wait3A_477] : memref<25600xi32, #tpu.memory_space<vmem>> -> memref<512xi32, #tpu.memory_space<vmem>>
    %dma_wait3A_479 = arith.constant 0 : i32
    %dma_wait3A_480 = tpu.memref_slice %arg2[%dma_wait3A_479] : memref<819200xi32, #tpu.memory_space<hbm>> -> memref<512xi32, #tpu.memory_space<hbm>>
    tpu.wait_dma2 semaphore(%arg10 : memref<!tpu.dma_semaphore, #tpu.memory_space<semaphore_mem>>) src(%dma_wait3A_480 : memref<512xi32, #tpu.memory_space<hbm>>) dst(%dma_wait3A_478 : memref<512xi32, #tpu.memory_space<vmem>>)
    %dma_wait3A_481 = arith.constant 0 : i32
    %dma_wait3A_482 = tpu.memref_slice %arg5[%dma_wait3A_481] : memref<25600xi32, #tpu.memory_space<vmem>> -> memref<512xi32, #tpu.memory_space<vmem>>
    %dma_wait3A_483 = arith.constant 0 : i32
    %dma_wait3A_484 = tpu.memref_slice %arg2[%dma_wait3A_483] : memref<819200xi32, #tpu.memory_space<hbm>> -> memref<512xi32, #tpu.memory_space<hbm>>
    %dma_wait3A_485 = arith.constant 0 : i32
    %dma_wait3A_486 = tpu.memref_slice %arg5[%dma_wait3A_485] : memref<25600xi32, #tpu.memory_space<vmem>> -> memref<512xi32, #tpu.memory_space<vmem>>
    %dma_wait3A_487 = arith.constant 0 : i32
    %dma_wait3A_488 = tpu.memref_slice %arg2[%dma_wait3A_487] : memref<819200xi32, #tpu.memory_space<hbm>> -> memref<512xi32, #tpu.memory_space<hbm>>
    tpu.wait_dma2 semaphore(%arg10 : memref<!tpu.dma_semaphore, #tpu.memory_space<semaphore_mem>>) src(%dma_wait3A_488 : memref<512xi32, #tpu.memory_space<hbm>>) dst(%dma_wait3A_486 : memref<512xi32, #tpu.memory_space<vmem>>)
    %dma_wait3A_489 = arith.constant 0 : i32
    %dma_wait3A_490 = tpu.memref_slice %arg5[%dma_wait3A_489] : memref<25600xi32, #tpu.memory_space<vmem>> -> memref<512xi32, #tpu.memory_space<vmem>>
    %dma_wait3A_491 = arith.constant 0 : i32
    %dma_wait3A_492 = tpu.memref_slice %arg2[%dma_wait3A_491] : memref<819200xi32, #tpu.memory_space<hbm>> -> memref<512xi32, #tpu.memory_space<hbm>>
    %dma_wait3A_493 = arith.constant 0 : i32
    %dma_wait3A_494 = tpu.memref_slice %arg5[%dma_wait3A_493] : memref<25600xi32, #tpu.memory_space<vmem>> -> memref<512xi32, #tpu.memory_space<vmem>>
    %dma_wait3A_495 = arith.constant 0 : i32
    %dma_wait3A_496 = tpu.memref_slice %arg2[%dma_wait3A_495] : memref<819200xi32, #tpu.memory_space<hbm>> -> memref<512xi32, #tpu.memory_space<hbm>>
    tpu.wait_dma2 semaphore(%arg10 : memref<!tpu.dma_semaphore, #tpu.memory_space<semaphore_mem>>) src(%dma_wait3A_496 : memref<512xi32, #tpu.memory_space<hbm>>) dst(%dma_wait3A_494 : memref<512xi32, #tpu.memory_space<vmem>>)
    %dma_wait3A_497 = arith.constant 0 : i32
    %dma_wait3A_498 = tpu.memref_slice %arg5[%dma_wait3A_497] : memref<25600xi32, #tpu.memory_space<vmem>> -> memref<512xi32, #tpu.memory_space<vmem>>
    %dma_wait3A_499 = arith.constant 0 : i32
    %dma_wait3A_500 = tpu.memref_slice %arg2[%dma_wait3A_499] : memref<819200xi32, #tpu.memory_space<hbm>> -> memref<512xi32, #tpu.memory_space<hbm>>
    %dma_wait3A_501 = arith.constant 0 : i32
    %dma_wait3A_502 = tpu.memref_slice %arg5[%dma_wait3A_501] : memref<25600xi32, #tpu.memory_space<vmem>> -> memref<512xi32, #tpu.memory_space<vmem>>
    %dma_wait3A_503 = arith.constant 0 : i32
    %dma_wait3A_504 = tpu.memref_slice %arg2[%dma_wait3A_503] : memref<819200xi32, #tpu.memory_space<hbm>> -> memref<512xi32, #tpu.memory_space<hbm>>
    tpu.wait_dma2 semaphore(%arg10 : memref<!tpu.dma_semaphore, #tpu.memory_space<semaphore_mem>>) src(%dma_wait3A_504 : memref<512xi32, #tpu.memory_space<hbm>>) dst(%dma_wait3A_502 : memref<512xi32, #tpu.memory_space<vmem>>)
    %dma_wait3A_505 = arith.constant 0 : i32
    %dma_wait3A_506 = tpu.memref_slice %arg5[%dma_wait3A_505] : memref<25600xi32, #tpu.memory_space<vmem>> -> memref<512xi32, #tpu.memory_space<vmem>>
    %dma_wait3A_507 = arith.constant 0 : i32
    %dma_wait3A_508 = tpu.memref_slice %arg2[%dma_wait3A_507] : memref<819200xi32, #tpu.memory_space<hbm>> -> memref<512xi32, #tpu.memory_space<hbm>>
    %dma_wait3A_509 = arith.constant 0 : i32
    %dma_wait3A_510 = tpu.memref_slice %arg5[%dma_wait3A_509] : memref<25600xi32, #tpu.memory_space<vmem>> -> memref<512xi32, #tpu.memory_space<vmem>>
    %dma_wait3A_511 = arith.constant 0 : i32
    %dma_wait3A_512 = tpu.memref_slice %arg2[%dma_wait3A_511] : memref<819200xi32, #tpu.memory_space<hbm>> -> memref<512xi32, #tpu.memory_space<hbm>>
    tpu.wait_dma2 semaphore(%arg10 : memref<!tpu.dma_semaphore, #tpu.memory_space<semaphore_mem>>) src(%dma_wait3A_512 : memref<512xi32, #tpu.memory_space<hbm>>) dst(%dma_wait3A_510 : memref<512xi32, #tpu.memory_space<vmem>>)
    %dma_wait3A_513 = arith.constant 0 : i32
    %dma_wait3A_514 = tpu.memref_slice %arg5[%dma_wait3A_513] : memref<25600xi32, #tpu.memory_space<vmem>> -> memref<512xi32, #tpu.memory_space<vmem>>
    %dma_wait3A_515 = arith.constant 0 : i32
    %dma_wait3A_516 = tpu.memref_slice %arg2[%dma_wait3A_515] : memref<819200xi32, #tpu.memory_space<hbm>> -> memref<512xi32, #tpu.memory_space<hbm>>
    %dma_wait3A_517 = arith.constant 0 : i32
    %dma_wait3A_518 = tpu.memref_slice %arg5[%dma_wait3A_517] : memref<25600xi32, #tpu.memory_space<vmem>> -> memref<512xi32, #tpu.memory_space<vmem>>
    %dma_wait3A_519 = arith.constant 0 : i32
    %dma_wait3A_520 = tpu.memref_slice %arg2[%dma_wait3A_519] : memref<819200xi32, #tpu.memory_space<hbm>> -> memref<512xi32, #tpu.memory_space<hbm>>
    tpu.wait_dma2 semaphore(%arg10 : memref<!tpu.dma_semaphore, #tpu.memory_space<semaphore_mem>>) src(%dma_wait3A_520 : memref<512xi32, #tpu.memory_space<hbm>>) dst(%dma_wait3A_518 : memref<512xi32, #tpu.memory_space<vmem>>)
    %dma_wait3A_521 = arith.constant 0 : i32
    %dma_wait3A_522 = tpu.memref_slice %arg5[%dma_wait3A_521] : memref<25600xi32, #tpu.memory_space<vmem>> -> memref<512xi32, #tpu.memory_space<vmem>>
    %dma_wait3A_523 = arith.constant 0 : i32
    %dma_wait3A_524 = tpu.memref_slice %arg2[%dma_wait3A_523] : memref<819200xi32, #tpu.memory_space<hbm>> -> memref<512xi32, #tpu.memory_space<hbm>>
    %dma_wait3A_525 = arith.constant 0 : i32
    %dma_wait3A_526 = tpu.memref_slice %arg5[%dma_wait3A_525] : memref<25600xi32, #tpu.memory_space<vmem>> -> memref<512xi32, #tpu.memory_space<vmem>>
    %dma_wait3A_527 = arith.constant 0 : i32
    %dma_wait3A_528 = tpu.memref_slice %arg2[%dma_wait3A_527] : memref<819200xi32, #tpu.memory_space<hbm>> -> memref<512xi32, #tpu.memory_space<hbm>>
    tpu.wait_dma2 semaphore(%arg10 : memref<!tpu.dma_semaphore, #tpu.memory_space<semaphore_mem>>) src(%dma_wait3A_528 : memref<512xi32, #tpu.memory_space<hbm>>) dst(%dma_wait3A_526 : memref<512xi32, #tpu.memory_space<vmem>>)
    %dma_wait3A_529 = arith.constant 0 : i32
    %dma_wait3A_530 = tpu.memref_slice %arg5[%dma_wait3A_529] : memref<25600xi32, #tpu.memory_space<vmem>> -> memref<512xi32, #tpu.memory_space<vmem>>
    %dma_wait3A_531 = arith.constant 0 : i32
    %dma_wait3A_532 = tpu.memref_slice %arg2[%dma_wait3A_531] : memref<819200xi32, #tpu.memory_space<hbm>> -> memref<512xi32, #tpu.memory_space<hbm>>
    %dma_wait3A_533 = arith.constant 0 : i32
    %dma_wait3A_534 = tpu.memref_slice %arg5[%dma_wait3A_533] : memref<25600xi32, #tpu.memory_space<vmem>> -> memref<512xi32, #tpu.memory_space<vmem>>
    %dma_wait3A_535 = arith.constant 0 : i32
    %dma_wait3A_536 = tpu.memref_slice %arg2[%dma_wait3A_535] : memref<819200xi32, #tpu.memory_space<hbm>> -> memref<512xi32, #tpu.memory_space<hbm>>
    tpu.wait_dma2 semaphore(%arg10 : memref<!tpu.dma_semaphore, #tpu.memory_space<semaphore_mem>>) src(%dma_wait3A_536 : memref<512xi32, #tpu.memory_space<hbm>>) dst(%dma_wait3A_534 : memref<512xi32, #tpu.memory_space<vmem>>)
    %dma_wait3A_537 = arith.constant 0 : i32
    %dma_wait3A_538 = tpu.memref_slice %arg5[%dma_wait3A_537] : memref<25600xi32, #tpu.memory_space<vmem>> -> memref<512xi32, #tpu.memory_space<vmem>>
    %dma_wait3A_539 = arith.constant 0 : i32
    %dma_wait3A_540 = tpu.memref_slice %arg2[%dma_wait3A_539] : memref<819200xi32, #tpu.memory_space<hbm>> -> memref<512xi32, #tpu.memory_space<hbm>>
    %dma_wait3A_541 = arith.constant 0 : i32
    %dma_wait3A_542 = tpu.memref_slice %arg5[%dma_wait3A_541] : memref<25600xi32, #tpu.memory_space<vmem>> -> memref<512xi32, #tpu.memory_space<vmem>>
    %dma_wait3A_543 = arith.constant 0 : i32
    %dma_wait3A_544 = tpu.memref_slice %arg2[%dma_wait3A_543] : memref<819200xi32, #tpu.memory_space<hbm>> -> memref<512xi32, #tpu.memory_space<hbm>>
    tpu.wait_dma2 semaphore(%arg10 : memref<!tpu.dma_semaphore, #tpu.memory_space<semaphore_mem>>) src(%dma_wait3A_544 : memref<512xi32, #tpu.memory_space<hbm>>) dst(%dma_wait3A_542 : memref<512xi32, #tpu.memory_space<vmem>>)
    %dma_wait3A_545 = arith.constant 0 : i32
    %dma_wait3A_546 = tpu.memref_slice %arg5[%dma_wait3A_545] : memref<25600xi32, #tpu.memory_space<vmem>> -> memref<512xi32, #tpu.memory_space<vmem>>
    %dma_wait3A_547 = arith.constant 0 : i32
    %dma_wait3A_548 = tpu.memref_slice %arg2[%dma_wait3A_547] : memref<819200xi32, #tpu.memory_space<hbm>> -> memref<512xi32, #tpu.memory_space<hbm>>
    %dma_wait3A_549 = arith.constant 0 : i32
    %dma_wait3A_550 = tpu.memref_slice %arg5[%dma_wait3A_549] : memref<25600xi32, #tpu.memory_space<vmem>> -> memref<512xi32, #tpu.memory_space<vmem>>
    %dma_wait3A_551 = arith.constant 0 : i32
    %dma_wait3A_552 = tpu.memref_slice %arg2[%dma_wait3A_551] : memref<819200xi32, #tpu.memory_space<hbm>> -> memref<512xi32, #tpu.memory_space<hbm>>
    tpu.wait_dma2 semaphore(%arg10 : memref<!tpu.dma_semaphore, #tpu.memory_space<semaphore_mem>>) src(%dma_wait3A_552 : memref<512xi32, #tpu.memory_space<hbm>>) dst(%dma_wait3A_550 : memref<512xi32, #tpu.memory_space<vmem>>)
    %dma_wait3A_553 = arith.constant 0 : i32
    %dma_wait3A_554 = tpu.memref_slice %arg5[%dma_wait3A_553] : memref<25600xi32, #tpu.memory_space<vmem>> -> memref<512xi32, #tpu.memory_space<vmem>>
    %dma_wait3A_555 = arith.constant 0 : i32
    %dma_wait3A_556 = tpu.memref_slice %arg2[%dma_wait3A_555] : memref<819200xi32, #tpu.memory_space<hbm>> -> memref<512xi32, #tpu.memory_space<hbm>>
    %dma_wait3A_557 = arith.constant 0 : i32
    %dma_wait3A_558 = tpu.memref_slice %arg5[%dma_wait3A_557] : memref<25600xi32, #tpu.memory_space<vmem>> -> memref<512xi32, #tpu.memory_space<vmem>>
    %dma_wait3A_559 = arith.constant 0 : i32
    %dma_wait3A_560 = tpu.memref_slice %arg2[%dma_wait3A_559] : memref<819200xi32, #tpu.memory_space<hbm>> -> memref<512xi32, #tpu.memory_space<hbm>>
    tpu.wait_dma2 semaphore(%arg10 : memref<!tpu.dma_semaphore, #tpu.memory_space<semaphore_mem>>) src(%dma_wait3A_560 : memref<512xi32, #tpu.memory_space<hbm>>) dst(%dma_wait3A_558 : memref<512xi32, #tpu.memory_space<vmem>>)
    %dma_wait3A_561 = arith.constant 0 : i32
    %dma_wait3A_562 = tpu.memref_slice %arg5[%dma_wait3A_561] : memref<25600xi32, #tpu.memory_space<vmem>> -> memref<512xi32, #tpu.memory_space<vmem>>
    %dma_wait3A_563 = arith.constant 0 : i32
    %dma_wait3A_564 = tpu.memref_slice %arg2[%dma_wait3A_563] : memref<819200xi32, #tpu.memory_space<hbm>> -> memref<512xi32, #tpu.memory_space<hbm>>
    %dma_wait3A_565 = arith.constant 0 : i32
    %dma_wait3A_566 = tpu.memref_slice %arg5[%dma_wait3A_565] : memref<25600xi32, #tpu.memory_space<vmem>> -> memref<512xi32, #tpu.memory_space<vmem>>
    %dma_wait3A_567 = arith.constant 0 : i32
    %dma_wait3A_568 = tpu.memref_slice %arg2[%dma_wait3A_567] : memref<819200xi32, #tpu.memory_space<hbm>> -> memref<512xi32, #tpu.memory_space<hbm>>
    tpu.wait_dma2 semaphore(%arg10 : memref<!tpu.dma_semaphore, #tpu.memory_space<semaphore_mem>>) src(%dma_wait3A_568 : memref<512xi32, #tpu.memory_space<hbm>>) dst(%dma_wait3A_566 : memref<512xi32, #tpu.memory_space<vmem>>)
    %dma_wait3A_569 = arith.constant 0 : i32
    %dma_wait3A_570 = tpu.memref_slice %arg5[%dma_wait3A_569] : memref<25600xi32, #tpu.memory_space<vmem>> -> memref<512xi32, #tpu.memory_space<vmem>>
    %dma_wait3A_571 = arith.constant 0 : i32
    %dma_wait3A_572 = tpu.memref_slice %arg2[%dma_wait3A_571] : memref<819200xi32, #tpu.memory_space<hbm>> -> memref<512xi32, #tpu.memory_space<hbm>>
    %dma_wait3A_573 = arith.constant 0 : i32
    %dma_wait3A_574 = tpu.memref_slice %arg5[%dma_wait3A_573] : memref<25600xi32, #tpu.memory_space<vmem>> -> memref<512xi32, #tpu.memory_space<vmem>>
    %dma_wait3A_575 = arith.constant 0 : i32
    %dma_wait3A_576 = tpu.memref_slice %arg2[%dma_wait3A_575] : memref<819200xi32, #tpu.memory_space<hbm>> -> memref<512xi32, #tpu.memory_space<hbm>>
    tpu.wait_dma2 semaphore(%arg10 : memref<!tpu.dma_semaphore, #tpu.memory_space<semaphore_mem>>) src(%dma_wait3A_576 : memref<512xi32, #tpu.memory_space<hbm>>) dst(%dma_wait3A_574 : memref<512xi32, #tpu.memory_space<vmem>>)
    %dma_wait3A_577 = arith.constant 0 : i32
    %dma_wait3A_578 = tpu.memref_slice %arg5[%dma_wait3A_577] : memref<25600xi32, #tpu.memory_space<vmem>> -> memref<512xi32, #tpu.memory_space<vmem>>
    %dma_wait3A_579 = arith.constant 0 : i32
    %dma_wait3A_580 = tpu.memref_slice %arg2[%dma_wait3A_579] : memref<819200xi32, #tpu.memory_space<hbm>> -> memref<512xi32, #tpu.memory_space<hbm>>
    %dma_wait3A_581 = arith.constant 0 : i32
    %dma_wait3A_582 = tpu.memref_slice %arg5[%dma_wait3A_581] : memref<25600xi32, #tpu.memory_space<vmem>> -> memref<512xi32, #tpu.memory_space<vmem>>
    %dma_wait3A_583 = arith.constant 0 : i32
    %dma_wait3A_584 = tpu.memref_slice %arg2[%dma_wait3A_583] : memref<819200xi32, #tpu.memory_space<hbm>> -> memref<512xi32, #tpu.memory_space<hbm>>
    tpu.wait_dma2 semaphore(%arg10 : memref<!tpu.dma_semaphore, #tpu.memory_space<semaphore_mem>>) src(%dma_wait3A_584 : memref<512xi32, #tpu.memory_space<hbm>>) dst(%dma_wait3A_582 : memref<512xi32, #tpu.memory_space<vmem>>)
    %dma_wait3A_585 = arith.constant 0 : i32
    %dma_wait3A_586 = tpu.memref_slice %arg5[%dma_wait3A_585] : memref<25600xi32, #tpu.memory_space<vmem>> -> memref<512xi32, #tpu.memory_space<vmem>>
    %dma_wait3A_587 = arith.constant 0 : i32
    %dma_wait3A_588 = tpu.memref_slice %arg2[%dma_wait3A_587] : memref<819200xi32, #tpu.memory_space<hbm>> -> memref<512xi32, #tpu.memory_space<hbm>>
    %dma_wait3A_589 = arith.constant 0 : i32
    %dma_wait3A_590 = tpu.memref_slice %arg5[%dma_wait3A_589] : memref<25600xi32, #tpu.memory_space<vmem>> -> memref<512xi32, #tpu.memory_space<vmem>>
    %dma_wait3A_591 = arith.constant 0 : i32
    %dma_wait3A_592 = tpu.memref_slice %arg2[%dma_wait3A_591] : memref<819200xi32, #tpu.memory_space<hbm>> -> memref<512xi32, #tpu.memory_space<hbm>>
    tpu.wait_dma2 semaphore(%arg10 : memref<!tpu.dma_semaphore, #tpu.memory_space<semaphore_mem>>) src(%dma_wait3A_592 : memref<512xi32, #tpu.memory_space<hbm>>) dst(%dma_wait3A_590 : memref<512xi32, #tpu.memory_space<vmem>>)
    %dma_wait3A_593 = arith.constant 0 : i32
    %dma_wait3A_594 = tpu.memref_slice %arg5[%dma_wait3A_593] : memref<25600xi32, #tpu.memory_space<vmem>> -> memref<512xi32, #tpu.memory_space<vmem>>
    %dma_wait3A_595 = arith.constant 0 : i32
    %dma_wait3A_596 = tpu.memref_slice %arg2[%dma_wait3A_595] : memref<819200xi32, #tpu.memory_space<hbm>> -> memref<512xi32, #tpu.memory_space<hbm>>
    %dma_wait3A_597 = arith.constant 0 : i32
    %dma_wait3A_598 = tpu.memref_slice %arg5[%dma_wait3A_597] : memref<25600xi32, #tpu.memory_space<vmem>> -> memref<512xi32, #tpu.memory_space<vmem>>
    %dma_wait3A_599 = arith.constant 0 : i32
    %dma_wait3A_600 = tpu.memref_slice %arg2[%dma_wait3A_599] : memref<819200xi32, #tpu.memory_space<hbm>> -> memref<512xi32, #tpu.memory_space<hbm>>
    tpu.wait_dma2 semaphore(%arg10 : memref<!tpu.dma_semaphore, #tpu.memory_space<semaphore_mem>>) src(%dma_wait3A_600 : memref<512xi32, #tpu.memory_space<hbm>>) dst(%dma_wait3A_598 : memref<512xi32, #tpu.memory_space<vmem>>)
    %dma_wait3A_601 = arith.constant 0 : i32
    %dma_wait3A_602 = tpu.memref_slice %arg5[%dma_wait3A_601] : memref<25600xi32, #tpu.memory_space<vmem>> -> memref<512xi32, #tpu.memory_space<vmem>>
    %dma_wait3A_603 = arith.constant 0 : i32
    %dma_wait3A_604 = tpu.memref_slice %arg2[%dma_wait3A_603] : memref<819200xi32, #tpu.memory_space<hbm>> -> memref<512xi32, #tpu.memory_space<hbm>>
    %dma_wait3A_605 = arith.constant 0 : i32
    %dma_wait3A_606 = tpu.memref_slice %arg5[%dma_wait3A_605] : memref<25600xi32, #tpu.memory_space<vmem>> -> memref<512xi32, #tpu.memory_space<vmem>>
    %dma_wait3A_607 = arith.constant 0 : i32
    %dma_wait3A_608 = tpu.memref_slice %arg2[%dma_wait3A_607] : memref<819200xi32, #tpu.memory_space<hbm>> -> memref<512xi32, #tpu.memory_space<hbm>>
    tpu.wait_dma2 semaphore(%arg10 : memref<!tpu.dma_semaphore, #tpu.memory_space<semaphore_mem>>) src(%dma_wait3A_608 : memref<512xi32, #tpu.memory_space<hbm>>) dst(%dma_wait3A_606 : memref<512xi32, #tpu.memory_space<vmem>>)
    %dma_wait3A_609 = arith.constant 0 : i32
    %dma_wait3A_610 = tpu.memref_slice %arg5[%dma_wait3A_609] : memref<25600xi32, #tpu.memory_space<vmem>> -> memref<512xi32, #tpu.memory_space<vmem>>
    %dma_wait3A_611 = arith.constant 0 : i32
    %dma_wait3A_612 = tpu.memref_slice %arg2[%dma_wait3A_611] : memref<819200xi32, #tpu.memory_space<hbm>> -> memref<512xi32, #tpu.memory_space<hbm>>
    %dma_wait3A_613 = arith.constant 0 : i32
    %dma_wait3A_614 = tpu.memref_slice %arg5[%dma_wait3A_613] : memref<25600xi32, #tpu.memory_space<vmem>> -> memref<512xi32, #tpu.memory_space<vmem>>
    %dma_wait3A_615 = arith.constant 0 : i32
    %dma_wait3A_616 = tpu.memref_slice %arg2[%dma_wait3A_615] : memref<819200xi32, #tpu.memory_space<hbm>> -> memref<512xi32, #tpu.memory_space<hbm>>
    tpu.wait_dma2 semaphore(%arg10 : memref<!tpu.dma_semaphore, #tpu.memory_space<semaphore_mem>>) src(%dma_wait3A_616 : memref<512xi32, #tpu.memory_space<hbm>>) dst(%dma_wait3A_614 : memref<512xi32, #tpu.memory_space<vmem>>)
    %dma_wait3A_617 = arith.constant 0 : i32
    %dma_wait3A_618 = tpu.memref_slice %arg5[%dma_wait3A_617] : memref<25600xi32, #tpu.memory_space<vmem>> -> memref<512xi32, #tpu.memory_space<vmem>>
    %dma_wait3A_619 = arith.constant 0 : i32
    %dma_wait3A_620 = tpu.memref_slice %arg2[%dma_wait3A_619] : memref<819200xi32, #tpu.memory_space<hbm>> -> memref<512xi32, #tpu.memory_space<hbm>>
    %dma_wait3A_621 = arith.constant 0 : i32
    %dma_wait3A_622 = tpu.memref_slice %arg5[%dma_wait3A_621] : memref<25600xi32, #tpu.memory_space<vmem>> -> memref<512xi32, #tpu.memory_space<vmem>>
    %dma_wait3A_623 = arith.constant 0 : i32
    %dma_wait3A_624 = tpu.memref_slice %arg2[%dma_wait3A_623] : memref<819200xi32, #tpu.memory_space<hbm>> -> memref<512xi32, #tpu.memory_space<hbm>>
    tpu.wait_dma2 semaphore(%arg10 : memref<!tpu.dma_semaphore, #tpu.memory_space<semaphore_mem>>) src(%dma_wait3A_624 : memref<512xi32, #tpu.memory_space<hbm>>) dst(%dma_wait3A_622 : memref<512xi32, #tpu.memory_space<vmem>>)
    %dma_wait3A_625 = arith.constant 0 : i32
    %dma_wait3A_626 = tpu.memref_slice %arg5[%dma_wait3A_625] : memref<25600xi32, #tpu.memory_space<vmem>> -> memref<512xi32, #tpu.memory_space<vmem>>
    %dma_wait3A_627 = arith.constant 0 : i32
    %dma_wait3A_628 = tpu.memref_slice %arg2[%dma_wait3A_627] : memref<819200xi32, #tpu.memory_space<hbm>> -> memref<512xi32, #tpu.memory_space<hbm>>
    %dma_wait3A_629 = arith.constant 0 : i32
    %dma_wait3A_630 = tpu.memref_slice %arg5[%dma_wait3A_629] : memref<25600xi32, #tpu.memory_space<vmem>> -> memref<512xi32, #tpu.memory_space<vmem>>
    %dma_wait3A_631 = arith.constant 0 : i32
    %dma_wait3A_632 = tpu.memref_slice %arg2[%dma_wait3A_631] : memref<819200xi32, #tpu.memory_space<hbm>> -> memref<512xi32, #tpu.memory_space<hbm>>
    tpu.wait_dma2 semaphore(%arg10 : memref<!tpu.dma_semaphore, #tpu.memory_space<semaphore_mem>>) src(%dma_wait3A_632 : memref<512xi32, #tpu.memory_space<hbm>>) dst(%dma_wait3A_630 : memref<512xi32, #tpu.memory_space<vmem>>)
    %dma_wait3A_633 = arith.constant 0 : i32
    %dma_wait3A_634 = tpu.memref_slice %arg5[%dma_wait3A_633] : memref<25600xi32, #tpu.memory_space<vmem>> -> memref<512xi32, #tpu.memory_space<vmem>>
    %dma_wait3A_635 = arith.constant 0 : i32
    %dma_wait3A_636 = tpu.memref_slice %arg2[%dma_wait3A_635] : memref<819200xi32, #tpu.memory_space<hbm>> -> memref<512xi32, #tpu.memory_space<hbm>>
    %dma_wait3A_637 = arith.constant 0 : i32
    %dma_wait3A_638 = tpu.memref_slice %arg5[%dma_wait3A_637] : memref<25600xi32, #tpu.memory_space<vmem>> -> memref<512xi32, #tpu.memory_space<vmem>>
    %dma_wait3A_639 = arith.constant 0 : i32
    %dma_wait3A_640 = tpu.memref_slice %arg2[%dma_wait3A_639] : memref<819200xi32, #tpu.memory_space<hbm>> -> memref<512xi32, #tpu.memory_space<hbm>>
    tpu.wait_dma2 semaphore(%arg10 : memref<!tpu.dma_semaphore, #tpu.memory_space<semaphore_mem>>) src(%dma_wait3A_640 : memref<512xi32, #tpu.memory_space<hbm>>) dst(%dma_wait3A_638 : memref<512xi32, #tpu.memory_space<vmem>>)
    %dma_wait3A_641 = arith.constant 0 : i32
    %dma_wait3A_642 = tpu.memref_slice %arg5[%dma_wait3A_641] : memref<25600xi32, #tpu.memory_space<vmem>> -> memref<512xi32, #tpu.memory_space<vmem>>
    %dma_wait3A_643 = arith.constant 0 : i32
    %dma_wait3A_644 = tpu.memref_slice %arg2[%dma_wait3A_643] : memref<819200xi32, #tpu.memory_space<hbm>> -> memref<512xi32, #tpu.memory_space<hbm>>
    %dma_wait3A_645 = arith.constant 0 : i32
    %dma_wait3A_646 = tpu.memref_slice %arg5[%dma_wait3A_645] : memref<25600xi32, #tpu.memory_space<vmem>> -> memref<512xi32, #tpu.memory_space<vmem>>
    %dma_wait3A_647 = arith.constant 0 : i32
    %dma_wait3A_648 = tpu.memref_slice %arg2[%dma_wait3A_647] : memref<819200xi32, #tpu.memory_space<hbm>> -> memref<512xi32, #tpu.memory_space<hbm>>
    tpu.wait_dma2 semaphore(%arg10 : memref<!tpu.dma_semaphore, #tpu.memory_space<semaphore_mem>>) src(%dma_wait3A_648 : memref<512xi32, #tpu.memory_space<hbm>>) dst(%dma_wait3A_646 : memref<512xi32, #tpu.memory_space<vmem>>)
    %dma_wait3A_649 = arith.constant 0 : i32
    %dma_wait3A_650 = tpu.memref_slice %arg5[%dma_wait3A_649] : memref<25600xi32, #tpu.memory_space<vmem>> -> memref<512xi32, #tpu.memory_space<vmem>>
    %dma_wait3A_651 = arith.constant 0 : i32
    %dma_wait3A_652 = tpu.memref_slice %arg2[%dma_wait3A_651] : memref<819200xi32, #tpu.memory_space<hbm>> -> memref<512xi32, #tpu.memory_space<hbm>>
    %dma_wait3A_653 = arith.constant 0 : i32
    %dma_wait3A_654 = tpu.memref_slice %arg5[%dma_wait3A_653] : memref<25600xi32, #tpu.memory_space<vmem>> -> memref<512xi32, #tpu.memory_space<vmem>>
    %dma_wait3A_655 = arith.constant 0 : i32
    %dma_wait3A_656 = tpu.memref_slice %arg2[%dma_wait3A_655] : memref<819200xi32, #tpu.memory_space<hbm>> -> memref<512xi32, #tpu.memory_space<hbm>>
    tpu.wait_dma2 semaphore(%arg10 : memref<!tpu.dma_semaphore, #tpu.memory_space<semaphore_mem>>) src(%dma_wait3A_656 : memref<512xi32, #tpu.memory_space<hbm>>) dst(%dma_wait3A_654 : memref<512xi32, #tpu.memory_space<vmem>>)
    %dma_wait3A_657 = arith.constant 0 : i32
    %dma_wait3A_658 = tpu.memref_slice %arg5[%dma_wait3A_657] : memref<25600xi32, #tpu.memory_space<vmem>> -> memref<512xi32, #tpu.memory_space<vmem>>
    %dma_wait3A_659 = arith.constant 0 : i32
    %dma_wait3A_660 = tpu.memref_slice %arg2[%dma_wait3A_659] : memref<819200xi32, #tpu.memory_space<hbm>> -> memref<512xi32, #tpu.memory_space<hbm>>
    %dma_wait3A_661 = arith.constant 0 : i32
    %dma_wait3A_662 = tpu.memref_slice %arg5[%dma_wait3A_661] : memref<25600xi32, #tpu.memory_space<vmem>> -> memref<512xi32, #tpu.memory_space<vmem>>
    %dma_wait3A_663 = arith.constant 0 : i32
    %dma_wait3A_664 = tpu.memref_slice %arg2[%dma_wait3A_663] : memref<819200xi32, #tpu.memory_space<hbm>> -> memref<512xi32, #tpu.memory_space<hbm>>
    tpu.wait_dma2 semaphore(%arg10 : memref<!tpu.dma_semaphore, #tpu.memory_space<semaphore_mem>>) src(%dma_wait3A_664 : memref<512xi32, #tpu.memory_space<hbm>>) dst(%dma_wait3A_662 : memref<512xi32, #tpu.memory_space<vmem>>)
    %dma_wait3A_665 = arith.constant 0 : i32
    %dma_wait3A_666 = tpu.memref_slice %arg5[%dma_wait3A_665] : memref<25600xi32, #tpu.memory_space<vmem>> -> memref<512xi32, #tpu.memory_space<vmem>>
    %dma_wait3A_667 = arith.constant 0 : i32
    %dma_wait3A_668 = tpu.memref_slice %arg2[%dma_wait3A_667] : memref<819200xi32, #tpu.memory_space<hbm>> -> memref<512xi32, #tpu.memory_space<hbm>>
    %dma_wait3A_669 = arith.constant 0 : i32
    %dma_wait3A_670 = tpu.memref_slice %arg5[%dma_wait3A_669] : memref<25600xi32, #tpu.memory_space<vmem>> -> memref<512xi32, #tpu.memory_space<vmem>>
    %dma_wait3A_671 = arith.constant 0 : i32
    %dma_wait3A_672 = tpu.memref_slice %arg2[%dma_wait3A_671] : memref<819200xi32, #tpu.memory_space<hbm>> -> memref<512xi32, #tpu.memory_space<hbm>>
    tpu.wait_dma2 semaphore(%arg10 : memref<!tpu.dma_semaphore, #tpu.memory_space<semaphore_mem>>) src(%dma_wait3A_672 : memref<512xi32, #tpu.memory_space<hbm>>) dst(%dma_wait3A_670 : memref<512xi32, #tpu.memory_space<vmem>>)
    %dma_wait3A_673 = arith.constant 0 : i32
    %dma_wait3A_674 = tpu.memref_slice %arg5[%dma_wait3A_673] : memref<25600xi32, #tpu.memory_space<vmem>> -> memref<512xi32, #tpu.memory_space<vmem>>
    %dma_wait3A_675 = arith.constant 0 : i32
    %dma_wait3A_676 = tpu.memref_slice %arg2[%dma_wait3A_675] : memref<819200xi32, #tpu.memory_space<hbm>> -> memref<512xi32, #tpu.memory_space<hbm>>
    %dma_wait3A_677 = arith.constant 0 : i32
    %dma_wait3A_678 = tpu.memref_slice %arg5[%dma_wait3A_677] : memref<25600xi32, #tpu.memory_space<vmem>> -> memref<512xi32, #tpu.memory_space<vmem>>
    %dma_wait3A_679 = arith.constant 0 : i32
    %dma_wait3A_680 = tpu.memref_slice %arg2[%dma_wait3A_679] : memref<819200xi32, #tpu.memory_space<hbm>> -> memref<512xi32, #tpu.memory_space<hbm>>
    tpu.wait_dma2 semaphore(%arg10 : memref<!tpu.dma_semaphore, #tpu.memory_space<semaphore_mem>>) src(%dma_wait3A_680 : memref<512xi32, #tpu.memory_space<hbm>>) dst(%dma_wait3A_678 : memref<512xi32, #tpu.memory_space<vmem>>)
    %dma_wait3A_681 = arith.constant 0 : i32
    %dma_wait3A_682 = tpu.memref_slice %arg5[%dma_wait3A_681] : memref<25600xi32, #tpu.memory_space<vmem>> -> memref<512xi32, #tpu.memory_space<vmem>>
    %dma_wait3A_683 = arith.constant 0 : i32
    %dma_wait3A_684 = tpu.memref_slice %arg2[%dma_wait3A_683] : memref<819200xi32, #tpu.memory_space<hbm>> -> memref<512xi32, #tpu.memory_space<hbm>>
    %dma_wait3A_685 = arith.constant 0 : i32
    %dma_wait3A_686 = tpu.memref_slice %arg5[%dma_wait3A_685] : memref<25600xi32, #tpu.memory_space<vmem>> -> memref<512xi32, #tpu.memory_space<vmem>>
    %dma_wait3A_687 = arith.constant 0 : i32
    %dma_wait3A_688 = tpu.memref_slice %arg2[%dma_wait3A_687] : memref<819200xi32, #tpu.memory_space<hbm>> -> memref<512xi32, #tpu.memory_space<hbm>>
    tpu.wait_dma2 semaphore(%arg10 : memref<!tpu.dma_semaphore, #tpu.memory_space<semaphore_mem>>) src(%dma_wait3A_688 : memref<512xi32, #tpu.memory_space<hbm>>) dst(%dma_wait3A_686 : memref<512xi32, #tpu.memory_space<vmem>>)
    %dma_wait3A_689 = arith.constant 0 : i32
    %dma_wait3A_690 = tpu.memref_slice %arg5[%dma_wait3A_689] : memref<25600xi32, #tpu.memory_space<vmem>> -> memref<512xi32, #tpu.memory_space<vmem>>
    %dma_wait3A_691 = arith.constant 0 : i32
    %dma_wait3A_692 = tpu.memref_slice %arg2[%dma_wait3A_691] : memref<819200xi32, #tpu.memory_space<hbm>> -> memref<512xi32, #tpu.memory_space<hbm>>
    %dma_wait3A_693 = arith.constant 0 : i32
    %dma_wait3A_694 = tpu.memref_slice %arg5[%dma_wait3A_693] : memref<25600xi32, #tpu.memory_space<vmem>> -> memref<512xi32, #tpu.memory_space<vmem>>
    %dma_wait3A_695 = arith.constant 0 : i32
    %dma_wait3A_696 = tpu.memref_slice %arg2[%dma_wait3A_695] : memref<819200xi32, #tpu.memory_space<hbm>> -> memref<512xi32, #tpu.memory_space<hbm>>
    tpu.wait_dma2 semaphore(%arg10 : memref<!tpu.dma_semaphore, #tpu.memory_space<semaphore_mem>>) src(%dma_wait3A_696 : memref<512xi32, #tpu.memory_space<hbm>>) dst(%dma_wait3A_694 : memref<512xi32, #tpu.memory_space<vmem>>)
    %dma_wait3A_697 = arith.constant 0 : i32
    %dma_wait3A_698 = tpu.memref_slice %arg5[%dma_wait3A_697] : memref<25600xi32, #tpu.memory_space<vmem>> -> memref<512xi32, #tpu.memory_space<vmem>>
    %dma_wait3A_699 = arith.constant 0 : i32
    %dma_wait3A_700 = tpu.memref_slice %arg2[%dma_wait3A_699] : memref<819200xi32, #tpu.memory_space<hbm>> -> memref<512xi32, #tpu.memory_space<hbm>>
    %dma_wait3A_701 = arith.constant 0 : i32
    %dma_wait3A_702 = tpu.memref_slice %arg5[%dma_wait3A_701] : memref<25600xi32, #tpu.memory_space<vmem>> -> memref<512xi32, #tpu.memory_space<vmem>>
    %dma_wait3A_703 = arith.constant 0 : i32
    %dma_wait3A_704 = tpu.memref_slice %arg2[%dma_wait3A_703] : memref<819200xi32, #tpu.memory_space<hbm>> -> memref<512xi32, #tpu.memory_space<hbm>>
    tpu.wait_dma2 semaphore(%arg10 : memref<!tpu.dma_semaphore, #tpu.memory_space<semaphore_mem>>) src(%dma_wait3A_704 : memref<512xi32, #tpu.memory_space<hbm>>) dst(%dma_wait3A_702 : memref<512xi32, #tpu.memory_space<vmem>>)
    %dma_wait3A_705 = arith.constant 0 : i32
    %dma_wait3A_706 = tpu.memref_slice %arg5[%dma_wait3A_705] : memref<25600xi32, #tpu.memory_space<vmem>> -> memref<512xi32, #tpu.memory_space<vmem>>
    %dma_wait3A_707 = arith.constant 0 : i32
    %dma_wait3A_708 = tpu.memref_slice %arg2[%dma_wait3A_707] : memref<819200xi32, #tpu.memory_space<hbm>> -> memref<512xi32, #tpu.memory_space<hbm>>
    %dma_wait3A_709 = arith.constant 0 : i32
    %dma_wait3A_710 = tpu.memref_slice %arg5[%dma_wait3A_709] : memref<25600xi32, #tpu.memory_space<vmem>> -> memref<512xi32, #tpu.memory_space<vmem>>
    %dma_wait3A_711 = arith.constant 0 : i32
    %dma_wait3A_712 = tpu.memref_slice %arg2[%dma_wait3A_711] : memref<819200xi32, #tpu.memory_space<hbm>> -> memref<512xi32, #tpu.memory_space<hbm>>
    tpu.wait_dma2 semaphore(%arg10 : memref<!tpu.dma_semaphore, #tpu.memory_space<semaphore_mem>>) src(%dma_wait3A_712 : memref<512xi32, #tpu.memory_space<hbm>>) dst(%dma_wait3A_710 : memref<512xi32, #tpu.memory_space<vmem>>)
    %dma_wait3A_713 = arith.constant 0 : i32
    %dma_wait3A_714 = tpu.memref_slice %arg5[%dma_wait3A_713] : memref<25600xi32, #tpu.memory_space<vmem>> -> memref<512xi32, #tpu.memory_space<vmem>>
    %dma_wait3A_715 = arith.constant 0 : i32
    %dma_wait3A_716 = tpu.memref_slice %arg2[%dma_wait3A_715] : memref<819200xi32, #tpu.memory_space<hbm>> -> memref<512xi32, #tpu.memory_space<hbm>>
    %dma_wait3A_717 = arith.constant 0 : i32
    %dma_wait3A_718 = tpu.memref_slice %arg5[%dma_wait3A_717] : memref<25600xi32, #tpu.memory_space<vmem>> -> memref<512xi32, #tpu.memory_space<vmem>>
    %dma_wait3A_719 = arith.constant 0 : i32
    %dma_wait3A_720 = tpu.memref_slice %arg2[%dma_wait3A_719] : memref<819200xi32, #tpu.memory_space<hbm>> -> memref<512xi32, #tpu.memory_space<hbm>>
    tpu.wait_dma2 semaphore(%arg10 : memref<!tpu.dma_semaphore, #tpu.memory_space<semaphore_mem>>) src(%dma_wait3A_720 : memref<512xi32, #tpu.memory_space<hbm>>) dst(%dma_wait3A_718 : memref<512xi32, #tpu.memory_space<vmem>>)
    %dma_wait3A_721 = arith.constant 0 : i32
    %dma_wait3A_722 = tpu.memref_slice %arg5[%dma_wait3A_721] : memref<25600xi32, #tpu.memory_space<vmem>> -> memref<512xi32, #tpu.memory_space<vmem>>
    %dma_wait3A_723 = arith.constant 0 : i32
    %dma_wait3A_724 = tpu.memref_slice %arg2[%dma_wait3A_723] : memref<819200xi32, #tpu.memory_space<hbm>> -> memref<512xi32, #tpu.memory_space<hbm>>
    %dma_wait3A_725 = arith.constant 0 : i32
    %dma_wait3A_726 = tpu.memref_slice %arg5[%dma_wait3A_725] : memref<25600xi32, #tpu.memory_space<vmem>> -> memref<512xi32, #tpu.memory_space<vmem>>
    %dma_wait3A_727 = arith.constant 0 : i32
    %dma_wait3A_728 = tpu.memref_slice %arg2[%dma_wait3A_727] : memref<819200xi32, #tpu.memory_space<hbm>> -> memref<512xi32, #tpu.memory_space<hbm>>
    tpu.wait_dma2 semaphore(%arg10 : memref<!tpu.dma_semaphore, #tpu.memory_space<semaphore_mem>>) src(%dma_wait3A_728 : memref<512xi32, #tpu.memory_space<hbm>>) dst(%dma_wait3A_726 : memref<512xi32, #tpu.memory_space<vmem>>)
    %dma_wait3A_729 = arith.constant 0 : i32
    %dma_wait3A_730 = tpu.memref_slice %arg5[%dma_wait3A_729] : memref<25600xi32, #tpu.memory_space<vmem>> -> memref<512xi32, #tpu.memory_space<vmem>>
    %dma_wait3A_731 = arith.constant 0 : i32
    %dma_wait3A_732 = tpu.memref_slice %arg2[%dma_wait3A_731] : memref<819200xi32, #tpu.memory_space<hbm>> -> memref<512xi32, #tpu.memory_space<hbm>>
    %dma_wait3A_733 = arith.constant 0 : i32
    %dma_wait3A_734 = tpu.memref_slice %arg5[%dma_wait3A_733] : memref<25600xi32, #tpu.memory_space<vmem>> -> memref<512xi32, #tpu.memory_space<vmem>>
    %dma_wait3A_735 = arith.constant 0 : i32
    %dma_wait3A_736 = tpu.memref_slice %arg2[%dma_wait3A_735] : memref<819200xi32, #tpu.memory_space<hbm>> -> memref<512xi32, #tpu.memory_space<hbm>>
    tpu.wait_dma2 semaphore(%arg10 : memref<!tpu.dma_semaphore, #tpu.memory_space<semaphore_mem>>) src(%dma_wait3A_736 : memref<512xi32, #tpu.memory_space<hbm>>) dst(%dma_wait3A_734 : memref<512xi32, #tpu.memory_space<vmem>>)
    %dma_wait3A_737 = arith.constant 0 : i32
    %dma_wait3A_738 = tpu.memref_slice %arg5[%dma_wait3A_737] : memref<25600xi32, #tpu.memory_space<vmem>> -> memref<512xi32, #tpu.memory_space<vmem>>
    %dma_wait3A_739 = arith.constant 0 : i32
    %dma_wait3A_740 = tpu.memref_slice %arg2[%dma_wait3A_739] : memref<819200xi32, #tpu.memory_space<hbm>> -> memref<512xi32, #tpu.memory_space<hbm>>
    %dma_wait3A_741 = arith.constant 0 : i32
    %dma_wait3A_742 = tpu.memref_slice %arg5[%dma_wait3A_741] : memref<25600xi32, #tpu.memory_space<vmem>> -> memref<512xi32, #tpu.memory_space<vmem>>
    %dma_wait3A_743 = arith.constant 0 : i32
    %dma_wait3A_744 = tpu.memref_slice %arg2[%dma_wait3A_743] : memref<819200xi32, #tpu.memory_space<hbm>> -> memref<512xi32, #tpu.memory_space<hbm>>
    tpu.wait_dma2 semaphore(%arg10 : memref<!tpu.dma_semaphore, #tpu.memory_space<semaphore_mem>>) src(%dma_wait3A_744 : memref<512xi32, #tpu.memory_space<hbm>>) dst(%dma_wait3A_742 : memref<512xi32, #tpu.memory_space<vmem>>)
    %dma_wait3A_745 = arith.constant 0 : i32
    %dma_wait3A_746 = tpu.memref_slice %arg5[%dma_wait3A_745] : memref<25600xi32, #tpu.memory_space<vmem>> -> memref<512xi32, #tpu.memory_space<vmem>>
    %dma_wait3A_747 = arith.constant 0 : i32
    %dma_wait3A_748 = tpu.memref_slice %arg2[%dma_wait3A_747] : memref<819200xi32, #tpu.memory_space<hbm>> -> memref<512xi32, #tpu.memory_space<hbm>>
    %dma_wait3A_749 = arith.constant 0 : i32
    %dma_wait3A_750 = tpu.memref_slice %arg5[%dma_wait3A_749] : memref<25600xi32, #tpu.memory_space<vmem>> -> memref<512xi32, #tpu.memory_space<vmem>>
    %dma_wait3A_751 = arith.constant 0 : i32
    %dma_wait3A_752 = tpu.memref_slice %arg2[%dma_wait3A_751] : memref<819200xi32, #tpu.memory_space<hbm>> -> memref<512xi32, #tpu.memory_space<hbm>>
    tpu.wait_dma2 semaphore(%arg10 : memref<!tpu.dma_semaphore, #tpu.memory_space<semaphore_mem>>) src(%dma_wait3A_752 : memref<512xi32, #tpu.memory_space<hbm>>) dst(%dma_wait3A_750 : memref<512xi32, #tpu.memory_space<vmem>>)
    %dma_wait3A_753 = arith.constant 0 : i32
    %dma_wait3A_754 = tpu.memref_slice %arg5[%dma_wait3A_753] : memref<25600xi32, #tpu.memory_space<vmem>> -> memref<512xi32, #tpu.memory_space<vmem>>
    %dma_wait3A_755 = arith.constant 0 : i32
    %dma_wait3A_756 = tpu.memref_slice %arg2[%dma_wait3A_755] : memref<819200xi32, #tpu.memory_space<hbm>> -> memref<512xi32, #tpu.memory_space<hbm>>
    %dma_wait3A_757 = arith.constant 0 : i32
    %dma_wait3A_758 = tpu.memref_slice %arg5[%dma_wait3A_757] : memref<25600xi32, #tpu.memory_space<vmem>> -> memref<512xi32, #tpu.memory_space<vmem>>
    %dma_wait3A_759 = arith.constant 0 : i32
    %dma_wait3A_760 = tpu.memref_slice %arg2[%dma_wait3A_759] : memref<819200xi32, #tpu.memory_space<hbm>> -> memref<512xi32, #tpu.memory_space<hbm>>
    tpu.wait_dma2 semaphore(%arg10 : memref<!tpu.dma_semaphore, #tpu.memory_space<semaphore_mem>>) src(%dma_wait3A_760 : memref<512xi32, #tpu.memory_space<hbm>>) dst(%dma_wait3A_758 : memref<512xi32, #tpu.memory_space<vmem>>)
    %dma_wait3A_761 = arith.constant 0 : i32
    %dma_wait3A_762 = tpu.memref_slice %arg5[%dma_wait3A_761] : memref<25600xi32, #tpu.memory_space<vmem>> -> memref<512xi32, #tpu.memory_space<vmem>>
    %dma_wait3A_763 = arith.constant 0 : i32
    %dma_wait3A_764 = tpu.memref_slice %arg2[%dma_wait3A_763] : memref<819200xi32, #tpu.memory_space<hbm>> -> memref<512xi32, #tpu.memory_space<hbm>>
    %dma_wait3A_765 = arith.constant 0 : i32
    %dma_wait3A_766 = tpu.memref_slice %arg5[%dma_wait3A_765] : memref<25600xi32, #tpu.memory_space<vmem>> -> memref<512xi32, #tpu.memory_space<vmem>>
    %dma_wait3A_767 = arith.constant 0 : i32
    %dma_wait3A_768 = tpu.memref_slice %arg2[%dma_wait3A_767] : memref<819200xi32, #tpu.memory_space<hbm>> -> memref<512xi32, #tpu.memory_space<hbm>>
    tpu.wait_dma2 semaphore(%arg10 : memref<!tpu.dma_semaphore, #tpu.memory_space<semaphore_mem>>) src(%dma_wait3A_768 : memref<512xi32, #tpu.memory_space<hbm>>) dst(%dma_wait3A_766 : memref<512xi32, #tpu.memory_space<vmem>>)
    %dma_wait3A_769 = arith.constant 0 : i32
    %dma_wait3A_770 = tpu.memref_slice %arg5[%dma_wait3A_769] : memref<25600xi32, #tpu.memory_space<vmem>> -> memref<512xi32, #tpu.memory_space<vmem>>
    %dma_wait3A_771 = arith.constant 0 : i32
    %dma_wait3A_772 = tpu.memref_slice %arg2[%dma_wait3A_771] : memref<819200xi32, #tpu.memory_space<hbm>> -> memref<512xi32, #tpu.memory_space<hbm>>
    %dma_wait3A_773 = arith.constant 0 : i32
    %dma_wait3A_774 = tpu.memref_slice %arg5[%dma_wait3A_773] : memref<25600xi32, #tpu.memory_space<vmem>> -> memref<512xi32, #tpu.memory_space<vmem>>
    %dma_wait3A_775 = arith.constant 0 : i32
    %dma_wait3A_776 = tpu.memref_slice %arg2[%dma_wait3A_775] : memref<819200xi32, #tpu.memory_space<hbm>> -> memref<512xi32, #tpu.memory_space<hbm>>
    tpu.wait_dma2 semaphore(%arg10 : memref<!tpu.dma_semaphore, #tpu.memory_space<semaphore_mem>>) src(%dma_wait3A_776 : memref<512xi32, #tpu.memory_space<hbm>>) dst(%dma_wait3A_774 : memref<512xi32, #tpu.memory_space<vmem>>)
    %dma_wait3A_777 = arith.constant 0 : i32
    %dma_wait3A_778 = tpu.memref_slice %arg5[%dma_wait3A_777] : memref<25600xi32, #tpu.memory_space<vmem>> -> memref<512xi32, #tpu.memory_space<vmem>>
    %dma_wait3A_779 = arith.constant 0 : i32
    %dma_wait3A_780 = tpu.memref_slice %arg2[%dma_wait3A_779] : memref<819200xi32, #tpu.memory_space<hbm>> -> memref<512xi32, #tpu.memory_space<hbm>>
    %dma_wait3A_781 = arith.constant 0 : i32
    %dma_wait3A_782 = tpu.memref_slice %arg5[%dma_wait3A_781] : memref<25600xi32, #tpu.memory_space<vmem>> -> memref<512xi32, #tpu.memory_space<vmem>>
    %dma_wait3A_783 = arith.constant 0 : i32
    %dma_wait3A_784 = tpu.memref_slice %arg2[%dma_wait3A_783] : memref<819200xi32, #tpu.memory_space<hbm>> -> memref<512xi32, #tpu.memory_space<hbm>>
    tpu.wait_dma2 semaphore(%arg10 : memref<!tpu.dma_semaphore, #tpu.memory_space<semaphore_mem>>) src(%dma_wait3A_784 : memref<512xi32, #tpu.memory_space<hbm>>) dst(%dma_wait3A_782 : memref<512xi32, #tpu.memory_space<vmem>>)
    %dma_wait3A_785 = arith.constant 0 : i32
    %dma_wait3A_786 = tpu.memref_slice %arg5[%dma_wait3A_785] : memref<25600xi32, #tpu.memory_space<vmem>> -> memref<512xi32, #tpu.memory_space<vmem>>
    %dma_wait3A_787 = arith.constant 0 : i32
    %dma_wait3A_788 = tpu.memref_slice %arg2[%dma_wait3A_787] : memref<819200xi32, #tpu.memory_space<hbm>> -> memref<512xi32, #tpu.memory_space<hbm>>
    %dma_wait3A_789 = arith.constant 0 : i32
    %dma_wait3A_790 = tpu.memref_slice %arg5[%dma_wait3A_789] : memref<25600xi32, #tpu.memory_space<vmem>> -> memref<512xi32, #tpu.memory_space<vmem>>
    %dma_wait3A_791 = arith.constant 0 : i32
    %dma_wait3A_792 = tpu.memref_slice %arg2[%dma_wait3A_791] : memref<819200xi32, #tpu.memory_space<hbm>> -> memref<512xi32, #tpu.memory_space<hbm>>
    tpu.wait_dma2 semaphore(%arg10 : memref<!tpu.dma_semaphore, #tpu.memory_space<semaphore_mem>>) src(%dma_wait3A_792 : memref<512xi32, #tpu.memory_space<hbm>>) dst(%dma_wait3A_790 : memref<512xi32, #tpu.memory_space<vmem>>)
    %dma_wait3A_793 = arith.constant 0 : i32
    %dma_wait3A_794 = tpu.memref_slice %arg5[%dma_wait3A_793] : memref<25600xi32, #tpu.memory_space<vmem>> -> memref<512xi32, #tpu.memory_space<vmem>>
    %dma_wait3A_795 = arith.constant 0 : i32
    %dma_wait3A_796 = tpu.memref_slice %arg2[%dma_wait3A_795] : memref<819200xi32, #tpu.memory_space<hbm>> -> memref<512xi32, #tpu.memory_space<hbm>>
    %dma_wait3A_797 = arith.constant 0 : i32
    %dma_wait3A_798 = tpu.memref_slice %arg5[%dma_wait3A_797] : memref<25600xi32, #tpu.memory_space<vmem>> -> memref<512xi32, #tpu.memory_space<vmem>>
    %dma_wait3A_799 = arith.constant 0 : i32
    %dma_wait3A_800 = tpu.memref_slice %arg2[%dma_wait3A_799] : memref<819200xi32, #tpu.memory_space<hbm>> -> memref<512xi32, #tpu.memory_space<hbm>>
    tpu.wait_dma2 semaphore(%arg10 : memref<!tpu.dma_semaphore, #tpu.memory_space<semaphore_mem>>) src(%dma_wait3A_800 : memref<512xi32, #tpu.memory_space<hbm>>) dst(%dma_wait3A_798 : memref<512xi32, #tpu.memory_space<vmem>>)
    %iota3A = tpu.iota {dimensions = array<i32: 0>} : vector<16xi32>
    %add3A_801 = arith.constant 0 : i32
    %add3A_802 = vector.broadcast %add3A_801 : i32 to vector<16xi32>
    %add3A_803 = arith.addi %iota3A, %add3A_802 : vector<16xi32>
    %add3A_804 = arith.constant 16 : i32
    %add3A_805 = vector.broadcast %add3A_804 : i32 to vector<16xi32>
    %add3A_806 = arith.addi %iota3A, %add3A_805 : vector<16xi32>
    %add3A_807 = arith.constant 32 : i32
    %add3A_808 = vector.broadcast %add3A_807 : i32 to vector<16xi32>
    %add3A_809 = arith.addi %iota3A, %add3A_808 : vector<16xi32>
    %add3A_810 = arith.constant 48 : i32
    %add3A_811 = vector.broadcast %add3A_810 : i32 to vector<16xi32>
    %add3A_812 = arith.addi %iota3A, %add3A_811 : vector<16xi32>
    %add3A_813 = arith.constant 64 : i32
    %add3A_814 = vector.broadcast %add3A_813 : i32 to vector<16xi32>
    %add3A_815 = arith.addi %iota3A, %add3A_814 : vector<16xi32>
    %add3A_816 = arith.constant 80 : i32
    %add3A_817 = vector.broadcast %add3A_816 : i32 to vector<16xi32>
    %add3A_818 = arith.addi %iota3A, %add3A_817 : vector<16xi32>
    %add3A_819 = arith.constant 96 : i32
    %add3A_820 = vector.broadcast %add3A_819 : i32 to vector<16xi32>
    %add3A_821 = arith.addi %iota3A, %add3A_820 : vector<16xi32>
    %add3A_822 = arith.constant 112 : i32
    %add3A_823 = vector.broadcast %add3A_822 : i32 to vector<16xi32>
    %add3A_824 = arith.addi %iota3A, %add3A_823 : vector<16xi32>
    %add3A_825 = arith.constant 128 : i32
    %add3A_826 = vector.broadcast %add3A_825 : i32 to vector<16xi32>
    %add3A_827 = arith.addi %iota3A, %add3A_826 : vector<16xi32>
    %add3A_828 = arith.constant 144 : i32
    %add3A_829 = vector.broadcast %add3A_828 : i32 to vector<16xi32>
    %add3A_830 = arith.addi %iota3A, %add3A_829 : vector<16xi32>
    %add3A_831 = arith.constant 160 : i32
    %add3A_832 = vector.broadcast %add3A_831 : i32 to vector<16xi32>
    %add3A_833 = arith.addi %iota3A, %add3A_832 : vector<16xi32>
    %add3A_834 = arith.constant 176 : i32
    %add3A_835 = vector.broadcast %add3A_834 : i32 to vector<16xi32>
    %add3A_836 = arith.addi %iota3A, %add3A_835 : vector<16xi32>
    %add3A_837 = arith.constant 192 : i32
    %add3A_838 = vector.broadcast %add3A_837 : i32 to vector<16xi32>
    %add3A_839 = arith.addi %iota3A, %add3A_838 : vector<16xi32>
    %add3A_840 = arith.constant 208 : i32
    %add3A_841 = vector.broadcast %add3A_840 : i32 to vector<16xi32>
    %add3A_842 = arith.addi %iota3A, %add3A_841 : vector<16xi32>
    %add3A_843 = arith.constant 224 : i32
    %add3A_844 = vector.broadcast %add3A_843 : i32 to vector<16xi32>
    %add3A_845 = arith.addi %iota3A, %add3A_844 : vector<16xi32>
    %add3A_846 = arith.constant 240 : i32
    %add3A_847 = vector.broadcast %add3A_846 : i32 to vector<16xi32>
    %add3A_848 = arith.addi %iota3A, %add3A_847 : vector<16xi32>
    %add3A_849 = arith.constant 0 : i32
    %add3A_850 = vector.broadcast %add3A_849 : i32 to vector<16xi32>
    %add3A_851 = arith.addi %iota3A, %add3A_850 : vector<16xi32>
    %add3A_852 = arith.constant 16 : i32
    %add3A_853 = vector.broadcast %add3A_852 : i32 to vector<16xi32>
    %add3A_854 = arith.addi %iota3A, %add3A_853 : vector<16xi32>
    %add3A_855 = arith.constant 32 : i32
    %add3A_856 = vector.broadcast %add3A_855 : i32 to vector<16xi32>
    %add3A_857 = arith.addi %iota3A, %add3A_856 : vector<16xi32>
    %add3A_858 = arith.constant 48 : i32
    %add3A_859 = vector.broadcast %add3A_858 : i32 to vector<16xi32>
    %add3A_860 = arith.addi %iota3A, %add3A_859 : vector<16xi32>
    %add3A_861 = arith.constant 64 : i32
    %add3A_862 = vector.broadcast %add3A_861 : i32 to vector<16xi32>
    %add3A_863 = arith.addi %iota3A, %add3A_862 : vector<16xi32>
    %add3A_864 = arith.constant 80 : i32
    %add3A_865 = vector.broadcast %add3A_864 : i32 to vector<16xi32>
    %add3A_866 = arith.addi %iota3A, %add3A_865 : vector<16xi32>
    %add3A_867 = arith.constant 96 : i32
    %add3A_868 = vector.broadcast %add3A_867 : i32 to vector<16xi32>
    %add3A_869 = arith.addi %iota3A, %add3A_868 : vector<16xi32>
    %add3A_870 = arith.constant 112 : i32
    %add3A_871 = vector.broadcast %add3A_870 : i32 to vector<16xi32>
    %add3A_872 = arith.addi %iota3A, %add3A_871 : vector<16xi32>
    %add3A_873 = arith.constant 1024 : i32
    %add3A_874 = vector.broadcast %add3A_873 : i32 to vector<16xi32>
    %add3A_875 = arith.addi %iota3A, %add3A_874 : vector<16xi32>
    %add3A_876 = arith.constant 1040 : i32
    %add3A_877 = vector.broadcast %add3A_876 : i32 to vector<16xi32>
    %add3A_878 = arith.addi %iota3A, %add3A_877 : vector<16xi32>
    %add3A_879 = arith.constant 1056 : i32
    %add3A_880 = vector.broadcast %add3A_879 : i32 to vector<16xi32>
    %add3A_881 = arith.addi %iota3A, %add3A_880 : vector<16xi32>
    %add3A_882 = arith.constant 1072 : i32
    %add3A_883 = vector.broadcast %add3A_882 : i32 to vector<16xi32>
    %add3A_884 = arith.addi %iota3A, %add3A_883 : vector<16xi32>
    %add3A_885 = arith.constant 1088 : i32
    %add3A_886 = vector.broadcast %add3A_885 : i32 to vector<16xi32>
    %add3A_887 = arith.addi %iota3A, %add3A_886 : vector<16xi32>
    %add3A_888 = arith.constant 1104 : i32
    %add3A_889 = vector.broadcast %add3A_888 : i32 to vector<16xi32>
    %add3A_890 = arith.addi %iota3A, %add3A_889 : vector<16xi32>
    %add3A_891 = arith.constant 1120 : i32
    %add3A_892 = vector.broadcast %add3A_891 : i32 to vector<16xi32>
    %add3A_893 = arith.addi %iota3A, %add3A_892 : vector<16xi32>
    %add3A_894 = arith.constant 1136 : i32
    %add3A_895 = vector.broadcast %add3A_894 : i32 to vector<16xi32>
    %add3A_896 = arith.addi %iota3A, %add3A_895 : vector<16xi32>
    %dma_start3A_897 = arith.constant 0 : i32
    %dma_start3A_898 = tpu.memref_slice %arg5[%dma_start3A_897] : memref<25600xi32, #tpu.memory_space<vmem>> -> memref<256xi32, #tpu.memory_space<vmem>>
    %dma_start3A_899 = arith.constant 0 : i32
    %dma_start3A_900 = arith.constant 0 : i32
    %dma_start3A_901 = tpu.memref_slice %arg3[%dma_start3A_899, %dma_start3A_900] : memref<1000000x64xf32, #tpu.memory_space<hbm>> -> memref<1000000x64xf32, #tpu.memory_space<hbm>>
    tpu.enqueue_indirect_dma source(%dma_start3A_901 : memref<1000000x64xf32, #tpu.memory_space<hbm>>) target(%arg6 : memref<256x64xf32, #tpu.memory_space<vmem>>) offsets(%dma_start3A_898 : memref<256xi32, #tpu.memory_space<vmem>>) semaphore(%arg11 : memref<!tpu.dma_semaphore, #tpu.memory_space<semaphore_mem>>)
    %scan3A = arith.constant 0 : i32
    %scan3A_902 = arith.constant 0 : i32
    %scan3A_903 = arith.constant 50 : i32
    %scan3A_904 = arith.addi %scan3A_902, %scan3A_903 : i32
    %scan3A_905 = arith.constant 1 : i32
    scf.for %scan3A_1035 = %scan3A_902 to %scan3A_904 step %scan3A_905  : i32 {
      %mul3A_1036 = arith.constant 2 : i32
      %mul3A_1037 = arith.muli %scan3A_1035, %mul3A_1036 : i32
      %add3A_1038 = arith.constant 0 : i32
      %add3A_1039 = arith.addi %mul3A_1037, %add3A_1038 : i32
      %add3A_1040 = arith.constant 1 : i32
      %add3A_1041 = arith.addi %add3A_1039, %add3A_1040 : i32
      %lt3A = arith.constant 100 : i32
      %lt3A_1042 = arith.cmpi slt, %add3A_1041, %lt3A : i32
      %convert_element_type3A = arith.extui %lt3A_1042 : i1 to i32
      %cond3A = arith.constant 0 : i32
      %cond3A_1043 = arith.cmpi ne, %convert_element_type3A, %cond3A : i32
      scf.if %cond3A_1043 {
        %add3A_1400 = arith.constant 1 : i32
        %add3A_1401 = arith.addi %add3A_1039, %add3A_1400 : i32
        %mul3A_1402 = arith.constant 256 : i32
        %mul3A_1403 = arith.muli %add3A_1401, %mul3A_1402 : i32
        %dma_start3A_1404 = tpu.memref_slice %arg5[%mul3A_1403] : memref<25600xi32, #tpu.memory_space<vmem>> -> memref<256xi32, #tpu.memory_space<vmem>>
        %dma_start3A_1405 = arith.constant 0 : i32
        %dma_start3A_1406 = arith.constant 0 : i32
        %dma_start3A_1407 = tpu.memref_slice %arg3[%dma_start3A_1405, %dma_start3A_1406] : memref<1000000x64xf32, #tpu.memory_space<hbm>> -> memref<1000000x64xf32, #tpu.memory_space<hbm>>
        tpu.enqueue_indirect_dma source(%dma_start3A_1407 : memref<1000000x64xf32, #tpu.memory_space<hbm>>) target(%arg7 : memref<256x64xf32, #tpu.memory_space<vmem>>) offsets(%dma_start3A_1404 : memref<256xi32, #tpu.memory_space<vmem>>) semaphore(%arg12 : memref<!tpu.dma_semaphore, #tpu.memory_space<semaphore_mem>>)
      } else {
      }
      %dma_wait3A_1044 = arith.constant 0 : i32
      %dma_wait3A_1045 = tpu.memref_slice %arg5[%dma_wait3A_1044] : memref<25600xi32, #tpu.memory_space<vmem>> -> memref<256xi32, #tpu.memory_space<vmem>>
      %dma_wait3A_1046 = arith.constant 0 : i32
      %dma_wait3A_1047 = arith.constant 0 : i32
      %dma_wait3A_1048 = tpu.memref_slice %arg3[%dma_wait3A_1046, %dma_wait3A_1047] : memref<1000000x64xf32, #tpu.memory_space<hbm>> -> memref<1000000x64xf32, #tpu.memory_space<hbm>>
      tpu.wait_indirect_dma semaphore(%arg11 : memref<!tpu.dma_semaphore, #tpu.memory_space<semaphore_mem>>) src(%dma_wait3A_1048 : memref<1000000x64xf32, #tpu.memory_space<hbm>>) dst(%arg6 : memref<256x64xf32, #tpu.memory_space<vmem>>)
      %gt3A = arith.constant 0 : i32
      %gt3A_1049 = arith.cmpi sgt, %scan3A_1035, %gt3A : i32
      %convert_element_type3A_1050 = arith.extui %gt3A_1049 : i1 to i32
      %cond3A_1051 = arith.constant 0 : i32
      %cond3A_1052 = arith.cmpi ne, %convert_element_type3A_1050, %cond3A_1051 : i32
      scf.if %cond3A_1052 {
        %dma_wait3A_1400 = arith.constant 0 : i32
        %dma_wait3A_1401 = tpu.memref_slice %arg8[%dma_wait3A_1400] : memref<16384xf32, #tpu.memory_space<vmem>> -> memref<2048xf32, #tpu.memory_space<vmem>>
        %dma_wait3A_1402 = arith.constant 0 : i32
        %dma_wait3A_1403 = tpu.memref_slice %arg4[%dma_wait3A_1402] : memref<52428800xf32, #tpu.memory_space<hbm>> -> memref<2048xf32, #tpu.memory_space<hbm>>
        %dma_wait3A_1404 = arith.constant 0 : i32
        %dma_wait3A_1405 = tpu.memref_slice %arg4[%dma_wait3A_1404] : memref<52428800xf32, #tpu.memory_space<hbm>> -> memref<2048xf32, #tpu.memory_space<hbm>>
        %dma_wait3A_1406 = arith.constant 0 : i32
        %dma_wait3A_1407 = tpu.memref_slice %arg8[%dma_wait3A_1406] : memref<16384xf32, #tpu.memory_space<vmem>> -> memref<2048xf32, #tpu.memory_space<vmem>>
        tpu.wait_dma2 semaphore(%arg13 : memref<!tpu.dma_semaphore, #tpu.memory_space<semaphore_mem>>) src(%dma_wait3A_1407 : memref<2048xf32, #tpu.memory_space<vmem>>) dst(%dma_wait3A_1405 : memref<2048xf32, #tpu.memory_space<hbm>>)
        %dma_wait3A_1408 = arith.constant 0 : i32
        %dma_wait3A_1409 = tpu.memref_slice %arg8[%dma_wait3A_1408] : memref<16384xf32, #tpu.memory_space<vmem>> -> memref<2048xf32, #tpu.memory_space<vmem>>
        %dma_wait3A_1410 = arith.constant 0 : i32
        %dma_wait3A_1411 = tpu.memref_slice %arg4[%dma_wait3A_1410] : memref<52428800xf32, #tpu.memory_space<hbm>> -> memref<2048xf32, #tpu.memory_space<hbm>>
        %dma_wait3A_1412 = arith.constant 0 : i32
        %dma_wait3A_1413 = tpu.memref_slice %arg4[%dma_wait3A_1412] : memref<52428800xf32, #tpu.memory_space<hbm>> -> memref<2048xf32, #tpu.memory_space<hbm>>
        %dma_wait3A_1414 = arith.constant 0 : i32
        %dma_wait3A_1415 = tpu.memref_slice %arg8[%dma_wait3A_1414] : memref<16384xf32, #tpu.memory_space<vmem>> -> memref<2048xf32, #tpu.memory_space<vmem>>
        tpu.wait_dma2 semaphore(%arg13 : memref<!tpu.dma_semaphore, #tpu.memory_space<semaphore_mem>>) src(%dma_wait3A_1415 : memref<2048xf32, #tpu.memory_space<vmem>>) dst(%dma_wait3A_1413 : memref<2048xf32, #tpu.memory_space<hbm>>)
        %dma_wait3A_1416 = arith.constant 0 : i32
        %dma_wait3A_1417 = tpu.memref_slice %arg8[%dma_wait3A_1416] : memref<16384xf32, #tpu.memory_space<vmem>> -> memref<2048xf32, #tpu.memory_space<vmem>>
        %dma_wait3A_1418 = arith.constant 0 : i32
        %dma_wait3A_1419 = tpu.memref_slice %arg4[%dma_wait3A_1418] : memref<52428800xf32, #tpu.memory_space<hbm>> -> memref<2048xf32, #tpu.memory_space<hbm>>
        %dma_wait3A_1420 = arith.constant 0 : i32
        %dma_wait3A_1421 = tpu.memref_slice %arg4[%dma_wait3A_1420] : memref<52428800xf32, #tpu.memory_space<hbm>> -> memref<2048xf32, #tpu.memory_space<hbm>>
        %dma_wait3A_1422 = arith.constant 0 : i32
        %dma_wait3A_1423 = tpu.memref_slice %arg8[%dma_wait3A_1422] : memref<16384xf32, #tpu.memory_space<vmem>> -> memref<2048xf32, #tpu.memory_space<vmem>>
        tpu.wait_dma2 semaphore(%arg13 : memref<!tpu.dma_semaphore, #tpu.memory_space<semaphore_mem>>) src(%dma_wait3A_1423 : memref<2048xf32, #tpu.memory_space<vmem>>) dst(%dma_wait3A_1421 : memref<2048xf32, #tpu.memory_space<hbm>>)
        %dma_wait3A_1424 = arith.constant 0 : i32
        %dma_wait3A_1425 = tpu.memref_slice %arg8[%dma_wait3A_1424] : memref<16384xf32, #tpu.memory_space<vmem>> -> memref<2048xf32, #tpu.memory_space<vmem>>
        %dma_wait3A_1426 = arith.constant 0 : i32
        %dma_wait3A_1427 = tpu.memref_slice %arg4[%dma_wait3A_1426] : memref<52428800xf32, #tpu.memory_space<hbm>> -> memref<2048xf32, #tpu.memory_space<hbm>>
        %dma_wait3A_1428 = arith.constant 0 : i32
        %dma_wait3A_1429 = tpu.memref_slice %arg4[%dma_wait3A_1428] : memref<52428800xf32, #tpu.memory_space<hbm>> -> memref<2048xf32, #tpu.memory_space<hbm>>
        %dma_wait3A_1430 = arith.constant 0 : i32
        %dma_wait3A_1431 = tpu.memref_slice %arg8[%dma_wait3A_1430] : memref<16384xf32, #tpu.memory_space<vmem>> -> memref<2048xf32, #tpu.memory_space<vmem>>
        tpu.wait_dma2 semaphore(%arg13 : memref<!tpu.dma_semaphore, #tpu.memory_space<semaphore_mem>>) src(%dma_wait3A_1431 : memref<2048xf32, #tpu.memory_space<vmem>>) dst(%dma_wait3A_1429 : memref<2048xf32, #tpu.memory_space<hbm>>)
        %dma_wait3A_1432 = arith.constant 0 : i32
        %dma_wait3A_1433 = tpu.memref_slice %arg8[%dma_wait3A_1432] : memref<16384xf32, #tpu.memory_space<vmem>> -> memref<2048xf32, #tpu.memory_space<vmem>>
        %dma_wait3A_1434 = arith.constant 0 : i32
        %dma_wait3A_1435 = tpu.memref_slice %arg4[%dma_wait3A_1434] : memref<52428800xf32, #tpu.memory_space<hbm>> -> memref<2048xf32, #tpu.memory_space<hbm>>
        %dma_wait3A_1436 = arith.constant 0 : i32
        %dma_wait3A_1437 = tpu.memref_slice %arg4[%dma_wait3A_1436] : memref<52428800xf32, #tpu.memory_space<hbm>> -> memref<2048xf32, #tpu.memory_space<hbm>>
        %dma_wait3A_1438 = arith.constant 0 : i32
        %dma_wait3A_1439 = tpu.memref_slice %arg8[%dma_wait3A_1438] : memref<16384xf32, #tpu.memory_space<vmem>> -> memref<2048xf32, #tpu.memory_space<vmem>>
        tpu.wait_dma2 semaphore(%arg13 : memref<!tpu.dma_semaphore, #tpu.memory_space<semaphore_mem>>) src(%dma_wait3A_1439 : memref<2048xf32, #tpu.memory_space<vmem>>) dst(%dma_wait3A_1437 : memref<2048xf32, #tpu.memory_space<hbm>>)
        %dma_wait3A_1440 = arith.constant 0 : i32
        %dma_wait3A_1441 = tpu.memref_slice %arg8[%dma_wait3A_1440] : memref<16384xf32, #tpu.memory_space<vmem>> -> memref<2048xf32, #tpu.memory_space<vmem>>
        %dma_wait3A_1442 = arith.constant 0 : i32
        %dma_wait3A_1443 = tpu.memref_slice %arg4[%dma_wait3A_1442] : memref<52428800xf32, #tpu.memory_space<hbm>> -> memref<2048xf32, #tpu.memory_space<hbm>>
        %dma_wait3A_1444 = arith.constant 0 : i32
        %dma_wait3A_1445 = tpu.memref_slice %arg4[%dma_wait3A_1444] : memref<52428800xf32, #tpu.memory_space<hbm>> -> memref<2048xf32, #tpu.memory_space<hbm>>
        %dma_wait3A_1446 = arith.constant 0 : i32
        %dma_wait3A_1447 = tpu.memref_slice %arg8[%dma_wait3A_1446] : memref<16384xf32, #tpu.memory_space<vmem>> -> memref<2048xf32, #tpu.memory_space<vmem>>
        tpu.wait_dma2 semaphore(%arg13 : memref<!tpu.dma_semaphore, #tpu.memory_space<semaphore_mem>>) src(%dma_wait3A_1447 : memref<2048xf32, #tpu.memory_space<vmem>>) dst(%dma_wait3A_1445 : memref<2048xf32, #tpu.memory_space<hbm>>)
        %dma_wait3A_1448 = arith.constant 0 : i32
        %dma_wait3A_1449 = tpu.memref_slice %arg8[%dma_wait3A_1448] : memref<16384xf32, #tpu.memory_space<vmem>> -> memref<2048xf32, #tpu.memory_space<vmem>>
        %dma_wait3A_1450 = arith.constant 0 : i32
        %dma_wait3A_1451 = tpu.memref_slice %arg4[%dma_wait3A_1450] : memref<52428800xf32, #tpu.memory_space<hbm>> -> memref<2048xf32, #tpu.memory_space<hbm>>
        %dma_wait3A_1452 = arith.constant 0 : i32
        %dma_wait3A_1453 = tpu.memref_slice %arg4[%dma_wait3A_1452] : memref<52428800xf32, #tpu.memory_space<hbm>> -> memref<2048xf32, #tpu.memory_space<hbm>>
        %dma_wait3A_1454 = arith.constant 0 : i32
        %dma_wait3A_1455 = tpu.memref_slice %arg8[%dma_wait3A_1454] : memref<16384xf32, #tpu.memory_space<vmem>> -> memref<2048xf32, #tpu.memory_space<vmem>>
        tpu.wait_dma2 semaphore(%arg13 : memref<!tpu.dma_semaphore, #tpu.memory_space<semaphore_mem>>) src(%dma_wait3A_1455 : memref<2048xf32, #tpu.memory_space<vmem>>) dst(%dma_wait3A_1453 : memref<2048xf32, #tpu.memory_space<hbm>>)
        %dma_wait3A_1456 = arith.constant 0 : i32
        %dma_wait3A_1457 = tpu.memref_slice %arg8[%dma_wait3A_1456] : memref<16384xf32, #tpu.memory_space<vmem>> -> memref<2048xf32, #tpu.memory_space<vmem>>
        %dma_wait3A_1458 = arith.constant 0 : i32
        %dma_wait3A_1459 = tpu.memref_slice %arg4[%dma_wait3A_1458] : memref<52428800xf32, #tpu.memory_space<hbm>> -> memref<2048xf32, #tpu.memory_space<hbm>>
        %dma_wait3A_1460 = arith.constant 0 : i32
        %dma_wait3A_1461 = tpu.memref_slice %arg4[%dma_wait3A_1460] : memref<52428800xf32, #tpu.memory_space<hbm>> -> memref<2048xf32, #tpu.memory_space<hbm>>
        %dma_wait3A_1462 = arith.constant 0 : i32
        %dma_wait3A_1463 = tpu.memref_slice %arg8[%dma_wait3A_1462] : memref<16384xf32, #tpu.memory_space<vmem>> -> memref<2048xf32, #tpu.memory_space<vmem>>
        tpu.wait_dma2 semaphore(%arg13 : memref<!tpu.dma_semaphore, #tpu.memory_space<semaphore_mem>>) src(%dma_wait3A_1463 : memref<2048xf32, #tpu.memory_space<vmem>>) dst(%dma_wait3A_1461 : memref<2048xf32, #tpu.memory_space<hbm>>)
      } else {
      }
      %parallel_loop3A = arith.constant 0 : i32
      %parallel_loop3A_1053 = arith.constant 64 : i32
      %parallel_loop3A_1054 = arith.constant 1 : i32
      scf.for %parallel_loop3A_1400 = %parallel_loop3A to %parallel_loop3A_1053 step %parallel_loop3A_1054  : i32 {
        %parallel_loop3A_1401 = vector.broadcast %parallel_loop3A_1400 : i32 to vector<16xi32>
        %parallel_loop3A_1402 = arith.addi %parallel_loop3A_1401, %iota3A : vector<16xi32>
        %parallel_loop3A_1403 = arith.constant 63 : i32
        %parallel_loop3A_1404 = vector.broadcast %parallel_loop3A_1403 : i32 to vector<16xi32>
        %parallel_loop3A_1405 = arith.andi %parallel_loop3A_1402, %parallel_loop3A_1404 : vector<16xi32>
        %parallel_loop3A_1406 = arith.constant 3 : i32
        %parallel_loop3A_1407 = vector.broadcast %parallel_loop3A_1406 : i32 to vector<16xi32>
        %parallel_loop3A_1408 = arith.shrsi %parallel_loop3A_1405, %parallel_loop3A_1407 : vector<16xi32>
        %parallel_loop3A_1409 = arith.constant 2048 : i32
        %parallel_loop3A_1410 = vector.broadcast %parallel_loop3A_1409 : i32 to vector<16xi32>
        %parallel_loop3A_1411 = arith.muli %parallel_loop3A_1408, %parallel_loop3A_1410 : vector<16xi32>
        %parallel_loop3A_1412 = arith.constant 7 : i32
        %parallel_loop3A_1413 = vector.broadcast %parallel_loop3A_1412 : i32 to vector<16xi32>
        %parallel_loop3A_1414 = arith.andi %parallel_loop3A_1405, %parallel_loop3A_1413 : vector<16xi32>
        %parallel_loop3A_1415 = arith.constant 128 : i32
        %parallel_loop3A_1416 = vector.broadcast %parallel_loop3A_1415 : i32 to vector<16xi32>
        %parallel_loop3A_1417 = arith.muli %parallel_loop3A_1414, %parallel_loop3A_1416 : vector<16xi32>
        %parallel_loop3A_1418 = arith.addi %parallel_loop3A_1411, %parallel_loop3A_1417 : vector<16xi32>
        %parallel_loop3A_1419 = tpu.vector_load_idx %arg6[%add3A_803, %parallel_loop3A_1405] : memref<256x64xf32, #tpu.memory_space<vmem>>[vector<16xi32>, vector<16xi32>], vector<16xf32>,
        %parallel_loop3A_1420 = arith.addi %parallel_loop3A_1418, %add3A_851 : vector<16xi32>
        tpu.vector_store_idx %arg8[%parallel_loop3A_1420], %parallel_loop3A_1419 : memref<16384xf32, #tpu.memory_space<vmem>>[vector<16xi32>], vector<16xf32>,
        %parallel_loop3A_1421 = tpu.vector_load_idx %arg6[%add3A_806, %parallel_loop3A_1405] : memref<256x64xf32, #tpu.memory_space<vmem>>[vector<16xi32>, vector<16xi32>], vector<16xf32>,
        %parallel_loop3A_1422 = arith.addi %parallel_loop3A_1418, %add3A_854 : vector<16xi32>
        tpu.vector_store_idx %arg8[%parallel_loop3A_1422], %parallel_loop3A_1421 : memref<16384xf32, #tpu.memory_space<vmem>>[vector<16xi32>], vector<16xf32>,
        %parallel_loop3A_1423 = tpu.vector_load_idx %arg6[%add3A_809, %parallel_loop3A_1405] : memref<256x64xf32, #tpu.memory_space<vmem>>[vector<16xi32>, vector<16xi32>], vector<16xf32>,
        %parallel_loop3A_1424 = arith.addi %parallel_loop3A_1418, %add3A_857 : vector<16xi32>
        tpu.vector_store_idx %arg8[%parallel_loop3A_1424], %parallel_loop3A_1423 : memref<16384xf32, #tpu.memory_space<vmem>>[vector<16xi32>], vector<16xf32>,
        %parallel_loop3A_1425 = tpu.vector_load_idx %arg6[%add3A_812, %parallel_loop3A_1405] : memref<256x64xf32, #tpu.memory_space<vmem>>[vector<16xi32>, vector<16xi32>], vector<16xf32>,
        %parallel_loop3A_1426 = arith.addi %parallel_loop3A_1418, %add3A_860 : vector<16xi32>
        tpu.vector_store_idx %arg8[%parallel_loop3A_1426], %parallel_loop3A_1425 : memref<16384xf32, #tpu.memory_space<vmem>>[vector<16xi32>], vector<16xf32>,
        %parallel_loop3A_1427 = tpu.vector_load_idx %arg6[%add3A_815, %parallel_loop3A_1405] : memref<256x64xf32, #tpu.memory_space<vmem>>[vector<16xi32>, vector<16xi32>], vector<16xf32>,
        %parallel_loop3A_1428 = arith.addi %parallel_loop3A_1418, %add3A_863 : vector<16xi32>
        tpu.vector_store_idx %arg8[%parallel_loop3A_1428], %parallel_loop3A_1427 : memref<16384xf32, #tpu.memory_space<vmem>>[vector<16xi32>], vector<16xf32>,
        %parallel_loop3A_1429 = tpu.vector_load_idx %arg6[%add3A_818, %parallel_loop3A_1405] : memref<256x64xf32, #tpu.memory_space<vmem>>[vector<16xi32>, vector<16xi32>], vector<16xf32>,
        %parallel_loop3A_1430 = arith.addi %parallel_loop3A_1418, %add3A_866 : vector<16xi32>
        tpu.vector_store_idx %arg8[%parallel_loop3A_1430], %parallel_loop3A_1429 : memref<16384xf32, #tpu.memory_space<vmem>>[vector<16xi32>], vector<16xf32>,
        %parallel_loop3A_1431 = tpu.vector_load_idx %arg6[%add3A_821, %parallel_loop3A_1405] : memref<256x64xf32, #tpu.memory_space<vmem>>[vector<16xi32>, vector<16xi32>], vector<16xf32>,
        %parallel_loop3A_1432 = arith.addi %parallel_loop3A_1418, %add3A_869 : vector<16xi32>
        tpu.vector_store_idx %arg8[%parallel_loop3A_1432], %parallel_loop3A_1431 : memref<16384xf32, #tpu.memory_space<vmem>>[vector<16xi32>], vector<16xf32>,
        %parallel_loop3A_1433 = tpu.vector_load_idx %arg6[%add3A_824, %parallel_loop3A_1405] : memref<256x64xf32, #tpu.memory_space<vmem>>[vector<16xi32>, vector<16xi32>], vector<16xf32>,
        %parallel_loop3A_1434 = arith.addi %parallel_loop3A_1418, %add3A_872 : vector<16xi32>
        tpu.vector_store_idx %arg8[%parallel_loop3A_1434], %parallel_loop3A_1433 : memref<16384xf32, #tpu.memory_space<vmem>>[vector<16xi32>], vector<16xf32>,
        %parallel_loop3A_1435 = tpu.vector_load_idx %arg6[%add3A_827, %parallel_loop3A_1405] : memref<256x64xf32, #tpu.memory_space<vmem>>[vector<16xi32>, vector<16xi32>], vector<16xf32>,
        %parallel_loop3A_1436 = arith.addi %parallel_loop3A_1418, %add3A_875 : vector<16xi32>
        tpu.vector_store_idx %arg8[%parallel_loop3A_1436], %parallel_loop3A_1435 : memref<16384xf32, #tpu.memory_space<vmem>>[vector<16xi32>], vector<16xf32>,
        %parallel_loop3A_1437 = tpu.vector_load_idx %arg6[%add3A_830, %parallel_loop3A_1405] : memref<256x64xf32, #tpu.memory_space<vmem>>[vector<16xi32>, vector<16xi32>], vector<16xf32>,
        %parallel_loop3A_1438 = arith.addi %parallel_loop3A_1418, %add3A_878 : vector<16xi32>
        tpu.vector_store_idx %arg8[%parallel_loop3A_1438], %parallel_loop3A_1437 : memref<16384xf32, #tpu.memory_space<vmem>>[vector<16xi32>], vector<16xf32>,
        %parallel_loop3A_1439 = tpu.vector_load_idx %arg6[%add3A_833, %parallel_loop3A_1405] : memref<256x64xf32, #tpu.memory_space<vmem>>[vector<16xi32>, vector<16xi32>], vector<16xf32>,
        %parallel_loop3A_1440 = arith.addi %parallel_loop3A_1418, %add3A_881 : vector<16xi32>
        tpu.vector_store_idx %arg8[%parallel_loop3A_1440], %parallel_loop3A_1439 : memref<16384xf32, #tpu.memory_space<vmem>>[vector<16xi32>], vector<16xf32>,
        %parallel_loop3A_1441 = tpu.vector_load_idx %arg6[%add3A_836, %parallel_loop3A_1405] : memref<256x64xf32, #tpu.memory_space<vmem>>[vector<16xi32>, vector<16xi32>], vector<16xf32>,
        %parallel_loop3A_1442 = arith.addi %parallel_loop3A_1418, %add3A_884 : vector<16xi32>
        tpu.vector_store_idx %arg8[%parallel_loop3A_1442], %parallel_loop3A_1441 : memref<16384xf32, #tpu.memory_space<vmem>>[vector<16xi32>], vector<16xf32>,
        %parallel_loop3A_1443 = tpu.vector_load_idx %arg6[%add3A_839, %parallel_loop3A_1405] : memref<256x64xf32, #tpu.memory_space<vmem>>[vector<16xi32>, vector<16xi32>], vector<16xf32>,
        %parallel_loop3A_1444 = arith.addi %parallel_loop3A_1418, %add3A_887 : vector<16xi32>
        tpu.vector_store_idx %arg8[%parallel_loop3A_1444], %parallel_loop3A_1443 : memref<16384xf32, #tpu.memory_space<vmem>>[vector<16xi32>], vector<16xf32>,
        %parallel_loop3A_1445 = tpu.vector_load_idx %arg6[%add3A_842, %parallel_loop3A_1405] : memref<256x64xf32, #tpu.memory_space<vmem>>[vector<16xi32>, vector<16xi32>], vector<16xf32>,
        %parallel_loop3A_1446 = arith.addi %parallel_loop3A_1418, %add3A_890 : vector<16xi32>
        tpu.vector_store_idx %arg8[%parallel_loop3A_1446], %parallel_loop3A_1445 : memref<16384xf32, #tpu.memory_space<vmem>>[vector<16xi32>], vector<16xf32>,
        %parallel_loop3A_1447 = tpu.vector_load_idx %arg6[%add3A_845, %parallel_loop3A_1405] : memref<256x64xf32, #tpu.memory_space<vmem>>[vector<16xi32>, vector<16xi32>], vector<16xf32>,
        %parallel_loop3A_1448 = arith.addi %parallel_loop3A_1418, %add3A_893 : vector<16xi32>
        tpu.vector_store_idx %arg8[%parallel_loop3A_1448], %parallel_loop3A_1447 : memref<16384xf32, #tpu.memory_space<vmem>>[vector<16xi32>], vector<16xf32>,
        %parallel_loop3A_1449 = tpu.vector_load_idx %arg6[%add3A_848, %parallel_loop3A_1405] : memref<256x64xf32, #tpu.memory_space<vmem>>[vector<16xi32>, vector<16xi32>], vector<16xf32>,
        %parallel_loop3A_1450 = arith.addi %parallel_loop3A_1418, %add3A_896 : vector<16xi32>
        tpu.vector_store_idx %arg8[%parallel_loop3A_1450], %parallel_loop3A_1449 : memref<16384xf32, #tpu.memory_space<vmem>>[vector<16xi32>], vector<16xf32>,
      } {sc.loop_unroll_factor = 4 : i64, sc.parallel_access}
      %jit3A = arith.constant 2 : i32
      %div3A = arith.divsi %add3A_1039, %jit3A : i32
      %sign3A = arith.constant 0 : i32
      %sign3A_1055 = arith.cmpi sgt, %add3A_1039, %sign3A : i32
      %sign3A_1056 = arith.extui %sign3A_1055 : i1 to i32
      %sign3A_1057 = arith.constant 0 : i32
      %sign3A_1058 = arith.cmpi slt, %add3A_1039, %sign3A_1057 : i32
      %sign3A_1059 = arith.extui %sign3A_1058 : i1 to i32
      %sign3A_1060 = arith.subi %sign3A_1056, %sign3A_1059 : i32
      %sign3A_1061 = arith.constant 0 : i32
      %sign3A_1062 = arith.cmpi sgt, %jit3A, %sign3A_1061 : i32
      %sign3A_1063 = arith.extui %sign3A_1062 : i1 to i32
      %sign3A_1064 = arith.constant 0 : i32
      %sign3A_1065 = arith.cmpi slt, %jit3A, %sign3A_1064 : i32
      %sign3A_1066 = arith.extui %sign3A_1065 : i1 to i32
      %sign3A_1067 = arith.subi %sign3A_1063, %sign3A_1066 : i32
      %ne3A = arith.cmpi ne, %sign3A_1060, %sign3A_1067 : i32
      %rem3A = arith.remsi %add3A_1039, %jit3A : i32
      %ne3A_1068 = arith.constant 0 : i32
      %ne3A_1069 = arith.cmpi ne, %rem3A, %ne3A_1068 : i32
      %and3A = arith.andi %ne3A, %ne3A_1069 : i1
      %sub3A = arith.constant 1 : i32
      %sub3A_1070 = arith.subi %div3A, %sub3A : i32
      %select_n3A = arith.select %and3A, %sub3A_1070, %div3A : i32
      %mul3A_1071 = arith.constant 4 : i32
      %mul3A_1072 = arith.muli %mul3A_1071, %add3A : i32
      %jit3A_1073 = arith.constant 2 : i32
      %eq3A = arith.constant 0 : i32
      %eq3A_1074 = arith.cmpi eq, %jit3A_1073, %eq3A : i32
      %jit3A_1075 = arith.constant 1 : i32
      %select_n3A_1076 = arith.select %eq3A_1074, %jit3A_1075, %jit3A_1073 : i32
      %rem3A_1077 = arith.remsi %add3A_1039, %select_n3A_1076 : i32
      %ne3A_1078 = arith.constant 0 : i32
      %ne3A_1079 = arith.cmpi ne, %rem3A_1077, %ne3A_1078 : i32
      %lt3A_1080 = arith.constant 0 : i32
      %lt3A_1081 = arith.cmpi slt, %rem3A_1077, %lt3A_1080 : i32
      %lt3A_1082 = arith.constant 0 : i32
      %lt3A_1083 = arith.cmpi slt, %select_n3A_1076, %lt3A_1082 : i32
      %ne3A_1084 = arith.xori %lt3A_1081, %lt3A_1083 : i1
      %and3A_1085 = arith.andi %ne3A_1084, %ne3A_1079 : i1
      %add3A_1086 = arith.addi %rem3A_1077, %select_n3A_1076 : i32
      %select_n3A_1087 = arith.select %and3A_1085, %add3A_1086, %rem3A_1077 : i32
      %mul3A_1088 = arith.constant 2 : i32
      %mul3A_1089 = arith.muli %select_n3A_1087, %mul3A_1088 : i32
      %add3A_1090 = arith.addi %mul3A_1072, %mul3A_1089 : i32
      %mul3A_1091 = arith.constant 8 : i32
      %mul3A_1092 = arith.muli %select_n3A, %mul3A_1091 : i32
      %add3A_1093 = arith.constant 0 : i32
      %add3A_1094 = arith.addi %mul3A_1092, %add3A_1093 : i32
      %mul3A_1095 = arith.constant 131072 : i32
      %mul3A_1096 = arith.muli %add3A_1094, %mul3A_1095 : i32
      %mul3A_1097 = arith.constant 1024 : i32
      %mul3A_1098 = arith.muli %add3A_1090, %mul3A_1097 : i32
      %add3A_1099 = arith.addi %mul3A_1096, %mul3A_1098 : i32
      %dma_start3A_1100 = arith.constant 0 : i32
      %dma_start3A_1101 = tpu.memref_slice %arg8[%dma_start3A_1100] : memref<16384xf32, #tpu.memory_space<vmem>> -> memref<2048xf32, #tpu.memory_space<vmem>>
      %dma_start3A_1102 = tpu.memref_slice %arg4[%add3A_1099] : memref<52428800xf32, #tpu.memory_space<hbm>> -> memref<2048xf32, #tpu.memory_space<hbm>>
      %dma_start3A_1103 = tpu.memref_slice %arg4[%add3A_1099] : memref<52428800xf32, #tpu.memory_space<hbm>> -> memref<2048xf32, #tpu.memory_space<hbm>>
      %dma_start3A_1104 = arith.constant 0 : i32
      %dma_start3A_1105 = tpu.memref_slice %arg8[%dma_start3A_1104] : memref<16384xf32, #tpu.memory_space<vmem>> -> memref<2048xf32, #tpu.memory_space<vmem>>
      tpu.enqueue_dma source(%dma_start3A_1105 : memref<2048xf32, #tpu.memory_space<vmem>>) target(%dma_start3A_1103 : memref<2048xf32, #tpu.memory_space<hbm>>) target_semaphore(%arg13 : memref<!tpu.dma_semaphore, #tpu.memory_space<semaphore_mem>>)
      %mul3A_1106 = arith.constant 8 : i32
      %mul3A_1107 = arith.muli %select_n3A, %mul3A_1106 : i32
      %add3A_1108 = arith.constant 1 : i32
      %add3A_1109 = arith.addi %mul3A_1107, %add3A_1108 : i32
      %mul3A_1110 = arith.constant 131072 : i32
      %mul3A_1111 = arith.muli %add3A_1109, %mul3A_1110 : i32
      %mul3A_1112 = arith.constant 1024 : i32
      %mul3A_1113 = arith.muli %add3A_1090, %mul3A_1112 : i32
      %add3A_1114 = arith.addi %mul3A_1111, %mul3A_1113 : i32
      %dma_start3A_1115 = arith.constant 2048 : i32
      %dma_start3A_1116 = tpu.memref_slice %arg8[%dma_start3A_1115] : memref<16384xf32, #tpu.memory_space<vmem>> -> memref<2048xf32, #tpu.memory_space<vmem>>
      %dma_start3A_1117 = tpu.memref_slice %arg4[%add3A_1114] : memref<52428800xf32, #tpu.memory_space<hbm>> -> memref<2048xf32, #tpu.memory_space<hbm>>
      %dma_start3A_1118 = tpu.memref_slice %arg4[%add3A_1114] : memref<52428800xf32, #tpu.memory_space<hbm>> -> memref<2048xf32, #tpu.memory_space<hbm>>
      %dma_start3A_1119 = arith.constant 2048 : i32
      %dma_start3A_1120 = tpu.memref_slice %arg8[%dma_start3A_1119] : memref<16384xf32, #tpu.memory_space<vmem>> -> memref<2048xf32, #tpu.memory_space<vmem>>
      tpu.enqueue_dma source(%dma_start3A_1120 : memref<2048xf32, #tpu.memory_space<vmem>>) target(%dma_start3A_1118 : memref<2048xf32, #tpu.memory_space<hbm>>) target_semaphore(%arg13 : memref<!tpu.dma_semaphore, #tpu.memory_space<semaphore_mem>>)
      %mul3A_1121 = arith.constant 8 : i32
      %mul3A_1122 = arith.muli %select_n3A, %mul3A_1121 : i32
      %add3A_1123 = arith.constant 2 : i32
      %add3A_1124 = arith.addi %mul3A_1122, %add3A_1123 : i32
      %mul3A_1125 = arith.constant 131072 : i32
      %mul3A_1126 = arith.muli %add3A_1124, %mul3A_1125 : i32
      %mul3A_1127 = arith.constant 1024 : i32
      %mul3A_1128 = arith.muli %add3A_1090, %mul3A_1127 : i32
      %add3A_1129 = arith.addi %mul3A_1126, %mul3A_1128 : i32
      %dma_start3A_1130 = arith.constant 4096 : i32
      %dma_start3A_1131 = tpu.memref_slice %arg8[%dma_start3A_1130] : memref<16384xf32, #tpu.memory_space<vmem>> -> memref<2048xf32, #tpu.memory_space<vmem>>
      %dma_start3A_1132 = tpu.memref_slice %arg4[%add3A_1129] : memref<52428800xf32, #tpu.memory_space<hbm>> -> memref<2048xf32, #tpu.memory_space<hbm>>
      %dma_start3A_1133 = tpu.memref_slice %arg4[%add3A_1129] : memref<52428800xf32, #tpu.memory_space<hbm>> -> memref<2048xf32, #tpu.memory_space<hbm>>
      %dma_start3A_1134 = arith.constant 4096 : i32
      %dma_start3A_1135 = tpu.memref_slice %arg8[%dma_start3A_1134] : memref<16384xf32, #tpu.memory_space<vmem>> -> memref<2048xf32, #tpu.memory_space<vmem>>
      tpu.enqueue_dma source(%dma_start3A_1135 : memref<2048xf32, #tpu.memory_space<vmem>>) target(%dma_start3A_1133 : memref<2048xf32, #tpu.memory_space<hbm>>) target_semaphore(%arg13 : memref<!tpu.dma_semaphore, #tpu.memory_space<semaphore_mem>>)
      %mul3A_1136 = arith.constant 8 : i32
      %mul3A_1137 = arith.muli %select_n3A, %mul3A_1136 : i32
      %add3A_1138 = arith.constant 3 : i32
      %add3A_1139 = arith.addi %mul3A_1137, %add3A_1138 : i32
      %mul3A_1140 = arith.constant 131072 : i32
      %mul3A_1141 = arith.muli %add3A_1139, %mul3A_1140 : i32
      %mul3A_1142 = arith.constant 1024 : i32
      %mul3A_1143 = arith.muli %add3A_1090, %mul3A_1142 : i32
      %add3A_1144 = arith.addi %mul3A_1141, %mul3A_1143 : i32
      %dma_start3A_1145 = arith.constant 6144 : i32
      %dma_start3A_1146 = tpu.memref_slice %arg8[%dma_start3A_1145] : memref<16384xf32, #tpu.memory_space<vmem>> -> memref<2048xf32, #tpu.memory_space<vmem>>
      %dma_start3A_1147 = tpu.memref_slice %arg4[%add3A_1144] : memref<52428800xf32, #tpu.memory_space<hbm>> -> memref<2048xf32, #tpu.memory_space<hbm>>
      %dma_start3A_1148 = tpu.memref_slice %arg4[%add3A_1144] : memref<52428800xf32, #tpu.memory_space<hbm>> -> memref<2048xf32, #tpu.memory_space<hbm>>
      %dma_start3A_1149 = arith.constant 6144 : i32
      %dma_start3A_1150 = tpu.memref_slice %arg8[%dma_start3A_1149] : memref<16384xf32, #tpu.memory_space<vmem>> -> memref<2048xf32, #tpu.memory_space<vmem>>
      tpu.enqueue_dma source(%dma_start3A_1150 : memref<2048xf32, #tpu.memory_space<vmem>>) target(%dma_start3A_1148 : memref<2048xf32, #tpu.memory_space<hbm>>) target_semaphore(%arg13 : memref<!tpu.dma_semaphore, #tpu.memory_space<semaphore_mem>>)
      %mul3A_1151 = arith.constant 8 : i32
      %mul3A_1152 = arith.muli %select_n3A, %mul3A_1151 : i32
      %add3A_1153 = arith.constant 4 : i32
      %add3A_1154 = arith.addi %mul3A_1152, %add3A_1153 : i32
      %mul3A_1155 = arith.constant 131072 : i32
      %mul3A_1156 = arith.muli %add3A_1154, %mul3A_1155 : i32
      %mul3A_1157 = arith.constant 1024 : i32
      %mul3A_1158 = arith.muli %add3A_1090, %mul3A_1157 : i32
      %add3A_1159 = arith.addi %mul3A_1156, %mul3A_1158 : i32
      %dma_start3A_1160 = arith.constant 8192 : i32
      %dma_start3A_1161 = tpu.memref_slice %arg8[%dma_start3A_1160] : memref<16384xf32, #tpu.memory_space<vmem>> -> memref<2048xf32, #tpu.memory_space<vmem>>
      %dma_start3A_1162 = tpu.memref_slice %arg4[%add3A_1159] : memref<52428800xf32, #tpu.memory_space<hbm>> -> memref<2048xf32, #tpu.memory_space<hbm>>
      %dma_start3A_1163 = tpu.memref_slice %arg4[%add3A_1159] : memref<52428800xf32, #tpu.memory_space<hbm>> -> memref<2048xf32, #tpu.memory_space<hbm>>
      %dma_start3A_1164 = arith.constant 8192 : i32
      %dma_start3A_1165 = tpu.memref_slice %arg8[%dma_start3A_1164] : memref<16384xf32, #tpu.memory_space<vmem>> -> memref<2048xf32, #tpu.memory_space<vmem>>
      tpu.enqueue_dma source(%dma_start3A_1165 : memref<2048xf32, #tpu.memory_space<vmem>>) target(%dma_start3A_1163 : memref<2048xf32, #tpu.memory_space<hbm>>) target_semaphore(%arg13 : memref<!tpu.dma_semaphore, #tpu.memory_space<semaphore_mem>>)
      %mul3A_1166 = arith.constant 8 : i32
      %mul3A_1167 = arith.muli %select_n3A, %mul3A_1166 : i32
      %add3A_1168 = arith.constant 5 : i32
      %add3A_1169 = arith.addi %mul3A_1167, %add3A_1168 : i32
      %mul3A_1170 = arith.constant 131072 : i32
      %mul3A_1171 = arith.muli %add3A_1169, %mul3A_1170 : i32
      %mul3A_1172 = arith.constant 1024 : i32
      %mul3A_1173 = arith.muli %add3A_1090, %mul3A_1172 : i32
      %add3A_1174 = arith.addi %mul3A_1171, %mul3A_1173 : i32
      %dma_start3A_1175 = arith.constant 10240 : i32
      %dma_start3A_1176 = tpu.memref_slice %arg8[%dma_start3A_1175] : memref<16384xf32, #tpu.memory_space<vmem>> -> memref<2048xf32, #tpu.memory_space<vmem>>
      %dma_start3A_1177 = tpu.memref_slice %arg4[%add3A_1174] : memref<52428800xf32, #tpu.memory_space<hbm>> -> memref<2048xf32, #tpu.memory_space<hbm>>
      %dma_start3A_1178 = tpu.memref_slice %arg4[%add3A_1174] : memref<52428800xf32, #tpu.memory_space<hbm>> -> memref<2048xf32, #tpu.memory_space<hbm>>
      %dma_start3A_1179 = arith.constant 10240 : i32
      %dma_start3A_1180 = tpu.memref_slice %arg8[%dma_start3A_1179] : memref<16384xf32, #tpu.memory_space<vmem>> -> memref<2048xf32, #tpu.memory_space<vmem>>
      tpu.enqueue_dma source(%dma_start3A_1180 : memref<2048xf32, #tpu.memory_space<vmem>>) target(%dma_start3A_1178 : memref<2048xf32, #tpu.memory_space<hbm>>) target_semaphore(%arg13 : memref<!tpu.dma_semaphore, #tpu.memory_space<semaphore_mem>>)
      %mul3A_1181 = arith.constant 8 : i32
      %mul3A_1182 = arith.muli %select_n3A, %mul3A_1181 : i32
      %add3A_1183 = arith.constant 6 : i32
      %add3A_1184 = arith.addi %mul3A_1182, %add3A_1183 : i32
      %mul3A_1185 = arith.constant 131072 : i32
      %mul3A_1186 = arith.muli %add3A_1184, %mul3A_1185 : i32
      %mul3A_1187 = arith.constant 1024 : i32
      %mul3A_1188 = arith.muli %add3A_1090, %mul3A_1187 : i32
      %add3A_1189 = arith.addi %mul3A_1186, %mul3A_1188 : i32
      %dma_start3A_1190 = arith.constant 12288 : i32
      %dma_start3A_1191 = tpu.memref_slice %arg8[%dma_start3A_1190] : memref<16384xf32, #tpu.memory_space<vmem>> -> memref<2048xf32, #tpu.memory_space<vmem>>
      %dma_start3A_1192 = tpu.memref_slice %arg4[%add3A_1189] : memref<52428800xf32, #tpu.memory_space<hbm>> -> memref<2048xf32, #tpu.memory_space<hbm>>
      %dma_start3A_1193 = tpu.memref_slice %arg4[%add3A_1189] : memref<52428800xf32, #tpu.memory_space<hbm>> -> memref<2048xf32, #tpu.memory_space<hbm>>
      %dma_start3A_1194 = arith.constant 12288 : i32
      %dma_start3A_1195 = tpu.memref_slice %arg8[%dma_start3A_1194] : memref<16384xf32, #tpu.memory_space<vmem>> -> memref<2048xf32, #tpu.memory_space<vmem>>
      tpu.enqueue_dma source(%dma_start3A_1195 : memref<2048xf32, #tpu.memory_space<vmem>>) target(%dma_start3A_1193 : memref<2048xf32, #tpu.memory_space<hbm>>) target_semaphore(%arg13 : memref<!tpu.dma_semaphore, #tpu.memory_space<semaphore_mem>>)
      %mul3A_1196 = arith.constant 8 : i32
      %mul3A_1197 = arith.muli %select_n3A, %mul3A_1196 : i32
      %add3A_1198 = arith.constant 7 : i32
      %add3A_1199 = arith.addi %mul3A_1197, %add3A_1198 : i32
      %mul3A_1200 = arith.constant 131072 : i32
      %mul3A_1201 = arith.muli %add3A_1199, %mul3A_1200 : i32
      %mul3A_1202 = arith.constant 1024 : i32
      %mul3A_1203 = arith.muli %add3A_1090, %mul3A_1202 : i32
      %add3A_1204 = arith.addi %mul3A_1201, %mul3A_1203 : i32
      %dma_start3A_1205 = arith.constant 14336 : i32
      %dma_start3A_1206 = tpu.memref_slice %arg8[%dma_start3A_1205] : memref<16384xf32, #tpu.memory_space<vmem>> -> memref<2048xf32, #tpu.memory_space<vmem>>
      %dma_start3A_1207 = tpu.memref_slice %arg4[%add3A_1204] : memref<52428800xf32, #tpu.memory_space<hbm>> -> memref<2048xf32, #tpu.memory_space<hbm>>
      %dma_start3A_1208 = tpu.memref_slice %arg4[%add3A_1204] : memref<52428800xf32, #tpu.memory_space<hbm>> -> memref<2048xf32, #tpu.memory_space<hbm>>
      %dma_start3A_1209 = arith.constant 14336 : i32
      %dma_start3A_1210 = tpu.memref_slice %arg8[%dma_start3A_1209] : memref<16384xf32, #tpu.memory_space<vmem>> -> memref<2048xf32, #tpu.memory_space<vmem>>
      tpu.enqueue_dma source(%dma_start3A_1210 : memref<2048xf32, #tpu.memory_space<vmem>>) target(%dma_start3A_1208 : memref<2048xf32, #tpu.memory_space<hbm>>) target_semaphore(%arg13 : memref<!tpu.dma_semaphore, #tpu.memory_space<semaphore_mem>>)
      %mul3A_1211 = arith.constant 2 : i32
      %mul3A_1212 = arith.muli %scan3A_1035, %mul3A_1211 : i32
      %add3A_1213 = arith.constant 1 : i32
      %add3A_1214 = arith.addi %mul3A_1212, %add3A_1213 : i32
      %add3A_1215 = arith.constant 1 : i32
      %add3A_1216 = arith.addi %add3A_1214, %add3A_1215 : i32
      %lt3A_1217 = arith.constant 100 : i32
      %lt3A_1218 = arith.cmpi slt, %add3A_1216, %lt3A_1217 : i32
      %convert_element_type3A_1219 = arith.extui %lt3A_1218 : i1 to i32
      %cond3A_1220 = arith.constant 0 : i32
      %cond3A_1221 = arith.cmpi ne, %convert_element_type3A_1219, %cond3A_1220 : i32
      scf.if %cond3A_1221 {
        %add3A_1400 = arith.constant 1 : i32
        %add3A_1401 = arith.addi %add3A_1214, %add3A_1400 : i32
        %mul3A_1402 = arith.constant 256 : i32
        %mul3A_1403 = arith.muli %add3A_1401, %mul3A_1402 : i32
        %dma_start3A_1404 = tpu.memref_slice %arg5[%mul3A_1403] : memref<25600xi32, #tpu.memory_space<vmem>> -> memref<256xi32, #tpu.memory_space<vmem>>
        %dma_start3A_1405 = arith.constant 0 : i32
        %dma_start3A_1406 = arith.constant 0 : i32
        %dma_start3A_1407 = tpu.memref_slice %arg3[%dma_start3A_1405, %dma_start3A_1406] : memref<1000000x64xf32, #tpu.memory_space<hbm>> -> memref<1000000x64xf32, #tpu.memory_space<hbm>>
        tpu.enqueue_indirect_dma source(%dma_start3A_1407 : memref<1000000x64xf32, #tpu.memory_space<hbm>>) target(%arg6 : memref<256x64xf32, #tpu.memory_space<vmem>>) offsets(%dma_start3A_1404 : memref<256xi32, #tpu.memory_space<vmem>>) semaphore(%arg11 : memref<!tpu.dma_semaphore, #tpu.memory_space<semaphore_mem>>)
      } else {
      }
      %dma_wait3A_1222 = arith.constant 0 : i32
      %dma_wait3A_1223 = tpu.memref_slice %arg5[%dma_wait3A_1222] : memref<25600xi32, #tpu.memory_space<vmem>> -> memref<256xi32, #tpu.memory_space<vmem>>
      %dma_wait3A_1224 = arith.constant 0 : i32
      %dma_wait3A_1225 = arith.constant 0 : i32
      %dma_wait3A_1226 = tpu.memref_slice %arg3[%dma_wait3A_1224, %dma_wait3A_1225] : memref<1000000x64xf32, #tpu.memory_space<hbm>> -> memref<1000000x64xf32, #tpu.memory_space<hbm>>
      tpu.wait_indirect_dma semaphore(%arg12 : memref<!tpu.dma_semaphore, #tpu.memory_space<semaphore_mem>>) src(%dma_wait3A_1226 : memref<1000000x64xf32, #tpu.memory_space<hbm>>) dst(%arg7 : memref<256x64xf32, #tpu.memory_space<vmem>>)
      %gt3A_1227 = arith.constant 0 : i32
      %gt3A_1228 = arith.cmpi sgt, %scan3A_1035, %gt3A_1227 : i32
      %convert_element_type3A_1229 = arith.extui %gt3A_1228 : i1 to i32
      %cond3A_1230 = arith.constant 0 : i32
      %cond3A_1231 = arith.cmpi ne, %convert_element_type3A_1229, %cond3A_1230 : i32
      scf.if %cond3A_1231 {
        %dma_wait3A_1400 = arith.constant 0 : i32
        %dma_wait3A_1401 = tpu.memref_slice %arg9[%dma_wait3A_1400] : memref<16384xf32, #tpu.memory_space<vmem>> -> memref<2048xf32, #tpu.memory_space<vmem>>
        %dma_wait3A_1402 = arith.constant 0 : i32
        %dma_wait3A_1403 = tpu.memref_slice %arg4[%dma_wait3A_1402] : memref<52428800xf32, #tpu.memory_space<hbm>> -> memref<2048xf32, #tpu.memory_space<hbm>>
        %dma_wait3A_1404 = arith.constant 0 : i32
        %dma_wait3A_1405 = tpu.memref_slice %arg4[%dma_wait3A_1404] : memref<52428800xf32, #tpu.memory_space<hbm>> -> memref<2048xf32, #tpu.memory_space<hbm>>
        %dma_wait3A_1406 = arith.constant 0 : i32
        %dma_wait3A_1407 = tpu.memref_slice %arg9[%dma_wait3A_1406] : memref<16384xf32, #tpu.memory_space<vmem>> -> memref<2048xf32, #tpu.memory_space<vmem>>
        tpu.wait_dma2 semaphore(%arg14 : memref<!tpu.dma_semaphore, #tpu.memory_space<semaphore_mem>>) src(%dma_wait3A_1407 : memref<2048xf32, #tpu.memory_space<vmem>>) dst(%dma_wait3A_1405 : memref<2048xf32, #tpu.memory_space<hbm>>)
        %dma_wait3A_1408 = arith.constant 0 : i32
        %dma_wait3A_1409 = tpu.memref_slice %arg9[%dma_wait3A_1408] : memref<16384xf32, #tpu.memory_space<vmem>> -> memref<2048xf32, #tpu.memory_space<vmem>>
        %dma_wait3A_1410 = arith.constant 0 : i32
        %dma_wait3A_1411 = tpu.memref_slice %arg4[%dma_wait3A_1410] : memref<52428800xf32, #tpu.memory_space<hbm>> -> memref<2048xf32, #tpu.memory_space<hbm>>
        %dma_wait3A_1412 = arith.constant 0 : i32
        %dma_wait3A_1413 = tpu.memref_slice %arg4[%dma_wait3A_1412] : memref<52428800xf32, #tpu.memory_space<hbm>> -> memref<2048xf32, #tpu.memory_space<hbm>>
        %dma_wait3A_1414 = arith.constant 0 : i32
        %dma_wait3A_1415 = tpu.memref_slice %arg9[%dma_wait3A_1414] : memref<16384xf32, #tpu.memory_space<vmem>> -> memref<2048xf32, #tpu.memory_space<vmem>>
        tpu.wait_dma2 semaphore(%arg14 : memref<!tpu.dma_semaphore, #tpu.memory_space<semaphore_mem>>) src(%dma_wait3A_1415 : memref<2048xf32, #tpu.memory_space<vmem>>) dst(%dma_wait3A_1413 : memref<2048xf32, #tpu.memory_space<hbm>>)
        %dma_wait3A_1416 = arith.constant 0 : i32
        %dma_wait3A_1417 = tpu.memref_slice %arg9[%dma_wait3A_1416] : memref<16384xf32, #tpu.memory_space<vmem>> -> memref<2048xf32, #tpu.memory_space<vmem>>
        %dma_wait3A_1418 = arith.constant 0 : i32
        %dma_wait3A_1419 = tpu.memref_slice %arg4[%dma_wait3A_1418] : memref<52428800xf32, #tpu.memory_space<hbm>> -> memref<2048xf32, #tpu.memory_space<hbm>>
        %dma_wait3A_1420 = arith.constant 0 : i32
        %dma_wait3A_1421 = tpu.memref_slice %arg4[%dma_wait3A_1420] : memref<52428800xf32, #tpu.memory_space<hbm>> -> memref<2048xf32, #tpu.memory_space<hbm>>
        %dma_wait3A_1422 = arith.constant 0 : i32
        %dma_wait3A_1423 = tpu.memref_slice %arg9[%dma_wait3A_1422] : memref<16384xf32, #tpu.memory_space<vmem>> -> memref<2048xf32, #tpu.memory_space<vmem>>
        tpu.wait_dma2 semaphore(%arg14 : memref<!tpu.dma_semaphore, #tpu.memory_space<semaphore_mem>>) src(%dma_wait3A_1423 : memref<2048xf32, #tpu.memory_space<vmem>>) dst(%dma_wait3A_1421 : memref<2048xf32, #tpu.memory_space<hbm>>)
        %dma_wait3A_1424 = arith.constant 0 : i32
        %dma_wait3A_1425 = tpu.memref_slice %arg9[%dma_wait3A_1424] : memref<16384xf32, #tpu.memory_space<vmem>> -> memref<2048xf32, #tpu.memory_space<vmem>>
        %dma_wait3A_1426 = arith.constant 0 : i32
        %dma_wait3A_1427 = tpu.memref_slice %arg4[%dma_wait3A_1426] : memref<52428800xf32, #tpu.memory_space<hbm>> -> memref<2048xf32, #tpu.memory_space<hbm>>
        %dma_wait3A_1428 = arith.constant 0 : i32
        %dma_wait3A_1429 = tpu.memref_slice %arg4[%dma_wait3A_1428] : memref<52428800xf32, #tpu.memory_space<hbm>> -> memref<2048xf32, #tpu.memory_space<hbm>>
        %dma_wait3A_1430 = arith.constant 0 : i32
        %dma_wait3A_1431 = tpu.memref_slice %arg9[%dma_wait3A_1430] : memref<16384xf32, #tpu.memory_space<vmem>> -> memref<2048xf32, #tpu.memory_space<vmem>>
        tpu.wait_dma2 semaphore(%arg14 : memref<!tpu.dma_semaphore, #tpu.memory_space<semaphore_mem>>) src(%dma_wait3A_1431 : memref<2048xf32, #tpu.memory_space<vmem>>) dst(%dma_wait3A_1429 : memref<2048xf32, #tpu.memory_space<hbm>>)
        %dma_wait3A_1432 = arith.constant 0 : i32
        %dma_wait3A_1433 = tpu.memref_slice %arg9[%dma_wait3A_1432] : memref<16384xf32, #tpu.memory_space<vmem>> -> memref<2048xf32, #tpu.memory_space<vmem>>
        %dma_wait3A_1434 = arith.constant 0 : i32
        %dma_wait3A_1435 = tpu.memref_slice %arg4[%dma_wait3A_1434] : memref<52428800xf32, #tpu.memory_space<hbm>> -> memref<2048xf32, #tpu.memory_space<hbm>>
        %dma_wait3A_1436 = arith.constant 0 : i32
        %dma_wait3A_1437 = tpu.memref_slice %arg4[%dma_wait3A_1436] : memref<52428800xf32, #tpu.memory_space<hbm>> -> memref<2048xf32, #tpu.memory_space<hbm>>
        %dma_wait3A_1438 = arith.constant 0 : i32
        %dma_wait3A_1439 = tpu.memref_slice %arg9[%dma_wait3A_1438] : memref<16384xf32, #tpu.memory_space<vmem>> -> memref<2048xf32, #tpu.memory_space<vmem>>
        tpu.wait_dma2 semaphore(%arg14 : memref<!tpu.dma_semaphore, #tpu.memory_space<semaphore_mem>>) src(%dma_wait3A_1439 : memref<2048xf32, #tpu.memory_space<vmem>>) dst(%dma_wait3A_1437 : memref<2048xf32, #tpu.memory_space<hbm>>)
        %dma_wait3A_1440 = arith.constant 0 : i32
        %dma_wait3A_1441 = tpu.memref_slice %arg9[%dma_wait3A_1440] : memref<16384xf32, #tpu.memory_space<vmem>> -> memref<2048xf32, #tpu.memory_space<vmem>>
        %dma_wait3A_1442 = arith.constant 0 : i32
        %dma_wait3A_1443 = tpu.memref_slice %arg4[%dma_wait3A_1442] : memref<52428800xf32, #tpu.memory_space<hbm>> -> memref<2048xf32, #tpu.memory_space<hbm>>
        %dma_wait3A_1444 = arith.constant 0 : i32
        %dma_wait3A_1445 = tpu.memref_slice %arg4[%dma_wait3A_1444] : memref<52428800xf32, #tpu.memory_space<hbm>> -> memref<2048xf32, #tpu.memory_space<hbm>>
        %dma_wait3A_1446 = arith.constant 0 : i32
        %dma_wait3A_1447 = tpu.memref_slice %arg9[%dma_wait3A_1446] : memref<16384xf32, #tpu.memory_space<vmem>> -> memref<2048xf32, #tpu.memory_space<vmem>>
        tpu.wait_dma2 semaphore(%arg14 : memref<!tpu.dma_semaphore, #tpu.memory_space<semaphore_mem>>) src(%dma_wait3A_1447 : memref<2048xf32, #tpu.memory_space<vmem>>) dst(%dma_wait3A_1445 : memref<2048xf32, #tpu.memory_space<hbm>>)
        %dma_wait3A_1448 = arith.constant 0 : i32
        %dma_wait3A_1449 = tpu.memref_slice %arg9[%dma_wait3A_1448] : memref<16384xf32, #tpu.memory_space<vmem>> -> memref<2048xf32, #tpu.memory_space<vmem>>
        %dma_wait3A_1450 = arith.constant 0 : i32
        %dma_wait3A_1451 = tpu.memref_slice %arg4[%dma_wait3A_1450] : memref<52428800xf32, #tpu.memory_space<hbm>> -> memref<2048xf32, #tpu.memory_space<hbm>>
        %dma_wait3A_1452 = arith.constant 0 : i32
        %dma_wait3A_1453 = tpu.memref_slice %arg4[%dma_wait3A_1452] : memref<52428800xf32, #tpu.memory_space<hbm>> -> memref<2048xf32, #tpu.memory_space<hbm>>
        %dma_wait3A_1454 = arith.constant 0 : i32
        %dma_wait3A_1455 = tpu.memref_slice %arg9[%dma_wait3A_1454] : memref<16384xf32, #tpu.memory_space<vmem>> -> memref<2048xf32, #tpu.memory_space<vmem>>
        tpu.wait_dma2 semaphore(%arg14 : memref<!tpu.dma_semaphore, #tpu.memory_space<semaphore_mem>>) src(%dma_wait3A_1455 : memref<2048xf32, #tpu.memory_space<vmem>>) dst(%dma_wait3A_1453 : memref<2048xf32, #tpu.memory_space<hbm>>)
        %dma_wait3A_1456 = arith.constant 0 : i32
        %dma_wait3A_1457 = tpu.memref_slice %arg9[%dma_wait3A_1456] : memref<16384xf32, #tpu.memory_space<vmem>> -> memref<2048xf32, #tpu.memory_space<vmem>>
        %dma_wait3A_1458 = arith.constant 0 : i32
        %dma_wait3A_1459 = tpu.memref_slice %arg4[%dma_wait3A_1458] : memref<52428800xf32, #tpu.memory_space<hbm>> -> memref<2048xf32, #tpu.memory_space<hbm>>
        %dma_wait3A_1460 = arith.constant 0 : i32
        %dma_wait3A_1461 = tpu.memref_slice %arg4[%dma_wait3A_1460] : memref<52428800xf32, #tpu.memory_space<hbm>> -> memref<2048xf32, #tpu.memory_space<hbm>>
        %dma_wait3A_1462 = arith.constant 0 : i32
        %dma_wait3A_1463 = tpu.memref_slice %arg9[%dma_wait3A_1462] : memref<16384xf32, #tpu.memory_space<vmem>> -> memref<2048xf32, #tpu.memory_space<vmem>>
        tpu.wait_dma2 semaphore(%arg14 : memref<!tpu.dma_semaphore, #tpu.memory_space<semaphore_mem>>) src(%dma_wait3A_1463 : memref<2048xf32, #tpu.memory_space<vmem>>) dst(%dma_wait3A_1461 : memref<2048xf32, #tpu.memory_space<hbm>>)
      } else {
      }
      %parallel_loop3A_1232 = arith.constant 0 : i32
      %parallel_loop3A_1233 = arith.constant 64 : i32
      %parallel_loop3A_1234 = arith.constant 1 : i32
      scf.for %parallel_loop3A_1400 = %parallel_loop3A_1232 to %parallel_loop3A_1233 step %parallel_loop3A_1234  : i32 {
        %parallel_loop3A_1401 = vector.broadcast %parallel_loop3A_1400 : i32 to vector<16xi32>
        %parallel_loop3A_1402 = arith.addi %parallel_loop3A_1401, %iota3A : vector<16xi32>
        %parallel_loop3A_1403 = arith.constant 63 : i32
        %parallel_loop3A_1404 = vector.broadcast %parallel_loop3A_1403 : i32 to vector<16xi32>
        %parallel_loop3A_1405 = arith.andi %parallel_loop3A_1402, %parallel_loop3A_1404 : vector<16xi32>
        %parallel_loop3A_1406 = arith.constant 3 : i32
        %parallel_loop3A_1407 = vector.broadcast %parallel_loop3A_1406 : i32 to vector<16xi32>
        %parallel_loop3A_1408 = arith.shrsi %parallel_loop3A_1405, %parallel_loop3A_1407 : vector<16xi32>
        %parallel_loop3A_1409 = arith.constant 2048 : i32
        %parallel_loop3A_1410 = vector.broadcast %parallel_loop3A_1409 : i32 to vector<16xi32>
        %parallel_loop3A_1411 = arith.muli %parallel_loop3A_1408, %parallel_loop3A_1410 : vector<16xi32>
        %parallel_loop3A_1412 = arith.constant 7 : i32
        %parallel_loop3A_1413 = vector.broadcast %parallel_loop3A_1412 : i32 to vector<16xi32>
        %parallel_loop3A_1414 = arith.andi %parallel_loop3A_1405, %parallel_loop3A_1413 : vector<16xi32>
        %parallel_loop3A_1415 = arith.constant 128 : i32
        %parallel_loop3A_1416 = vector.broadcast %parallel_loop3A_1415 : i32 to vector<16xi32>
        %parallel_loop3A_1417 = arith.muli %parallel_loop3A_1414, %parallel_loop3A_1416 : vector<16xi32>
        %parallel_loop3A_1418 = arith.addi %parallel_loop3A_1411, %parallel_loop3A_1417 : vector<16xi32>
        %parallel_loop3A_1419 = tpu.vector_load_idx %arg7[%add3A_803, %parallel_loop3A_1405] : memref<256x64xf32, #tpu.memory_space<vmem>>[vector<16xi32>, vector<16xi32>], vector<16xf32>,
        %parallel_loop3A_1420 = arith.addi %parallel_loop3A_1418, %add3A_851 : vector<16xi32>
        tpu.vector_store_idx %arg9[%parallel_loop3A_1420], %parallel_loop3A_1419 : memref<16384xf32, #tpu.memory_space<vmem>>[vector<16xi32>], vector<16xf32>,
        %parallel_loop3A_1421 = tpu.vector_load_idx %arg7[%add3A_806, %parallel_loop3A_1405] : memref<256x64xf32, #tpu.memory_space<vmem>>[vector<16xi32>, vector<16xi32>], vector<16xf32>,
        %parallel_loop3A_1422 = arith.addi %parallel_loop3A_1418, %add3A_854 : vector<16xi32>
        tpu.vector_store_idx %arg9[%parallel_loop3A_1422], %parallel_loop3A_1421 : memref<16384xf32, #tpu.memory_space<vmem>>[vector<16xi32>], vector<16xf32>,
        %parallel_loop3A_1423 = tpu.vector_load_idx %arg7[%add3A_809, %parallel_loop3A_1405] : memref<256x64xf32, #tpu.memory_space<vmem>>[vector<16xi32>, vector<16xi32>], vector<16xf32>,
        %parallel_loop3A_1424 = arith.addi %parallel_loop3A_1418, %add3A_857 : vector<16xi32>
        tpu.vector_store_idx %arg9[%parallel_loop3A_1424], %parallel_loop3A_1423 : memref<16384xf32, #tpu.memory_space<vmem>>[vector<16xi32>], vector<16xf32>,
        %parallel_loop3A_1425 = tpu.vector_load_idx %arg7[%add3A_812, %parallel_loop3A_1405] : memref<256x64xf32, #tpu.memory_space<vmem>>[vector<16xi32>, vector<16xi32>], vector<16xf32>,
        %parallel_loop3A_1426 = arith.addi %parallel_loop3A_1418, %add3A_860 : vector<16xi32>
        tpu.vector_store_idx %arg9[%parallel_loop3A_1426], %parallel_loop3A_1425 : memref<16384xf32, #tpu.memory_space<vmem>>[vector<16xi32>], vector<16xf32>,
        %parallel_loop3A_1427 = tpu.vector_load_idx %arg7[%add3A_815, %parallel_loop3A_1405] : memref<256x64xf32, #tpu.memory_space<vmem>>[vector<16xi32>, vector<16xi32>], vector<16xf32>,
        %parallel_loop3A_1428 = arith.addi %parallel_loop3A_1418, %add3A_863 : vector<16xi32>
        tpu.vector_store_idx %arg9[%parallel_loop3A_1428], %parallel_loop3A_1427 : memref<16384xf32, #tpu.memory_space<vmem>>[vector<16xi32>], vector<16xf32>,
        %parallel_loop3A_1429 = tpu.vector_load_idx %arg7[%add3A_818, %parallel_loop3A_1405] : memref<256x64xf32, #tpu.memory_space<vmem>>[vector<16xi32>, vector<16xi32>], vector<16xf32>,
        %parallel_loop3A_1430 = arith.addi %parallel_loop3A_1418, %add3A_866 : vector<16xi32>
        tpu.vector_store_idx %arg9[%parallel_loop3A_1430], %parallel_loop3A_1429 : memref<16384xf32, #tpu.memory_space<vmem>>[vector<16xi32>], vector<16xf32>,
        %parallel_loop3A_1431 = tpu.vector_load_idx %arg7[%add3A_821, %parallel_loop3A_1405] : memref<256x64xf32, #tpu.memory_space<vmem>>[vector<16xi32>, vector<16xi32>], vector<16xf32>,
        %parallel_loop3A_1432 = arith.addi %parallel_loop3A_1418, %add3A_869 : vector<16xi32>
        tpu.vector_store_idx %arg9[%parallel_loop3A_1432], %parallel_loop3A_1431 : memref<16384xf32, #tpu.memory_space<vmem>>[vector<16xi32>], vector<16xf32>,
        %parallel_loop3A_1433 = tpu.vector_load_idx %arg7[%add3A_824, %parallel_loop3A_1405] : memref<256x64xf32, #tpu.memory_space<vmem>>[vector<16xi32>, vector<16xi32>], vector<16xf32>,
        %parallel_loop3A_1434 = arith.addi %parallel_loop3A_1418, %add3A_872 : vector<16xi32>
        tpu.vector_store_idx %arg9[%parallel_loop3A_1434], %parallel_loop3A_1433 : memref<16384xf32, #tpu.memory_space<vmem>>[vector<16xi32>], vector<16xf32>,
        %parallel_loop3A_1435 = tpu.vector_load_idx %arg7[%add3A_827, %parallel_loop3A_1405] : memref<256x64xf32, #tpu.memory_space<vmem>>[vector<16xi32>, vector<16xi32>], vector<16xf32>,
        %parallel_loop3A_1436 = arith.addi %parallel_loop3A_1418, %add3A_875 : vector<16xi32>
        tpu.vector_store_idx %arg9[%parallel_loop3A_1436], %parallel_loop3A_1435 : memref<16384xf32, #tpu.memory_space<vmem>>[vector<16xi32>], vector<16xf32>,
        %parallel_loop3A_1437 = tpu.vector_load_idx %arg7[%add3A_830, %parallel_loop3A_1405] : memref<256x64xf32, #tpu.memory_space<vmem>>[vector<16xi32>, vector<16xi32>], vector<16xf32>,
        %parallel_loop3A_1438 = arith.addi %parallel_loop3A_1418, %add3A_878 : vector<16xi32>
        tpu.vector_store_idx %arg9[%parallel_loop3A_1438], %parallel_loop3A_1437 : memref<16384xf32, #tpu.memory_space<vmem>>[vector<16xi32>], vector<16xf32>,
        %parallel_loop3A_1439 = tpu.vector_load_idx %arg7[%add3A_833, %parallel_loop3A_1405] : memref<256x64xf32, #tpu.memory_space<vmem>>[vector<16xi32>, vector<16xi32>], vector<16xf32>,
        %parallel_loop3A_1440 = arith.addi %parallel_loop3A_1418, %add3A_881 : vector<16xi32>
        tpu.vector_store_idx %arg9[%parallel_loop3A_1440], %parallel_loop3A_1439 : memref<16384xf32, #tpu.memory_space<vmem>>[vector<16xi32>], vector<16xf32>,
        %parallel_loop3A_1441 = tpu.vector_load_idx %arg7[%add3A_836, %parallel_loop3A_1405] : memref<256x64xf32, #tpu.memory_space<vmem>>[vector<16xi32>, vector<16xi32>], vector<16xf32>,
        %parallel_loop3A_1442 = arith.addi %parallel_loop3A_1418, %add3A_884 : vector<16xi32>
        tpu.vector_store_idx %arg9[%parallel_loop3A_1442], %parallel_loop3A_1441 : memref<16384xf32, #tpu.memory_space<vmem>>[vector<16xi32>], vector<16xf32>,
        %parallel_loop3A_1443 = tpu.vector_load_idx %arg7[%add3A_839, %parallel_loop3A_1405] : memref<256x64xf32, #tpu.memory_space<vmem>>[vector<16xi32>, vector<16xi32>], vector<16xf32>,
        %parallel_loop3A_1444 = arith.addi %parallel_loop3A_1418, %add3A_887 : vector<16xi32>
        tpu.vector_store_idx %arg9[%parallel_loop3A_1444], %parallel_loop3A_1443 : memref<16384xf32, #tpu.memory_space<vmem>>[vector<16xi32>], vector<16xf32>,
        %parallel_loop3A_1445 = tpu.vector_load_idx %arg7[%add3A_842, %parallel_loop3A_1405] : memref<256x64xf32, #tpu.memory_space<vmem>>[vector<16xi32>, vector<16xi32>], vector<16xf32>,
        %parallel_loop3A_1446 = arith.addi %parallel_loop3A_1418, %add3A_890 : vector<16xi32>
        tpu.vector_store_idx %arg9[%parallel_loop3A_1446], %parallel_loop3A_1445 : memref<16384xf32, #tpu.memory_space<vmem>>[vector<16xi32>], vector<16xf32>,
        %parallel_loop3A_1447 = tpu.vector_load_idx %arg7[%add3A_845, %parallel_loop3A_1405] : memref<256x64xf32, #tpu.memory_space<vmem>>[vector<16xi32>, vector<16xi32>], vector<16xf32>,
        %parallel_loop3A_1448 = arith.addi %parallel_loop3A_1418, %add3A_893 : vector<16xi32>
        tpu.vector_store_idx %arg9[%parallel_loop3A_1448], %parallel_loop3A_1447 : memref<16384xf32, #tpu.memory_space<vmem>>[vector<16xi32>], vector<16xf32>,
        %parallel_loop3A_1449 = tpu.vector_load_idx %arg7[%add3A_848, %parallel_loop3A_1405] : memref<256x64xf32, #tpu.memory_space<vmem>>[vector<16xi32>, vector<16xi32>], vector<16xf32>,
        %parallel_loop3A_1450 = arith.addi %parallel_loop3A_1418, %add3A_896 : vector<16xi32>
        tpu.vector_store_idx %arg9[%parallel_loop3A_1450], %parallel_loop3A_1449 : memref<16384xf32, #tpu.memory_space<vmem>>[vector<16xi32>], vector<16xf32>,
      } {sc.loop_unroll_factor = 4 : i64, sc.parallel_access}
      %jit3A_1235 = arith.constant 2 : i32
      %div3A_1236 = arith.divsi %add3A_1214, %jit3A_1235 : i32
      %sign3A_1237 = arith.constant 0 : i32
      %sign3A_1238 = arith.cmpi sgt, %add3A_1214, %sign3A_1237 : i32
      %sign3A_1239 = arith.extui %sign3A_1238 : i1 to i32
      %sign3A_1240 = arith.constant 0 : i32
      %sign3A_1241 = arith.cmpi slt, %add3A_1214, %sign3A_1240 : i32
      %sign3A_1242 = arith.extui %sign3A_1241 : i1 to i32
      %sign3A_1243 = arith.subi %sign3A_1239, %sign3A_1242 : i32
      %sign3A_1244 = arith.constant 0 : i32
      %sign3A_1245 = arith.cmpi sgt, %jit3A_1235, %sign3A_1244 : i32
      %sign3A_1246 = arith.extui %sign3A_1245 : i1 to i32
      %sign3A_1247 = arith.constant 0 : i32
      %sign3A_1248 = arith.cmpi slt, %jit3A_1235, %sign3A_1247 : i32
      %sign3A_1249 = arith.extui %sign3A_1248 : i1 to i32
      %sign3A_1250 = arith.subi %sign3A_1246, %sign3A_1249 : i32
      %ne3A_1251 = arith.cmpi ne, %sign3A_1243, %sign3A_1250 : i32
      %rem3A_1252 = arith.remsi %add3A_1214, %jit3A_1235 : i32
      %ne3A_1253 = arith.constant 0 : i32
      %ne3A_1254 = arith.cmpi ne, %rem3A_1252, %ne3A_1253 : i32
      %and3A_1255 = arith.andi %ne3A_1251, %ne3A_1254 : i1
      %sub3A_1256 = arith.constant 1 : i32
      %sub3A_1257 = arith.subi %div3A_1236, %sub3A_1256 : i32
      %select_n3A_1258 = arith.select %and3A_1255, %sub3A_1257, %div3A_1236 : i32
      %mul3A_1259 = arith.constant 4 : i32
      %mul3A_1260 = arith.muli %mul3A_1259, %add3A : i32
      %jit3A_1261 = arith.constant 2 : i32
      %eq3A_1262 = arith.constant 0 : i32
      %eq3A_1263 = arith.cmpi eq, %jit3A_1261, %eq3A_1262 : i32
      %jit3A_1264 = arith.constant 1 : i32
      %select_n3A_1265 = arith.select %eq3A_1263, %jit3A_1264, %jit3A_1261 : i32
      %rem3A_1266 = arith.remsi %add3A_1214, %select_n3A_1265 : i32
      %ne3A_1267 = arith.constant 0 : i32
      %ne3A_1268 = arith.cmpi ne, %rem3A_1266, %ne3A_1267 : i32
      %lt3A_1269 = arith.constant 0 : i32
      %lt3A_1270 = arith.cmpi slt, %rem3A_1266, %lt3A_1269 : i32
      %lt3A_1271 = arith.constant 0 : i32
      %lt3A_1272 = arith.cmpi slt, %select_n3A_1265, %lt3A_1271 : i32
      %ne3A_1273 = arith.xori %lt3A_1270, %lt3A_1272 : i1
      %and3A_1274 = arith.andi %ne3A_1273, %ne3A_1268 : i1
      %add3A_1275 = arith.addi %rem3A_1266, %select_n3A_1265 : i32
      %select_n3A_1276 = arith.select %and3A_1274, %add3A_1275, %rem3A_1266 : i32
      %mul3A_1277 = arith.constant 2 : i32
      %mul3A_1278 = arith.muli %select_n3A_1276, %mul3A_1277 : i32
      %add3A_1279 = arith.addi %mul3A_1260, %mul3A_1278 : i32
      %mul3A_1280 = arith.constant 8 : i32
      %mul3A_1281 = arith.muli %select_n3A_1258, %mul3A_1280 : i32
      %add3A_1282 = arith.constant 0 : i32
      %add3A_1283 = arith.addi %mul3A_1281, %add3A_1282 : i32
      %mul3A_1284 = arith.constant 131072 : i32
      %mul3A_1285 = arith.muli %add3A_1283, %mul3A_1284 : i32
      %mul3A_1286 = arith.constant 1024 : i32
      %mul3A_1287 = arith.muli %add3A_1279, %mul3A_1286 : i32
      %add3A_1288 = arith.addi %mul3A_1285, %mul3A_1287 : i32
      %dma_start3A_1289 = arith.constant 0 : i32
      %dma_start3A_1290 = tpu.memref_slice %arg9[%dma_start3A_1289] : memref<16384xf32, #tpu.memory_space<vmem>> -> memref<2048xf32, #tpu.memory_space<vmem>>
      %dma_start3A_1291 = tpu.memref_slice %arg4[%add3A_1288] : memref<52428800xf32, #tpu.memory_space<hbm>> -> memref<2048xf32, #tpu.memory_space<hbm>>
      %dma_start3A_1292 = tpu.memref_slice %arg4[%add3A_1288] : memref<52428800xf32, #tpu.memory_space<hbm>> -> memref<2048xf32, #tpu.memory_space<hbm>>
      %dma_start3A_1293 = arith.constant 0 : i32
      %dma_start3A_1294 = tpu.memref_slice %arg9[%dma_start3A_1293] : memref<16384xf32, #tpu.memory_space<vmem>> -> memref<2048xf32, #tpu.memory_space<vmem>>
      tpu.enqueue_dma source(%dma_start3A_1294 : memref<2048xf32, #tpu.memory_space<vmem>>) target(%dma_start3A_1292 : memref<2048xf32, #tpu.memory_space<hbm>>) target_semaphore(%arg14 : memref<!tpu.dma_semaphore, #tpu.memory_space<semaphore_mem>>)
      %mul3A_1295 = arith.constant 8 : i32
      %mul3A_1296 = arith.muli %select_n3A_1258, %mul3A_1295 : i32
      %add3A_1297 = arith.constant 1 : i32
      %add3A_1298 = arith.addi %mul3A_1296, %add3A_1297 : i32
      %mul3A_1299 = arith.constant 131072 : i32
      %mul3A_1300 = arith.muli %add3A_1298, %mul3A_1299 : i32
      %mul3A_1301 = arith.constant 1024 : i32
      %mul3A_1302 = arith.muli %add3A_1279, %mul3A_1301 : i32
      %add3A_1303 = arith.addi %mul3A_1300, %mul3A_1302 : i32
      %dma_start3A_1304 = arith.constant 2048 : i32
      %dma_start3A_1305 = tpu.memref_slice %arg9[%dma_start3A_1304] : memref<16384xf32, #tpu.memory_space<vmem>> -> memref<2048xf32, #tpu.memory_space<vmem>>
      %dma_start3A_1306 = tpu.memref_slice %arg4[%add3A_1303] : memref<52428800xf32, #tpu.memory_space<hbm>> -> memref<2048xf32, #tpu.memory_space<hbm>>
      %dma_start3A_1307 = tpu.memref_slice %arg4[%add3A_1303] : memref<52428800xf32, #tpu.memory_space<hbm>> -> memref<2048xf32, #tpu.memory_space<hbm>>
      %dma_start3A_1308 = arith.constant 2048 : i32
      %dma_start3A_1309 = tpu.memref_slice %arg9[%dma_start3A_1308] : memref<16384xf32, #tpu.memory_space<vmem>> -> memref<2048xf32, #tpu.memory_space<vmem>>
      tpu.enqueue_dma source(%dma_start3A_1309 : memref<2048xf32, #tpu.memory_space<vmem>>) target(%dma_start3A_1307 : memref<2048xf32, #tpu.memory_space<hbm>>) target_semaphore(%arg14 : memref<!tpu.dma_semaphore, #tpu.memory_space<semaphore_mem>>)
      %mul3A_1310 = arith.constant 8 : i32
      %mul3A_1311 = arith.muli %select_n3A_1258, %mul3A_1310 : i32
      %add3A_1312 = arith.constant 2 : i32
      %add3A_1313 = arith.addi %mul3A_1311, %add3A_1312 : i32
      %mul3A_1314 = arith.constant 131072 : i32
      %mul3A_1315 = arith.muli %add3A_1313, %mul3A_1314 : i32
      %mul3A_1316 = arith.constant 1024 : i32
      %mul3A_1317 = arith.muli %add3A_1279, %mul3A_1316 : i32
      %add3A_1318 = arith.addi %mul3A_1315, %mul3A_1317 : i32
      %dma_start3A_1319 = arith.constant 4096 : i32
      %dma_start3A_1320 = tpu.memref_slice %arg9[%dma_start3A_1319] : memref<16384xf32, #tpu.memory_space<vmem>> -> memref<2048xf32, #tpu.memory_space<vmem>>
      %dma_start3A_1321 = tpu.memref_slice %arg4[%add3A_1318] : memref<52428800xf32, #tpu.memory_space<hbm>> -> memref<2048xf32, #tpu.memory_space<hbm>>
      %dma_start3A_1322 = tpu.memref_slice %arg4[%add3A_1318] : memref<52428800xf32, #tpu.memory_space<hbm>> -> memref<2048xf32, #tpu.memory_space<hbm>>
      %dma_start3A_1323 = arith.constant 4096 : i32
      %dma_start3A_1324 = tpu.memref_slice %arg9[%dma_start3A_1323] : memref<16384xf32, #tpu.memory_space<vmem>> -> memref<2048xf32, #tpu.memory_space<vmem>>
      tpu.enqueue_dma source(%dma_start3A_1324 : memref<2048xf32, #tpu.memory_space<vmem>>) target(%dma_start3A_1322 : memref<2048xf32, #tpu.memory_space<hbm>>) target_semaphore(%arg14 : memref<!tpu.dma_semaphore, #tpu.memory_space<semaphore_mem>>)
      %mul3A_1325 = arith.constant 8 : i32
      %mul3A_1326 = arith.muli %select_n3A_1258, %mul3A_1325 : i32
      %add3A_1327 = arith.constant 3 : i32
      %add3A_1328 = arith.addi %mul3A_1326, %add3A_1327 : i32
      %mul3A_1329 = arith.constant 131072 : i32
      %mul3A_1330 = arith.muli %add3A_1328, %mul3A_1329 : i32
      %mul3A_1331 = arith.constant 1024 : i32
      %mul3A_1332 = arith.muli %add3A_1279, %mul3A_1331 : i32
      %add3A_1333 = arith.addi %mul3A_1330, %mul3A_1332 : i32
      %dma_start3A_1334 = arith.constant 6144 : i32
      %dma_start3A_1335 = tpu.memref_slice %arg9[%dma_start3A_1334] : memref<16384xf32, #tpu.memory_space<vmem>> -> memref<2048xf32, #tpu.memory_space<vmem>>
      %dma_start3A_1336 = tpu.memref_slice %arg4[%add3A_1333] : memref<52428800xf32, #tpu.memory_space<hbm>> -> memref<2048xf32, #tpu.memory_space<hbm>>
      %dma_start3A_1337 = tpu.memref_slice %arg4[%add3A_1333] : memref<52428800xf32, #tpu.memory_space<hbm>> -> memref<2048xf32, #tpu.memory_space<hbm>>
      %dma_start3A_1338 = arith.constant 6144 : i32
      %dma_start3A_1339 = tpu.memref_slice %arg9[%dma_start3A_1338] : memref<16384xf32, #tpu.memory_space<vmem>> -> memref<2048xf32, #tpu.memory_space<vmem>>
      tpu.enqueue_dma source(%dma_start3A_1339 : memref<2048xf32, #tpu.memory_space<vmem>>) target(%dma_start3A_1337 : memref<2048xf32, #tpu.memory_space<hbm>>) target_semaphore(%arg14 : memref<!tpu.dma_semaphore, #tpu.memory_space<semaphore_mem>>)
      %mul3A_1340 = arith.constant 8 : i32
      %mul3A_1341 = arith.muli %select_n3A_1258, %mul3A_1340 : i32
      %add3A_1342 = arith.constant 4 : i32
      %add3A_1343 = arith.addi %mul3A_1341, %add3A_1342 : i32
      %mul3A_1344 = arith.constant 131072 : i32
      %mul3A_1345 = arith.muli %add3A_1343, %mul3A_1344 : i32
      %mul3A_1346 = arith.constant 1024 : i32
      %mul3A_1347 = arith.muli %add3A_1279, %mul3A_1346 : i32
      %add3A_1348 = arith.addi %mul3A_1345, %mul3A_1347 : i32
      %dma_start3A_1349 = arith.constant 8192 : i32
      %dma_start3A_1350 = tpu.memref_slice %arg9[%dma_start3A_1349] : memref<16384xf32, #tpu.memory_space<vmem>> -> memref<2048xf32, #tpu.memory_space<vmem>>
      %dma_start3A_1351 = tpu.memref_slice %arg4[%add3A_1348] : memref<52428800xf32, #tpu.memory_space<hbm>> -> memref<2048xf32, #tpu.memory_space<hbm>>
      %dma_start3A_1352 = tpu.memref_slice %arg4[%add3A_1348] : memref<52428800xf32, #tpu.memory_space<hbm>> -> memref<2048xf32, #tpu.memory_space<hbm>>
      %dma_start3A_1353 = arith.constant 8192 : i32
      %dma_start3A_1354 = tpu.memref_slice %arg9[%dma_start3A_1353] : memref<16384xf32, #tpu.memory_space<vmem>> -> memref<2048xf32, #tpu.memory_space<vmem>>
      tpu.enqueue_dma source(%dma_start3A_1354 : memref<2048xf32, #tpu.memory_space<vmem>>) target(%dma_start3A_1352 : memref<2048xf32, #tpu.memory_space<hbm>>) target_semaphore(%arg14 : memref<!tpu.dma_semaphore, #tpu.memory_space<semaphore_mem>>)
      %mul3A_1355 = arith.constant 8 : i32
      %mul3A_1356 = arith.muli %select_n3A_1258, %mul3A_1355 : i32
      %add3A_1357 = arith.constant 5 : i32
      %add3A_1358 = arith.addi %mul3A_1356, %add3A_1357 : i32
      %mul3A_1359 = arith.constant 131072 : i32
      %mul3A_1360 = arith.muli %add3A_1358, %mul3A_1359 : i32
      %mul3A_1361 = arith.constant 1024 : i32
      %mul3A_1362 = arith.muli %add3A_1279, %mul3A_1361 : i32
      %add3A_1363 = arith.addi %mul3A_1360, %mul3A_1362 : i32
      %dma_start3A_1364 = arith.constant 10240 : i32
      %dma_start3A_1365 = tpu.memref_slice %arg9[%dma_start3A_1364] : memref<16384xf32, #tpu.memory_space<vmem>> -> memref<2048xf32, #tpu.memory_space<vmem>>
      %dma_start3A_1366 = tpu.memref_slice %arg4[%add3A_1363] : memref<52428800xf32, #tpu.memory_space<hbm>> -> memref<2048xf32, #tpu.memory_space<hbm>>
      %dma_start3A_1367 = tpu.memref_slice %arg4[%add3A_1363] : memref<52428800xf32, #tpu.memory_space<hbm>> -> memref<2048xf32, #tpu.memory_space<hbm>>
      %dma_start3A_1368 = arith.constant 10240 : i32
      %dma_start3A_1369 = tpu.memref_slice %arg9[%dma_start3A_1368] : memref<16384xf32, #tpu.memory_space<vmem>> -> memref<2048xf32, #tpu.memory_space<vmem>>
      tpu.enqueue_dma source(%dma_start3A_1369 : memref<2048xf32, #tpu.memory_space<vmem>>) target(%dma_start3A_1367 : memref<2048xf32, #tpu.memory_space<hbm>>) target_semaphore(%arg14 : memref<!tpu.dma_semaphore, #tpu.memory_space<semaphore_mem>>)
      %mul3A_1370 = arith.constant 8 : i32
      %mul3A_1371 = arith.muli %select_n3A_1258, %mul3A_1370 : i32
      %add3A_1372 = arith.constant 6 : i32
      %add3A_1373 = arith.addi %mul3A_1371, %add3A_1372 : i32
      %mul3A_1374 = arith.constant 131072 : i32
      %mul3A_1375 = arith.muli %add3A_1373, %mul3A_1374 : i32
      %mul3A_1376 = arith.constant 1024 : i32
      %mul3A_1377 = arith.muli %add3A_1279, %mul3A_1376 : i32
      %add3A_1378 = arith.addi %mul3A_1375, %mul3A_1377 : i32
      %dma_start3A_1379 = arith.constant 12288 : i32
      %dma_start3A_1380 = tpu.memref_slice %arg9[%dma_start3A_1379] : memref<16384xf32, #tpu.memory_space<vmem>> -> memref<2048xf32, #tpu.memory_space<vmem>>
      %dma_start3A_1381 = tpu.memref_slice %arg4[%add3A_1378] : memref<52428800xf32, #tpu.memory_space<hbm>> -> memref<2048xf32, #tpu.memory_space<hbm>>
      %dma_start3A_1382 = tpu.memref_slice %arg4[%add3A_1378] : memref<52428800xf32, #tpu.memory_space<hbm>> -> memref<2048xf32, #tpu.memory_space<hbm>>
      %dma_start3A_1383 = arith.constant 12288 : i32
      %dma_start3A_1384 = tpu.memref_slice %arg9[%dma_start3A_1383] : memref<16384xf32, #tpu.memory_space<vmem>> -> memref<2048xf32, #tpu.memory_space<vmem>>
      tpu.enqueue_dma source(%dma_start3A_1384 : memref<2048xf32, #tpu.memory_space<vmem>>) target(%dma_start3A_1382 : memref<2048xf32, #tpu.memory_space<hbm>>) target_semaphore(%arg14 : memref<!tpu.dma_semaphore, #tpu.memory_space<semaphore_mem>>)
      %mul3A_1385 = arith.constant 8 : i32
      %mul3A_1386 = arith.muli %select_n3A_1258, %mul3A_1385 : i32
      %add3A_1387 = arith.constant 7 : i32
      %add3A_1388 = arith.addi %mul3A_1386, %add3A_1387 : i32
      %mul3A_1389 = arith.constant 131072 : i32
      %mul3A_1390 = arith.muli %add3A_1388, %mul3A_1389 : i32
      %mul3A_1391 = arith.constant 1024 : i32
      %mul3A_1392 = arith.muli %add3A_1279, %mul3A_1391 : i32
      %add3A_1393 = arith.addi %mul3A_1390, %mul3A_1392 : i32
      %dma_start3A_1394 = arith.constant 14336 : i32
      %dma_start3A_1395 = tpu.memref_slice %arg9[%dma_start3A_1394] : memref<16384xf32, #tpu.memory_space<vmem>> -> memref<2048xf32, #tpu.memory_space<vmem>>
      %dma_start3A_1396 = tpu.memref_slice %arg4[%add3A_1393] : memref<52428800xf32, #tpu.memory_space<hbm>> -> memref<2048xf32, #tpu.memory_space<hbm>>
      %dma_start3A_1397 = tpu.memref_slice %arg4[%add3A_1393] : memref<52428800xf32, #tpu.memory_space<hbm>> -> memref<2048xf32, #tpu.memory_space<hbm>>
      %dma_start3A_1398 = arith.constant 14336 : i32
      %dma_start3A_1399 = tpu.memref_slice %arg9[%dma_start3A_1398] : memref<16384xf32, #tpu.memory_space<vmem>> -> memref<2048xf32, #tpu.memory_space<vmem>>
      tpu.enqueue_dma source(%dma_start3A_1399 : memref<2048xf32, #tpu.memory_space<vmem>>) target(%dma_start3A_1397 : memref<2048xf32, #tpu.memory_space<hbm>>) target_semaphore(%arg14 : memref<!tpu.dma_semaphore, #tpu.memory_space<semaphore_mem>>)
    }
    %scan3A_906 = arith.constant 50 : i32
    %dma_wait3A_907 = arith.constant 0 : i32
    %dma_wait3A_908 = tpu.memref_slice %arg8[%dma_wait3A_907] : memref<16384xf32, #tpu.memory_space<vmem>> -> memref<2048xf32, #tpu.memory_space<vmem>>
    %dma_wait3A_909 = arith.constant 0 : i32
    %dma_wait3A_910 = tpu.memref_slice %arg4[%dma_wait3A_909] : memref<52428800xf32, #tpu.memory_space<hbm>> -> memref<2048xf32, #tpu.memory_space<hbm>>
    %dma_wait3A_911 = arith.constant 0 : i32
    %dma_wait3A_912 = tpu.memref_slice %arg4[%dma_wait3A_911] : memref<52428800xf32, #tpu.memory_space<hbm>> -> memref<2048xf32, #tpu.memory_space<hbm>>
    %dma_wait3A_913 = arith.constant 0 : i32
    %dma_wait3A_914 = tpu.memref_slice %arg8[%dma_wait3A_913] : memref<16384xf32, #tpu.memory_space<vmem>> -> memref<2048xf32, #tpu.memory_space<vmem>>
    tpu.wait_dma2 semaphore(%arg13 : memref<!tpu.dma_semaphore, #tpu.memory_space<semaphore_mem>>) src(%dma_wait3A_914 : memref<2048xf32, #tpu.memory_space<vmem>>) dst(%dma_wait3A_912 : memref<2048xf32, #tpu.memory_space<hbm>>)
    %dma_wait3A_915 = arith.constant 0 : i32
    %dma_wait3A_916 = tpu.memref_slice %arg8[%dma_wait3A_915] : memref<16384xf32, #tpu.memory_space<vmem>> -> memref<2048xf32, #tpu.memory_space<vmem>>
    %dma_wait3A_917 = arith.constant 0 : i32
    %dma_wait3A_918 = tpu.memref_slice %arg4[%dma_wait3A_917] : memref<52428800xf32, #tpu.memory_space<hbm>> -> memref<2048xf32, #tpu.memory_space<hbm>>
    %dma_wait3A_919 = arith.constant 0 : i32
    %dma_wait3A_920 = tpu.memref_slice %arg4[%dma_wait3A_919] : memref<52428800xf32, #tpu.memory_space<hbm>> -> memref<2048xf32, #tpu.memory_space<hbm>>
    %dma_wait3A_921 = arith.constant 0 : i32
    %dma_wait3A_922 = tpu.memref_slice %arg8[%dma_wait3A_921] : memref<16384xf32, #tpu.memory_space<vmem>> -> memref<2048xf32, #tpu.memory_space<vmem>>
    tpu.wait_dma2 semaphore(%arg13 : memref<!tpu.dma_semaphore, #tpu.memory_space<semaphore_mem>>) src(%dma_wait3A_922 : memref<2048xf32, #tpu.memory_space<vmem>>) dst(%dma_wait3A_920 : memref<2048xf32, #tpu.memory_space<hbm>>)
    %dma_wait3A_923 = arith.constant 0 : i32
    %dma_wait3A_924 = tpu.memref_slice %arg8[%dma_wait3A_923] : memref<16384xf32, #tpu.memory_space<vmem>> -> memref<2048xf32, #tpu.memory_space<vmem>>
    %dma_wait3A_925 = arith.constant 0 : i32
    %dma_wait3A_926 = tpu.memref_slice %arg4[%dma_wait3A_925] : memref<52428800xf32, #tpu.memory_space<hbm>> -> memref<2048xf32, #tpu.memory_space<hbm>>
    %dma_wait3A_927 = arith.constant 0 : i32
    %dma_wait3A_928 = tpu.memref_slice %arg4[%dma_wait3A_927] : memref<52428800xf32, #tpu.memory_space<hbm>> -> memref<2048xf32, #tpu.memory_space<hbm>>
    %dma_wait3A_929 = arith.constant 0 : i32
    %dma_wait3A_930 = tpu.memref_slice %arg8[%dma_wait3A_929] : memref<16384xf32, #tpu.memory_space<vmem>> -> memref<2048xf32, #tpu.memory_space<vmem>>
    tpu.wait_dma2 semaphore(%arg13 : memref<!tpu.dma_semaphore, #tpu.memory_space<semaphore_mem>>) src(%dma_wait3A_930 : memref<2048xf32, #tpu.memory_space<vmem>>) dst(%dma_wait3A_928 : memref<2048xf32, #tpu.memory_space<hbm>>)
    %dma_wait3A_931 = arith.constant 0 : i32
    %dma_wait3A_932 = tpu.memref_slice %arg8[%dma_wait3A_931] : memref<16384xf32, #tpu.memory_space<vmem>> -> memref<2048xf32, #tpu.memory_space<vmem>>
    %dma_wait3A_933 = arith.constant 0 : i32
    %dma_wait3A_934 = tpu.memref_slice %arg4[%dma_wait3A_933] : memref<52428800xf32, #tpu.memory_space<hbm>> -> memref<2048xf32, #tpu.memory_space<hbm>>
    %dma_wait3A_935 = arith.constant 0 : i32
    %dma_wait3A_936 = tpu.memref_slice %arg4[%dma_wait3A_935] : memref<52428800xf32, #tpu.memory_space<hbm>> -> memref<2048xf32, #tpu.memory_space<hbm>>
    %dma_wait3A_937 = arith.constant 0 : i32
    %dma_wait3A_938 = tpu.memref_slice %arg8[%dma_wait3A_937] : memref<16384xf32, #tpu.memory_space<vmem>> -> memref<2048xf32, #tpu.memory_space<vmem>>
    tpu.wait_dma2 semaphore(%arg13 : memref<!tpu.dma_semaphore, #tpu.memory_space<semaphore_mem>>) src(%dma_wait3A_938 : memref<2048xf32, #tpu.memory_space<vmem>>) dst(%dma_wait3A_936 : memref<2048xf32, #tpu.memory_space<hbm>>)
    %dma_wait3A_939 = arith.constant 0 : i32
    %dma_wait3A_940 = tpu.memref_slice %arg8[%dma_wait3A_939] : memref<16384xf32, #tpu.memory_space<vmem>> -> memref<2048xf32, #tpu.memory_space<vmem>>
    %dma_wait3A_941 = arith.constant 0 : i32
    %dma_wait3A_942 = tpu.memref_slice %arg4[%dma_wait3A_941] : memref<52428800xf32, #tpu.memory_space<hbm>> -> memref<2048xf32, #tpu.memory_space<hbm>>
    %dma_wait3A_943 = arith.constant 0 : i32
    %dma_wait3A_944 = tpu.memref_slice %arg4[%dma_wait3A_943] : memref<52428800xf32, #tpu.memory_space<hbm>> -> memref<2048xf32, #tpu.memory_space<hbm>>
    %dma_wait3A_945 = arith.constant 0 : i32
    %dma_wait3A_946 = tpu.memref_slice %arg8[%dma_wait3A_945] : memref<16384xf32, #tpu.memory_space<vmem>> -> memref<2048xf32, #tpu.memory_space<vmem>>
    tpu.wait_dma2 semaphore(%arg13 : memref<!tpu.dma_semaphore, #tpu.memory_space<semaphore_mem>>) src(%dma_wait3A_946 : memref<2048xf32, #tpu.memory_space<vmem>>) dst(%dma_wait3A_944 : memref<2048xf32, #tpu.memory_space<hbm>>)
    %dma_wait3A_947 = arith.constant 0 : i32
    %dma_wait3A_948 = tpu.memref_slice %arg8[%dma_wait3A_947] : memref<16384xf32, #tpu.memory_space<vmem>> -> memref<2048xf32, #tpu.memory_space<vmem>>
    %dma_wait3A_949 = arith.constant 0 : i32
    %dma_wait3A_950 = tpu.memref_slice %arg4[%dma_wait3A_949] : memref<52428800xf32, #tpu.memory_space<hbm>> -> memref<2048xf32, #tpu.memory_space<hbm>>
    %dma_wait3A_951 = arith.constant 0 : i32
    %dma_wait3A_952 = tpu.memref_slice %arg4[%dma_wait3A_951] : memref<52428800xf32, #tpu.memory_space<hbm>> -> memref<2048xf32, #tpu.memory_space<hbm>>
    %dma_wait3A_953 = arith.constant 0 : i32
    %dma_wait3A_954 = tpu.memref_slice %arg8[%dma_wait3A_953] : memref<16384xf32, #tpu.memory_space<vmem>> -> memref<2048xf32, #tpu.memory_space<vmem>>
    tpu.wait_dma2 semaphore(%arg13 : memref<!tpu.dma_semaphore, #tpu.memory_space<semaphore_mem>>) src(%dma_wait3A_954 : memref<2048xf32, #tpu.memory_space<vmem>>) dst(%dma_wait3A_952 : memref<2048xf32, #tpu.memory_space<hbm>>)
    %dma_wait3A_955 = arith.constant 0 : i32
    %dma_wait3A_956 = tpu.memref_slice %arg8[%dma_wait3A_955] : memref<16384xf32, #tpu.memory_space<vmem>> -> memref<2048xf32, #tpu.memory_space<vmem>>
    %dma_wait3A_957 = arith.constant 0 : i32
    %dma_wait3A_958 = tpu.memref_slice %arg4[%dma_wait3A_957] : memref<52428800xf32, #tpu.memory_space<hbm>> -> memref<2048xf32, #tpu.memory_space<hbm>>
    %dma_wait3A_959 = arith.constant 0 : i32
    %dma_wait3A_960 = tpu.memref_slice %arg4[%dma_wait3A_959] : memref<52428800xf32, #tpu.memory_space<hbm>> -> memref<2048xf32, #tpu.memory_space<hbm>>
    %dma_wait3A_961 = arith.constant 0 : i32
    %dma_wait3A_962 = tpu.memref_slice %arg8[%dma_wait3A_961] : memref<16384xf32, #tpu.memory_space<vmem>> -> memref<2048xf32, #tpu.memory_space<vmem>>
    tpu.wait_dma2 semaphore(%arg13 : memref<!tpu.dma_semaphore, #tpu.memory_space<semaphore_mem>>) src(%dma_wait3A_962 : memref<2048xf32, #tpu.memory_space<vmem>>) dst(%dma_wait3A_960 : memref<2048xf32, #tpu.memory_space<hbm>>)
    %dma_wait3A_963 = arith.constant 0 : i32
    %dma_wait3A_964 = tpu.memref_slice %arg8[%dma_wait3A_963] : memref<16384xf32, #tpu.memory_space<vmem>> -> memref<2048xf32, #tpu.memory_space<vmem>>
    %dma_wait3A_965 = arith.constant 0 : i32
    %dma_wait3A_966 = tpu.memref_slice %arg4[%dma_wait3A_965] : memref<52428800xf32, #tpu.memory_space<hbm>> -> memref<2048xf32, #tpu.memory_space<hbm>>
    %dma_wait3A_967 = arith.constant 0 : i32
    %dma_wait3A_968 = tpu.memref_slice %arg4[%dma_wait3A_967] : memref<52428800xf32, #tpu.memory_space<hbm>> -> memref<2048xf32, #tpu.memory_space<hbm>>
    %dma_wait3A_969 = arith.constant 0 : i32
    %dma_wait3A_970 = tpu.memref_slice %arg8[%dma_wait3A_969] : memref<16384xf32, #tpu.memory_space<vmem>> -> memref<2048xf32, #tpu.memory_space<vmem>>
    tpu.wait_dma2 semaphore(%arg13 : memref<!tpu.dma_semaphore, #tpu.memory_space<semaphore_mem>>) src(%dma_wait3A_970 : memref<2048xf32, #tpu.memory_space<vmem>>) dst(%dma_wait3A_968 : memref<2048xf32, #tpu.memory_space<hbm>>)
    %dma_wait3A_971 = arith.constant 0 : i32
    %dma_wait3A_972 = tpu.memref_slice %arg9[%dma_wait3A_971] : memref<16384xf32, #tpu.memory_space<vmem>> -> memref<2048xf32, #tpu.memory_space<vmem>>
    %dma_wait3A_973 = arith.constant 0 : i32
    %dma_wait3A_974 = tpu.memref_slice %arg4[%dma_wait3A_973] : memref<52428800xf32, #tpu.memory_space<hbm>> -> memref<2048xf32, #tpu.memory_space<hbm>>
    %dma_wait3A_975 = arith.constant 0 : i32
    %dma_wait3A_976 = tpu.memref_slice %arg4[%dma_wait3A_975] : memref<52428800xf32, #tpu.memory_space<hbm>> -> memref<2048xf32, #tpu.memory_space<hbm>>
    %dma_wait3A_977 = arith.constant 0 : i32
    %dma_wait3A_978 = tpu.memref_slice %arg9[%dma_wait3A_977] : memref<16384xf32, #tpu.memory_space<vmem>> -> memref<2048xf32, #tpu.memory_space<vmem>>
    tpu.wait_dma2 semaphore(%arg14 : memref<!tpu.dma_semaphore, #tpu.memory_space<semaphore_mem>>) src(%dma_wait3A_978 : memref<2048xf32, #tpu.memory_space<vmem>>) dst(%dma_wait3A_976 : memref<2048xf32, #tpu.memory_space<hbm>>)
    %dma_wait3A_979 = arith.constant 0 : i32
    %dma_wait3A_980 = tpu.memref_slice %arg9[%dma_wait3A_979] : memref<16384xf32, #tpu.memory_space<vmem>> -> memref<2048xf32, #tpu.memory_space<vmem>>
    %dma_wait3A_981 = arith.constant 0 : i32
    %dma_wait3A_982 = tpu.memref_slice %arg4[%dma_wait3A_981] : memref<52428800xf32, #tpu.memory_space<hbm>> -> memref<2048xf32, #tpu.memory_space<hbm>>
    %dma_wait3A_983 = arith.constant 0 : i32
    %dma_wait3A_984 = tpu.memref_slice %arg4[%dma_wait3A_983] : memref<52428800xf32, #tpu.memory_space<hbm>> -> memref<2048xf32, #tpu.memory_space<hbm>>
    %dma_wait3A_985 = arith.constant 0 : i32
    %dma_wait3A_986 = tpu.memref_slice %arg9[%dma_wait3A_985] : memref<16384xf32, #tpu.memory_space<vmem>> -> memref<2048xf32, #tpu.memory_space<vmem>>
    tpu.wait_dma2 semaphore(%arg14 : memref<!tpu.dma_semaphore, #tpu.memory_space<semaphore_mem>>) src(%dma_wait3A_986 : memref<2048xf32, #tpu.memory_space<vmem>>) dst(%dma_wait3A_984 : memref<2048xf32, #tpu.memory_space<hbm>>)
    %dma_wait3A_987 = arith.constant 0 : i32
    %dma_wait3A_988 = tpu.memref_slice %arg9[%dma_wait3A_987] : memref<16384xf32, #tpu.memory_space<vmem>> -> memref<2048xf32, #tpu.memory_space<vmem>>
    %dma_wait3A_989 = arith.constant 0 : i32
    %dma_wait3A_990 = tpu.memref_slice %arg4[%dma_wait3A_989] : memref<52428800xf32, #tpu.memory_space<hbm>> -> memref<2048xf32, #tpu.memory_space<hbm>>
    %dma_wait3A_991 = arith.constant 0 : i32
    %dma_wait3A_992 = tpu.memref_slice %arg4[%dma_wait3A_991] : memref<52428800xf32, #tpu.memory_space<hbm>> -> memref<2048xf32, #tpu.memory_space<hbm>>
    %dma_wait3A_993 = arith.constant 0 : i32
    %dma_wait3A_994 = tpu.memref_slice %arg9[%dma_wait3A_993] : memref<16384xf32, #tpu.memory_space<vmem>> -> memref<2048xf32, #tpu.memory_space<vmem>>
    tpu.wait_dma2 semaphore(%arg14 : memref<!tpu.dma_semaphore, #tpu.memory_space<semaphore_mem>>) src(%dma_wait3A_994 : memref<2048xf32, #tpu.memory_space<vmem>>) dst(%dma_wait3A_992 : memref<2048xf32, #tpu.memory_space<hbm>>)
    %dma_wait3A_995 = arith.constant 0 : i32
    %dma_wait3A_996 = tpu.memref_slice %arg9[%dma_wait3A_995] : memref<16384xf32, #tpu.memory_space<vmem>> -> memref<2048xf32, #tpu.memory_space<vmem>>
    %dma_wait3A_997 = arith.constant 0 : i32
    %dma_wait3A_998 = tpu.memref_slice %arg4[%dma_wait3A_997] : memref<52428800xf32, #tpu.memory_space<hbm>> -> memref<2048xf32, #tpu.memory_space<hbm>>
    %dma_wait3A_999 = arith.constant 0 : i32
    %dma_wait3A_1000 = tpu.memref_slice %arg4[%dma_wait3A_999] : memref<52428800xf32, #tpu.memory_space<hbm>> -> memref<2048xf32, #tpu.memory_space<hbm>>
    %dma_wait3A_1001 = arith.constant 0 : i32
    %dma_wait3A_1002 = tpu.memref_slice %arg9[%dma_wait3A_1001] : memref<16384xf32, #tpu.memory_space<vmem>> -> memref<2048xf32, #tpu.memory_space<vmem>>
    tpu.wait_dma2 semaphore(%arg14 : memref<!tpu.dma_semaphore, #tpu.memory_space<semaphore_mem>>) src(%dma_wait3A_1002 : memref<2048xf32, #tpu.memory_space<vmem>>) dst(%dma_wait3A_1000 : memref<2048xf32, #tpu.memory_space<hbm>>)
    %dma_wait3A_1003 = arith.constant 0 : i32
    %dma_wait3A_1004 = tpu.memref_slice %arg9[%dma_wait3A_1003] : memref<16384xf32, #tpu.memory_space<vmem>> -> memref<2048xf32, #tpu.memory_space<vmem>>
    %dma_wait3A_1005 = arith.constant 0 : i32
    %dma_wait3A_1006 = tpu.memref_slice %arg4[%dma_wait3A_1005] : memref<52428800xf32, #tpu.memory_space<hbm>> -> memref<2048xf32, #tpu.memory_space<hbm>>
    %dma_wait3A_1007 = arith.constant 0 : i32
    %dma_wait3A_1008 = tpu.memref_slice %arg4[%dma_wait3A_1007] : memref<52428800xf32, #tpu.memory_space<hbm>> -> memref<2048xf32, #tpu.memory_space<hbm>>
    %dma_wait3A_1009 = arith.constant 0 : i32
    %dma_wait3A_1010 = tpu.memref_slice %arg9[%dma_wait3A_1009] : memref<16384xf32, #tpu.memory_space<vmem>> -> memref<2048xf32, #tpu.memory_space<vmem>>
    tpu.wait_dma2 semaphore(%arg14 : memref<!tpu.dma_semaphore, #tpu.memory_space<semaphore_mem>>) src(%dma_wait3A_1010 : memref<2048xf32, #tpu.memory_space<vmem>>) dst(%dma_wait3A_1008 : memref<2048xf32, #tpu.memory_space<hbm>>)
    %dma_wait3A_1011 = arith.constant 0 : i32
    %dma_wait3A_1012 = tpu.memref_slice %arg9[%dma_wait3A_1011] : memref<16384xf32, #tpu.memory_space<vmem>> -> memref<2048xf32, #tpu.memory_space<vmem>>
    %dma_wait3A_1013 = arith.constant 0 : i32
    %dma_wait3A_1014 = tpu.memref_slice %arg4[%dma_wait3A_1013] : memref<52428800xf32, #tpu.memory_space<hbm>> -> memref<2048xf32, #tpu.memory_space<hbm>>
    %dma_wait3A_1015 = arith.constant 0 : i32
    %dma_wait3A_1016 = tpu.memref_slice %arg4[%dma_wait3A_1015] : memref<52428800xf32, #tpu.memory_space<hbm>> -> memref<2048xf32, #tpu.memory_space<hbm>>
    %dma_wait3A_1017 = arith.constant 0 : i32
    %dma_wait3A_1018 = tpu.memref_slice %arg9[%dma_wait3A_1017] : memref<16384xf32, #tpu.memory_space<vmem>> -> memref<2048xf32, #tpu.memory_space<vmem>>
    tpu.wait_dma2 semaphore(%arg14 : memref<!tpu.dma_semaphore, #tpu.memory_space<semaphore_mem>>) src(%dma_wait3A_1018 : memref<2048xf32, #tpu.memory_space<vmem>>) dst(%dma_wait3A_1016 : memref<2048xf32, #tpu.memory_space<hbm>>)
    %dma_wait3A_1019 = arith.constant 0 : i32
    %dma_wait3A_1020 = tpu.memref_slice %arg9[%dma_wait3A_1019] : memref<16384xf32, #tpu.memory_space<vmem>> -> memref<2048xf32, #tpu.memory_space<vmem>>
    %dma_wait3A_1021 = arith.constant 0 : i32
    %dma_wait3A_1022 = tpu.memref_slice %arg4[%dma_wait3A_1021] : memref<52428800xf32, #tpu.memory_space<hbm>> -> memref<2048xf32, #tpu.memory_space<hbm>>
    %dma_wait3A_1023 = arith.constant 0 : i32
    %dma_wait3A_1024 = tpu.memref_slice %arg4[%dma_wait3A_1023] : memref<52428800xf32, #tpu.memory_space<hbm>> -> memref<2048xf32, #tpu.memory_space<hbm>>
    %dma_wait3A_1025 = arith.constant 0 : i32
    %dma_wait3A_1026 = tpu.memref_slice %arg9[%dma_wait3A_1025] : memref<16384xf32, #tpu.memory_space<vmem>> -> memref<2048xf32, #tpu.memory_space<vmem>>
    tpu.wait_dma2 semaphore(%arg14 : memref<!tpu.dma_semaphore, #tpu.memory_space<semaphore_mem>>) src(%dma_wait3A_1026 : memref<2048xf32, #tpu.memory_space<vmem>>) dst(%dma_wait3A_1024 : memref<2048xf32, #tpu.memory_space<hbm>>)
    %dma_wait3A_1027 = arith.constant 0 : i32
    %dma_wait3A_1028 = tpu.memref_slice %arg9[%dma_wait3A_1027] : memref<16384xf32, #tpu.memory_space<vmem>> -> memref<2048xf32, #tpu.memory_space<vmem>>
    %dma_wait3A_1029 = arith.constant 0 : i32
    %dma_wait3A_1030 = tpu.memref_slice %arg4[%dma_wait3A_1029] : memref<52428800xf32, #tpu.memory_space<hbm>> -> memref<2048xf32, #tpu.memory_space<hbm>>
    %dma_wait3A_1031 = arith.constant 0 : i32
    %dma_wait3A_1032 = tpu.memref_slice %arg4[%dma_wait3A_1031] : memref<52428800xf32, #tpu.memory_space<hbm>> -> memref<2048xf32, #tpu.memory_space<hbm>>
    %dma_wait3A_1033 = arith.constant 0 : i32
    %dma_wait3A_1034 = tpu.memref_slice %arg9[%dma_wait3A_1033] : memref<16384xf32, #tpu.memory_space<vmem>> -> memref<2048xf32, #tpu.memory_space<vmem>>
    tpu.wait_dma2 semaphore(%arg14 : memref<!tpu.dma_semaphore, #tpu.memory_space<semaphore_mem>>) src(%dma_wait3A_1034 : memref<2048xf32, #tpu.memory_space<vmem>>) dst(%dma_wait3A_1032 : memref<2048xf32, #tpu.memory_space<hbm>>)
    return
  }
}

</mosaic_0001>

<sc_bundles>
// kernel: kernel.3.cloned.1.call-start
scs
__scs_entry_jumppad:
0x0: {  	(pc) =	sbr.rel $0x88, $3  }
0x1: {  	(tag) =	ssettag $0x0;
	lr =	simm.s32 $0x1  }
0x2: {  	[smem:$0x3F9F] =	sst lr;
	_ =	strace $0xD0000000  }
0x3: {  	_ = 	snop  }
0x4: {  	_ = 	snop  }
0x5: {  	_ = 	snop  }
0x6: {  	_ = 	snop  }
0x7: {  	_ = 	snop  }
__scs_overlays_trampoline_lowered:
0x8: {  	[smem:$0x3FAE] =	sst s0  }
0x9: {  	[smem:$0x3FAF] =	sst s1  }
0xa: {  	[smem:$0x3FB0] =	sst s2  }
0xb: {  	[smem:$0x3FB1] =	sst s3  }
0xc: {  	[smem:$0x3FB2] =	sst s4  }
0xd: {  	[smem:$0x3FB3] =	sst s5  }
0xe: {  	[smem:$0x3FB4] =	sst s6  }
0xf: {  	[smem:$0x3FB5] =	sst s7  }
0x10: {  	[smem:$0x3FB6] =	sst s8  }
0x11: {  	[smem:$0x3FB7] =	sst s9;
	s0 =	simm.s32 @!p0 $0x0  }
0x12: {  	s1 =	sld [smem:$0x3F9D];
	s0 =	simm.s32 @p0 $0x1  }
0x13: {  	[smem:$0x3FB8] =	sst s0;
	s0 =	simm.s32 @!p1 $0x0  }
0x14: {  	s2 =	sld [smem:$0x3F9C];
	s0 =	simm.s32 @p1 $0x1  }
0x15: {  	[smem:$0x3FB9] =	sst s0;
	s0 =	simm.s32 @!p2 $0x0  }
0x16: {  	s3 =	sld [smem:$0x3FDB];
	s0 =	simm.s32 @p2 $0x1  }
0x17: {  	s4 =	simm.s32 $0x1BF5;
	[smem:$0x3FBB] =	sst s0  }
0x18: {  	s0 =	sld [smem:$0x3F9E];
	_ =	swait.ge [sflag:s4], $0x0  }
0x19: {  	s7 =	sld [smem:$0x3F9F]  }
0x1a: {  	s8 =	sadd.s32 $0xFFFFE003, lr  }
0x1b: {  	s9 =	sadd.s32 $0xFFFFFEF7, lr;
	s5 =	simm.s32 $0xFFFFFFFF;
	p2 =	slt.u32 s8, $0xFFFFF086  }
0x1c: {  	p1 =	slt.u32 s9, $0xF7A;
	s5 =	simm.s32 @!p2 $0x0  }
0x1d: {  	s5 =	simm.s32 @p1 $0x1;
	p0 =	seq.s32 s7, s2  }
0x1e: {  	s7 =	smul.u32 @!p0 $0xF7A, s2;
	p2 =	seq.s32 @!p0 s5, $0x0  }
0x1f: {  	s9 =	smul.u32 $0xF7A, s1;
	s8 =	simm.s32 @!p0 $0x1BF5;
	p2 =	por !p2, p0  }
0x20: {  	[sflag:s8] =	ssyncset.s32 @!p0 $0xFFFFF086;
	s6 =	sadd.s32 @!p0 s3, s7;
	s7 =	simm.s32 @!p0 $0x108  }
0x21: {  	s3 =	sadd.s32 s3, s9;
	s6 =	sadd.s32 @!p0 $0x88, s6;
	s7 =	simm.s32 @p2 $0x1082  }
0x22: {  	[simem:s7], [sflag:s8] =	dma.local @!p0 [hbm:s6], $0xF7A  }
0x23: {  	s9 =	sor.u32 $0xD0000000, s2;
	s6 =	simm.s32 $0x108;
	_ =	swait.ge @!p0 [sflag:s8], $0x0  }
0x24: {  	s3 =	sadd.s32 $0x88, s3;
	s6 =	simm.s32 @!p1 $0x1082;
	[sflag:s4] =	ssyncset.s32 $0xFFFFF086  }
0x25: {  	[simem:s6], [sflag:s4] =	dma.local [hbm:s3], $0xF7A  }
0x26: {  	[smem:$0x3F9F] =	sst s1;
	(tag) =	ssettag s2;
	_ =	strace s9  }
0x27: {  	s1 =	sld [smem:$0x3FAF]  }
0x28: {  	s2 =	sld [smem:$0x3FB0]  }
0x29: {  	s4 =	sld [smem:$0x3FB2]  }
0x2a: {  	p0 =	seq.s32 s5, $0x0;
	s5 =	sld [smem:$0x3FB3]  }
0x2b: {  	s6 =	sld [smem:$0x3FB4]  }
0x2c: {  	s7 =	sld [smem:$0x3FB5]  }
0x2d: {  	s3 =	simm.s32 $0x108;
	s8 =	sld [smem:$0x3FB6]  }
0x2e: {  	s3 =	simm.s32 @!p0 $0x1082;
	s9 =	sld [smem:$0x3FB7]  }
0x2f: {  	lr =	sadd.s32 s0, s3;
	s0 =	sld [smem:$0x3FAE]  }
0x30: {  	s3 =	sld [smem:$0x3FB1]  }
0x31: {  	[smem:$0x3FBA] =	sst s10  }
0x32: {  	s10 =	sld [smem:$0x3FB8];
	_ =	sdelay $0x3  }
0x33: {  	p0 =	seq.s32 s10, $0x1;
	s10 =	sld [smem:$0x3FBA];
	_ =	sdelay $0x3  }
0x34: {  	[smem:$0x3FBA] =	sst s10  }
0x35: {  	s10 =	sld [smem:$0x3FB9];
	_ =	sdelay $0x3  }
0x36: {  	p1 =	seq.s32 s10, $0x1;
	s10 =	sld [smem:$0x3FBA];
	_ =	sdelay $0x3  }
0x37: {  	[smem:$0x3FBA] =	sst s10  }
0x38: {  	s10 =	sld [smem:$0x3FBB]  }
0x39: {  	_ = 	snop;
	(pc) =	sbr.ind lr, $3  }
0x3a: {  	_ = 	snop  }
0x3b: {  	_ = 	snop  }
0x3c: {  	p2 =	seq.s32 s10, $0x1;
	s10 =	sld [smem:$0x3FBA]  }
0x3d: {  	_ =	shalt  }
0x3e: {  	_ =	shalt  }
0x3f: {  	_ =	shalt  }
0x40: {  	_ =	shalt  }
0x41: {  	_ =	shalt  }
0x42: {  	_ =	shalt  }
0x43: {  	_ =	shalt  }
0x44: {  	_ =	shalt  }
0x45: {  	_ =	shalt  }
0x46: {  	_ =	shalt  }
0x47: {  	_ =	shalt  }
0x48: {  	_ =	shalt  }
0x49: {  	_ =	shalt  }
0x4a: {  	_ =	shalt  }
0x4b: {  	_ =	shalt  }
0x4c: {  	_ =	shalt  }
0x4d: {  	_ =	shalt  }
0x4e: {  	_ =	shalt  }
0x4f: {  	_ =	shalt  }
0x50: {  	_ =	shalt  }
0x51: {  	_ =	shalt  }
0x52: {  	_ =	shalt  }
0x53: {  	_ =	shalt  }
0x54: {  	_ =	shalt  }
0x55: {  	_ =	shalt  }
0x56: {  	_ =	shalt  }
0x57: {  	_ =	shalt  }
0x58: {  	_ =	shalt  }
0x59: {  	_ =	shalt  }
0x5a: {  	_ =	shalt  }
0x5b: {  	_ =	shalt  }
0x5c: {  	_ =	shalt  }
0x5d: {  	_ =	shalt  }
0x5e: {  	_ =	shalt  }
0x5f: {  	_ =	shalt  }
0x60: {  	_ =	shalt  }
0x61: {  	_ =	shalt  }
0x62: {  	_ =	shalt  }
0x63: {  	_ =	shalt  }
0x64: {  	_ =	shalt  }
0x65: {  	_ =	shalt  }
0x66: {  	_ =	shalt  }
0x67: {  	_ =	shalt  }
0x68: {  	_ =	shalt  }
0x69: {  	_ =	shalt  }
0x6a: {  	_ =	shalt  }
0x6b: {  	_ =	shalt  }
0x6c: {  	_ =	shalt  }
0x6d: {  	_ =	shalt  }
0x6e: {  	_ =	shalt  }
0x6f: {  	_ =	shalt  }
0x70: {  	_ =	shalt  }
0x71: {  	_ =	shalt  }
0x72: {  	_ =	shalt  }
0x73: {  	_ =	shalt  }
0x74: {  	_ =	shalt  }
0x75: {  	_ =	shalt  }
0x76: {  	_ =	shalt  }
0x77: {  	_ =	shalt  }
0x78: {  	_ =	shalt  }
0x79: {  	_ =	shalt  }
0x7a: {  	_ =	shalt  }
0x7b: {  	_ =	shalt  }
0x7c: {  	_ =	shalt  }
0x7d: {  	_ =	shalt  }
0x7e: {  	_ =	shalt  }
0x7f: {  	_ =	shalt  }
0x80: {  	_ =	shalt  }
0x81: {  	_ =	shalt  }
0x82: {  	_ =	shalt  }
0x83: {  	_ =	shalt  }
0x84: {  	_ =	shalt  }
0x85: {  	_ =	shalt  }
0x86: {  	_ =	shalt  }
0x87: {  	_ =	shalt  }
.Lfunc_end0:
.L_simem_size_0:
called_computation_lowered:
.L_overlay_start_0:
0x88: {  	s2 =	sld [smem:$0x3FD9]  }
0x89: {  	s3 =	sld [smem:$0x3FFE];
	_ =	sdelay $0x1  }
0x8a: {  	s1 =	srdreg.scid  }
0x8b: {  	s0 =	sand.u32 $0x1, s1  }
0x8c: {  	s17 =	sshll.u32 s0, $0xA;
	s2 =	sadd.s32 s3, s2  }
0x8d: {  	s2 =	sadd.s32 s2, s17  }
0x8e: {  	[smem:$0x3FC6] =	sst s2  }
0x8f: {  	_ = 	snop  }
0x90: {  	s2 =	sld [smem:$0x3FD0];
	(tm) =	ssettm $0x1  }
0x91: {  	s18 =	sld [smem:$0x3FFB];
	_ =	sdelay $0x3  }
0x92: {  	_ =	strace s18  }
0x93: {  	s3 =	sld [smem:$0x3FFC];
	_ =	sdelay $0x3  }
0x94: {  	_ =	strace s3  }
0x95: {  	s3 =	sld [smem:$0x3FFD];
	_ =	sdelay $0x3  }
0x96: {  	_ =	strace s3  }
0x97: {  	_ =	strace $0x8FFFFFFF  }
0x98: {  	s19 =	sld [smem:$0x3FDB];
	_ =	sdelay $0x1  }
0x99: {  	s4 =	simm.s32 $_scs_section_size  }
0x9a: {  	s5 =	simm.s32 $_size__tile_overlayer_lowered;
	s6 =	simm.s32 $_tile_overlayer_lowered  }
0x9b: {  	s22 =	simm.s32 $0x1BFF;
	s21 =	sshll.u32 s6, $0x1;
	s3 =	sadd.s32 s4, s19  }
0x9c: {  	s7 =	simm.s32 $0x0;
	s20 =	sshll.u32 s5, $0x1;
	s5 =	sadd.s32 s21, s3  }
0x9d: {  	[timem:s7], [sflag:s22] =	dma.local [hbm:s5], s20  }
0x9e: {  	_ =	swait.ge [sflag:s22], s20  }
0x9f: {  	s4 =	ssub.s32 $0x0, s20;
	[sflag:s22] =	ssyncset.done $0x0  }
0xa0: {  	[sflag:s22] =	ssyncadd.s32 s4;
	_ =	sdelay $0x1  }
0xa1: {  	s23 =	simm.s32 $0x1B8B  }
0xa2: {  	_ =	swait.ge [sflag:s23], $0x1  }
0xa3: {  	[sflag:s23] =	ssyncset.done $0x0  }
0xa4: {  	s25 =	simm.s32 $0x1B8E;
	s24 =	sld [smem:$0x3FFE];
	[sflag:s23] =	ssyncadd.s32 $0xFFFFFFFF  }
0xa5: {  	s26 =	simm.s32 $execute0_lowered;
	[smem:$0x3FD2] =	sst s25  }
0xa6: {  	s5 =	sshll.u32 s26, $0x1;
	_ =	strace $0x80000046;
	[dreg:$0x1] =	wrdreg $0xFFFFFFFF  }
0xa7: {  	s28 =	simm.s32 $_size_execute0_lowered;
	s3 =	sadd.s32 s3, s5;
	[dreg:$0x0] =	wrdreg $0x0  }
0xa8: {  	s5 =	sshll.u32 s28, $0x1;
	[dreg:$0x2] =	wrdreg s3  }
0xa9: {  	[dreg:$0x3] =	wrdreg s5  }
0xaa: {  	[dreg:$0x4] =	wrdreg $0xC0  }
0xab: {  	_ =	task [dreg:s7], $0x5FFFF  }
0xac: {  	[dreg:$0x1] =	wrdreg $0xFFFFFFFF  }
0xad: {  	[dreg:$0x0] =	wrdreg $0x60  }
0xae: {  	[dreg:$0x2] =	wrdreg s24  }
0xaf: {  	[dreg:$0x3] =	wrdreg s2  }
0xb0: {  	[dreg:$0x4] =	wrdreg $0x9  }
0xb1: {  	_ =	task.clear_ibuf [dreg:s7], $0x5FFFF;
	_ =	strace $0x90000046  }
0xb2: {  	s29 =	simm.s32 $0x9;
	_ =	strace $0x80000048  }
0xb3: {  	_ =	swait.ge [sflag:s29], $0x1  }
0xb4: {  	[sflag:s29] =	ssyncadd.s32 $0xFFFFFFFF  }
0xb5: {  	_ =	strace $0x90000048  }
0xb6: {  	_ =	sfence  }
0xb7: {  	s30 =	sld [smem:$0x0];
	_ =	sdelay $0x2  }
0xb8: {  	s31 =	sshll.u32 s1, $0xD;
	s1 =	sshrl.u32 s1, $0x2  }
0xb9: {  	s3 =	sand.u32 $0x4000, s31;
	s1 =	sadd.s32 s1, s30  }
0xba: {  	s0 =	sor.u32 s3, s0;
	s1 =	sshll.u32 s1, $0x11  }
0xbb: {  	s0 =	sor.u32 s1, s0  }
0xbc: {  	s0 =	sadd.s32 $0x8F2B, s0  }
0xbd: {  	[sflag:s0] =	ssyncadd.remote.s32 $0x1  }
0xbe: {  	_ =	sfence.sel $0xFFFF  }
0xbf: {  	[dreg:$0x0] =	wrdreg $0xFFFFFFFF;
	(pc) =	sbr.abs _section_cstart, $3  }
0xc0: {  	[dreg:$0x1] =	wrdreg $0xFFFFFFFF  }
0xc1: {  	_ =	task.clear_ibuf [dreg:s7], $0x2FFFF;
	_ =	strace $0x9FFFFFFF  }
0xc2: {  	(tm) =	ssettm $0x7FFFFFFF  }
0xc3: {  	_ =	shalt  }
tec
execute0_lowered:
.L_overlay_start_1:
0x0: {  	(tag) =	ssettag $0x1  }
0x1: {  	s1 =	srdreg.scid;
	s4 =	stileid.u32  }
0x2: {  	s1 =	sand.u32 $0x1, s1;
	s4 =	sshll.u32 s4, $0x1  }
0x3: {  	s5 =	sor.u32 s1, s4  }
0x4: {  	s0 =	rddreg [dreg:$0x0];
	s4 =	sshll.u32 s5, $0x6  }
0x5: {  	s2 =	rddreg [dreg:$0x1];
	s3 =	simm.s32 $0x0;
	s6 =	sadd.s32 s4, s0  }
0x6: {  	[smem:$0x7FF] =	sst s3;
	s20 =	sadd.s32 $0x600, s6  }
0x7: {  	_ =	strace $0x80000047;
	s21 =	sadd.s32 $0xE00, s6;
	[dreg:$0x3] =	wrdreg s20  }
0x8: {  	s22 =	sadd.s32 $0x1600, s6;
	[dreg:$0x4] =	wrdreg s21  }
0x9: {  	s23 =	sadd.s32 $0x1E00, s6;
	[dreg:$0x5] =	wrdreg s22  }
0xa: {  	s24 =	sadd.s32 $0x2600, s6;
	[dreg:$0x6] =	wrdreg s23  }
0xb: {  	s25 =	sadd.s32 $0x2E00, s6;
	[dreg:$0x7] =	wrdreg s24  }
0xc: {  	s26 =	sadd.s32 $0x3600, s6;
	[dreg:$0x8] =	wrdreg s25  }
0xd: {  	s29 =	sadd.s32 $0x3E00, s6;
	[dreg:$0x9] =	wrdreg s26  }
0xe: {  	s7 =	sadd.s32 $0x4600, s6;
	[dreg:$0xa] =	wrdreg s29  }
0xf: {  	s8 =	sadd.s32 $0x4E00, s6;
	[dreg:$0xb] =	wrdreg s7  }
0x10: {  	s9 =	sadd.s32 $0x5600, s6;
	[dreg:$0xc] =	wrdreg s8  }
0x11: {  	s10 =	sadd.s32 $0x5E00, s6;
	[dreg:$0xd] =	wrdreg s9  }
0x12: {  	s11 =	sadd.s32 $0x6600, s6;
	[dreg:$0xe] =	wrdreg s10  }
0x13: {  	s12 =	sadd.s32 $0x6E00, s6;
	[dreg:$0xf] =	wrdreg s11  }
0x14: {  	s13 =	sadd.s32 $0x7600, s6;
	[dreg:$0x10] =	wrdreg s12  }
0x15: {  	s14 =	sadd.s32 $0x7E00, s6;
	[dreg:$0x11] =	wrdreg s13  }
0x16: {  	s15 =	sadd.s32 $0x8600, s6;
	[dreg:$0x12] =	wrdreg s14  }
0x17: {  	s1 =	ssub.s32 $0x2, s1;
	s16 =	sadd.s32 $0x8E00, s6;
	[dreg:$0x13] =	wrdreg s15  }
0x18: {  	s19 =	sshrl.u32 s1, $0x1;
	s17 =	sadd.s32 $0x9600, s6;
	[dreg:$0x14] =	wrdreg s16  }
0x19: {  	s4 =	sadd.s32 $0xF42A00, s0;
	s18 =	sadd.s32 $0x9E00, s6;
	[dreg:$0x15] =	wrdreg s17  }
0x1a: {  	s0 =	ssub.s32 s1, s19;
	s19 =	sadd.s32 $0xA600, s6;
	[dreg:$0x16] =	wrdreg s18  }
0x1b: {  	s0 =	smax.u32 s0, $0x1;
	[dreg:$0x17] =	wrdreg s19  }
0x1c: {  	s20 =	sadd.s32 $0xAE00, s6;
	[smem:$0x7FD] =	sst s0  }
0x1d: {  	s21 =	sadd.s32 $0xB600, s6;
	[dreg:$0x18] =	wrdreg s20  }
0x1e: {  	s22 =	sadd.s32 $0xBE00, s6;
	[dreg:$0x19] =	wrdreg s21  }
0x1f: {  	s23 =	sadd.s32 $0xC600, s6;
	[dreg:$0x1a] =	wrdreg s22  }
0x20: {  	s24 =	sadd.s32 $0xCE00, s6;
	[dreg:$0x1b] =	wrdreg s23  }
0x21: {  	s25 =	sadd.s32 $0xD600, s6;
	[dreg:$0x1c] =	wrdreg s24  }
0x22: {  	s26 =	sadd.s32 $0xDE00, s6;
	[dreg:$0x1d] =	wrdreg s25  }
0x23: {  	s29 =	sadd.s32 $0xE600, s6;
	[dreg:$0x1e] =	wrdreg s26  }
0x24: {  	s7 =	sadd.s32 $0xEE00, s6;
	[dreg:$0x1f] =	wrdreg s29  }
0x25: {  	s8 =	sadd.s32 $0xF600, s6;
	[smem:$0x7E8] =	sst s7  }
0x26: {  	s9 =	sadd.s32 $0xFE00, s6;
	[smem:$0x7E9] =	sst s8  }
0x27: {  	s10 =	sadd.s32 $0x10600, s6;
	[smem:$0x7EA] =	sst s9  }
0x28: {  	s11 =	sadd.s32 $0x10E00, s6;
	[smem:$0x7EB] =	sst s10  }
0x29: {  	s12 =	sadd.s32 $0x11600, s6;
	[smem:$0x7EC] =	sst s11  }
0x2a: {  	v6 =	vlaneseq.u32;
	s13 =	sadd.s32 $0x11E00, s6;
	[smem:$0x7ED] =	sst s12  }
0x2b: {  	s30 =	sadd.s32 $0x4000, s2;
	v11 =	vor.u32 $0x20, v6;
	s14 =	sadd.s32 $0x12600, s6;
	[smem:$0x7EE] =	sst s13  }
0x2c: {  	s31 =	sadd.s32 $0x8000, s2;
	v27 =	vor.u32 $0x430, v6;
	[tilespmem:$0x1FF00] =	vst v11;
	s15 =	sadd.s32 $0x12E00, s6;
	[smem:$0x7EF] =	sst s14  }
0x2d: {  	v4 =	vor.u32 $0x450, v6;
	[tilespmem:$0x1FF40] =	vst v27;
	s28 =	sshll.u32 s5, $0xC;
	s16 =	sadd.s32 $0x13600, s6;
	[smem:$0x7F0] =	sst s15  }
0x2e: {  	v31 =	vor.u32 $0x460, v6;
	[tilespmem:$0x1FF60] =	vst v4;
	s5 =	sadd.s32 $0x14000, s2;
	s17 =	sadd.s32 $0x13E00, s6;
	[smem:$0x7F1] =	sst s16  }
0x2f: {  	v8 =	vor.u32 $0x470, v6;
	[tilespmem:$0x1FFA0] =	vst v31;
	s1 =	sadd.s32 $0x10000, s2;
	s18 =	sadd.s32 $0x14600, s6;
	[smem:$0x7F2] =	sst s17  }
0x30: {  	v29 =	vor.u32 $0x440, v6;
	[tilespmem:$0x1FFC0] =	vst v8;
	s19 =	sadd.s32 $0x14E00, s6;
	s0 =	sadd.s32 $0xC000, s2;
	[smem:$0x7F3] =	sst s18  }
0x31: {  	v0 =	vmul.u32 $0x40, v6;
	v17 =	vor.u32 $0x60, v6;
	[tilespmem:$0x1FFD0] =	vst v29;
	[smem:$0x7F4] =	sst s19;
	s20 =	sadd.s32 $0x15600, s6;
	s21 =	sadd.s32 $0x15E00, s6  }
0x32: {  	v25 =	vor.u32 $0x420, v6;
	[tilespmem:$0x1FFE0] =	vst v17;
	s22 =	sadd.s32 $0x16600, s6;
	s23 =	sadd.s32 $0x16E00, s6;
	s24 =	sadd.s32 $0x17600, s6  }
0x33: {  	v9 =	vor.u32 $0x10, v6;
	[tilespmem:$0x1FFF0] =	vst v25;
	v10 =	vor.u32 $0x800, v0;
	s25 =	sadd.s32 $0x17E00, s6;
	s26 =	sadd.s32 $0x18600, s6;
	[smem:$0x7F5] =	sst s20  }
0x34: {  	v13 =	vor.u32 $0x30, v6;
	v20 =	vor.u32 $0x1C00, v0;
	[tilespmem:$0x1FF10] =	vst v10;
	s29 =	sadd.s32 $0x18E00, s6;
	s6 =	sadd.s32 $0x18000, s2;
	[smem:$0x7F6] =	sst s21  }
0x35: {  	v15 =	vor.u32 $0x40, v6;
	v22 =	vor.u32 $0x2000, v0;
	[tilespmem:$0x1FF20] =	vst v20;
	s7 =	sadd.s32 $0x1C000, s2;
	s8 =	sor.u32 $0x800, s28;
	[smem:$0x7F7] =	sst s22  }
0x36: {  	v19 =	vor.u32 $0x50, v6;
	v2 =	vor.u32 $0x70, v6;
	v28 =	vor.u32 $0x2C00, v0;
	[tilespmem:$0x1FF30] =	vst v22;
	s9 =	simm.s32 $0x1;
	s10 =	simm.s32 $0x100;
	[smem:$0x7F8] =	sst s23  }
0x37: {  	v3 =	vor.u32 $0x400, v6;
	v23 =	vor.u32 $0x3000, v0;
	[tilespmem:$0x1FF50] =	vst v28;
	s11 =	simm.s32 $0x6400;
	s12 =	simm.s32 $0xA400;
	[smem:$0x7F9] =	sst s24  }
0x38: {  	v21 =	vor.u32 $0x410, v6;
	v1 =	vor.u32 $0x400, v0;
	v30 =	vor.u32 $0x3400, v0;
	[tilespmem:$0x1FF70] =	vst v23;
	s13 =	simm.s32 $0x2;
	s14 =	simm.s32 $0xE400;
	[smem:$0x7FA] =	sst s25  }
0x39: {  	v12 =	vor.u32 $0xC00, v0;
	v5 =	vor.u32 $0x3800, v0;
	[tilespmem:$0x1FF80] =	vst v30;
	s16 =	simm.s32 $0x14C00;
	s17 =	simm.s32 $0x15400;
	[smem:$0x7FB] =	sst s26  }
0x3a: {  	v14 =	vor.u32 $0x1000, v0;
	v16 =	vor.u32 $0x1400, v0;
	v7 =	vor.u32 $0x3C00, v0;
	[tilespmem:$0x1FF90] =	vst v5;
	s18 =	simm.s32 $0x15C00;
	s19 =	simm.s32 $0x0;
	[smem:$0x7FC] =	sst s29  }
0x3b: {  	v18 =	vor.u32 $0x1800, v0;
	v24 =	vor.u32 $0x2400, v0;
	v26 =	vor.u32 $0x2800, v0;
	[tilespmem:$0x1FFB0] =	vst v7;
	s22 =	simm.s32 $0x3;
	s23 =	simm.s32 $0x5;
	s24 =	simm.s32 $0x12400  }
.LBB2_1:
0x3c: {  	[smem:$0x7E7] =	sst s19  }
0x3d: {  	s15 =	rddreg [dreg:$0x3]  }
0x3e: {  	s26 =	rddreg [dreg:$0x4]  }
0x3f: {  	[tilespmem:s3], [sflag:$0x1] =	stream.linear.gather [hbm4b:s15+s3], $0x200, $0x38;
	[tilespmem:$0x16400] =	vst v63  }
0x40: {  	s29 =	simm.s32 $0x200;
	s19 =	rddreg [dreg:$0x5]  }
0x41: {  	[tilespmem:s29], [sflag:$0x1] =	stream.linear.gather [hbm4b:s26+s3], $0x200, $0x38;
	[tilespmem:$0x16400] =	vst v63  }
0x42: {  	s20 =	simm.s32 $0x400;
	s21 =	rddreg [dreg:$0x6]  }
0x43: {  	[tilespmem:s20], [sflag:$0x1] =	stream.linear.gather [hbm4b:s19+s3], $0x200, $0x38;
	[tilespmem:$0x16400] =	vst v63  }
0x44: {  	s25 =	simm.s32 $0x600;
	s26 =	rddreg [dreg:$0x7]  }
0x45: {  	[tilespmem:s25], [sflag:$0x1] =	stream.linear.gather [hbm4b:s21+s3], $0x200, $0x38;
	[tilespmem:$0x16400] =	vst v63  }
0x46: {  	s29 =	simm.s32 $0x800;
	s19 =	rddreg [dreg:$0x8]  }
0x47: {  	[tilespmem:s29], [sflag:$0x1] =	stream.linear.gather [hbm4b:s26+s3], $0x200, $0x38;
	[tilespmem:$0x16400] =	vst v63  }
0x48: {  	s20 =	simm.s32 $0xA00;
	s21 =	rddreg [dreg:$0x9]  }
0x49: {  	[tilespmem:s20], [sflag:$0x1] =	stream.linear.gather [hbm4b:s19+s3], $0x200, $0x38;
	[tilespmem:$0x16400] =	vst v63  }
0x4a: {  	s25 =	simm.s32 $0xC00;
	s26 =	rddreg [dreg:$0xa]  }
0x4b: {  	[tilespmem:s25], [sflag:$0x1] =	stream.linear.gather [hbm4b:s21+s3], $0x200, $0x38;
	[tilespmem:$0x16400] =	vst v63  }
0x4c: {  	s29 =	simm.s32 $0xE00;
	s19 =	rddreg [dreg:$0xb]  }
0x4d: {  	[tilespmem:s29], [sflag:$0x1] =	stream.linear.gather [hbm4b:s26+s3], $0x200, $0x38;
	[tilespmem:$0x16400] =	vst v63  }
0x4e: {  	s20 =	simm.s32 $0x1000;
	s21 =	rddreg [dreg:$0xc]  }
0x4f: {  	[tilespmem:s20], [sflag:$0x1] =	stream.linear.gather [hbm4b:s19+s3], $0x200, $0x38;
	[tilespmem:$0x16400] =	vst v63  }
0x50: {  	s25 =	simm.s32 $0x1200;
	s26 =	rddreg [dreg:$0xd]  }
0x51: {  	[tilespmem:s25], [sflag:$0x1] =	stream.linear.gather [hbm4b:s21+s3], $0x200, $0x38;
	[tilespmem:$0x16400] =	vst v63  }
0x52: {  	s29 =	simm.s32 $0x1400;
	s19 =	rddreg [dreg:$0xe]  }
0x53: {  	[tilespmem:s29], [sflag:$0x1] =	stream.linear.gather [hbm4b:s26+s3], $0x200, $0x38;
	[tilespmem:$0x16400] =	vst v63  }
0x54: {  	s20 =	simm.s32 $0x1600;
	s21 =	rddreg [dreg:$0xf]  }
0x55: {  	[tilespmem:s20], [sflag:$0x1] =	stream.linear.gather [hbm4b:s19+s3], $0x200, $0x38;
	[tilespmem:$0x16400] =	vst v63  }
0x56: {  	s25 =	simm.s32 $0x1800;
	s26 =	rddreg [dreg:$0x10]  }
0x57: {  	[tilespmem:s25], [sflag:$0x1] =	stream.linear.gather [hbm4b:s21+s3], $0x200, $0x38;
	[tilespmem:$0x16400] =	vst v63  }
0x58: {  	s29 =	simm.s32 $0x1A00;
	s19 =	rddreg [dreg:$0x11]  }
0x59: {  	[tilespmem:s29], [sflag:$0x1] =	stream.linear.gather [hbm4b:s26+s3], $0x200, $0x38;
	[tilespmem:$0x16400] =	vst v63  }
0x5a: {  	s20 =	simm.s32 $0x1C00;
	s21 =	rddreg [dreg:$0x12]  }
0x5b: {  	[tilespmem:s20], [sflag:$0x1] =	stream.linear.gather [hbm4b:s19+s3], $0x200, $0x38;
	[tilespmem:$0x16400] =	vst v63  }
0x5c: {  	s25 =	simm.s32 $0x1E00;
	s26 =	rddreg [dreg:$0x13]  }
0x5d: {  	[tilespmem:s25], [sflag:$0x1] =	stream.linear.gather [hbm4b:s21+s3], $0x200, $0x38;
	[tilespmem:$0x16400] =	vst v63  }
0x5e: {  	s29 =	simm.s32 $0x2000;
	s19 =	rddreg [dreg:$0x14]  }
0x5f: {  	[tilespmem:s29], [sflag:$0x1] =	stream.linear.gather [hbm4b:s26+s3], $0x200, $0x38;
	[tilespmem:$0x16400] =	vst v63  }
0x60: {  	s20 =	simm.s32 $0x2200;
	s21 =	rddreg [dreg:$0x15]  }
0x61: {  	[tilespmem:s20], [sflag:$0x1] =	stream.linear.gather [hbm4b:s19+s3], $0x200, $0x38;
	[tilespmem:$0x16400] =	vst v63  }
0x62: {  	s25 =	simm.s32 $0x2400;
	s26 =	rddreg [dreg:$0x16]  }
0x63: {  	[tilespmem:s25], [sflag:$0x1] =	stream.linear.gather [hbm4b:s21+s3], $0x200, $0x38;
	[tilespmem:$0x16400] =	vst v63  }
0x64: {  	s29 =	simm.s32 $0x2600;
	s19 =	rddreg [dreg:$0x17]  }
0x65: {  	[tilespmem:s29], [sflag:$0x1] =	stream.linear.gather [hbm4b:s26+s3], $0x200, $0x38;
	[tilespmem:$0x16400] =	vst v63  }
0x66: {  	s20 =	simm.s32 $0x2800;
	s21 =	rddreg [dreg:$0x18]  }
0x67: {  	[tilespmem:s20], [sflag:$0x1] =	stream.linear.gather [hbm4b:s19+s3], $0x200, $0x38;
	[tilespmem:$0x16400] =	vst v63  }
0x68: {  	s25 =	simm.s32 $0x2A00;
	s26 =	rddreg [dreg:$0x19]  }
0x69: {  	[tilespmem:s25], [sflag:$0x1] =	stream.linear.gather [hbm4b:s21+s3], $0x200, $0x38;
	[tilespmem:$0x16400] =	vst v63  }
0x6a: {  	s29 =	simm.s32 $0x2C00;
	s19 =	rddreg [dreg:$0x1a]  }
0x6b: {  	[tilespmem:s29], [sflag:$0x1] =	stream.linear.gather [hbm4b:s26+s3], $0x200, $0x38;
	[tilespmem:$0x16400] =	vst v63  }
0x6c: {  	s20 =	simm.s32 $0x2E00;
	s21 =	rddreg [dreg:$0x1b]  }
0x6d: {  	[tilespmem:s20], [sflag:$0x1] =	stream.linear.gather [hbm4b:s19+s3], $0x200, $0x38;
	[tilespmem:$0x16400] =	vst v63  }
0x6e: {  	s25 =	simm.s32 $0x3000;
	s26 =	rddreg [dreg:$0x1c]  }
0x6f: {  	[tilespmem:s25], [sflag:$0x1] =	stream.linear.gather [hbm4b:s21+s3], $0x200, $0x38;
	[tilespmem:$0x16400] =	vst v63  }
0x70: {  	s29 =	simm.s32 $0x3200;
	s19 =	rddreg [dreg:$0x1d]  }
0x71: {  	[tilespmem:s29], [sflag:$0x1] =	stream.linear.gather [hbm4b:s26+s3], $0x200, $0x38;
	[tilespmem:$0x16400] =	vst v63  }
0x72: {  	s20 =	simm.s32 $0x3400;
	s21 =	rddreg [dreg:$0x1e]  }
0x73: {  	[tilespmem:s20], [sflag:$0x1] =	stream.linear.gather [hbm4b:s19+s3], $0x200, $0x38;
	[tilespmem:$0x16400] =	vst v63  }
0x74: {  	s25 =	simm.s32 $0x3600;
	s26 =	rddreg [dreg:$0x1f]  }
0x75: {  	[tilespmem:s25], [sflag:$0x1] =	stream.linear.gather [hbm4b:s21+s3], $0x200, $0x38;
	[tilespmem:$0x16400] =	vst v63  }
0x76: {  	s29 =	simm.s32 $0x3800;
	s19 =	sld [smem:$0x7E8]  }
0x77: {  	[tilespmem:s29], [sflag:$0x1] =	stream.linear.gather [hbm4b:s26+s3], $0x200, $0x38;
	[tilespmem:$0x16400] =	vst v63  }
0x78: {  	s20 =	simm.s32 $0x3A00;
	s21 =	sld [smem:$0x7E9]  }
0x79: {  	[tilespmem:s20], [sflag:$0x1] =	stream.linear.gather [hbm4b:s19+s3], $0x200, $0x38;
	[tilespmem:$0x16400] =	vst v63  }
0x7a: {  	s25 =	simm.s32 $0x3C00;
	s26 =	sld [smem:$0x7EA]  }
0x7b: {  	[tilespmem:s25], [sflag:$0x1] =	stream.linear.gather [hbm4b:s21+s3], $0x200, $0x38;
	[tilespmem:$0x16400] =	vst v63  }
0x7c: {  	s29 =	simm.s32 $0x3E00;
	s19 =	sld [smem:$0x7EB]  }
0x7d: {  	[tilespmem:s29], [sflag:$0x1] =	stream.linear.gather [hbm4b:s26+s3], $0x200, $0x38;
	[tilespmem:$0x16400] =	vst v63  }
0x7e: {  	s20 =	simm.s32 $0x4000;
	s21 =	sld [smem:$0x7EC]  }
0x7f: {  	[tilespmem:s20], [sflag:$0x1] =	stream.linear.gather [hbm4b:s19+s3], $0x200, $0x38;
	[tilespmem:$0x16400] =	vst v63  }
0x80: {  	s25 =	simm.s32 $0x4200;
	s26 =	sld [smem:$0x7ED]  }
0x81: {  	[tilespmem:s25], [sflag:$0x1] =	stream.linear.gather [hbm4b:s21+s3], $0x200, $0x38;
	[tilespmem:$0x16400] =	vst v63  }
0x82: {  	s29 =	simm.s32 $0x4400;
	s19 =	sld [smem:$0x7EE]  }
0x83: {  	[tilespmem:s29], [sflag:$0x1] =	stream.linear.gather [hbm4b:s26+s3], $0x200, $0x38;
	[tilespmem:$0x16400] =	vst v63  }
0x84: {  	s20 =	simm.s32 $0x4600;
	s21 =	sld [smem:$0x7EF]  }
0x85: {  	[tilespmem:s20], [sflag:$0x1] =	stream.linear.gather [hbm4b:s19+s3], $0x200, $0x38;
	[tilespmem:$0x16400] =	vst v63  }
0x86: {  	s25 =	simm.s32 $0x4800;
	s26 =	sld [smem:$0x7F0]  }
0x87: {  	[tilespmem:s25], [sflag:$0x1] =	stream.linear.gather [hbm4b:s21+s3], $0x200, $0x38;
	[tilespmem:$0x16400] =	vst v63  }
0x88: {  	s29 =	simm.s32 $0x4A00;
	s19 =	sld [smem:$0x7F1]  }
0x89: {  	[tilespmem:s29], [sflag:$0x1] =	stream.linear.gather [hbm4b:s26+s3], $0x200, $0x38;
	[tilespmem:$0x16400] =	vst v63  }
0x8a: {  	s20 =	simm.s32 $0x4C00;
	s21 =	sld [smem:$0x7F2]  }
0x8b: {  	[tilespmem:s20], [sflag:$0x1] =	stream.linear.gather [hbm4b:s19+s3], $0x200, $0x38;
	[tilespmem:$0x16400] =	vst v63  }
0x8c: {  	s25 =	simm.s32 $0x4E00;
	s26 =	sld [smem:$0x7F3]  }
0x8d: {  	[tilespmem:s25], [sflag:$0x1] =	stream.linear.gather [hbm4b:s21+s3], $0x200, $0x38;
	[tilespmem:$0x16400] =	vst v63  }
0x8e: {  	s29 =	simm.s32 $0x5000;
	s19 =	sld [smem:$0x7F4]  }
0x8f: {  	[tilespmem:s29], [sflag:$0x1] =	stream.linear.gather [hbm4b:s26+s3], $0x200, $0x38;
	[tilespmem:$0x16400] =	vst v63  }
0x90: {  	s20 =	simm.s32 $0x5200;
	s21 =	sld [smem:$0x7F5]  }
0x91: {  	[tilespmem:s20], [sflag:$0x1] =	stream.linear.gather [hbm4b:s19+s3], $0x200, $0x38;
	[tilespmem:$0x16400] =	vst v63  }
0x92: {  	s25 =	simm.s32 $0x5400;
	s26 =	sld [smem:$0x7F6]  }
0x93: {  	[tilespmem:s25], [sflag:$0x1] =	stream.linear.gather [hbm4b:s21+s3], $0x200, $0x38;
	[tilespmem:$0x16400] =	vst v63  }
0x94: {  	s29 =	simm.s32 $0x5600;
	s19 =	sld [smem:$0x7F7]  }
0x95: {  	[tilespmem:s29], [sflag:$0x1] =	stream.linear.gather [hbm4b:s26+s3], $0x200, $0x38;
	[tilespmem:$0x16400] =	vst v63  }
0x96: {  	s20 =	simm.s32 $0x5800;
	s21 =	sld [smem:$0x7F8]  }
0x97: {  	[tilespmem:s20], [sflag:$0x1] =	stream.linear.gather [hbm4b:s19+s3], $0x200, $0x38;
	[tilespmem:$0x16400] =	vst v63  }
0x98: {  	s25 =	simm.s32 $0x5A00;
	s26 =	sld [smem:$0x7F9]  }
0x99: {  	[tilespmem:s25], [sflag:$0x1] =	stream.linear.gather [hbm4b:s21+s3], $0x200, $0x38;
	[tilespmem:$0x16400] =	vst v63  }
0x9a: {  	s29 =	simm.s32 $0x5C00;
	s19 =	sld [smem:$0x7FA]  }
0x9b: {  	[tilespmem:s29], [sflag:$0x1] =	stream.linear.gather [hbm4b:s26+s3], $0x200, $0x38;
	[tilespmem:$0x16400] =	vst v63  }
0x9c: {  	s20 =	simm.s32 $0x5E00;
	s21 =	sld [smem:$0x7FB]  }
0x9d: {  	[tilespmem:s20], [sflag:$0x1] =	stream.linear.gather [hbm4b:s19+s3], $0x200, $0x38;
	[tilespmem:$0x16400] =	vst v63  }
0x9e: {  	s25 =	simm.s32 $0x6000;
	s26 =	sld [smem:$0x7FC]  }
0x9f: {  	[tilespmem:s25], [sflag:$0x1] =	stream.linear.gather [hbm4b:s21+s3], $0x200, $0x38;
	[tilespmem:$0x16400] =	vst v63  }
0xa0: {  	s29 =	simm.s32 $0x6200  }
0xa1: {  	[tilespmem:s29], [sflag:$0x1] =	stream.linear.gather [hbm4b:s26+s3], $0x200, $0x38;
	[tilespmem:$0x16400] =	vst v63  }
0xa2: {  	_ =	swait.ge [sflag:s9], $0x200  }
0xa3: {  	[sflag:s9] =	ssyncset.done $0x0  }
0xa4: {  	[sflag:s9] =	ssyncadd.s32 $0xFFFFFE00  }
0xa5: {  	_ =	swait.ge [sflag:s9], $0x200  }
0xa6: {  	[sflag:s9] =	ssyncset.done $0x0  }
0xa7: {  	[sflag:s9] =	ssyncadd.s32 $0xFFFFFE00  }
0xa8: {  	_ =	swait.ge [sflag:s9], $0x200  }
0xa9: {  	[sflag:s9] =	ssyncset.done $0x0  }
0xaa: {  	[sflag:s9] =	ssyncadd.s32 $0xFFFFFE00  }
0xab: {  	_ =	swait.ge [sflag:s9], $0x200  }
0xac: {  	[sflag:s9] =	ssyncset.done $0x0  }
0xad: {  	[sflag:s9] =	ssyncadd.s32 $0xFFFFFE00  }
0xae: {  	_ =	swait.ge [sflag:s9], $0x200  }
0xaf: {  	[sflag:s9] =	ssyncset.done $0x0  }
0xb0: {  	[sflag:s9] =	ssyncadd.s32 $0xFFFFFE00  }
0xb1: {  	_ =	swait.ge [sflag:s9], $0x200  }
0xb2: {  	[sflag:s9] =	ssyncset.done $0x0  }
0xb3: {  	[sflag:s9] =	ssyncadd.s32 $0xFFFFFE00  }
0xb4: {  	_ =	swait.ge [sflag:s9], $0x200  }
0xb5: {  	[sflag:s9] =	ssyncset.done $0x0  }
0xb6: {  	[sflag:s9] =	ssyncadd.s32 $0xFFFFFE00  }
0xb7: {  	_ =	swait.ge [sflag:s9], $0x200  }
0xb8: {  	[sflag:s9] =	ssyncset.done $0x0  }
0xb9: {  	[sflag:s9] =	ssyncadd.s32 $0xFFFFFE00  }
0xba: {  	_ =	swait.ge [sflag:s9], $0x200  }
0xbb: {  	[sflag:s9] =	ssyncset.done $0x0  }
0xbc: {  	[sflag:s9] =	ssyncadd.s32 $0xFFFFFE00  }
0xbd: {  	_ =	swait.ge [sflag:s9], $0x200  }
0xbe: {  	[sflag:s9] =	ssyncset.done $0x0  }
0xbf: {  	[sflag:s9] =	ssyncadd.s32 $0xFFFFFE00  }
0xc0: {  	_ =	swait.ge [sflag:s9], $0x200  }
0xc1: {  	[sflag:s9] =	ssyncset.done $0x0  }
0xc2: {  	[sflag:s9] =	ssyncadd.s32 $0xFFFFFE00  }
0xc3: {  	_ =	swait.ge [sflag:s9], $0x200  }
0xc4: {  	[sflag:s9] =	ssyncset.done $0x0  }
0xc5: {  	[sflag:s9] =	ssyncadd.s32 $0xFFFFFE00  }
0xc6: {  	_ =	swait.ge [sflag:s9], $0x200  }
0xc7: {  	[sflag:s9] =	ssyncset.done $0x0  }
0xc8: {  	[sflag:s9] =	ssyncadd.s32 $0xFFFFFE00  }
0xc9: {  	_ =	swait.ge [sflag:s9], $0x200  }
0xca: {  	[sflag:s9] =	ssyncset.done $0x0  }
0xcb: {  	[sflag:s9] =	ssyncadd.s32 $0xFFFFFE00  }
0xcc: {  	_ =	swait.ge [sflag:s9], $0x200  }
0xcd: {  	[sflag:s9] =	ssyncset.done $0x0  }
0xce: {  	[sflag:s9] =	ssyncadd.s32 $0xFFFFFE00  }
0xcf: {  	_ =	swait.ge [sflag:s9], $0x200  }
0xd0: {  	[sflag:s9] =	ssyncset.done $0x0  }
0xd1: {  	[sflag:s9] =	ssyncadd.s32 $0xFFFFFE00  }
0xd2: {  	_ =	swait.ge [sflag:s9], $0x200  }
0xd3: {  	[sflag:s9] =	ssyncset.done $0x0  }
0xd4: {  	[sflag:s9] =	ssyncadd.s32 $0xFFFFFE00  }
0xd5: {  	_ =	swait.ge [sflag:s9], $0x200  }
0xd6: {  	[sflag:s9] =	ssyncset.done $0x0  }
0xd7: {  	[sflag:s9] =	ssyncadd.s32 $0xFFFFFE00  }
0xd8: {  	_ =	swait.ge [sflag:s9], $0x200  }
0xd9: {  	[sflag:s9] =	ssyncset.done $0x0  }
0xda: {  	[sflag:s9] =	ssyncadd.s32 $0xFFFFFE00  }
0xdb: {  	_ =	swait.ge [sflag:s9], $0x200  }
0xdc: {  	[sflag:s9] =	ssyncset.done $0x0  }
0xdd: {  	[sflag:s9] =	ssyncadd.s32 $0xFFFFFE00  }
0xde: {  	_ =	swait.ge [sflag:s9], $0x200  }
0xdf: {  	[sflag:s9] =	ssyncset.done $0x0  }
0xe0: {  	[sflag:s9] =	ssyncadd.s32 $0xFFFFFE00  }
0xe1: {  	_ =	swait.ge [sflag:s9], $0x200  }
0xe2: {  	[sflag:s9] =	ssyncset.done $0x0  }
0xe3: {  	[sflag:s9] =	ssyncadd.s32 $0xFFFFFE00  }
0xe4: {  	_ =	swait.ge [sflag:s9], $0x200  }
0xe5: {  	[sflag:s9] =	ssyncset.done $0x0  }
0xe6: {  	[sflag:s9] =	ssyncadd.s32 $0xFFFFFE00  }
0xe7: {  	_ =	swait.ge [sflag:s9], $0x200  }
0xe8: {  	[sflag:s9] =	ssyncset.done $0x0  }
0xe9: {  	[sflag:s9] =	ssyncadd.s32 $0xFFFFFE00  }
0xea: {  	_ =	swait.ge [sflag:s9], $0x200  }
0xeb: {  	[sflag:s9] =	ssyncset.done $0x0  }
0xec: {  	[sflag:s9] =	ssyncadd.s32 $0xFFFFFE00  }
0xed: {  	_ =	swait.ge [sflag:s9], $0x200  }
0xee: {  	[sflag:s9] =	ssyncset.done $0x0  }
0xef: {  	[sflag:s9] =	ssyncadd.s32 $0xFFFFFE00  }
0xf0: {  	_ =	swait.ge [sflag:s9], $0x200  }
0xf1: {  	[sflag:s9] =	ssyncset.done $0x0  }
0xf2: {  	[sflag:s9] =	ssyncadd.s32 $0xFFFFFE00  }
0xf3: {  	_ =	swait.ge [sflag:s9], $0x200  }
0xf4: {  	[sflag:s9] =	ssyncset.done $0x0  }
0xf5: {  	[sflag:s9] =	ssyncadd.s32 $0xFFFFFE00  }
0xf6: {  	_ =	swait.ge [sflag:s9], $0x200  }
0xf7: {  	[sflag:s9] =	ssyncset.done $0x0  }
0xf8: {  	[sflag:s9] =	ssyncadd.s32 $0xFFFFFE00  }
0xf9: {  	_ =	swait.ge [sflag:s9], $0x200  }
0xfa: {  	[sflag:s9] =	ssyncset.done $0x0  }
0xfb: {  	[sflag:s9] =	ssyncadd.s32 $0xFFFFFE00  }
0xfc: {  	_ =	swait.ge [sflag:s9], $0x200  }
0xfd: {  	[sflag:s9] =	ssyncset.done $0x0  }
0xfe: {  	[sflag:s9] =	ssyncadd.s32 $0xFFFFFE00  }
0xff: {  	_ =	swait.ge [sflag:s9], $0x200  }
0x100: {  	[sflag:s9] =	ssyncset.done $0x0  }
0x101: {  	[sflag:s9] =	ssyncadd.s32 $0xFFFFFE00  }
0x102: {  	_ =	swait.ge [sflag:s9], $0x200  }
0x103: {  	[sflag:s9] =	ssyncset.done $0x0  }
0x104: {  	[sflag:s9] =	ssyncadd.s32 $0xFFFFFE00  }
0x105: {  	_ =	swait.ge [sflag:s9], $0x200  }
0x106: {  	[sflag:s9] =	ssyncset.done $0x0  }
0x107: {  	[sflag:s9] =	ssyncadd.s32 $0xFFFFFE00  }
0x108: {  	_ =	swait.ge [sflag:s9], $0x200  }
0x109: {  	[sflag:s9] =	ssyncset.done $0x0  }
0x10a: {  	[sflag:s9] =	ssyncadd.s32 $0xFFFFFE00  }
0x10b: {  	_ =	swait.ge [sflag:s9], $0x200  }
0x10c: {  	[sflag:s9] =	ssyncset.done $0x0  }
0x10d: {  	[sflag:s9] =	ssyncadd.s32 $0xFFFFFE00  }
0x10e: {  	_ =	swait.ge [sflag:s9], $0x200  }
0x10f: {  	[sflag:s9] =	ssyncset.done $0x0  }
0x110: {  	[sflag:s9] =	ssyncadd.s32 $0xFFFFFE00  }
0x111: {  	_ =	swait.ge [sflag:s9], $0x200  }
0x112: {  	[sflag:s9] =	ssyncset.done $0x0  }
0x113: {  	[sflag:s9] =	ssyncadd.s32 $0xFFFFFE00  }
0x114: {  	_ =	swait.ge [sflag:s9], $0x200  }
0x115: {  	[sflag:s9] =	ssyncset.done $0x0  }
0x116: {  	[sflag:s9] =	ssyncadd.s32 $0xFFFFFE00  }
0x117: {  	_ =	swait.ge [sflag:s9], $0x200  }
0x118: {  	[sflag:s9] =	ssyncset.done $0x0  }
0x119: {  	[sflag:s9] =	ssyncadd.s32 $0xFFFFFE00  }
0x11a: {  	_ =	swait.ge [sflag:s9], $0x200  }
0x11b: {  	[sflag:s9] =	ssyncset.done $0x0  }
0x11c: {  	[sflag:s9] =	ssyncadd.s32 $0xFFFFFE00  }
0x11d: {  	_ =	swait.ge [sflag:s9], $0x200  }
0x11e: {  	[sflag:s9] =	ssyncset.done $0x0  }
0x11f: {  	[sflag:s9] =	ssyncadd.s32 $0xFFFFFE00  }
0x120: {  	_ =	swait.ge [sflag:s9], $0x200  }
0x121: {  	[sflag:s9] =	ssyncset.done $0x0  }
0x122: {  	[sflag:s9] =	ssyncadd.s32 $0xFFFFFE00  }
0x123: {  	_ =	swait.ge [sflag:s9], $0x200  }
0x124: {  	[sflag:s9] =	ssyncset.done $0x0  }
0x125: {  	[sflag:s9] =	ssyncadd.s32 $0xFFFFFE00  }
0x126: {  	_ =	swait.ge [sflag:s9], $0x200  }
0x127: {  	[sflag:s9] =	ssyncset.done $0x0  }
0x128: {  	[sflag:s9] =	ssyncadd.s32 $0xFFFFFE00  }
0x129: {  	_ =	swait.ge [sflag:s9], $0x200  }
0x12a: {  	[sflag:s9] =	ssyncset.done $0x0  }
0x12b: {  	[sflag:s9] =	ssyncadd.s32 $0xFFFFFE00  }
0x12c: {  	_ =	swait.ge [sflag:s9], $0x200  }
0x12d: {  	[sflag:s9] =	ssyncset.done $0x0  }
0x12e: {  	[sflag:s9] =	ssyncadd.s32 $0xFFFFFE00  }
0x12f: {  	_ =	swait.ge [sflag:s9], $0x200  }
0x130: {  	[sflag:s9] =	ssyncset.done $0x0  }
0x131: {  	[sflag:s9] =	ssyncadd.s32 $0xFFFFFE00  }
0x132: {  	_ =	swait.ge [sflag:s9], $0x200  }
0x133: {  	[sflag:s9] =	ssyncset.done $0x0  }
0x134: {  	[sflag:s9] =	ssyncadd.s32 $0xFFFFFE00  }
0x135: {  	_ =	swait.ge [sflag:s9], $0x200  }
0x136: {  	[sflag:s9] =	ssyncset.done $0x0  }
0x137: {  	s19 =	simm.s32 $0x0;
	[sflag:s9] =	ssyncadd.s32 $0xFFFFFE00  }
0x138: {  	[tilespmem:s11], [sflag:$0x2] =	stream.indirect.gather [hbm4b:s4+s10], $0x40, s3, s10, $0xb8;
	[tilespmem:$0x16400] =	vst v63  }
.LBB2_2:
0x139: {  	s20 =	sshll.u32 s19, $0x9  }
0x13a: {  	s21 =	sand.u32 $0x3FFFFE00, s20  }
0x13b: {  	s20 =	sor.u32 $0x100, s21  }
0x13c: {  	[tilespmem:s12], [sflag:$0x3] =	stream.indirect.gather [hbm4b:s4+s10], $0x40, s20, s10, $0xb8;
	[tilespmem:$0x16400] =	vst v63  }
0x13d: {  	_ =	swait.ge [sflag:s13], $0x4000  }
0x13e: {  	p0 =	seq.s32 s19, $0x0;
	[sflag:s13] =	ssyncset.done $0x0  }
0x13f: {  	s20 =	simm.s32 @!p0 $0x4;
	[sflag:s13] =	ssyncadd.s32 $0xFFFFC000  }
0x140: {  	_ =	swait.ge @!p0 [sflag:s20], $0x800  }
0x141: {  	[sflag:s20] =	ssyncset.done @!p0 $0x0  }
0x142: {  	[sflag:s20] =	ssyncadd.s32 @!p0 $0xFFFFF800  }
0x143: {  	_ =	swait.ge @!p0 [sflag:s20], $0x800  }
0x144: {  	[sflag:s20] =	ssyncset.done @!p0 $0x0  }
0x145: {  	[sflag:s20] =	ssyncadd.s32 @!p0 $0xFFFFF800  }
0x146: {  	_ =	swait.ge @!p0 [sflag:s20], $0x800  }
0x147: {  	[sflag:s20] =	ssyncset.done @!p0 $0x0  }
0x148: {  	[sflag:s20] =	ssyncadd.s32 @!p0 $0xFFFFF800  }
0x149: {  	_ =	swait.ge @!p0 [sflag:s20], $0x800  }
0x14a: {  	[sflag:s20] =	ssyncset.done @!p0 $0x0  }
0x14b: {  	[sflag:s20] =	ssyncadd.s32 @!p0 $0xFFFFF800  }
0x14c: {  	_ =	swait.ge @!p0 [sflag:s20], $0x800  }
0x14d: {  	[sflag:s20] =	ssyncset.done @!p0 $0x0  }
0x14e: {  	[sflag:s20] =	ssyncadd.s32 @!p0 $0xFFFFF800  }
0x14f: {  	_ =	swait.ge @!p0 [sflag:s20], $0x800  }
0x150: {  	s25 =	simm.s32 $0x0;
	[sflag:s20] =	ssyncset.done @!p0 $0x0  }
0x151: {  	s15 =	simm.s32 $0x1;
	v32 =	vadd.s32 s25, v6;
	[sflag:s20] =	ssyncadd.s32 @!p0 $0xFFFFF800  }
0x152: {  	v33 =	vadd.s32 s15, v6;
	v42 =	vand.u32 $0x3F, v32;
	_ =	swait.ge @!p0 [sflag:s20], $0x800  }
0x153: {  	s26 =	simm.s32 $0x2;
	v43 =	vand.u32 $0x3F, v33;
	v34 =	vor.u32 v0, v42;
	[sflag:s20] =	ssyncset.done @!p0 $0x0  }
0x154: {  	v37 =	vadd.s32 s26, v6;
	v35 =	vshll.u32 v32, $0x8;
	v36 =	vor.u32 v0, v43;
	[sflag:s20] =	ssyncadd.s32 @!p0 $0xFFFFF800  }
0x155: {  	v32 =	vshll.u32 v32, $0x7;
	v38 =	vshll.u32 v33, $0x7;
	v33 =	vshll.u32 v33, $0x8;
	_ =	swait.ge @!p0 [sflag:s20], $0x800  }
0x156: {  	v47 =	vand.u32 $0x3F, v37;
	v32 =	vand.u32 $0x380, v32;
	v35 =	vand.u32 $0x3800, v35;
	[sflag:s20] =	ssyncset.done @!p0 $0x0  }
0x157: {  	v57 =	vand.u32 $0x3800, v33;
	v58 =	vand.u32 $0x380, v38;
	v52 =	vor.u32 v32, v35;
	[sflag:s20] =	ssyncadd.s32 @!p0 $0xFFFFF800  }
0x158: {  	v59 =	vor.u32 v0, v47;
	v53 =	vor.u32 v58, v57;
	v60 =	vor.u32 v6, v52;
	v34 =	vld.idx.msk [tilespmem:v34+s11+$0x0], $0xffff  }
0x159: {  	v61 =	vor.u32 v1, v42;
	v39 =	vor.u32 v6, v53;
	v36 =	vld.idx.msk [tilespmem:v36+s11+$0x0], $0xffff  }
0x15a: {  	v62 =	vshll.u32 v37, $0x8;
	v37 =	vshll.u32 v37, $0x7;
	v44 =	vor.u32 v1, v43  }
0x15b: {  	v37 =	vand.u32 $0x380, v37;
	v33 =	vand.u32 $0x3800, v62  }
0x15c: {  	v46 =	vor.u32 v37, v33  }
0x15d: {  	v33 =	vor.u32 v6, v46;
	v35 =	vld.idx.msk [tilespmem:v59+s11+$0x0], $0xffff;
	[tilespmem:v60+s14+$0x0] =	vst.idx.msk $0xffff, v34  }
0x15e: {  	v63 =	vor.u32 v1, v47;
	v54 =	vor.u32 v9, v52;
	[tilespmem:v39+s14+$0x0] =	vst.idx.msk $0xffff, v36;
	v32 =	vld.idx.msk [tilespmem:v61+s11+$0x0], $0xffff  }
0x15f: {  	s29 =	simm.s32 $0x3;
	v55 =	vor.u32 v10, v42;
	v57 =	vor.u32 v9, v53;
	v39 =	vld.idx.msk [tilespmem:v44+s11+$0x0], $0xffff  }
0x160: {  	v56 =	vadd.s32 s29, v6;
	v48 =	vor.u32 v10, v43  }
0x161: {  	v45 =	vand.u32 $0x3F, v56  }
0x162: {  	v49 =	vor.u32 v0, v45;
	v62 =	vor.u32 v11, v52;
	[tilespmem:v33+s14+$0x0] =	vst.idx.msk $0xffff, v35  }
0x163: {  	v41 =	vor.u32 v11, v53;
	v59 =	vor.u32 v9, v46;
	v34 =	vld.idx.msk [tilespmem:v63+s11+$0x0], $0xffff;
	[tilespmem:v54+s14+$0x0] =	vst.idx.msk $0xffff, v32  }
0x164: {  	v58 =	vshll.u32 v56, $0x7;
	v60 =	vshll.u32 v56, $0x8;
	v61 =	vor.u32 v10, v47;
	[tilespmem:v57+s14+$0x0] =	vst.idx.msk $0xffff, v39;
	v36 =	vld.idx.msk [tilespmem:v55+s11+$0x0], $0xffff  }
0x165: {  	v33 =	vand.u32 $0x380, v58;
	v35 =	vand.u32 $0x3800, v60;
	v63 =	vor.u32 v12, v42;
	v40 =	vld.idx.msk [tilespmem:v48+s11+$0x0], $0xffff  }
0x166: {  	v50 =	vor.u32 v12, v43;
	v6 =	vlaneseq.u32;
	v44 =	vor.u32 v33, v35  }
0x167: {  	v49 =	vld.idx.msk [tilespmem:v49+s11+$0x0], $0xffff;
	v54 =	vor.u32 v6, v44  }
0x168: {  	v51 =	vor.u32 v1, v45;
	[tilespmem:v59+s14+$0x0] =	vst.idx.msk $0xffff, v34  }
0x169: {  	v32 =	vld.idx.msk [tilespmem:v61+s11+$0x0], $0xffff;
	v55 =	vor.u32 v11, v46;
	[tilespmem:v62+s14+$0x0] =	vst.idx.msk $0xffff, v36  }
0x16a: {  	v56 =	vor.u32 v12, v47;
	v57 =	vor.u32 v13, v52;
	[tilespmem:v41+s14+$0x0] =	vst.idx.msk $0xffff, v40;
	v36 =	vld.idx.msk [tilespmem:v63+s11+$0x0], $0xffff  }
0x16b: {  	v58 =	vor.u32 v14, v42;
	v59 =	vor.u32 v13, v53;
	v35 =	vld.idx.msk [tilespmem:v50+s11+$0x0], $0xffff  }
0x16c: {  	v61 =	vor.u32 v14, v43;
	[tilespmem:v54+s14+$0x0] =	vst.idx.msk $0xffff, v49  }
0x16d: {  	v60 =	vor.u32 v9, v44;
	v48 =	vld.idx.msk [tilespmem:v51+s11+$0x0], $0xffff  }
0x16e: {  	v62 =	vor.u32 v10, v45;
	[tilespmem:v55+s14+$0x0] =	vst.idx.msk $0xffff, v32  }
0x16f: {  	v32 =	vld.idx.msk [tilespmem:v56+s11+$0x0], $0xffff;
	v63 =	vor.u32 v13, v46;
	[tilespmem:v57+s14+$0x0] =	vst.idx.msk $0xffff, v36  }
0x170: {  	v54 =	vor.u32 v14, v47;
	v55 =	vor.u32 v15, v52;
	[tilespmem:v59+s14+$0x0] =	vst.idx.msk $0xffff, v35;
	v33 =	vld.idx.msk [tilespmem:v58+s11+$0x0], $0xffff  }
0x171: {  	v56 =	vor.u32 v16, v42;
	v57 =	vld.idx.msk [tilespmem:v61+s11+$0x0], $0xffff;
	v58 =	vor.u32 v15, v53  }
0x172: {  	[tilespmem:v60+s14+$0x0] =	vst.idx.msk $0xffff, v48;
	v60 =	vor.u32 v16, v43  }
0x173: {  	v48 =	vld.idx.msk [tilespmem:v62+s11+$0x0], $0xffff;
	v59 =	vor.u32 v11, v44  }
0x174: {  	[tilespmem:v63+s14+$0x0] =	vst.idx.msk $0xffff, v32;
	v61 =	vor.u32 v12, v45  }
0x175: {  	v62 =	vor.u32 v15, v46;
	v34 =	vld.idx.msk [tilespmem:v54+s11+$0x0], $0xffff;
	[tilespmem:v55+s14+$0x0] =	vst.idx.msk $0xffff, v33  }
0x176: {  	v63 =	vor.u32 v16, v47;
	v54 =	vor.u32 v19, v52;
	[tilespmem:v58+s14+$0x0] =	vst.idx.msk $0xffff, v57;
	v35 =	vld.idx.msk [tilespmem:v56+s11+$0x0], $0xffff  }
0x177: {  	v55 =	vor.u32 v18, v42;
	v39 =	vld.idx.msk [tilespmem:v60+s11+$0x0], $0xffff;
	v56 =	vor.u32 v19, v53  }
0x178: {  	[tilespmem:v59+s14+$0x0] =	vst.idx.msk $0xffff, v48;
	v57 =	vor.u32 v18, v43  }
0x179: {  	v32 =	vld.idx.msk [tilespmem:v61+s11+$0x0], $0xffff;
	v58 =	vor.u32 v13, v44  }
0x17a: {  	v59 =	vor.u32 v14, v45;
	[tilespmem:v62+s14+$0x0] =	vst.idx.msk $0xffff, v34  }
0x17b: {  	v34 =	vld.idx.msk [tilespmem:v63+s11+$0x0], $0xffff;
	v60 =	vor.u32 v19, v46;
	[tilespmem:v54+s14+$0x0] =	vst.idx.msk $0xffff, v35  }
0x17c: {  	v62 =	vor.u32 v18, v47;
	v63 =	vor.u32 v17, v52;
	[tilespmem:v56+s14+$0x0] =	vst.idx.msk $0xffff, v39;
	v61 =	vld.idx.msk [tilespmem:v55+s11+$0x0], $0xffff  }
0x17d: {  	v48 =	vld.idx.msk [tilespmem:v57+s11+$0x0], $0xffff;
	v55 =	vor.u32 v17, v53  }
0x17e: {  	[tilespmem:v58+s14+$0x0] =	vst.idx.msk $0xffff, v32;
	v54 =	vor.u32 v20, v42  }
0x17f: {  	v32 =	vld.idx.msk [tilespmem:v59+s11+$0x0], $0xffff;
	v56 =	vor.u32 v15, v44  }
0x180: {  	[tilespmem:v60+s14+$0x0] =	vst.idx.msk $0xffff, v34;
	v57 =	vor.u32 v20, v43  }
0x181: {  	v58 =	vor.u32 v17, v46;
	v59 =	vor.u32 v16, v45;
	v34 =	vld.idx.msk [tilespmem:v62+s11+$0x0], $0xffff;
	[tilespmem:v63+s14+$0x0] =	vst.idx.msk $0xffff, v61  }
0x182: {  	v40 =	vor.u32 v24, v43;
	v61 =	vor.u32 v20, v47;
	[tilespmem:v55+s14+$0x0] =	vst.idx.msk $0xffff, v48  }
0x183: {  	v62 =	vor.u32 v2, v52;
	v60 =	vld.idx.msk [tilespmem:v54+s11+$0x0], $0xffff;
	[tilespmem:$0x1FEE0] =	vst v40  }
0x184: {  	v51 =	vor.u32 v22, v42;
	v63 =	vor.u32 v22, v45;
	[tilespmem:v56+s14+$0x0] =	vst.idx.msk $0xffff, v32  }
0x185: {  	v48 =	vor.u32 v2, v53;
	v32 =	vld.idx.msk [tilespmem:v57+s11+$0x0], $0xffff;
	[tilespmem:$0x1FEF0] =	vst v63  }
0x186: {  	v49 =	vor.u32 v22, v43;
	v35 =	vor.u32 v19, v44;
	[tilespmem:v58+s14+$0x0] =	vst.idx.msk $0xffff, v34;
	v34 =	vld.idx.msk [tilespmem:v59+s11+$0x0], $0xffff  }
0x187: {  	v41 =	vor.u32 v18, v45;
	v40 =	vor.u32 v2, v46;
	v36 =	vld.idx.msk [tilespmem:v61+s11+$0x0], $0xffff  }
0x188: {  	v63 =	vor.u32 v22, v47;
	[tilespmem:v62+s14+$0x0] =	vst.idx.msk $0xffff, v60  }
0x189: {  	v50 =	vor.u32 v26, v42;
	v33 =	vor.u32 v3, v53;
	v56 =	vor.u32 v3, v52;
	v51 =	vld.idx.msk [tilespmem:v51+s11+$0x0], $0xffff  }
0x18a: {  	s25 =	simm.s32 $0x5;
	s29 =	simm.s32 $0x6;
	v54 =	vor.u32 v20, v45;
	v58 =	vor.u32 v24, v42;
	[tilespmem:v48+s14+$0x0] =	vst.idx.msk $0xffff, v32  }
0x18b: {  	s15 =	simm.s32 $0x4;
	v37 =	vadd.s32 s29, v6;
	v57 =	vor.u32 v21, v52;
	v62 =	vadd.s32 s25, v6;
	v49 =	vld.idx.msk [tilespmem:v49+s11+$0x0], $0xffff;
	[tilespmem:v35+s14+$0x0] =	vst.idx.msk $0xffff, v34  }
0x18c: {  	v59 =	vor.u32 v24, v47;
	v32 =	vadd.s32 s15, v6;
	v35 =	vand.u32 $0x3F, v62;
	[tilespmem:v40+s14+$0x0] =	vst.idx.msk $0xffff, v36;
	v40 =	vld.idx.msk [tilespmem:v41+s11+$0x0], $0xffff  }
0x18d: {  	v60 =	vor.u32 v17, v44;
	v34 =	vshll.u32 v32, $0x8;
	v41 =	vld.idx.msk [tilespmem:v63+s11+$0x0], $0xffff;
	v63 =	vor.u32 v0, v35  }
0x18e: {  	v48 =	vor.u32 v3, v46;
	v61 =	vshll.u32 v32, $0x7;
	v34 =	vand.u32 $0x3800, v34;
	[tilespmem:v56+s14+$0x0] =	vst.idx.msk $0xffff, v51  }
0x18f: {  	v51 =	vand.u32 $0x380, v61;
	v56 =	vshll.u32 v62, $0x7;
	v62 =	vshll.u32 v62, $0x8;
	v58 =	vld.idx.msk [tilespmem:v58+s11+$0x0], $0xffff  }
0x190: {  	[tilespmem:v33+s14+$0x0] =	vst.idx.msk $0xffff, v49;
	v33 =	vor.u32 v51, v34;
	v34 =	vand.u32 $0x3800, v62;
	v62 =	vand.u32 $0x380, v56  }
0x191: {  	v56 =	vshll.u32 v37, $0x7;
	v34 =	vor.u32 v62, v34  }
0x192: {  	s26 =	simm.s32 $0x7;
	v49 =	vand.u32 $0x380, v56;
	[tilespmem:v60+s14+$0x0] =	vst.idx.msk $0xffff, v40;
	v56 =	vor.u32 v6, v34;
	v51 =	vld.idx.msk [tilespmem:v63+s11+$0x0], $0xffff  }
0x193: {  	v38 =	vadd.s32 s26, v6;
	v55 =	vor.u32 v2, v44;
	v60 =	vshll.u32 v37, $0x8;
	[tilespmem:v48+s14+$0x0] =	vst.idx.msk $0xffff, v41;
	v54 =	vld.idx.msk [tilespmem:v54+s11+$0x0], $0xffff  }
0x194: {  	v39 =	vshll.u32 v38, $0x8;
	v48 =	vand.u32 $0x3800, v60;
	[tilespmem:v57+s14+$0x0] =	vst.idx.msk $0xffff, v58;
	v57 =	vld.idx.msk [tilespmem:v59+s11+$0x0], $0xffff;
	v58 =	vor.u32 v21, v46  }
0x195: {  	v62 =	vand.u32 $0x3800, v39;
	v39 =	vor.u32 v49, v48;
	v49 =	vor.u32 v25, v52;
	v48 =	vld.idx.msk [tilespmem:v50+s11+$0x0], $0xffff;
	_ =	sdelay $0x1  }
0x196: {  	[tilespmem:v56+s14+$0x0] =	vst.idx.msk $0xffff, v51  }
0x197: {  	v56 =	vld [tilespmem:$0x1FEE0];
	[tilespmem:v55+s14+$0x0] =	vst.idx.msk $0xffff, v54  }
0x198: {  	v36 =	vand.u32 $0x3F, v32;
	[tilespmem:v58+s14+$0x0] =	vst.idx.msk $0xffff, v57  }
0x199: {  	v32 =	vand.u32 $0x3F, v38;
	v40 =	vor.u32 v0, v36;
	[tilespmem:v49+s14+$0x0] =	vst.idx.msk $0xffff, v48  }
0x19a: {  	v41 =	vor.u32 v0, v32;
	v49 =	vld [tilespmem:$0x1FEF0];
	_ =	sdelay $0x1  }
0x19b: {  	v61 =	vshll.u32 v38, $0x7;
	v60 =	vor.u32 v1, v35  }
0x19c: {  	v38 =	vand.u32 $0x3F, v37;
	v63 =	vand.u32 $0x380, v61  }
0x19d: {  	v37 =	vor.u32 v63, v62;
	v59 =	vor.u32 v6, v33;
	v50 =	vor.u32 v0, v38;
	v40 =	vld.idx.msk [tilespmem:v40+s11+$0x0], $0xffff  }
0x19e: {  	v41 =	vld.idx.msk [tilespmem:v41+s11+$0x0], $0xffff;
	v54 =	vor.u32 v6, v37;
	v55 =	vor.u32 v1, v36  }
0x19f: {  	v61 =	vor.u32 v26, v47;
	v51 =	vor.u32 v21, v53;
	v56 =	vld.idx.msk [tilespmem:v56+s11+$0x0], $0xffff  }
0x1a0: {  	v60 =	vld.idx.msk [tilespmem:v60+s11+$0x0], $0xffff;
	v57 =	vor.u32 v28, v42;
	v58 =	vor.u32 v9, v34  }
0x1a1: {  	v62 =	vor.u32 v3, v44;
	v48 =	vor.u32 v1, v32;
	v49 =	vld.idx.msk [tilespmem:v49+s11+$0x0], $0xffff  }
0x1a2: {  	v50 =	vld.idx.msk [tilespmem:v50+s11+$0x0], $0xffff;
	[tilespmem:v59+s14+$0x0] =	vst.idx.msk $0xffff, v40;
	v40 =	vor.u32 v6, v39;
	v59 =	vor.u32 v10, v35  }
0x1a3: {  	v55 =	vld.idx.msk [tilespmem:v55+s11+$0x0], $0xffff;
	[tilespmem:v54+s14+$0x0] =	vst.idx.msk $0xffff, v41;
	v41 =	vor.u32 v1, v38;
	v54 =	vor.u32 v9, v33  }
0x1a4: {  	v61 =	vld.idx.msk [tilespmem:v61+s11+$0x0], $0xffff;
	[tilespmem:v51+s14+$0x0] =	vst.idx.msk $0xffff, v56;
	v51 =	vor.u32 v24, v45;
	v56 =	vor.u32 v25, v46  }
0x1a5: {  	v57 =	vld.idx.msk [tilespmem:v57+s11+$0x0], $0xffff;
	[tilespmem:v58+s14+$0x0] =	vst.idx.msk $0xffff, v60;
	v58 =	vor.u32 v28, v47;
	v60 =	vor.u32 v27, v52  }
0x1a6: {  	v48 =	vld.idx.msk [tilespmem:v48+s11+$0x0], $0xffff;
	[tilespmem:v62+s14+$0x0] =	vst.idx.msk $0xffff, v49;
	v49 =	vor.u32 v10, v36;
	v62 =	vor.u32 v9, v37  }
0x1a7: {  	v59 =	vld.idx.msk [tilespmem:v59+s11+$0x0], $0xffff;
	[tilespmem:v40+s14+$0x0] =	vst.idx.msk $0xffff, v50;
	v40 =	vor.u32 v26, v43;
	v50 =	vor.u32 v11, v34  }
0x1a8: {  	[tilespmem:v54+s14+$0x0] =	vst.idx.msk $0xffff, v55;
	v54 =	vor.u32 v12, v35;
	v41 =	vld.idx.msk [tilespmem:v41+s11+$0x0], $0xffff;
	v55 =	vor.u32 v9, v39  }
0x1a9: {  	[tilespmem:v56+s14+$0x0] =	vst.idx.msk $0xffff, v61;
	v56 =	vor.u32 v10, v32;
	v51 =	vld.idx.msk [tilespmem:v51+s11+$0x0], $0xffff;
	v61 =	vor.u32 v21, v44  }
0x1aa: {  	[tilespmem:v60+s14+$0x0] =	vst.idx.msk $0xffff, v57;
	v57 =	vor.u32 v23, v42;
	v60 =	vor.u32 v27, v46;
	v58 =	vld.idx.msk [tilespmem:v58+s11+$0x0], $0xffff  }
0x1ab: {  	v49 =	vld.idx.msk [tilespmem:v49+s11+$0x0], $0xffff;
	[tilespmem:v62+s14+$0x0] =	vst.idx.msk $0xffff, v48;
	v48 =	vor.u32 v10, v38;
	v62 =	vor.u32 v11, v33  }
0x1ac: {  	[tilespmem:v50+s14+$0x0] =	vst.idx.msk $0xffff, v59;
	v50 =	vor.u32 v23, v47;
	v59 =	vor.u32 v25, v53;
	v40 =	vld.idx.msk [tilespmem:v40+s11+$0x0], $0xffff  }
0x1ad: {  	[tilespmem:v55+s14+$0x0] =	vst.idx.msk $0xffff, v41;
	v41 =	vor.u32 v28, v43;
	v54 =	vld.idx.msk [tilespmem:v54+s11+$0x0], $0xffff;
	v55 =	vor.u32 v13, v34  }
0x1ae: {  	[tilespmem:v61+s14+$0x0] =	vst.idx.msk $0xffff, v51;
	v51 =	vor.u32 v12, v36;
	v56 =	vld.idx.msk [tilespmem:v56+s11+$0x0], $0xffff;
	v61 =	vor.u32 v11, v37  }
0x1af: {  	v57 =	vld.idx.msk [tilespmem:v57+s11+$0x0], $0xffff;
	[tilespmem:v60+s14+$0x0] =	vst.idx.msk $0xffff, v58;
	v58 =	vor.u32 v26, v45;
	v60 =	vor.u32 v29, v52  }
0x1b0: {  	[tilespmem:v62+s14+$0x0] =	vst.idx.msk $0xffff, v49;
	v49 =	vor.u32 v14, v35;
	v48 =	vld.idx.msk [tilespmem:v48+s11+$0x0], $0xffff;
	v62 =	vor.u32 v11, v39  }
0x1b1: {  	[tilespmem:v59+s14+$0x0] =	vst.idx.msk $0xffff, v40;
	v40 =	vor.u32 v30, v42;
	v59 =	vor.u32 v29, v46;
	v50 =	vld.idx.msk [tilespmem:v50+s11+$0x0], $0xffff  }
0x1b2: {  	v41 =	vld.idx.msk [tilespmem:v41+s11+$0x0], $0xffff;
	[tilespmem:v55+s14+$0x0] =	vst.idx.msk $0xffff, v54;
	v54 =	vor.u32 v30, v47;
	v55 =	vor.u32 v27, v53  }
0x1b3: {  	v51 =	vld.idx.msk [tilespmem:v51+s11+$0x0], $0xffff;
	[tilespmem:v61+s14+$0x0] =	vst.idx.msk $0xffff, v56;
	v56 =	vor.u32 v12, v38;
	v61 =	vor.u32 v13, v33  }
0x1b4: {  	[tilespmem:v60+s14+$0x0] =	vst.idx.msk $0xffff, v57;
	v57 =	vor.u32 v25, v44;
	v60 =	vor.u32 v14, v36;
	v58 =	vld.idx.msk [tilespmem:v58+s11+$0x0], $0xffff  }
0x1b5: {  	v49 =	vld.idx.msk [tilespmem:v49+s11+$0x0], $0xffff;
	[tilespmem:v62+s14+$0x0] =	vst.idx.msk $0xffff, v48;
	v48 =	vor.u32 v23, v43;
	v62 =	vor.u32 v15, v34  }
0x1b6: {  	[tilespmem:v59+s14+$0x0] =	vst.idx.msk $0xffff, v50;
	v50 =	vor.u32 v28, v45;
	v40 =	vld.idx.msk [tilespmem:v40+s11+$0x0], $0xffff;
	v59 =	vor.u32 v4, v52  }
0x1b7: {  	[tilespmem:v55+s14+$0x0] =	vst.idx.msk $0xffff, v41;
	v41 =	vor.u32 v5, v42;
	v55 =	vor.u32 v4, v46;
	v54 =	vld.idx.msk [tilespmem:v54+s11+$0x0], $0xffff  }
0x1b8: {  	[tilespmem:v61+s14+$0x0] =	vst.idx.msk $0xffff, v51;
	v51 =	vor.u32 v16, v35;
	v56 =	vld.idx.msk [tilespmem:v56+s11+$0x0], $0xffff;
	v61 =	vor.u32 v13, v39  }
0x1b9: {  	v60 =	vld.idx.msk [tilespmem:v60+s11+$0x0], $0xffff;
	[tilespmem:v57+s14+$0x0] =	vst.idx.msk $0xffff, v58;
	v57 =	vor.u32 v14, v38;
	v58 =	vor.u32 v15, v33  }
0x1ba: {  	v48 =	vld.idx.msk [tilespmem:v48+s11+$0x0], $0xffff;
	[tilespmem:v62+s14+$0x0] =	vst.idx.msk $0xffff, v49;
	v49 =	vor.u32 v5, v47;
	v62 =	vor.u32 v29, v53  }
0x1bb: {  	[tilespmem:v59+s14+$0x0] =	vst.idx.msk $0xffff, v40;
	v40 =	vor.u32 v27, v44;
	v59 =	vor.u32 v16, v36;
	v50 =	vld.idx.msk [tilespmem:v50+s11+$0x0], $0xffff  }
0x1bc: {  	[tilespmem:v55+s14+$0x0] =	vst.idx.msk $0xffff, v54;
	v54 =	vor.u32 v23, v45;
	v41 =	vld.idx.msk [tilespmem:v41+s11+$0x0], $0xffff;
	v55 =	vor.u32 v31, v52  }
0x1bd: {  	v51 =	vld.idx.msk [tilespmem:v51+s11+$0x0], $0xffff;
	[tilespmem:v61+s14+$0x0] =	vst.idx.msk $0xffff, v56;
	v56 =	vor.u32 v30, v43;
	v61 =	vor.u32 v19, v34  }
0x1be: {  	[tilespmem:v58+s14+$0x0] =	vst.idx.msk $0xffff, v60;
	v58 =	vor.u32 v18, v35;
	v57 =	vld.idx.msk [tilespmem:v57+s11+$0x0], $0xffff;
	v60 =	vor.u32 v15, v39  }
0x1bf: {  	[tilespmem:v62+s14+$0x0] =	vst.idx.msk $0xffff, v48;
	v48 =	vor.u32 v12, v32;
	v49 =	vld.idx.msk [tilespmem:v49+s11+$0x0], $0xffff;
	v62 =	vor.u32 v31, v46  }
0x1c0: {  	v59 =	vld.idx.msk [tilespmem:v59+s11+$0x0], $0xffff;
	[tilespmem:v40+s14+$0x0] =	vst.idx.msk $0xffff, v50;
	v40 =	vor.u32 v16, v38;
	v50 =	vor.u32 v19, v33  }
0x1c1: {  	v47 =	vor.u32 v7, v47;
	[tilespmem:v55+s14+$0x0] =	vst.idx.msk $0xffff, v41;
	v41 =	vor.u32 v29, v44;
	v54 =	vld.idx.msk [tilespmem:v54+s11+$0x0], $0xffff  }
0x1c2: {  	[tilespmem:v61+s14+$0x0] =	vst.idx.msk $0xffff, v51;
	v51 =	vld.idx.msk [tilespmem:v56+s11+$0x0], $0xffff;
	v56 =	vor.u32 v4, v53  }
0x1c3: {  	v55 =	vor.u32 v18, v36;
	[tilespmem:v60+s14+$0x0] =	vst.idx.msk $0xffff, v57;
	v57 =	vld.idx.msk [tilespmem:v58+s11+$0x0], $0xffff;
	v58 =	vor.u32 v17, v34  }
0x1c4: {  	v60 =	vor.u32 v13, v37;
	[tilespmem:v62+s14+$0x0] =	vst.idx.msk $0xffff, v49;
	v49 =	vor.u32 v5, v43;
	v48 =	vld.idx.msk [tilespmem:v48+s11+$0x0], $0xffff  }
0x1c5: {  	v61 =	vor.u32 v30, v45;
	[tilespmem:v50+s14+$0x0] =	vst.idx.msk $0xffff, v59;
	v40 =	vld.idx.msk [tilespmem:v40+s11+$0x0], $0xffff;
	v62 =	vor.u32 v19, v39  }
0x1c6: {  	v63 =	vor.u32 v20, v35;
	v46 =	vor.u32 v8, v46;
	[tilespmem:v41+s14+$0x0] =	vst.idx.msk $0xffff, v54;
	v47 =	vld.idx.msk [tilespmem:v47+s11+$0x0], $0xffff  }
0x1c7: {  	v42 =	vor.u32 v7, v42;
	v25 =	vmov v21;
	v29 =	vmov v26;
	[tilespmem:v56+s14+$0x0] =	vst.idx.msk $0xffff, v51  }
0x1c8: {  	v41 =	vor.u32 v14, v32;
	v54 =	vld.idx.msk [tilespmem:v55+s11+$0x0], $0xffff;
	v55 =	vor.u32 v17, v33;
	[tilespmem:v58+s14+$0x0] =	vst.idx.msk $0xffff, v57  }
0x1c9: {  	v56 =	vor.u32 v31, v53;
	[tilespmem:v60+s14+$0x0] =	vst.idx.msk $0xffff, v48;
	v48 =	vor.u32 v18, v38;
	v49 =	vld.idx.msk [tilespmem:v49+s11+$0x0], $0xffff  }
0x1ca: {  	v59 =	vor.u32 v17, v39;
	v50 =	vld.idx.msk [tilespmem:v61+s11+$0x0], $0xffff;
	[tilespmem:v62+s14+$0x0] =	vst.idx.msk $0xffff, v40;
	v40 =	vor.u32 v4, v44  }
0x1cb: {  	v57 =	vor.u32 v20, v36;
	v51 =	vld.idx.msk [tilespmem:v63+s11+$0x0], $0xffff;
	[tilespmem:v46+s14+$0x0] =	vst.idx.msk $0xffff, v47;
	v46 =	vor.u32 v2, v34  }
0x1cc: {  	v42 =	vld.idx.msk [tilespmem:v42+s11+$0x0], $0xffff;
	v43 =	vor.u32 v7, v43;
	v61 =	vor.u32 v20, v38;
	v53 =	vor.u32 v8, v53  }
0x1cd: {  	v60 =	vor.u32 v5, v45;
	[tilespmem:v55+s14+$0x0] =	vst.idx.msk $0xffff, v54;
	v55 =	vor.u32 v15, v37;
	v41 =	vld.idx.msk [tilespmem:v41+s11+$0x0], $0xffff  }
0x1ce: {  	v45 =	vor.u32 v7, v45;
	[tilespmem:v56+s14+$0x0] =	vst.idx.msk $0xffff, v49;
	v56 =	vor.u32 v22, v35;
	v58 =	vld.idx.msk [tilespmem:v48+s11+$0x0], $0xffff  }
0x1cf: {  	v17 =	vmov v1;
	v54 =	vor.u32 v31, v44;
	[tilespmem:v40+s14+$0x0] =	vst.idx.msk $0xffff, v50;
	v50 =	vor.u32 v8, v52  }
0x1d0: {  	v62 =	vor.u32 v16, v32;
	v57 =	vld.idx.msk [tilespmem:v57+s11+$0x0], $0xffff;
	[tilespmem:v46+s14+$0x0] =	vst.idx.msk $0xffff, v51;
	v46 =	vor.u32 v2, v33  }
0x1d1: {  	v47 =	vor.u32 v22, v36;
	v48 =	vor.u32 v8, v44;
	v49 =	vor.u32 v22, v32;
	v63 =	vld.idx.msk [tilespmem:v43+s11+$0x0], $0xffff  }
0x1d2: {  	v52 =	vor.u32 v26, v36;
	v40 =	vld.idx.msk [tilespmem:v60+s11+$0x0], $0xffff;
	[tilespmem:v55+s14+$0x0] =	vst.idx.msk $0xffff, v41;
	v51 =	vor.u32 v24, v35  }
0x1d3: {  	v43 =	vor.u32 v19, v37;
	v41 =	vld.idx.msk [tilespmem:v56+s11+$0x0], $0xffff;
	[tilespmem:v59+s14+$0x0] =	vst.idx.msk $0xffff, v58;
	v56 =	vor.u32 v3, v34  }
0x1d4: {  	v26 =	vmov v9;
	v55 =	vor.u32 v20, v32;
	v60 =	vor.u32 v2, v39;
	[tilespmem:v50+s14+$0x0] =	vst.idx.msk $0xffff, v42  }
0x1d5: {  	v42 =	vld.idx.msk [tilespmem:v62+s11+$0x0], $0xffff;
	v62 =	vor.u32 v18, v32;
	v58 =	vor.u32 v3, v33;
	[tilespmem:v46+s14+$0x0] =	vst.idx.msk $0xffff, v57  }
0x1d6: {  	v59 =	vor.u32 v24, v36;
	v44 =	vld.idx.msk [tilespmem:v61+s11+$0x0], $0xffff;
	[tilespmem:v53+s14+$0x0] =	vst.idx.msk $0xffff, v63;
	v61 =	vor.u32 v22, v38  }
0x1d7: {  	v53 =	vor.u32 v2, v37;
	[tilespmem:v54+s14+$0x0] =	vst.idx.msk $0xffff, v40;
	v54 =	vor.u32 v21, v33;
	v57 =	vld.idx.msk [tilespmem:v47+s11+$0x0], $0xffff  }
0x1d8: {  	s20 =	simm.s32 $0x8;
	v9 =	vmov v0;
	v21 =	vmov v2;
	v50 =	vld.idx.msk [tilespmem:v45+s11+$0x0], $0xffff;
	[tilespmem:v56+s14+$0x0] =	vst.idx.msk $0xffff, v41;
	v56 =	vor.u32 v24, v38  }
.LBB2_3:
0x1d9: {  	v7 =	vld [tilespmem:$0x1FFE0]  }
0x1da: {  	v5 =	vlaneseq.u32  }
0x1db: {  	s26 =	sadd.s32 $0x1, s20;
	v63 =	vor.u32 v3, v39;
	v40 =	vadd.s32 s20, v5  }
0x1dc: {  	v47 =	vmovc v38;
	v46 =	vmovc v39;
	v38 =	vadd.s32 s26, v5;
	v41 =	vand.u32 $0x3F, v40;
	[tilespmem:v43+s14+$0x0] =	vst.idx.msk $0xffff, v42;
	v43 =	vmov v33  }
0x1dd: {  	s15 =	smov.u32 s20;
	v42 =	vmovc v34;
	v33 =	vshll.u32 v40, $0x8;
	v34 =	vshll.u32 v40, $0x7;
	v40 =	vand.u32 $0x3F, v38;
	[tilespmem:v60+s14+$0x0] =	vst.idx.msk $0xffff, v44;
	v39 =	vld.idx.msk [tilespmem:v62+s11+$0x0], $0xffff  }
0x1de: {  	s15 =	sadd.s32 $0x2, s15;
	v1 =	vor.u32 v9, v41;
	v0 =	vor.u32 v7, v37;
	v60 =	vld.idx.msk [tilespmem:v61+s11+$0x0], $0xffff;
	v61 =	vor.u32 v9, v40  }
0x1df: {  	s29 =	sadd.s32 $0x3, s20;
	v62 =	vadd.s32 s15, v5;
	[tilespmem:v58+s14+$0x0] =	vst.idx.msk $0xffff, v57;
	v34 =	vand.u32 $0x380, v34;
	v57 =	vshll.u32 v38, $0x7  }
0x1e0: {  	v44 =	vmovc v37;
	v33 =	vand.u32 $0x3800, v33;
	v38 =	vshll.u32 v38, $0x8;
	v37 =	vadd.s32 s29, v5;
	v59 =	vld.idx.msk [tilespmem:v59+s11+$0x0], $0xffff  }
0x1e1: {  	v45 =	vmovc v32;
	v6 =	vld [tilespmem:$0x1FFF0];
	v33 =	vor.u32 v34, v33;
	v34 =	vand.u32 $0x3800, v38;
	v57 =	vand.u32 $0x380, v57  }
0x1e2: {  	v51 =	vld.idx.msk [tilespmem:v51+s11+$0x0], $0xffff;
	[tilespmem:v48+s14+$0x0] =	vst.idx.msk $0xffff, v50;
	v48 =	vshll.u32 v62, $0x8;
	v50 =	vshll.u32 v62, $0x7;
	v34 =	vor.u32 v57, v34  }
0x1e3: {  	v32 =	vand.u32 $0x3F, v37;
	v58 =	vshll.u32 v37, $0x7;
	v57 =	vor.u32 v5, v34;
	[tilespmem:v0+s14+$0x0] =	vst.idx.msk $0xffff, v39;
	v0 =	vld.idx.msk [tilespmem:v61+s11+$0x0], $0xffff  }
0x1e4: {  	v37 =	vshll.u32 v37, $0x8;
	v39 =	vand.u32 $0x380, v50;
	v50 =	vor.u32 v9, v32;
	[tilespmem:v63+s14+$0x0] =	vst.idx.msk $0xffff, v60;
	v55 =	vld.idx.msk [tilespmem:v55+s11+$0x0], $0xffff  }
0x1e5: {  	v48 =	vand.u32 $0x3800, v48;
	v37 =	vand.u32 $0x3800, v37;
	v60 =	vor.u32 v17, v40;
	[tilespmem:v54+s14+$0x0] =	vst.idx.msk $0xffff, v59;
	v54 =	vld.idx.msk [tilespmem:v56+s11+$0x0], $0xffff  }
0x1e6: {  	v58 =	vand.u32 $0x380, v58;
	v39 =	vor.u32 v39, v48;
	v48 =	vld.idx.msk [tilespmem:v52+s11+$0x0], $0xffff;
	v52 =	vor.u32 v25, v46  }
0x1e7: {  	v31 =	vld [tilespmem:$0x1FFD0];
	v38 =	vand.u32 $0x3F, v62;
	v37 =	vor.u32 v58, v37;
	v58 =	vor.u32 v6, v43  }
0x1e8: {  	v2 =	vor.u32 v17, v41;
	v59 =	vor.u32 v25, v42;
	v1 =	vld.idx.msk [tilespmem:v1+s11+$0x0], $0xffff;
	v56 =	vor.u32 v9, v38  }
0x1e9: {  	v61 =	vor.u32 v5, v33;
	v63 =	vor.u32 v29, v47;
	[tilespmem:v57+s14+$0x0] =	vst.idx.msk $0xffff, v0;
	v0 =	vld.idx.msk [tilespmem:v50+s11+$0x0], $0xffff  }
0x1ea: {  	v62 =	vor.u32 v5, v37;
	v57 =	vld.idx.msk [tilespmem:v60+s11+$0x0], $0xffff;
	v60 =	vor.u32 v5, v39;
	[tilespmem:v53+s14+$0x0] =	vst.idx.msk $0xffff, v55  }
0x1eb: {  	v8 =	vld [tilespmem:$0x1FFA0];
	v5 =	vmov v3;
	v3 =	vor.u32 v28, v36;
	v53 =	vor.u32 v26, v34;
	[tilespmem:v52+s14+$0x0] =	vst.idx.msk $0xffff, v54  }
0x1ec: {  	v50 =	vor.u32 v17, v32;
	[tilespmem:v58+s14+$0x0] =	vst.idx.msk $0xffff, v48;
	v49 =	vld.idx.msk [tilespmem:v49+s11+$0x0], $0xffff;
	v48 =	vor.u32 v5, v44  }
0x1ed: {  	v52 =	vor.u32 v10, v40;
	[tilespmem:v59+s14+$0x0] =	vst.idx.msk $0xffff, v51;
	v54 =	vld.idx.msk [tilespmem:v56+s11+$0x0], $0xffff  }
0x1ee: {  	v51 =	vor.u32 v6, v46;
	[tilespmem:v61+s14+$0x0] =	vst.idx.msk $0xffff, v1;
	v56 =	vld.idx.msk [tilespmem:v63+s11+$0x0], $0xffff;
	v61 =	vor.u32 v17, v38  }
0x1ef: {  	v58 =	vor.u32 v24, v45;
	v59 =	vor.u32 v26, v33;
	v2 =	vld.idx.msk [tilespmem:v2+s11+$0x0], $0xffff;
	[tilespmem:v62+s14+$0x0] =	vst.idx.msk $0xffff, v0  }
0x1f0: {  	v62 =	vor.u32 v10, v41;
	v0 =	vld.idx.msk [tilespmem:v3+s11+$0x0], $0xffff;
	[tilespmem:v53+s14+$0x0] =	vst.idx.msk $0xffff, v57  }
0x1f1: {  	v3 =	vor.u32 v28, v47;
	v50 =	vld.idx.msk [tilespmem:v50+s11+$0x0], $0xffff;
	v53 =	vor.u32 v27, v43;
	[tilespmem:v48+s14+$0x0] =	vst.idx.msk $0xffff, v49  }
0x1f2: {  	v63 =	vor.u32 v29, v35;
	v57 =	vor.u32 v26, v37;
	v52 =	vld.idx.msk [tilespmem:v52+s11+$0x0], $0xffff;
	[tilespmem:v60+s14+$0x0] =	vst.idx.msk $0xffff, v54  }
0x1f3: {  	v48 =	vor.u32 v11, v34;
	v49 =	vor.u32 v10, v32;
	v60 =	vld.idx.msk [tilespmem:v61+s11+$0x0], $0xffff;
	[tilespmem:v51+s14+$0x0] =	vst.idx.msk $0xffff, v56  }
0x1f4: {  	v54 =	vld.idx.msk [tilespmem:v58+s11+$0x0], $0xffff;
	v58 =	vor.u32 v12, v40;
	v51 =	vor.u32 v25, v44;
	[tilespmem:v59+s14+$0x0] =	vst.idx.msk $0xffff, v2  }
0x1f5: {  	v2 =	vor.u32 v26, v39;
	v56 =	vor.u32 v23, v36;
	v59 =	vld.idx.msk [tilespmem:v62+s11+$0x0], $0xffff  }
0x1f6: {  	v61 =	vor.u32 v10, v38;
	v3 =	vld.idx.msk [tilespmem:v3+s11+$0x0], $0xffff;
	[tilespmem:v53+s14+$0x0] =	vst.idx.msk $0xffff, v0  }
0x1f7: {  	v0 =	vor.u32 v27, v46;
	[tilespmem:v57+s14+$0x0] =	vst.idx.msk $0xffff, v50;
	v50 =	vld.idx.msk [tilespmem:v63+s11+$0x0], $0xffff  }
0x1f8: {  	v53 =	vor.u32 v11, v33;
	v57 =	vor.u32 v23, v47;
	[tilespmem:v48+s14+$0x0] =	vst.idx.msk $0xffff, v52;
	v48 =	vld.idx.msk [tilespmem:v49+s11+$0x0], $0xffff  }
0x1f9: {  	v62 =	vor.u32 v12, v41;
	v49 =	vor.u32 v6, v42;
	v52 =	vld.idx.msk [tilespmem:v58+s11+$0x0], $0xffff;
	[tilespmem:v51+s14+$0x0] =	vst.idx.msk $0xffff, v54  }
0x1fa: {  	v1 =	vor.u32 v28, v35;
	v58 =	vor.u32 v11, v37;
	[tilespmem:v2+s14+$0x0] =	vst.idx.msk $0xffff, v60;
	v2 =	vld.idx.msk [tilespmem:v56+s11+$0x0], $0xffff  }
0x1fb: {  	v51 =	vor.u32 v29, v45;
	v54 =	vor.u32 v13, v34;
	v56 =	vor.u32 v31, v43;
	v61 =	vld.idx.msk [tilespmem:v61+s11+$0x0], $0xffff  }
0x1fc: {  	v60 =	vor.u32 v14, v40;
	[tilespmem:v0+s14+$0x0] =	vst.idx.msk $0xffff, v3;
	v0 =	vor.u32 v6, v44;
	v6 =	vld [tilespmem:$0x1FF90]  }
0x1fd: {  	v55 =	vor.u32 v30, v36;
	[tilespmem:v53+s14+$0x0] =	vst.idx.msk $0xffff, v59;
	v3 =	vor.u32 v11, v39;
	v53 =	vld.idx.msk [tilespmem:v57+s11+$0x0], $0xffff  }
0x1fe: {  	v59 =	vld.idx.msk [tilespmem:v62+s11+$0x0], $0xffff;
	v62 =	vor.u32 v12, v38;
	[tilespmem:v49+s14+$0x0] =	vst.idx.msk $0xffff, v50;
	v49 =	vor.u32 v31, v46  }
0x1ff: {  	v50 =	vor.u32 v13, v33;
	[tilespmem:v58+s14+$0x0] =	vst.idx.msk $0xffff, v48;
	v1 =	vld.idx.msk [tilespmem:v1+s11+$0x0], $0xffff;
	v48 =	vor.u32 v30, v47  }
0x200: {  	v58 =	vor.u32 v14, v41;
	[tilespmem:v54+s14+$0x0] =	vst.idx.msk $0xffff, v52;
	v52 =	vor.u32 v27, v42;
	v51 =	vld.idx.msk [tilespmem:v51+s11+$0x0], $0xffff  }
0x201: {  	[tilespmem:v56+s14+$0x0] =	vst.idx.msk $0xffff, v2;
	v56 =	vor.u32 v23, v35;
	v54 =	vld.idx.msk [tilespmem:v60+s11+$0x0], $0xffff  }
0x202: {  	v57 =	vor.u32 v28, v45;
	v60 =	vor.u32 v15, v34;
	[tilespmem:v3+s14+$0x0] =	vst.idx.msk $0xffff, v61;
	v3 =	vld.idx.msk [tilespmem:v55+s11+$0x0], $0xffff  }
0x203: {  	v55 =	vor.u32 v4, v43;
	v61 =	vor.u32 v16, v40;
	v62 =	vld.idx.msk [tilespmem:v62+s11+$0x0], $0xffff;
	[tilespmem:v49+s14+$0x0] =	vst.idx.msk $0xffff, v53  }
0x204: {  	v2 =	vor.u32 v6, v36;
	[tilespmem:v50+s14+$0x0] =	vst.idx.msk $0xffff, v59;
	v50 =	vor.u32 v13, v39;
	v48 =	vld.idx.msk [tilespmem:v48+s11+$0x0], $0xffff  }
0x205: {  	v59 =	vor.u32 v14, v38;
	v58 =	vld.idx.msk [tilespmem:v58+s11+$0x0], $0xffff;
	[tilespmem:v52+s14+$0x0] =	vst.idx.msk $0xffff, v1;
	v1 =	vor.u32 v4, v46  }
0x206: {  	v63 =	vor.u32 v6, v47;
	v52 =	vor.u32 v15, v33;
	v56 =	vld.idx.msk [tilespmem:v56+s11+$0x0], $0xffff;
	[tilespmem:v0+s14+$0x0] =	vst.idx.msk $0xffff, v51  }
0x207: {  	v0 =	vor.u32 v16, v41;
	[tilespmem:v60+s14+$0x0] =	vst.idx.msk $0xffff, v54;
	v54 =	vld.idx.msk [tilespmem:v57+s11+$0x0], $0xffff  }
0x208: {  	v51 =	vor.u32 v31, v42;
	v57 =	vld.idx.msk [tilespmem:v61+s11+$0x0], $0xffff;
	[tilespmem:v55+s14+$0x0] =	vst.idx.msk $0xffff, v3  }
0x209: {  	v49 =	vor.u32 v27, v44;
	v3 =	vor.u32 v30, v35;
	[tilespmem:v50+s14+$0x0] =	vst.idx.msk $0xffff, v62;
	v2 =	vld.idx.msk [tilespmem:v2+s11+$0x0], $0xffff  }
0x20a: {  	v53 =	vor.u32 v23, v45;
	v60 =	vor.u32 v19, v34;
	v59 =	vld.idx.msk [tilespmem:v59+s11+$0x0], $0xffff;
	[tilespmem:v1+s14+$0x0] =	vst.idx.msk $0xffff, v48  }
0x20b: {  	v61 =	vor.u32 v18, v40;
	[tilespmem:v52+s14+$0x0] =	vst.idx.msk $0xffff, v58;
	v58 =	vld.idx.msk [tilespmem:v63+s11+$0x0], $0xffff  }
0x20c: {  	v50 =	vor.u32 v8, v43;
	v0 =	vld.idx.msk [tilespmem:v0+s11+$0x0], $0xffff  }
0x20d: {  	v48 =	vor.u32 v15, v39;
	v52 =	vor.u32 v12, v32;
	[tilespmem:v51+s14+$0x0] =	vst.idx.msk $0xffff, v56;
	v63 =	vld [tilespmem:$0x1FFB0]  }
0x20e: {  	v62 =	vor.u32 v16, v38;
	v51 =	vor.u32 v8, v46;
	[tilespmem:v49+s14+$0x0] =	vst.idx.msk $0xffff, v54;
	v3 =	vld.idx.msk [tilespmem:v3+s11+$0x0], $0xffff  }
0x20f: {  	v55 =	vor.u32 v30, v45;
	v56 =	vor.u32 v19, v33;
	[tilespmem:v60+s14+$0x0] =	vst.idx.msk $0xffff, v57;
	v53 =	vld.idx.msk [tilespmem:v53+s11+$0x0], $0xffff  }
0x210: {  	v1 =	vor.u32 v31, v44;
	v49 =	vor.u32 v18, v41;
	v54 =	vor.u32 v4, v42;
	v57 =	vld.idx.msk [tilespmem:v61+s11+$0x0], $0xffff  }
0x211: {  	[tilespmem:v50+s14+$0x0] =	vst.idx.msk $0xffff, v2;
	v2 =	vor.u32 v6, v35;
	v50 =	vor.u32 v6, v45;
	v6 =	vld [tilespmem:$0x1FFC0]  }
0x212: {  	v60 =	vor.u32 v7, v34;
	[tilespmem:v48+s14+$0x0] =	vst.idx.msk $0xffff, v59;
	v48 =	vld.idx.msk [tilespmem:v52+s11+$0x0], $0xffff;
	v52 =	vor.u32 v4, v44  }
0x213: {  	v59 =	vor.u32 v20, v40;
	v47 =	vor.u32 v63, v47;
	v61 =	vld.idx.msk [tilespmem:v62+s11+$0x0], $0xffff;
	[tilespmem:v51+s14+$0x0] =	vst.idx.msk $0xffff, v58  }
0x214: {  	v62 =	vor.u32 v13, v37;
	[tilespmem:v56+s14+$0x0] =	vst.idx.msk $0xffff, v0;
	v0 =	vor.u32 v19, v39  }
0x215: {  	v51 =	vor.u32 v14, v32;
	v56 =	vor.u32 v18, v38;
	v36 =	vor.u32 v63, v36  }
0x216: {  	v49 =	vld.idx.msk [tilespmem:v49+s11+$0x0], $0xffff;
	[tilespmem:v54+s14+$0x0] =	vst.idx.msk $0xffff, v3;
	v3 =	vor.u32 v6, v46;
	v46 =	vor.u32 v7, v33  }
0x217: {  	v35 =	vor.u32 v63, v35;
	[tilespmem:v1+s14+$0x0] =	vst.idx.msk $0xffff, v53;
	v53 =	vor.u32 v8, v42;
	v2 =	vld.idx.msk [tilespmem:v2+s11+$0x0], $0xffff  }
0x218: {  	v45 =	vor.u32 v63, v45;
	v58 =	vor.u32 v15, v37;
	[tilespmem:v60+s14+$0x0] =	vst.idx.msk $0xffff, v57;
	v54 =	vld.idx.msk [tilespmem:v55+s11+$0x0], $0xffff  }
0x219: {  	v1 =	vor.u32 v20, v41;
	v57 =	vor.u32 v21, v34;
	v55 =	vld.idx.msk [tilespmem:v59+s11+$0x0], $0xffff;
	[tilespmem:v62+s14+$0x0] =	vst.idx.msk $0xffff, v48  }
0x21a: {  	v60 =	vor.u32 v6, v43;
	v43 =	vor.u32 v19, v37;
	v47 =	vld.idx.msk [tilespmem:v47+s11+$0x0], $0xffff;
	[tilespmem:v0+s14+$0x0] =	vst.idx.msk $0xffff, v61  }
0x21b: {  	v59 =	vor.u32 v8, v44;
	v48 =	vor.u32 v6, v44;
	v0 =	vld.idx.msk [tilespmem:v51+s11+$0x0], $0xffff;
	[tilespmem:v46+s14+$0x0] =	vst.idx.msk $0xffff, v49  }
0x21c: {  	v62 =	vor.u32 v18, v32;
	v51 =	vor.u32 v22, v40;
	[tilespmem:v53+s14+$0x0] =	vst.idx.msk $0xffff, v2;
	v36 =	vld.idx.msk [tilespmem:v36+s11+$0x0], $0xffff  }
0x21d: {  	v61 =	vor.u32 v22, v38;
	[tilespmem:v52+s14+$0x0] =	vst.idx.msk $0xffff, v54;
	v54 =	vor.u32 v6, v42;
	v35 =	vld.idx.msk [tilespmem:v35+s11+$0x0], $0xffff  }
0x21e: {  	v46 =	vor.u32 v16, v32;
	v2 =	vor.u32 v21, v33;
	[tilespmem:v57+s14+$0x0] =	vst.idx.msk $0xffff, v55;
	v50 =	vld.idx.msk [tilespmem:v50+s11+$0x0], $0xffff  }
0x21f: {  	v56 =	vld.idx.msk [tilespmem:v56+s11+$0x0], $0xffff;
	v53 =	vor.u32 v22, v41;
	[tilespmem:v3+s14+$0x0] =	vst.idx.msk $0xffff, v47;
	v3 =	vor.u32 v7, v39  }
0x220: {  	v49 =	vor.u32 v22, v32;
	v1 =	vld.idx.msk [tilespmem:v1+s11+$0x0], $0xffff;
	v47 =	vor.u32 v20, v38;
	[tilespmem:v58+s14+$0x0] =	vst.idx.msk $0xffff, v0  }
0x221: {  	p1 =	slt.u32 s20, $0x3C;
	v52 =	vor.u32 v29, v41;
	v63 =	vld.idx.msk [tilespmem:v51+s11+$0x0], $0xffff;
	v0 =	vor.u32 v5, v34;
	[tilespmem:v60+s14+$0x0] =	vst.idx.msk $0xffff, v36  }
.Ltmp0:
0x222: {  	v55 =	vor.u32 v20, v32;
	v51 =	vor.u32 v24, v40;
	[tilespmem:v54+s14+$0x0] =	vst.idx.msk $0xffff, v35;
	(pc) =	sbr.rel @p1 .LBB2_3-.Ltmp0, $4  }
0x223: {  	v58 =	vor.u32 v5, v33;
	v42 =	vld.idx.msk [tilespmem:v46+s11+$0x0], $0xffff;
	v60 =	vor.u32 v21, v39;
	[tilespmem:v59+s14+$0x0] =	vst.idx.msk $0xffff, v50  }
0x224: {  	v36 =	vmov v41;
	v54 =	vor.u32 v25, v33;
	[tilespmem:v3+s14+$0x0] =	vst.idx.msk $0xffff, v56;
	v50 =	vld.idx.msk [tilespmem:v45+s11+$0x0], $0xffff  }
0x225: {  	s25 =	sadd.s32 $0x4, s20;
	v35 =	vmov v40;
	v3 =	vmov v5;
	[tilespmem:v2+s14+$0x0] =	vst.idx.msk $0xffff, v1;
	v59 =	vor.u32 v24, v36;
	v44 =	vld.idx.msk [tilespmem:v47+s11+$0x0], $0xffff  }
0x226: {  	s20 =	smov.u32 s25;
	v56 =	vor.u32 v24, v38;
	v57 =	vld.idx.msk [tilespmem:v53+s11+$0x0], $0xffff;
	v53 =	vor.u32 v21, v37;
	[tilespmem:v0+s14+$0x0] =	vst.idx.msk $0xffff, v63  }
0x227: {  	_ =	sdelay $0x3  }
0x228: {  	[tilespmem:v43+s14+$0x0] =	vst.idx.msk $0xffff, v42  }
0x229: {  	v8 =	vmov v17;
	v17 =	vld [tilespmem:$0x1FFE0];
	_ =	sdelay $0x4  }
0x22a: {  	v1 =	vld.idx.msk [tilespmem:v62+s11+$0x0], $0xffff;
	v0 =	vor.u32 v17, v37;
	_ =	sdelay $0x4  }
0x22b: {  	[tilespmem:v0+s14+$0x0] =	vst.idx.msk $0xffff, v1  }
0x22c: {  	[tilespmem:v60+s14+$0x0] =	vst.idx.msk $0xffff, v44;
	v0 =	vld.idx.msk [tilespmem:v55+s11+$0x0], $0xffff  }
0x22d: {  	v2 =	vld.idx.msk [tilespmem:v61+s11+$0x0], $0xffff;
	v55 =	vor.u32 v3, v39;
	_ =	sdelay $0x2  }
0x22e: {  	[tilespmem:v58+s14+$0x0] =	vst.idx.msk $0xffff, v57  }
0x22f: {  	v41 =	vld.idx.msk [tilespmem:v59+s11+$0x0], $0xffff;
	[tilespmem:v53+s14+$0x0] =	vst.idx.msk $0xffff, v0  }
0x230: {  	v3 =	vor.u32 v3, v37;
	[tilespmem:v55+s14+$0x0] =	vst.idx.msk $0xffff, v2;
	v0 =	vld.idx.msk [tilespmem:v49+s11+$0x0], $0xffff  }
0x231: {  	v58 =	vor.u32 v25, v39;
	v1 =	vld.idx.msk [tilespmem:v56+s11+$0x0], $0xffff;
	_ =	sdelay $0x2  }
0x232: {  	[tilespmem:v54+s14+$0x0] =	vst.idx.msk $0xffff, v41  }
0x233: {  	[tilespmem:v3+s14+$0x0] =	vst.idx.msk $0xffff, v0  }
0x234: {  	v40 =	vor.u32 v24, v32;
	[tilespmem:v58+s14+$0x0] =	vst.idx.msk $0xffff, v1  }
0x235: {  	v7 =	vmovc v25;
	v63 =	vor.u32 v25, v37;
	v60 =	vor.u32 v25, v34;
	v59 =	vor.u32 v29, v38;
	v25 =	vld [tilespmem:$0x1FFF0];
	_ =	sdelay $0x2  }
0x236: {  	v61 =	vld.idx.msk [tilespmem:v51+s11+$0x0], $0xffff  }
0x237: {  	v62 =	vor.u32 v29, v35;
	v3 =	vld.idx.msk [tilespmem:v40+s11+$0x0], $0xffff  }
0x238: {  	v45 =	vor.u32 v29, v32;
	v1 =	vld.idx.msk [tilespmem:v59+s11+$0x0], $0xffff;
	v55 =	vor.u32 v25, v39  }
0x239: {  	v57 =	vor.u32 v28, v38;
	v41 =	vld.idx.msk [tilespmem:v52+s11+$0x0], $0xffff;
	v56 =	vor.u32 v25, v33  }
0x23a: {  	v58 =	vor.u32 v28, v36  }
0x23b: {  	[tilespmem:v60+s14+$0x0] =	vst.idx.msk $0xffff, v61  }
0x23c: {  	v0 =	vld.idx.msk [tilespmem:v62+s11+$0x0], $0xffff;
	v46 =	vor.u32 v25, v34;
	[tilespmem:v63+s14+$0x0] =	vst.idx.msk $0xffff, v3  }
0x23d: {  	v59 =	vor.u32 v25, v37;
	v45 =	vld.idx.msk [tilespmem:v45+s11+$0x0], $0xffff;
	[tilespmem:v55+s14+$0x0] =	vst.idx.msk $0xffff, v1  }
0x23e: {  	v60 =	vor.u32 v27, v39;
	[tilespmem:v56+s14+$0x0] =	vst.idx.msk $0xffff, v41;
	v1 =	vld.idx.msk [tilespmem:v57+s11+$0x0], $0xffff  }
0x23f: {  	v61 =	vor.u32 v27, v33;
	v41 =	vld.idx.msk [tilespmem:v58+s11+$0x0], $0xffff;
	_ =	sdelay $0x1  }
0x240: {  	[tilespmem:v46+s14+$0x0] =	vst.idx.msk $0xffff, v0  }
0x241: {  	v3 =	vor.u32 v28, v35;
	[tilespmem:v59+s14+$0x0] =	vst.idx.msk $0xffff, v45  }
0x242: {  	[tilespmem:v60+s14+$0x0] =	vst.idx.msk $0xffff, v1  }
0x243: {  	v47 =	vor.u32 v28, v32;
	[tilespmem:v61+s14+$0x0] =	vst.idx.msk $0xffff, v41  }
0x244: {  	v51 =	vmov v29;
	v62 =	vor.u32 v23, v38;
	v29 =	vld [tilespmem:$0x1FFD0]  }
0x245: {  	v63 =	vor.u32 v23, v36  }
0x246: {  	v52 =	vor.u32 v27, v34;
	v3 =	vld.idx.msk [tilespmem:v3+s11+$0x0], $0xffff;
	_ =	sdelay $0x1  }
0x247: {  	v54 =	vor.u32 v27, v37;
	v53 =	vor.u32 v23, v35;
	v55 =	vld.idx.msk [tilespmem:v47+s11+$0x0], $0xffff  }
0x248: {  	v56 =	vor.u32 v23, v32;
	v1 =	vld.idx.msk [tilespmem:v62+s11+$0x0], $0xffff;
	v57 =	vor.u32 v29, v39  }
0x249: {  	v59 =	vor.u32 v30, v38;
	v0 =	vld.idx.msk [tilespmem:v63+s11+$0x0], $0xffff;
	v58 =	vor.u32 v29, v33  }
0x24a: {  	[tilespmem:v52+s14+$0x0] =	vst.idx.msk $0xffff, v3;
	v3 =	vor.u32 v30, v36;
	_ =	sdelay $0x1  }
0x24b: {  	[tilespmem:v54+s14+$0x0] =	vst.idx.msk $0xffff, v55;
	v40 =	vld.idx.msk [tilespmem:v53+s11+$0x0], $0xffff  }
0x24c: {  	v46 =	vld.idx.msk [tilespmem:v56+s11+$0x0], $0xffff;
	v60 =	vor.u32 v29, v34;
	[tilespmem:v57+s14+$0x0] =	vst.idx.msk $0xffff, v1  }
0x24d: {  	v62 =	vor.u32 v29, v37;
	[tilespmem:v58+s14+$0x0] =	vst.idx.msk $0xffff, v0;
	v52 =	vld.idx.msk [tilespmem:v59+s11+$0x0], $0xffff  }
0x24e: {  	v53 =	vor.u32 v4, v39;
	v54 =	vld.idx.msk [tilespmem:v3+s11+$0x0], $0xffff  }
0x24f: {  	v61 =	vor.u32 v30, v35;
	v3 =	vor.u32 v4, v33;
	v6 =	vld [tilespmem:$0x1FF90];
	_ =	sdelay $0x1  }
0x250: {  	[tilespmem:v60+s14+$0x0] =	vst.idx.msk $0xffff, v40  }
0x251: {  	[tilespmem:v62+s14+$0x0] =	vst.idx.msk $0xffff, v46  }
0x252: {  	[tilespmem:v53+s14+$0x0] =	vst.idx.msk $0xffff, v52  }
0x253: {  	v63 =	vor.u32 v30, v32;
	v57 =	vld.idx.msk [tilespmem:v61+s11+$0x0], $0xffff;
	v55 =	vor.u32 v6, v38;
	[tilespmem:v3+s14+$0x0] =	vst.idx.msk $0xffff, v54  }
0x254: {  	v56 =	vor.u32 v6, v36;
	v59 =	vor.u32 v6, v35;
	v61 =	vor.u32 v6, v32;
	v6 =	vld [tilespmem:$0x1FFA0];
	_ =	sdelay $0x2  }
0x255: {  	v58 =	vor.u32 v4, v34  }
0x256: {  	v60 =	vor.u32 v4, v37;
	v46 =	vld.idx.msk [tilespmem:v63+s11+$0x0], $0xffff  }
0x257: {  	v0 =	vld.idx.msk [tilespmem:v55+s11+$0x0], $0xffff;
	v62 =	vor.u32 v6, v39  }
0x258: {  	v2 =	vld.idx.msk [tilespmem:v56+s11+$0x0], $0xffff;
	v3 =	vor.u32 v6, v33  }
0x259: {  	v11 =	vmov v26;
	v26 =	vld [tilespmem:$0x1FFB0]  }
0x25a: {  	[tilespmem:v58+s14+$0x0] =	vst.idx.msk $0xffff, v57  }
0x25b: {  	[tilespmem:v60+s14+$0x0] =	vst.idx.msk $0xffff, v46  }
0x25c: {  	[tilespmem:v62+s14+$0x0] =	vst.idx.msk $0xffff, v0  }
0x25d: {  	[tilespmem:v3+s14+$0x0] =	vst.idx.msk $0xffff, v2  }
0x25e: {  	v63 =	vor.u32 v26, v38;
	v62 =	vld [tilespmem:$0x1FFC0]  }
0x25f: {  	v53 =	vld.idx.msk [tilespmem:v59+s11+$0x0], $0xffff;
	v52 =	vor.u32 v26, v36;
	v54 =	vor.u32 v6, v34  }
0x260: {  	v57 =	vld.idx.msk [tilespmem:v61+s11+$0x0], $0xffff;
	v55 =	vor.u32 v26, v35;
	v56 =	vor.u32 v6, v37  }
0x261: {  	v58 =	vor.u32 v26, v32;
	_ =	sdelay $0x1  }
0x262: {  	v0 =	vld.idx.msk [tilespmem:v63+s11+$0x0], $0xffff;
	v59 =	vor.u32 v62, v39  }
0x263: {  	v2 =	vld.idx.msk [tilespmem:v52+s11+$0x0], $0xffff;
	[tilespmem:v54+s14+$0x0] =	vst.idx.msk $0xffff, v53;
	v3 =	vor.u32 v62, v33  }
0x264: {  	[tilespmem:v56+s14+$0x0] =	vst.idx.msk $0xffff, v57;
	v60 =	vld.idx.msk [tilespmem:v55+s11+$0x0], $0xffff;
	v61 =	vor.u32 v62, v34  }
0x265: {  	v32 =	vld.idx.msk [tilespmem:v58+s11+$0x0], $0xffff;
	v63 =	vor.u32 v62, v37  }
0x266: {  	[tilespmem:v48+s14+$0x0] =	vst.idx.msk $0xffff, v50  }
0x267: {  	s20 =	sshll.u32 s19, $0x14;
	[tilespmem:v59+s14+$0x0] =	vst.idx.msk $0xffff, v0  }
0x268: {  	s15 =	sor.u32 s28, s20;
	[tilespmem:v3+s14+$0x0] =	vst.idx.msk $0xffff, v2  }
0x269: {  	s15 =	sshrl.u32 s15, $0x3;
	[tilespmem:v61+s14+$0x0] =	vst.idx.msk $0xffff, v60  }
0x26a: {  	s25 =	sadd.s32 s2, s15;
	[tilespmem:v63+s14+$0x0] =	vst.idx.msk $0xffff, v32  }
0x26b: {  	[hbm4b:s25+s3] =	stream.linear.scatter [tilespmem:s14], [sflag:$0x4], $0x800, $0x38;
	[tilespmem:$0x16400] =	vst v63  }
0x26c: {  	s26 =	simm.s32 $0xEC00;
	s29 =	sadd.s32 s15, s30  }
0x26d: {  	[hbm4b:s29+s3] =	stream.linear.scatter [tilespmem:s26], [sflag:$0x4], $0x800, $0x38;
	[tilespmem:$0x16400] =	vst v63  }
0x26e: {  	s26 =	sadd.s32 s15, s31;
	s29 =	simm.s32 $0xF400  }
0x26f: {  	[hbm4b:s26+s3] =	stream.linear.scatter [tilespmem:s29], [sflag:$0x4], $0x800, $0x38;
	[tilespmem:$0x16400] =	vst v63  }
0x270: {  	s26 =	sadd.s32 s15, s0;
	s29 =	simm.s32 $0xFC00  }
0x271: {  	[hbm4b:s26+s3] =	stream.linear.scatter [tilespmem:s29], [sflag:$0x4], $0x800, $0x38;
	[tilespmem:$0x16400] =	vst v63  }
0x272: {  	s26 =	sadd.s32 s15, s1;
	s29 =	simm.s32 $0x10400  }
0x273: {  	[hbm4b:s26+s3] =	stream.linear.scatter [tilespmem:s29], [sflag:$0x4], $0x800, $0x38;
	[tilespmem:$0x16400] =	vst v63  }
0x274: {  	p1 =	sne.s32 s19, $0x31;
	s26 =	sadd.s32 s15, s5;
	s29 =	simm.s32 $0x10C00  }
0x275: {  	[hbm4b:s26+s3] =	stream.linear.scatter [tilespmem:s29], [sflag:$0x4], $0x800, $0x38;
	[tilespmem:$0x16400] =	vst v63  }
.Ltmp1:
0x276: {  	_ = 	snop;
	(pc) =	sbr.rel @p1 .LBB2_6-.Ltmp1, $4  }
0x277: {  	s26 =	sadd.s32 s15, s6;
	s29 =	simm.s32 $0x11400  }
0x278: {  	[hbm4b:s26+s3] =	stream.linear.scatter [tilespmem:s29], [sflag:$0x4], $0x800, $0x38;
	[tilespmem:$0x16400] =	vst v63  }
0x279: {  	s15 =	sadd.s32 s15, s7;
	s29 =	simm.s32 $0x11C00  }
0x27a: {  	v49 =	vmov v24;
	[hbm4b:s15+s3] =	stream.linear.scatter [tilespmem:s29], [sflag:$0x4], $0x800, $0x38;
	[tilespmem:$0x16400] =	vst v63  }
.Ltmp2:
0x27b: {  	(pc) =	sbr.rel .LBB2_7-.Ltmp2, $4  }
0x27c: {  	_ = 	snop  }
0x27d: {  	_ =	swait.ge [sflag:s22], $0x4000  }
0x27e: {  	[sflag:s22] =	ssyncset.done $0x0  }
0x27f: {  	v20 =	vmov v21;
	[sflag:s22] =	ssyncadd.s32 $0xFFFFC000  }
.LBB2_6:
.Ltmp3:
0x280: {  	s15 =	sadd.s32 $0x200, s21;
	(pc) =	sbr.rel @p0 .LBB2_8-.Ltmp3, $4  }
0x281: {  	[tilespmem:s11], [sflag:$0x2] =	stream.indirect.gather [hbm4b:s4+s10], $0x40, s15, s10, $0xb8;
	[tilespmem:$0x16400] =	vst v63  }
0x282: {  	_ =	swait.ge [sflag:s22], $0x4000  }
0x283: {  	[sflag:s22] =	ssyncset.done $0x0  }
0x284: {  	v20 =	vmov v21;
	[sflag:s22] =	ssyncadd.s32 $0xFFFFC000  }
.LBB2_7:
0x285: {  	_ =	swait.ge [sflag:s23], $0x800  }
0x286: {  	[sflag:s23] =	ssyncset.done $0x0  }
0x287: {  	[sflag:s23] =	ssyncadd.s32 $0xFFFFF800  }
0x288: {  	_ =	swait.ge [sflag:s23], $0x800  }
0x289: {  	[sflag:s23] =	ssyncset.done $0x0  }
0x28a: {  	[sflag:s23] =	ssyncadd.s32 $0xFFFFF800  }
0x28b: {  	_ =	swait.ge [sflag:s23], $0x800  }
0x28c: {  	[sflag:s23] =	ssyncset.done $0x0  }
0x28d: {  	[sflag:s23] =	ssyncadd.s32 $0xFFFFF800  }
0x28e: {  	_ =	swait.ge [sflag:s23], $0x800  }
0x28f: {  	[sflag:s23] =	ssyncset.done $0x0  }
0x290: {  	[sflag:s23] =	ssyncadd.s32 $0xFFFFF800  }
0x291: {  	_ =	swait.ge [sflag:s23], $0x800  }
0x292: {  	[sflag:s23] =	ssyncset.done $0x0  }
0x293: {  	[sflag:s23] =	ssyncadd.s32 $0xFFFFF800  }
0x294: {  	_ =	swait.ge [sflag:s23], $0x800  }
0x295: {  	[sflag:s23] =	ssyncset.done $0x0  }
0x296: {  	[sflag:s23] =	ssyncadd.s32 $0xFFFFF800  }
0x297: {  	_ =	swait.ge [sflag:s23], $0x800  }
0x298: {  	[sflag:s23] =	ssyncset.done $0x0  }
0x299: {  	[sflag:s23] =	ssyncadd.s32 $0xFFFFF800  }
0x29a: {  	_ =	swait.ge [sflag:s23], $0x800  }
0x29b: {  	[sflag:s23] =	ssyncset.done $0x0  }
0x29c: {  	[sflag:s23] =	ssyncadd.s32 $0xFFFFF800  }
.LBB2_8:
0x29d: {  	s15 =	simm.s32 $0x0;
	v4 =	vlaneseq.u32  }
0x29e: {  	s26 =	simm.s32 $0x1;
	v0 =	vadd.s32 s15, v4  }
0x29f: {  	v1 =	vadd.s32 s26, v4;
	v43 =	vand.u32 $0x3F, v0  }
0x2a0: {  	s29 =	simm.s32 $0x2;
	v42 =	vand.u32 $0x3F, v1;
	v2 =	vor.u32 v9, v43  }
0x2a1: {  	v33 =	vadd.s32 s29, v4;
	v3 =	vshll.u32 v0, $0x8;
	v32 =	vor.u32 v9, v42  }
0x2a2: {  	v0 =	vshll.u32 v0, $0x7;
	v34 =	vshll.u32 v1, $0x7;
	v1 =	vshll.u32 v1, $0x8  }
0x2a3: {  	v47 =	vand.u32 $0x3F, v33;
	v0 =	vand.u32 $0x380, v0;
	v3 =	vand.u32 $0x3800, v3  }
0x2a4: {  	v59 =	vand.u32 $0x3800, v1;
	v60 =	vand.u32 $0x380, v34;
	v41 =	vor.u32 v0, v3  }
0x2a5: {  	v61 =	vor.u32 v9, v47;
	v40 =	vor.u32 v60, v59;
	v48 =	vor.u32 v4, v41;
	v2 =	vld.idx.msk [tilespmem:v2+s12+$0x0], $0xffff  }
0x2a6: {  	v50 =	vor.u32 v8, v43;
	v35 =	vor.u32 v4, v40;
	v32 =	vld.idx.msk [tilespmem:v32+s12+$0x0], $0xffff  }
0x2a7: {  	v52 =	vshll.u32 v33, $0x8;
	v33 =	vshll.u32 v33, $0x7  }
0x2a8: {  	v33 =	vand.u32 $0x380, v33;
	v1 =	vand.u32 $0x3800, v52  }
0x2a9: {  	v46 =	vor.u32 v33, v1  }
0x2aa: {  	v1 =	vor.u32 v4, v46;
	v3 =	vld.idx.msk [tilespmem:v61+s12+$0x0], $0xffff;
	[tilespmem:v48+s24+$0x0] =	vst.idx.msk $0xffff, v2  }
0x2ab: {  	v36 =	vor.u32 v8, v42;
	v54 =	vor.u32 v11, v41;
	[tilespmem:v35+s24+$0x0] =	vst.idx.msk $0xffff, v32;
	v0 =	vld.idx.msk [tilespmem:v50+s12+$0x0], $0xffff  }
0x2ac: {  	v10 =	vld [tilespmem:$0x1FF10];
	_ =	sdelay $0x2  }
0x2ad: {  	[tilespmem:v1+s24+$0x0] =	vst.idx.msk $0xffff, v3  }
0x2ae: {  	v63 =	vmov v9;
	v53 =	vor.u32 v8, v47;
	v35 =	vld.idx.msk [tilespmem:v36+s12+$0x0], $0xffff;
	[tilespmem:v54+s24+$0x0] =	vst.idx.msk $0xffff, v0  }
0x2af: {  	v9 =	vmovc v11;
	v57 =	vor.u32 v11, v40;
	v59 =	vor.u32 v11, v46;
	v55 =	vor.u32 v10, v43;
	v11 =	vld [tilespmem:$0x1FF00]  }
0x2b0: {  	s21 =	simm.s32 $0x3;
	v37 =	vor.u32 v10, v42  }
0x2b1: {  	v56 =	vadd.s32 s21, v4  }
0x2b2: {  	v45 =	vand.u32 $0x3F, v56  }
0x2b3: {  	v58 =	vshll.u32 v56, $0x7;
	v38 =	vor.u32 v63, v45;
	v2 =	vld.idx.msk [tilespmem:v53+s12+$0x0], $0xffff  }
0x2b4: {  	v61 =	vor.u32 v10, v47;
	[tilespmem:v57+s24+$0x0] =	vst.idx.msk $0xffff, v35;
	v32 =	vld.idx.msk [tilespmem:v55+s12+$0x0], $0xffff;
	v48 =	vor.u32 v11, v41  }
0x2b5: {  	v60 =	vshll.u32 v56, $0x8;
	v50 =	vor.u32 v12, v43;
	v52 =	vld.idx.msk [tilespmem:v37+s12+$0x0], $0xffff;
	v53 =	vor.u32 v11, v40  }
0x2b6: {  	v56 =	vor.u32 v12, v42;
	v3 =	vand.u32 $0x3800, v60;
	v1 =	vand.u32 $0x380, v58  }
0x2b7: {  	v44 =	vor.u32 v1, v3  }
0x2b8: {  	v54 =	vor.u32 v4, v44;
	[tilespmem:v59+s24+$0x0] =	vst.idx.msk $0xffff, v2;
	v55 =	vld.idx.msk [tilespmem:v38+s12+$0x0], $0xffff  }
0x2b9: {  	v39 =	vor.u32 v8, v45;
	v0 =	vld.idx.msk [tilespmem:v61+s12+$0x0], $0xffff;
	v57 =	vor.u32 v11, v46;
	[tilespmem:v48+s24+$0x0] =	vst.idx.msk $0xffff, v32  }
0x2ba: {  	v58 =	vor.u32 v12, v47;
	v59 =	vor.u32 v13, v41;
	[tilespmem:v53+s24+$0x0] =	vst.idx.msk $0xffff, v52;
	v32 =	vld.idx.msk [tilespmem:v50+s12+$0x0], $0xffff  }
0x2bb: {  	v60 =	vor.u32 v14, v43;
	v61 =	vor.u32 v13, v40;
	v3 =	vld.idx.msk [tilespmem:v56+s12+$0x0], $0xffff  }
0x2bc: {  	v50 =	vor.u32 v14, v42  }
0x2bd: {  	[tilespmem:v54+s24+$0x0] =	vst.idx.msk $0xffff, v55  }
0x2be: {  	v36 =	vld.idx.msk [tilespmem:v39+s12+$0x0], $0xffff;
	v48 =	vor.u32 v9, v44;
	[tilespmem:v57+s24+$0x0] =	vst.idx.msk $0xffff, v0  }
0x2bf: {  	v52 =	vor.u32 v10, v45;
	v53 =	vor.u32 v13, v46;
	v0 =	vld.idx.msk [tilespmem:v58+s12+$0x0], $0xffff;
	[tilespmem:v59+s24+$0x0] =	vst.idx.msk $0xffff, v32  }
0x2c0: {  	v54 =	vor.u32 v14, v47;
	v55 =	vor.u32 v15, v41;
	[tilespmem:v61+s24+$0x0] =	vst.idx.msk $0xffff, v3;
	v1 =	vld.idx.msk [tilespmem:v60+s12+$0x0], $0xffff  }
0x2c1: {  	v56 =	vor.u32 v16, v43;
	v58 =	vor.u32 v15, v40;
	v57 =	vld.idx.msk [tilespmem:v50+s12+$0x0], $0xffff  }
0x2c2: {  	v60 =	vor.u32 v16, v42  }
0x2c3: {  	[tilespmem:v48+s24+$0x0] =	vst.idx.msk $0xffff, v36  }
0x2c4: {  	v36 =	vld.idx.msk [tilespmem:v52+s12+$0x0], $0xffff;
	v59 =	vor.u32 v11, v44;
	[tilespmem:v53+s24+$0x0] =	vst.idx.msk $0xffff, v0  }
0x2c5: {  	v48 =	vor.u32 v15, v46;
	v61 =	vor.u32 v12, v45;
	v2 =	vld.idx.msk [tilespmem:v54+s12+$0x0], $0xffff;
	[tilespmem:v55+s24+$0x0] =	vst.idx.msk $0xffff, v1  }
0x2c6: {  	v52 =	vor.u32 v19, v41;
	v50 =	vor.u32 v16, v47;
	[tilespmem:v58+s24+$0x0] =	vst.idx.msk $0xffff, v57;
	v3 =	vld.idx.msk [tilespmem:v56+s12+$0x0], $0xffff  }
0x2c7: {  	v53 =	vor.u32 v18, v43;
	v54 =	vor.u32 v19, v40;
	v35 =	vld.idx.msk [tilespmem:v60+s12+$0x0], $0xffff;
	_ =	sdelay $0x1  }
0x2c8: {  	[tilespmem:v59+s24+$0x0] =	vst.idx.msk $0xffff, v36;
	v55 =	vor.u32 v18, v42  }
0x2c9: {  	v0 =	vld.idx.msk [tilespmem:v61+s12+$0x0], $0xffff;
	[tilespmem:v48+s24+$0x0] =	vst.idx.msk $0xffff, v2  }
0x2ca: {  	v56 =	vor.u32 v13, v44;
	v2 =	vld.idx.msk [tilespmem:v50+s12+$0x0], $0xffff;
	[tilespmem:v52+s24+$0x0] =	vst.idx.msk $0xffff, v3  }
0x2cb: {  	v58 =	vor.u32 v19, v46;
	[tilespmem:v54+s24+$0x0] =	vst.idx.msk $0xffff, v35;
	v59 =	vld.idx.msk [tilespmem:v53+s12+$0x0], $0xffff  }
0x2cc: {  	v57 =	vor.u32 v14, v45;
	v61 =	vor.u32 v17, v41;
	v21 =	vld [tilespmem:$0x1FF20]  }
0x2cd: {  	v60 =	vor.u32 v18, v47;
	v50 =	vor.u32 v17, v40;
	v36 =	vld.idx.msk [tilespmem:v55+s12+$0x0], $0xffff;
	_ =	sdelay $0x1  }
0x2ce: {  	[tilespmem:v56+s24+$0x0] =	vst.idx.msk $0xffff, v0  }
0x2cf: {  	[tilespmem:v58+s24+$0x0] =	vst.idx.msk $0xffff, v2  }
0x2d0: {  	v0 =	vld.idx.msk [tilespmem:v57+s12+$0x0], $0xffff;
	[tilespmem:v61+s24+$0x0] =	vst.idx.msk $0xffff, v59  }
0x2d1: {  	v52 =	vor.u32 v15, v44;
	v2 =	vld.idx.msk [tilespmem:v60+s12+$0x0], $0xffff;
	v48 =	vor.u32 v21, v43;
	[tilespmem:v50+s24+$0x0] =	vst.idx.msk $0xffff, v36  }
0x2d2: {  	v54 =	vor.u32 v17, v46;
	v55 =	vor.u32 v16, v45;
	v23 =	vld [tilespmem:$0x1FF30]  }
0x2d3: {  	v53 =	vor.u32 v21, v42  }
0x2d4: {  	v57 =	vor.u32 v21, v47;
	_ =	sdelay $0x1  }
0x2d5: {  	v58 =	vor.u32 v20, v41;
	[tilespmem:v52+s24+$0x0] =	vst.idx.msk $0xffff, v0;
	v56 =	vld.idx.msk [tilespmem:v48+s12+$0x0], $0xffff  }
0x2d6: {  	v3 =	vor.u32 v19, v44;
	[tilespmem:v54+s24+$0x0] =	vst.idx.msk $0xffff, v2;
	v2 =	vld.idx.msk [tilespmem:v55+s12+$0x0], $0xffff;
	v59 =	vor.u32 v23, v43  }
0x2d7: {  	v34 =	vor.u32 v18, v45;
	v33 =	vor.u32 v20, v46;
	v36 =	vor.u32 v20, v40;
	v61 =	vld.idx.msk [tilespmem:v53+s12+$0x0], $0xffff  }
0x2d8: {  	v38 =	vor.u32 v5, v40;
	v50 =	vor.u32 v21, v45;
	v32 =	vld.idx.msk [tilespmem:v57+s12+$0x0], $0xffff;
	v37 =	vor.u32 v23, v42  }
0x2d9: {  	v24 =	vmovc v49;
	s21 =	simm.s32 $0x7;
	v52 =	vor.u32 v20, v44;
	v54 =	vor.u32 v7, v41;
	v60 =	vor.u32 v23, v47  }
0x2da: {  	v0 =	vadd.s32 s21, v4;
	v55 =	vor.u32 v24, v43;
	v48 =	vor.u32 v49, v42;
	[tilespmem:v58+s24+$0x0] =	vst.idx.msk $0xffff, v56  }
0x2db: {  	v49 =	vor.u32 v51, v43;
	v53 =	vor.u32 v5, v41;
	[tilespmem:v3+s24+$0x0] =	vst.idx.msk $0xffff, v2;
	v39 =	vld.idx.msk [tilespmem:v59+s12+$0x0], $0xffff  }
0x2dc: {  	s25 =	simm.s32 $0x4;
	v57 =	vor.u32 v5, v46;
	v34 =	vld.idx.msk [tilespmem:v34+s12+$0x0], $0xffff;
	[tilespmem:v36+s24+$0x0] =	vst.idx.msk $0xffff, v61;
	v58 =	vor.u32 v17, v44  }
0x2dd: {  	s26 =	simm.s32 $0x5;
	v56 =	vor.u32 v24, v47;
	v61 =	vadd.s32 s25, v4;
	[tilespmem:v33+s24+$0x0] =	vst.idx.msk $0xffff, v32;
	v32 =	vand.u32 $0x3F, v0;
	v37 =	vld.idx.msk [tilespmem:v37+s12+$0x0], $0xffff  }
0x2de: {  	v30 =	vmovc v51;
	v2 =	vshll.u32 v61, $0x8;
	v3 =	vshll.u32 v61, $0x7;
	v59 =	vadd.s32 s26, v4;
	v51 =	vld.idx.msk [tilespmem:v60+s12+$0x0], $0xffff  }
0x2df: {  	v35 =	vand.u32 $0x3F, v59;
	v3 =	vand.u32 $0x380, v3;
	v2 =	vand.u32 $0x3800, v2  }
0x2e0: {  	s29 =	simm.s32 $0x6;
	v36 =	vand.u32 $0x3F, v61;
	v60 =	vor.u32 v63, v35;
	v33 =	vor.u32 v3, v2;
	[tilespmem:v53+s24+$0x0] =	vst.idx.msk $0xffff, v39  }
0x2e1: {  	v61 =	vadd.s32 s29, v4;
	[tilespmem:v58+s24+$0x0] =	vst.idx.msk $0xffff, v34;
	v58 =	vor.u32 v63, v36;
	v39 =	vshll.u32 v59, $0x7;
	v55 =	vld.idx.msk [tilespmem:v55+s12+$0x0], $0xffff  }
0x2e2: {  	v53 =	vshll.u32 v0, $0x7;
	v59 =	vshll.u32 v59, $0x8;
	v0 =	vshll.u32 v0, $0x8;
	[tilespmem:v38+s24+$0x0] =	vst.idx.msk $0xffff, v37  }
0x2e3: {  	v37 =	vshll.u32 v61, $0x7;
	[tilespmem:v57+s24+$0x0] =	vst.idx.msk $0xffff, v51;
	v2 =	vand.u32 $0x3800, v59;
	v3 =	vand.u32 $0x380, v39  }
0x2e4: {  	v51 =	vor.u32 v63, v32;
	v50 =	vld.idx.msk [tilespmem:v50+s12+$0x0], $0xffff;
	v57 =	vor.u32 v8, v35;
	v34 =	vor.u32 v3, v2  }
0x2e5: {  	v37 =	vand.u32 $0x380, v37;
	v2 =	vshll.u32 v61, $0x8;
	v3 =	vld.idx.msk [tilespmem:v60+s12+$0x0], $0xffff;
	v59 =	vor.u32 v4, v34  }
0x2e6: {  	v0 =	vand.u32 $0x3800, v0;
	v2 =	vand.u32 $0x3800, v2;
	[tilespmem:v54+s24+$0x0] =	vst.idx.msk $0xffff, v55;
	v54 =	vld.idx.msk [tilespmem:v56+s12+$0x0], $0xffff;
	v55 =	vor.u32 v7, v46  }
0x2e7: {  	v53 =	vand.u32 $0x380, v53;
	v60 =	vor.u32 v25, v41;
	v39 =	vor.u32 v37, v2;
	v2 =	vld.idx.msk [tilespmem:v49+s12+$0x0], $0xffff  }
0x2e8: {  	v37 =	vor.u32 v53, v0;
	v0 =	vld.idx.msk [tilespmem:v58+s12+$0x0], $0xffff;
	v56 =	vor.u32 v4, v33  }
0x2e9: {  	[tilespmem:v52+s24+$0x0] =	vst.idx.msk $0xffff, v50;
	v50 =	vor.u32 v4, v37;
	v51 =	vld.idx.msk [tilespmem:v51+s12+$0x0], $0xffff  }
0x2ea: {  	v48 =	vld.idx.msk [tilespmem:v48+s12+$0x0], $0xffff;
	[tilespmem:v59+s24+$0x0] =	vst.idx.msk $0xffff, v3;
	v3 =	vor.u32 v7, v40  }
0x2eb: {  	v57 =	vld.idx.msk [tilespmem:v57+s12+$0x0], $0xffff;
	[tilespmem:v55+s24+$0x0] =	vst.idx.msk $0xffff, v54;
	v55 =	vor.u32 v9, v34  }
0x2ec: {  	v28 =	vld [tilespmem:$0x1FF50];
	[tilespmem:v60+s24+$0x0] =	vst.idx.msk $0xffff, v2  }
0x2ed: {  	v1 =	vor.u32 v23, v45;
	v38 =	vand.u32 $0x3F, v61;
	[tilespmem:v56+s24+$0x0] =	vst.idx.msk $0xffff, v0  }
0x2ee: {  	v53 =	vor.u32 v63, v38;
	[tilespmem:v50+s24+$0x0] =	vst.idx.msk $0xffff, v51  }
0x2ef: {  	v61 =	vor.u32 v30, v47;
	[tilespmem:v3+s24+$0x0] =	vst.idx.msk $0xffff, v48  }
0x2f0: {  	v52 =	vor.u32 v8, v36;
	[tilespmem:v55+s24+$0x0] =	vst.idx.msk $0xffff, v57  }
0x2f1: {  	v54 =	vor.u32 v28, v43;
	v27 =	vld [tilespmem:$0x1FF40]  }
0x2f2: {  	v1 =	vld.idx.msk [tilespmem:v1+s12+$0x0], $0xffff;
	v60 =	vor.u32 v5, v44  }
0x2f3: {  	v53 =	vld.idx.msk [tilespmem:v53+s12+$0x0], $0xffff;
	v2 =	vor.u32 v8, v32;
	v0 =	vor.u32 v4, v39  }
0x2f4: {  	v56 =	vor.u32 v10, v35;
	v58 =	vld.idx.msk [tilespmem:v61+s12+$0x0], $0xffff;
	v61 =	vor.u32 v25, v46  }
0x2f5: {  	v51 =	vor.u32 v9, v33;
	v3 =	vor.u32 v24, v45;
	v52 =	vld.idx.msk [tilespmem:v52+s12+$0x0], $0xffff  }
0x2f6: {  	v50 =	vor.u32 v8, v38;
	v54 =	vld.idx.msk [tilespmem:v54+s12+$0x0], $0xffff;
	v57 =	vor.u32 v27, v41  }
0x2f7: {  	[tilespmem:v60+s24+$0x0] =	vst.idx.msk $0xffff, v1  }
0x2f8: {  	v55 =	vor.u32 v28, v47;
	v2 =	vld.idx.msk [tilespmem:v2+s12+$0x0], $0xffff;
	[tilespmem:v0+s24+$0x0] =	vst.idx.msk $0xffff, v53  }
0x2f9: {  	v1 =	vor.u32 v10, v36;
	v60 =	vor.u32 v9, v37;
	v56 =	vld.idx.msk [tilespmem:v56+s12+$0x0], $0xffff;
	[tilespmem:v61+s24+$0x0] =	vst.idx.msk $0xffff, v58  }
0x2fa: {  	v0 =	vor.u32 v30, v42;
	v53 =	vor.u32 v11, v34;
	v3 =	vld.idx.msk [tilespmem:v3+s12+$0x0], $0xffff;
	[tilespmem:v51+s24+$0x0] =	vst.idx.msk $0xffff, v52  }
0x2fb: {  	v61 =	vor.u32 v7, v44;
	v50 =	vld.idx.msk [tilespmem:v50+s12+$0x0], $0xffff;
	[tilespmem:v57+s24+$0x0] =	vst.idx.msk $0xffff, v54  }
0x2fc: {  	v52 =	vor.u32 v9, v39;
	v4 =	vld [tilespmem:$0x1FF70]  }
0x2fd: {  	v48 =	vor.u32 v10, v32;
	v55 =	vld.idx.msk [tilespmem:v55+s12+$0x0], $0xffff;
	v57 =	vor.u32 v27, v46  }
0x2fe: {  	v51 =	vor.u32 v12, v35;
	v1 =	vld.idx.msk [tilespmem:v1+s12+$0x0], $0xffff;
	[tilespmem:v60+s24+$0x0] =	vst.idx.msk $0xffff, v2;
	v60 =	vor.u32 v11, v33  }
0x2ff: {  	v0 =	vld.idx.msk [tilespmem:v0+s12+$0x0], $0xffff;
	v2 =	vor.u32 v10, v38;
	[tilespmem:v53+s24+$0x0] =	vst.idx.msk $0xffff, v56;
	v56 =	vor.u32 v25, v40  }
0x300: {  	[tilespmem:v61+s24+$0x0] =	vst.idx.msk $0xffff, v3  }
0x301: {  	[tilespmem:v52+s24+$0x0] =	vst.idx.msk $0xffff, v50;
	v54 =	vor.u32 v4, v43  }
0x302: {  	v48 =	vld.idx.msk [tilespmem:v48+s12+$0x0], $0xffff;
	[tilespmem:v57+s24+$0x0] =	vst.idx.msk $0xffff, v55;
	v53 =	vor.u32 v4, v47  }
0x303: {  	v3 =	vor.u32 v12, v36;
	v61 =	vor.u32 v11, v37;
	v51 =	vld.idx.msk [tilespmem:v51+s12+$0x0], $0xffff;
	[tilespmem:v60+s24+$0x0] =	vst.idx.msk $0xffff, v1  }
0x304: {  	v50 =	vor.u32 v28, v42;
	v52 =	vor.u32 v13, v34;
	v2 =	vld.idx.msk [tilespmem:v2+s12+$0x0], $0xffff;
	[tilespmem:v56+s24+$0x0] =	vst.idx.msk $0xffff, v0  }
0x305: {  	v60 =	vor.u32 v11, v39;
	v22 =	vld [tilespmem:$0x1FF80]  }
0x306: {  	v57 =	vor.u32 v29, v41;
	v54 =	vld.idx.msk [tilespmem:v54+s12+$0x0], $0xffff  }
0x307: {  	v55 =	vor.u32 v30, v45;
	v56 =	vor.u32 v29, v46;
	v53 =	vld.idx.msk [tilespmem:v53+s12+$0x0], $0xffff  }
0x308: {  	v3 =	vld.idx.msk [tilespmem:v3+s12+$0x0], $0xffff;
	[tilespmem:v61+s24+$0x0] =	vst.idx.msk $0xffff, v48;
	v61 =	vor.u32 v13, v33  }
0x309: {  	v1 =	vor.u32 v14, v35;
	v50 =	vld.idx.msk [tilespmem:v50+s12+$0x0], $0xffff;
	[tilespmem:v52+s24+$0x0] =	vst.idx.msk $0xffff, v51;
	v52 =	vor.u32 v27, v40  }
0x30a: {  	[tilespmem:v60+s24+$0x0] =	vst.idx.msk $0xffff, v2  }
0x30b: {  	v48 =	vor.u32 v12, v38;
	[tilespmem:v57+s24+$0x0] =	vst.idx.msk $0xffff, v54  }
0x30c: {  	v55 =	vld.idx.msk [tilespmem:v55+s12+$0x0], $0xffff;
	v54 =	vor.u32 v25, v44;
	v57 =	vor.u32 v14, v36;
	[tilespmem:v56+s24+$0x0] =	vst.idx.msk $0xffff, v53  }
0x30d: {  	v0 =	vor.u32 v22, v43;
	v31 =	vld [tilespmem:$0x1FF60];
	[tilespmem:v61+s24+$0x0] =	vst.idx.msk $0xffff, v3  }
0x30e: {  	v1 =	vld.idx.msk [tilespmem:v1+s12+$0x0], $0xffff;
	v51 =	vor.u32 v22, v47;
	[tilespmem:v52+s24+$0x0] =	vst.idx.msk $0xffff, v50  }
0x30f: {  	v2 =	vor.u32 v4, v42;
	v60 =	vor.u32 v15, v34;
	v53 =	vor.u32 v28, v45;
	v28 =	vld [tilespmem:$0x1FF90]  }
0x310: {  	v48 =	vld.idx.msk [tilespmem:v48+s12+$0x0], $0xffff;
	v61 =	vor.u32 v13, v39  }
0x311: {  	v3 =	vor.u32 v16, v35;
	v57 =	vld.idx.msk [tilespmem:v57+s12+$0x0], $0xffff;
	[tilespmem:v54+s24+$0x0] =	vst.idx.msk $0xffff, v55;
	v55 =	vor.u32 v15, v33  }
0x312: {  	v0 =	vld.idx.msk [tilespmem:v0+s12+$0x0], $0xffff;
	v54 =	vor.u32 v14, v38;
	v56 =	vor.u32 v31, v41  }
0x313: {  	v49 =	vor.u32 v23, v32;
	v51 =	vld.idx.msk [tilespmem:v51+s12+$0x0], $0xffff;
	v52 =	vor.u32 v31, v46  }
0x314: {  	v2 =	vld.idx.msk [tilespmem:v2+s12+$0x0], $0xffff;
	[tilespmem:v60+s24+$0x0] =	vst.idx.msk $0xffff, v1;
	v60 =	vor.u32 v29, v40;
	v1 =	vor.u32 v28, v47  }
0x315: {  	v59 =	vor.u32 v19, v33;
	[tilespmem:v61+s24+$0x0] =	vst.idx.msk $0xffff, v48;
	v50 =	vor.u32 v28, v43  }
0x316: {  	v3 =	vld.idx.msk [tilespmem:v3+s12+$0x0], $0xffff;
	v48 =	vor.u32 v22, v42;
	v61 =	vor.u32 v19, v34;
	[tilespmem:v55+s24+$0x0] =	vst.idx.msk $0xffff, v57  }
0x317: {  	v55 =	vor.u32 v18, v35;
	v54 =	vld.idx.msk [tilespmem:v54+s12+$0x0], $0xffff;
	v57 =	vor.u32 v15, v39;
	[tilespmem:v56+s24+$0x0] =	vst.idx.msk $0xffff, v0  }
0x318: {  	v53 =	vld.idx.msk [tilespmem:v53+s12+$0x0], $0xffff;
	v0 =	vor.u32 v27, v44;
	v56 =	vor.u32 v16, v36;
	[tilespmem:v52+s24+$0x0] =	vst.idx.msk $0xffff, v51  }
0x319: {  	[tilespmem:v60+s24+$0x0] =	vst.idx.msk $0xffff, v2;
	v2 =	vor.u32 v12, v32;
	v60 =	vor.u32 v6, v46;
	v1 =	vld.idx.msk [tilespmem:v1+s12+$0x0], $0xffff  }
0x31a: {  	v47 =	vor.u32 v26, v47;
	v51 =	vor.u32 v4, v45;
	v52 =	vor.u32 v6, v41;
	v50 =	vld.idx.msk [tilespmem:v50+s12+$0x0], $0xffff  }
0x31b: {  	v46 =	vor.u32 v62, v46;
	[tilespmem:v61+s24+$0x0] =	vst.idx.msk $0xffff, v3;
	v3 =	vld.idx.msk [tilespmem:v48+s12+$0x0], $0xffff;
	v61 =	vor.u32 v31, v40  }
0x31c: {  	v43 =	vor.u32 v26, v43;
	[tilespmem:v57+s24+$0x0] =	vst.idx.msk $0xffff, v54;
	v54 =	vld.idx.msk [tilespmem:v55+s12+$0x0], $0xffff;
	v55 =	vor.u32 v17, v34  }
0x31d: {  	v48 =	vor.u32 v14, v32;
	v56 =	vld.idx.msk [tilespmem:v56+s12+$0x0], $0xffff;
	[tilespmem:v0+s24+$0x0] =	vst.idx.msk $0xffff, v53;
	v0 =	vor.u32 v16, v38  }
0x31e: {  	v2 =	vld.idx.msk [tilespmem:v2+s12+$0x0], $0xffff;
	[tilespmem:v60+s24+$0x0] =	vst.idx.msk $0xffff, v1;
	v1 =	vor.u32 v28, v42;
	v60 =	vor.u32 v13, v37  }
0x31f: {  	[tilespmem:v52+s24+$0x0] =	vst.idx.msk $0xffff, v50;
	v50 =	vor.u32 v29, v44;
	v51 =	vld.idx.msk [tilespmem:v51+s12+$0x0], $0xffff;
	v52 =	vor.u32 v18, v36  }
0x320: {  	v41 =	vor.u32 v62, v41;
	[tilespmem:v61+s24+$0x0] =	vst.idx.msk $0xffff, v3;
	v61 =	vor.u32 v21, v35;
	v47 =	vld.idx.msk [tilespmem:v47+s12+$0x0], $0xffff  }
0x321: {  	v57 =	vor.u32 v31, v44;
	v53 =	vor.u32 v22, v45;
	v43 =	vld.idx.msk [tilespmem:v43+s12+$0x0], $0xffff;
	[tilespmem:v55+s24+$0x0] =	vst.idx.msk $0xffff, v54  }
0x322: {  	v42 =	vor.u32 v26, v42;
	[tilespmem:v59+s24+$0x0] =	vst.idx.msk $0xffff, v56;
	v0 =	vld.idx.msk [tilespmem:v0+s12+$0x0], $0xffff;
	v56 =	vor.u32 v19, v39  }
0x323: {  	[tilespmem:v60+s24+$0x0] =	vst.idx.msk $0xffff, v2;
	v2 =	vor.u32 v18, v38;
	v1 =	vld.idx.msk [tilespmem:v1+s12+$0x0], $0xffff;
	v60 =	vor.u32 v6, v40  }
0x324: {  	v55 =	vor.u32 v17, v39;
	[tilespmem:v50+s24+$0x0] =	vst.idx.msk $0xffff, v51;
	v50 =	vld.idx.msk [tilespmem:v52+s12+$0x0], $0xffff;
	v51 =	vor.u32 v17, v33  }
0x325: {  	v59 =	vor.u32 v21, v36;
	v3 =	vld.idx.msk [tilespmem:v61+s12+$0x0], $0xffff;
	v61 =	vor.u32 v20, v34;
	[tilespmem:v46+s24+$0x0] =	vst.idx.msk $0xffff, v47  }
0x326: {  	v40 =	vor.u32 v62, v40;
	v52 =	vor.u32 v30, v36;
	v58 =	vld.idx.msk [tilespmem:v53+s12+$0x0], $0xffff;
	[tilespmem:v41+s24+$0x0] =	vst.idx.msk $0xffff, v43  }
0x327: {  	v47 =	vor.u32 v28, v45;
	v45 =	vor.u32 v26, v45;
	v54 =	vld.idx.msk [tilespmem:v48+s12+$0x0], $0xffff;
	[tilespmem:v56+s24+$0x0] =	vst.idx.msk $0xffff, v0  }
0x328: {  	v48 =	vor.u32 v62, v44;
	[tilespmem:v60+s24+$0x0] =	vst.idx.msk $0xffff, v1;
	v1 =	vor.u32 v23, v35;
	v2 =	vld.idx.msk [tilespmem:v2+s12+$0x0], $0xffff  }
0x329: {  	v43 =	vor.u32 v19, v37;
	[tilespmem:v51+s24+$0x0] =	vst.idx.msk $0xffff, v50;
	v51 =	vor.u32 v15, v37  }
0x32a: {  	[tilespmem:v61+s24+$0x0] =	vst.idx.msk $0xffff, v3;
	v61 =	vor.u32 v20, v33;
	v60 =	vor.u32 v16, v32;
	v53 =	vld.idx.msk [tilespmem:v59+s12+$0x0], $0xffff  }
0x32b: {  	v62 =	vor.u32 v18, v32;
	v56 =	vor.u32 v21, v38;
	[tilespmem:v57+s24+$0x0] =	vst.idx.msk $0xffff, v58;
	v46 =	vld.idx.msk [tilespmem:v42+s12+$0x0], $0xffff  }
0x32c: {  	v22 =	vmovc v23;
	v26 =	vmov v30;
	v50 =	vor.u32 v6, v44;
	v57 =	vor.u32 v23, v36;
	v47 =	vld.idx.msk [tilespmem:v47+s12+$0x0], $0xffff  }
0x32d: {  	v58 =	vor.u32 v5, v33;
	v1 =	vld.idx.msk [tilespmem:v1+s12+$0x0], $0xffff;
	[tilespmem:v55+s24+$0x0] =	vst.idx.msk $0xffff, v2;
	v2 =	vor.u32 v5, v34  }
0x32e: {  	v30 =	vmov v20;
	v59 =	vor.u32 v24, v36;
	[tilespmem:v51+s24+$0x0] =	vst.idx.msk $0xffff, v54;
	v51 =	vor.u32 v24, v35  }
0x32f: {  	v55 =	vor.u32 v21, v32;
	v54 =	vor.u32 v7, v33;
	v42 =	vld.idx.msk [tilespmem:v60+s12+$0x0], $0xffff;
	[tilespmem:v61+s24+$0x0] =	vst.idx.msk $0xffff, v53  }
0x330: {  	v60 =	vor.u32 v20, v39;
	v44 =	vld.idx.msk [tilespmem:v56+s12+$0x0], $0xffff;
	[tilespmem:v40+s24+$0x0] =	vst.idx.msk $0xffff, v46;
	v61 =	vor.u32 v23, v38  }
0x331: {  	v53 =	vor.u32 v20, v37;
	v56 =	vor.u32 v24, v38;
	v57 =	vld.idx.msk [tilespmem:v57+s12+$0x0], $0xffff;
	[tilespmem:v50+s24+$0x0] =	vst.idx.msk $0xffff, v47  }
0x332: {  	s25 =	simm.s32 $0x8;
	v6 =	vlaneseq.u32;
	v20 =	vmovc v21;
	v21 =	vmovc v5;
	v23 =	vmov v7;
	v7 =	vmov v63;
	v50 =	vld.idx.msk [tilespmem:v45+s12+$0x0], $0xffff;
	[tilespmem:v2+s24+$0x0] =	vst.idx.msk $0xffff, v1  }
.LBB2_9:
0x333: {  	v0 =	vadd.s32 s25, v6  }
0x334: {  	v1 =	vor.u32 v21, v39;
	v3 =	vshll.u32 v0, $0x8  }
0x335: {  	s15 =	sadd.s32 $0x1, s25;
	s26 =	sadd.s32 $0x3, s25;
	v2 =	vor.u32 v17, v37;
	s29 =	smov.u32 s25;
	v51 =	vld.idx.msk [tilespmem:v51+s12+$0x0], $0xffff;
	v41 =	vand.u32 $0x3F, v0;
	v3 =	vand.u32 $0x3800, v3  }
0x336: {  	s29 =	sadd.s32 $0x2, s29;
	[tilespmem:v43+s24+$0x0] =	vst.idx.msk $0xffff, v42;
	v43 =	vmovc v33;
	v42 =	vmovc v34;
	v33 =	vshll.u32 v0, $0x7;
	v34 =	vadd.s32 s15, v6;
	v0 =	vadd.s32 s26, v6  }
0x337: {  	v45 =	vmovc v32;
	v4 =	vld [tilespmem:$0x1FF50];
	[tilespmem:v60+s24+$0x0] =	vst.idx.msk $0xffff, v44;
	v40 =	vand.u32 $0x3F, v34;
	v60 =	vadd.s32 s29, v6;
	v32 =	vand.u32 $0x3F, v0  }
0x338: {  	v47 =	vmovc v38;
	v46 =	vmovc v39;
	v38 =	vld.idx.msk [tilespmem:v62+s12+$0x0], $0xffff;
	v33 =	vand.u32 $0x380, v33;
	v63 =	vshll.u32 v34, $0x7;
	v39 =	vor.u32 v7, v40  }
0x339: {  	v44 =	vmovc v37;
	[tilespmem:v58+s24+$0x0] =	vst.idx.msk $0xffff, v57;
	v58 =	vshll.u32 v0, $0x7;
	v34 =	vshll.u32 v34, $0x8;
	v0 =	vshll.u32 v0, $0x8;
	v37 =	vld.idx.msk [tilespmem:v61+s12+$0x0], $0xffff  }
0x33a: {  	v62 =	vor.u32 v7, v41;
	v59 =	vld.idx.msk [tilespmem:v59+s12+$0x0], $0xffff;
	v33 =	vor.u32 v33, v3;
	v3 =	vshll.u32 v60, $0x8  }
0x33b: {  	v5 =	vld [tilespmem:$0x1FF80];
	v61 =	vshll.u32 v60, $0x7;
	v34 =	vand.u32 $0x3800, v34;
	v57 =	vand.u32 $0x380, v63  }
0x33c: {  	v28 =	vld [tilespmem:$0x1FF70];
	[tilespmem:v48+s24+$0x0] =	vst.idx.msk $0xffff, v50;
	v48 =	vor.u32 v7, v32;
	v0 =	vand.u32 $0x3800, v0;
	v34 =	vor.u32 v57, v34  }
0x33d: {  	v58 =	vand.u32 $0x380, v58;
	v63 =	vand.u32 $0x380, v61;
	v57 =	vor.u32 v6, v34;
	[tilespmem:v2+s24+$0x0] =	vst.idx.msk $0xffff, v38;
	v2 =	vld.idx.msk [tilespmem:v39+s12+$0x0], $0xffff  }
0x33e: {  	v3 =	vand.u32 $0x3800, v3;
	v38 =	vand.u32 $0x3F, v60;
	[tilespmem:v1+s24+$0x0] =	vst.idx.msk $0xffff, v37;
	v1 =	vld.idx.msk [tilespmem:v55+s12+$0x0], $0xffff;
	v55 =	vor.u32 v8, v40  }
0x33f: {  	[tilespmem:v54+s24+$0x0] =	vst.idx.msk $0xffff, v59;
	v39 =	vor.u32 v63, v3;
	v3 =	vor.u32 v23, v46;
	v54 =	vld.idx.msk [tilespmem:v56+s12+$0x0], $0xffff  }
0x340: {  	v37 =	vor.u32 v58, v0;
	v0 =	vld.idx.msk [tilespmem:v52+s12+$0x0], $0xffff;
	v52 =	vor.u32 v7, v38;
	v56 =	vor.u32 v25, v43  }
0x341: {  	v61 =	vor.u32 v26, v47;
	v59 =	vor.u32 v6, v33;
	v50 =	vld.idx.msk [tilespmem:v62+s12+$0x0], $0xffff  }
0x342: {  	v58 =	vor.u32 v23, v42;
	v62 =	vor.u32 v8, v41;
	[tilespmem:v57+s24+$0x0] =	vst.idx.msk $0xffff, v2;
	v2 =	vld.idx.msk [tilespmem:v48+s12+$0x0], $0xffff  }
0x343: {  	v63 =	vor.u32 v4, v36;
	v60 =	vor.u32 v6, v37;
	[tilespmem:v53+s24+$0x0] =	vst.idx.msk $0xffff, v1;
	v55 =	vld.idx.msk [tilespmem:v55+s12+$0x0], $0xffff  }
0x344: {  	v48 =	vor.u32 v8, v32;
	v1 =	vor.u32 v9, v34;
	[tilespmem:v3+s24+$0x0] =	vst.idx.msk $0xffff, v54;
	v3 =	vld.idx.msk [tilespmem:v49+s12+$0x0], $0xffff  }
0x345: {  	v49 =	vor.u32 v10, v40;
	[tilespmem:v56+s24+$0x0] =	vst.idx.msk $0xffff, v0;
	v0 =	vor.u32 v21, v44;
	v52 =	vld.idx.msk [tilespmem:v52+s12+$0x0], $0xffff  }
0x346: {  	v57 =	vor.u32 v6, v39;
	v56 =	vor.u32 v24, v45;
	[tilespmem:v59+s24+$0x0] =	vst.idx.msk $0xffff, v50;
	v54 =	vld.idx.msk [tilespmem:v61+s12+$0x0], $0xffff  }
0x347: {  	[tilespmem:v58+s24+$0x0] =	vst.idx.msk $0xffff, v51;
	v51 =	vor.u32 v25, v46;
	v61 =	vor.u32 v8, v38;
	v59 =	vld.idx.msk [tilespmem:v62+s12+$0x0], $0xffff  }
0x348: {  	v58 =	vor.u32 v9, v33;
	[tilespmem:v60+s24+$0x0] =	vst.idx.msk $0xffff, v2;
	v2 =	vld.idx.msk [tilespmem:v63+s12+$0x0], $0xffff;
	v60 =	vor.u32 v4, v47  }
0x349: {  	v62 =	vor.u32 v10, v41;
	[tilespmem:v1+s24+$0x0] =	vst.idx.msk $0xffff, v55;
	v1 =	vld.idx.msk [tilespmem:v48+s12+$0x0], $0xffff;
	v48 =	vor.u32 v27, v43  }
0x34a: {  	v63 =	vor.u32 v26, v35;
	v55 =	vor.u32 v9, v37;
	[tilespmem:v0+s24+$0x0] =	vst.idx.msk $0xffff, v3;
	v49 =	vld.idx.msk [tilespmem:v49+s12+$0x0], $0xffff  }
0x34b: {  	v0 =	vor.u32 v11, v34;
	v3 =	vor.u32 v10, v32;
	[tilespmem:v57+s24+$0x0] =	vst.idx.msk $0xffff, v52;
	v52 =	vld.idx.msk [tilespmem:v56+s12+$0x0], $0xffff  }
0x34c: {  	v56 =	vor.u32 v12, v40;
	v57 =	vld.idx.msk [tilespmem:v61+s12+$0x0], $0xffff;
	[tilespmem:v51+s24+$0x0] =	vst.idx.msk $0xffff, v54;
	v51 =	vor.u32 v23, v44  }
0x34d: {  	[tilespmem:v58+s24+$0x0] =	vst.idx.msk $0xffff, v59;
	v54 =	vor.u32 v9, v39;
	v58 =	vor.u32 v28, v36;
	v59 =	vld.idx.msk [tilespmem:v60+s12+$0x0], $0xffff  }
0x34e: {  	v61 =	vor.u32 v10, v38;
	v60 =	vld.idx.msk [tilespmem:v62+s12+$0x0], $0xffff;
	[tilespmem:v48+s24+$0x0] =	vst.idx.msk $0xffff, v2  }
0x34f: {  	v2 =	vor.u32 v27, v46;
	[tilespmem:v55+s24+$0x0] =	vst.idx.msk $0xffff, v1;
	v1 =	vld.idx.msk [tilespmem:v63+s12+$0x0], $0xffff  }
0x350: {  	v48 =	vor.u32 v11, v33;
	v55 =	vor.u32 v28, v47;
	[tilespmem:v0+s24+$0x0] =	vst.idx.msk $0xffff, v49;
	v0 =	vld.idx.msk [tilespmem:v3+s12+$0x0], $0xffff  }
0x351: {  	v62 =	vor.u32 v12, v41;
	v3 =	vor.u32 v25, v42;
	v49 =	vld.idx.msk [tilespmem:v56+s12+$0x0], $0xffff;
	[tilespmem:v51+s24+$0x0] =	vst.idx.msk $0xffff, v52  }
0x352: {  	v50 =	vor.u32 v4, v35;
	v56 =	vor.u32 v11, v37;
	[tilespmem:v54+s24+$0x0] =	vst.idx.msk $0xffff, v57;
	v54 =	vld.idx.msk [tilespmem:v58+s12+$0x0], $0xffff  }
0x353: {  	v51 =	vor.u32 v26, v45;
	v52 =	vor.u32 v13, v34;
	v57 =	vor.u32 v29, v43;
	v61 =	vld.idx.msk [tilespmem:v61+s12+$0x0], $0xffff  }
0x354: {  	v58 =	vor.u32 v14, v40;
	[tilespmem:v2+s24+$0x0] =	vst.idx.msk $0xffff, v59;
	v59 =	vor.u32 v4, v45;
	v4 =	vld [tilespmem:$0x1FF90]  }
0x355: {  	v53 =	vor.u32 v5, v36;
	[tilespmem:v48+s24+$0x0] =	vst.idx.msk $0xffff, v60;
	v48 =	vor.u32 v11, v39;
	v55 =	vld.idx.msk [tilespmem:v55+s12+$0x0], $0xffff  }
0x356: {  	v60 =	vld.idx.msk [tilespmem:v62+s12+$0x0], $0xffff;
	v62 =	vor.u32 v12, v38;
	[tilespmem:v3+s24+$0x0] =	vst.idx.msk $0xffff, v1;
	v1 =	vor.u32 v29, v46  }
0x357: {  	v3 =	vor.u32 v13, v33;
	[tilespmem:v56+s24+$0x0] =	vst.idx.msk $0xffff, v0;
	v0 =	vld.idx.msk [tilespmem:v50+s12+$0x0], $0xffff;
	v50 =	vor.u32 v5, v47  }
0x358: {  	v56 =	vor.u32 v14, v41;
	[tilespmem:v52+s24+$0x0] =	vst.idx.msk $0xffff, v49;
	v49 =	vor.u32 v27, v42;
	v51 =	vld.idx.msk [tilespmem:v51+s12+$0x0], $0xffff  }
0x359: {  	v2 =	vor.u32 v25, v44;
	[tilespmem:v57+s24+$0x0] =	vst.idx.msk $0xffff, v54;
	v57 =	vor.u32 v28, v35;
	v52 =	vld.idx.msk [tilespmem:v58+s12+$0x0], $0xffff  }
0x35a: {  	v58 =	vor.u32 v15, v34;
	[tilespmem:v48+s24+$0x0] =	vst.idx.msk $0xffff, v61;
	v48 =	vld.idx.msk [tilespmem:v53+s12+$0x0], $0xffff  }
0x35b: {  	v61 =	vor.u32 v16, v40;
	v62 =	vld.idx.msk [tilespmem:v62+s12+$0x0], $0xffff;
	[tilespmem:v1+s24+$0x0] =	vst.idx.msk $0xffff, v55  }
0x35c: {  	v53 =	vor.u32 v31, v43;
	[tilespmem:v3+s24+$0x0] =	vst.idx.msk $0xffff, v60;
	v50 =	vld.idx.msk [tilespmem:v50+s12+$0x0], $0xffff  }
0x35d: {  	v54 =	vor.u32 v4, v36;
	v3 =	vor.u32 v13, v39;
	v56 =	vld.idx.msk [tilespmem:v56+s12+$0x0], $0xffff;
	[tilespmem:v49+s24+$0x0] =	vst.idx.msk $0xffff, v0  }
0x35e: {  	v60 =	vor.u32 v14, v38;
	v0 =	vor.u32 v31, v46;
	v57 =	vld.idx.msk [tilespmem:v57+s12+$0x0], $0xffff;
	[tilespmem:v2+s24+$0x0] =	vst.idx.msk $0xffff, v51  }
0x35f: {  	v63 =	vor.u32 v4, v47;
	v49 =	vor.u32 v15, v33;
	[tilespmem:v58+s24+$0x0] =	vst.idx.msk $0xffff, v52;
	v52 =	vld.idx.msk [tilespmem:v59+s12+$0x0], $0xffff  }
0x360: {  	v2 =	vor.u32 v16, v41;
	v51 =	vor.u32 v29, v42;
	v58 =	vld.idx.msk [tilespmem:v61+s12+$0x0], $0xffff  }
0x361: {  	[tilespmem:v53+s24+$0x0] =	vst.idx.msk $0xffff, v48;
	v48 =	vor.u32 v5, v35;
	v53 =	vor.u32 v5, v45;
	v5 =	vld [tilespmem:$0x1FFA0]  }
0x362: {  	v1 =	vor.u32 v27, v44;
	[tilespmem:v3+s24+$0x0] =	vst.idx.msk $0xffff, v62;
	v3 =	vld.idx.msk [tilespmem:v54+s12+$0x0], $0xffff  }
0x363: {  	v55 =	vor.u32 v28, v45;
	v59 =	vor.u32 v19, v34;
	v60 =	vld.idx.msk [tilespmem:v60+s12+$0x0], $0xffff;
	[tilespmem:v0+s24+$0x0] =	vst.idx.msk $0xffff, v50  }
0x364: {  	v61 =	vor.u32 v18, v40;
	[tilespmem:v49+s24+$0x0] =	vst.idx.msk $0xffff, v56;
	v56 =	vld.idx.msk [tilespmem:v63+s12+$0x0], $0xffff  }
0x365: {  	v49 =	vor.u32 v15, v39;
	v50 =	vor.u32 v12, v32;
	v2 =	vld.idx.msk [tilespmem:v2+s12+$0x0], $0xffff  }
0x366: {  	v62 =	vor.u32 v16, v38;
	[tilespmem:v51+s24+$0x0] =	vst.idx.msk $0xffff, v57;
	v63 =	vld [tilespmem:$0x1FFB0];
	v54 =	vor.u32 v5, v43  }
0x367: {  	[tilespmem:v1+s24+$0x0] =	vst.idx.msk $0xffff, v52;
	v51 =	vor.u32 v5, v46;
	v48 =	vld.idx.msk [tilespmem:v48+s12+$0x0], $0xffff  }
0x368: {  	v0 =	vor.u32 v29, v44;
	[tilespmem:v59+s24+$0x0] =	vst.idx.msk $0xffff, v58;
	v55 =	vld.idx.msk [tilespmem:v55+s12+$0x0], $0xffff  }
0x369: {  	v57 =	vor.u32 v19, v33;
	v1 =	vor.u32 v18, v41;
	v52 =	vor.u32 v31, v42;
	v58 =	vld.idx.msk [tilespmem:v61+s12+$0x0], $0xffff  }
0x36a: {  	v59 =	vor.u32 v17, v34;
	[tilespmem:v49+s24+$0x0] =	vst.idx.msk $0xffff, v60;
	v49 =	vld.idx.msk [tilespmem:v50+s12+$0x0], $0xffff;
	v50 =	vor.u32 v31, v44  }
0x36b: {  	v47 =	vor.u32 v63, v47;
	v61 =	vld.idx.msk [tilespmem:v62+s12+$0x0], $0xffff;
	v62 =	vor.u32 v13, v37;
	[tilespmem:v54+s24+$0x0] =	vst.idx.msk $0xffff, v3  }
0x36c: {  	v3 =	vor.u32 v4, v35;
	v54 =	vor.u32 v4, v45;
	[tilespmem:v51+s24+$0x0] =	vst.idx.msk $0xffff, v56;
	v4 =	vld [tilespmem:$0x1FFC0]  }
0x36d: {  	v60 =	vor.u32 v20, v40;
	v36 =	vor.u32 v63, v36;
	[tilespmem:v0+s24+$0x0] =	vst.idx.msk $0xffff, v55  }
0x36e: {  	v51 =	vor.u32 v14, v32;
	[tilespmem:v57+s24+$0x0] =	vst.idx.msk $0xffff, v2;
	v2 =	vor.u32 v19, v39  }
0x36f: {  	v56 =	vor.u32 v18, v38;
	[tilespmem:v52+s24+$0x0] =	vst.idx.msk $0xffff, v48;
	v48 =	vor.u32 v17, v33;
	v53 =	vld.idx.msk [tilespmem:v53+s12+$0x0], $0xffff  }
0x370: {  	v0 =	vor.u32 v20, v41;
	v52 =	vor.u32 v5, v42;
	v45 =	vor.u32 v63, v45;
	v1 =	vld.idx.msk [tilespmem:v1+s12+$0x0], $0xffff  }
0x371: {  	v55 =	vor.u32 v20, v32;
	v47 =	vld.idx.msk [tilespmem:v47+s12+$0x0], $0xffff;
	[tilespmem:v62+s24+$0x0] =	vst.idx.msk $0xffff, v49;
	v46 =	vor.u32 v4, v46  }
0x372: {  	v57 =	vor.u32 v15, v37;
	v62 =	vor.u32 v63, v35;
	v3 =	vld.idx.msk [tilespmem:v3+s12+$0x0], $0xffff;
	[tilespmem:v59+s24+$0x0] =	vst.idx.msk $0xffff, v58  }
0x373: {  	v63 =	vor.u32 v30, v34;
	v49 =	vor.u32 v22, v32;
	v60 =	vld.idx.msk [tilespmem:v60+s12+$0x0], $0xffff;
	[tilespmem:v2+s24+$0x0] =	vst.idx.msk $0xffff, v61  }
0x374: {  	v59 =	vor.u32 v5, v44;
	v58 =	vor.u32 v4, v43;
	v2 =	vld.idx.msk [tilespmem:v51+s12+$0x0], $0xffff;
	[tilespmem:v50+s24+$0x0] =	vst.idx.msk $0xffff, v53  }
0x375: {  	v51 =	vor.u32 v22, v40;
	v56 =	vld.idx.msk [tilespmem:v56+s12+$0x0], $0xffff;
	[tilespmem:v48+s24+$0x0] =	vst.idx.msk $0xffff, v1;
	v1 =	vor.u32 v17, v39  }
0x376: {  	v43 =	vor.u32 v19, v37;
	v50 =	vor.u32 v22, v41;
	v36 =	vld.idx.msk [tilespmem:v36+s12+$0x0], $0xffff;
	[tilespmem:v46+s24+$0x0] =	vst.idx.msk $0xffff, v47  }
0x377: {  	v0 =	vld.idx.msk [tilespmem:v0+s12+$0x0], $0xffff;
	v46 =	vor.u32 v16, v32;
	[tilespmem:v52+s24+$0x0] =	vst.idx.msk $0xffff, v3;
	v3 =	vor.u32 v30, v33  }
0x378: {  	v47 =	vor.u32 v20, v38;
	v35 =	vld.idx.msk [tilespmem:v62+s12+$0x0], $0xffff;
	[tilespmem:v63+s24+$0x0] =	vst.idx.msk $0xffff, v60;
	v63 =	vor.u32 v4, v42  }
0x379: {  	v61 =	vor.u32 v22, v38;
	v48 =	vor.u32 v4, v44;
	v4 =	vld.idx.msk [tilespmem:v54+s12+$0x0], $0xffff;
	[tilespmem:v57+s24+$0x0] =	vst.idx.msk $0xffff, v2  }
0x37a: {  	p0 =	slt.u32 s25, $0x3C;
	v53 =	vor.u32 v30, v37;
	v2 =	vor.u32 v21, v34;
	v5 =	vld.idx.msk [tilespmem:v51+s12+$0x0], $0xffff;
	[tilespmem:v1+s24+$0x0] =	vst.idx.msk $0xffff, v56  }
.Ltmp4:
0x37b: {  	v52 =	vor.u32 v26, v41;
	v60 =	vor.u32 v30, v39;
	[tilespmem:v58+s24+$0x0] =	vst.idx.msk $0xffff, v36;
	(pc) =	sbr.rel @p0 .LBB2_9-.Ltmp4, $4  }
0x37c: {  	v62 =	vor.u32 v18, v32;
	v54 =	vor.u32 v23, v33;
	v42 =	vld.idx.msk [tilespmem:v46+s12+$0x0], $0xffff;
	[tilespmem:v3+s24+$0x0] =	vst.idx.msk $0xffff, v0  }
0x37d: {  	v51 =	vor.u32 v24, v40;
	v56 =	vor.u32 v24, v38;
	v44 =	vld.idx.msk [tilespmem:v47+s12+$0x0], $0xffff;
	[tilespmem:v63+s24+$0x0] =	vst.idx.msk $0xffff, v35  }
0x37e: {  	s21 =	sadd.s32 $0x4, s25;
	v36 =	vmov v41;
	v58 =	vor.u32 v21, v33;
	v57 =	vld.idx.msk [tilespmem:v50+s12+$0x0], $0xffff;
	[tilespmem:v59+s24+$0x0] =	vst.idx.msk $0xffff, v4  }
0x37f: {  	s25 =	smov.u32 s21;
	v35 =	vmov v40;
	v59 =	vor.u32 v24, v36;
	[tilespmem:v2+s24+$0x0] =	vst.idx.msk $0xffff, v5;
	v50 =	vld.idx.msk [tilespmem:v45+s12+$0x0], $0xffff  }
0x380: {  	_ =	sdelay $0x3  }
0x381: {  	[tilespmem:v43+s24+$0x0] =	vst.idx.msk $0xffff, v42  }
0x382: {  	v0 =	vor.u32 v17, v37;
	v1 =	vld.idx.msk [tilespmem:v62+s12+$0x0], $0xffff;
	_ =	sdelay $0x3  }
0x383: {  	[tilespmem:v60+s24+$0x0] =	vst.idx.msk $0xffff, v44  }
0x384: {  	v2 =	vld.idx.msk [tilespmem:v61+s12+$0x0], $0xffff;
	[tilespmem:v0+s24+$0x0] =	vst.idx.msk $0xffff, v1;
	v1 =	vor.u32 v21, v39;
	_ =	sdelay $0x1  }
0x385: {  	v0 =	vld.idx.msk [tilespmem:v55+s12+$0x0], $0xffff;
	_ =	sdelay $0x1  }
0x386: {  	[tilespmem:v58+s24+$0x0] =	vst.idx.msk $0xffff, v57  }
0x387: {  	v5 =	vld.idx.msk [tilespmem:v59+s12+$0x0], $0xffff;
	[tilespmem:v1+s24+$0x0] =	vst.idx.msk $0xffff, v2  }
0x388: {  	v2 =	vor.u32 v23, v39;
	v1 =	vld.idx.msk [tilespmem:v56+s12+$0x0], $0xffff  }
0x389: {  	v41 =	vor.u32 v23, v34;
	[tilespmem:v53+s24+$0x0] =	vst.idx.msk $0xffff, v0;
	v53 =	vld.idx.msk [tilespmem:v51+s12+$0x0], $0xffff  }
0x38a: {  	v3 =	vor.u32 v21, v37;
	v0 =	vld.idx.msk [tilespmem:v49+s12+$0x0], $0xffff;
	_ =	sdelay $0x1  }
0x38b: {  	[tilespmem:v54+s24+$0x0] =	vst.idx.msk $0xffff, v5  }
0x38c: {  	v4 =	vor.u32 v24, v32;
	[tilespmem:v2+s24+$0x0] =	vst.idx.msk $0xffff, v1  }
0x38d: {  	v40 =	vor.u32 v26, v38;
	[tilespmem:v41+s24+$0x0] =	vst.idx.msk $0xffff, v53  }
0x38e: {  	[tilespmem:v3+s24+$0x0] =	vst.idx.msk $0xffff, v0  }
0x38f: {  	v28 =	vld [tilespmem:$0x1FF50]  }
0x390: {  	v5 =	vld.idx.msk [tilespmem:v52+s12+$0x0], $0xffff;
	v56 =	vor.u32 v25, v33  }
0x391: {  	v0 =	vor.u32 v26, v35;
	v3 =	vld.idx.msk [tilespmem:v4+s12+$0x0], $0xffff;
	v4 =	vor.u32 v23, v37  }
0x392: {  	v55 =	vor.u32 v26, v32;
	v2 =	vor.u32 v25, v39;
	v1 =	vld.idx.msk [tilespmem:v40+s12+$0x0], $0xffff;
	_ =	sdelay $0x1  }
0x393: {  	v57 =	vor.u32 v28, v38  }
0x394: {  	[tilespmem:v56+s24+$0x0] =	vst.idx.msk $0xffff, v5;
	v58 =	vor.u32 v28, v36  }
0x395: {  	v0 =	vld.idx.msk [tilespmem:v0+s12+$0x0], $0xffff;
	[tilespmem:v4+s24+$0x0] =	vst.idx.msk $0xffff, v3  }
0x396: {  	v59 =	vor.u32 v25, v34;
	[tilespmem:v2+s24+$0x0] =	vst.idx.msk $0xffff, v1;
	v43 =	vld.idx.msk [tilespmem:v55+s12+$0x0], $0xffff  }
0x397: {  	v4 =	vor.u32 v25, v37;
	v52 =	vld [tilespmem:$0x1FF70]  }
0x398: {  	v2 =	vor.u32 v27, v39;
	v1 =	vld.idx.msk [tilespmem:v57+s12+$0x0], $0xffff  }
0x399: {  	v60 =	vor.u32 v27, v33;
	v5 =	vld.idx.msk [tilespmem:v58+s12+$0x0], $0xffff;
	_ =	sdelay $0x1  }
0x39a: {  	v3 =	vor.u32 v28, v35;
	[tilespmem:v59+s24+$0x0] =	vst.idx.msk $0xffff, v0  }
0x39b: {  	[tilespmem:v4+s24+$0x0] =	vst.idx.msk $0xffff, v43  }
0x39c: {  	v45 =	vor.u32 v28, v32;
	[tilespmem:v2+s24+$0x0] =	vst.idx.msk $0xffff, v1  }
0x39d: {  	v61 =	vor.u32 v52, v38;
	[tilespmem:v60+s24+$0x0] =	vst.idx.msk $0xffff, v5  }
0x39e: {  	v0 =	vor.u32 v52, v36;
	v51 =	vld [tilespmem:$0x1FF80]  }
0x39f: {  	v62 =	vor.u32 v27, v34;
	v3 =	vld.idx.msk [tilespmem:v3+s12+$0x0], $0xffff;
	_ =	sdelay $0x1  }
0x3a0: {  	v63 =	vor.u32 v27, v37;
	v4 =	vor.u32 v52, v35;
	v54 =	vld.idx.msk [tilespmem:v45+s12+$0x0], $0xffff  }
0x3a1: {  	v55 =	vor.u32 v52, v32;
	v2 =	vor.u32 v29, v39;
	v1 =	vld.idx.msk [tilespmem:v61+s12+$0x0], $0xffff  }
0x3a2: {  	v5 =	vor.u32 v29, v33;
	v0 =	vld.idx.msk [tilespmem:v0+s12+$0x0], $0xffff;
	v56 =	vor.u32 v51, v38  }
0x3a3: {  	[tilespmem:v62+s24+$0x0] =	vst.idx.msk $0xffff, v3;
	v3 =	vor.u32 v51, v36;
	_ =	sdelay $0x1  }
0x3a4: {  	v57 =	vor.u32 v29, v34;
	v4 =	vld.idx.msk [tilespmem:v4+s12+$0x0], $0xffff;
	[tilespmem:v63+s24+$0x0] =	vst.idx.msk $0xffff, v54  }
0x3a5: {  	v59 =	vor.u32 v29, v37;
	v44 =	vld.idx.msk [tilespmem:v55+s12+$0x0], $0xffff;
	[tilespmem:v2+s24+$0x0] =	vst.idx.msk $0xffff, v1  }
0x3a6: {  	[tilespmem:v5+s24+$0x0] =	vst.idx.msk $0xffff, v0;
	v1 =	vor.u32 v31, v39;
	v0 =	vld.idx.msk [tilespmem:v56+s12+$0x0], $0xffff  }
0x3a7: {  	v2 =	vld.idx.msk [tilespmem:v3+s12+$0x0], $0xffff;
	v3 =	vor.u32 v31, v33  }
0x3a8: {  	v46 =	vld [tilespmem:$0x1FF90]  }
0x3a9: {  	[tilespmem:v57+s24+$0x0] =	vst.idx.msk $0xffff, v4  }
0x3aa: {  	[tilespmem:v59+s24+$0x0] =	vst.idx.msk $0xffff, v44  }
0x3ab: {  	v58 =	vor.u32 v51, v35;
	[tilespmem:v1+s24+$0x0] =	vst.idx.msk $0xffff, v0  }
0x3ac: {  	v60 =	vor.u32 v51, v32;
	[tilespmem:v3+s24+$0x0] =	vst.idx.msk $0xffff, v2  }
0x3ad: {  	v5 =	vor.u32 v46, v38;
	v47 =	vld [tilespmem:$0x1FFA0]  }
0x3ae: {  	v4 =	vor.u32 v46, v36;
	_ =	sdelay $0x1  }
0x3af: {  	v62 =	vor.u32 v31, v34;
	v61 =	vld.idx.msk [tilespmem:v58+s12+$0x0], $0xffff  }
0x3b0: {  	v53 =	vor.u32 v31, v37;
	v44 =	vld.idx.msk [tilespmem:v60+s12+$0x0], $0xffff  }
0x3b1: {  	v0 =	vld.idx.msk [tilespmem:v5+s12+$0x0], $0xffff;
	v1 =	vor.u32 v47, v39  }
0x3b2: {  	v2 =	vld.idx.msk [tilespmem:v4+s12+$0x0], $0xffff;
	v3 =	vor.u32 v47, v33  }
0x3b3: {  	v55 =	vld [tilespmem:$0x1FFB0]  }
0x3b4: {  	v63 =	vor.u32 v46, v35;
	[tilespmem:v62+s24+$0x0] =	vst.idx.msk $0xffff, v61  }
0x3b5: {  	v54 =	vor.u32 v46, v32;
	[tilespmem:v53+s24+$0x0] =	vst.idx.msk $0xffff, v44  }
0x3b6: {  	[tilespmem:v1+s24+$0x0] =	vst.idx.msk $0xffff, v0  }
0x3b7: {  	[tilespmem:v3+s24+$0x0] =	vst.idx.msk $0xffff, v2  }
0x3b8: {  	v4 =	vor.u32 v55, v38;
	v62 =	vld [tilespmem:$0x1FFC0]  }
0x3b9: {  	v56 =	vld.idx.msk [tilespmem:v63+s12+$0x0], $0xffff;
	v5 =	vor.u32 v55, v36;
	v57 =	vor.u32 v47, v34  }
0x3ba: {  	v60 =	vld.idx.msk [tilespmem:v54+s12+$0x0], $0xffff;
	v58 =	vor.u32 v55, v35;
	v59 =	vor.u32 v47, v37  }
0x3bb: {  	v61 =	vor.u32 v55, v32;
	_ =	sdelay $0x1  }
0x3bc: {  	v0 =	vld.idx.msk [tilespmem:v4+s12+$0x0], $0xffff;
	v1 =	vor.u32 v62, v39  }
0x3bd: {  	v2 =	vld.idx.msk [tilespmem:v5+s12+$0x0], $0xffff;
	[tilespmem:v57+s24+$0x0] =	vst.idx.msk $0xffff, v56;
	v3 =	vor.u32 v62, v33  }
0x3be: {  	[tilespmem:v59+s24+$0x0] =	vst.idx.msk $0xffff, v60;
	v4 =	vld.idx.msk [tilespmem:v58+s12+$0x0], $0xffff;
	v5 =	vor.u32 v62, v34  }
0x3bf: {  	v32 =	vld.idx.msk [tilespmem:v61+s12+$0x0], $0xffff;
	v63 =	vor.u32 v62, v37  }
0x3c0: {  	[tilespmem:v48+s24+$0x0] =	vst.idx.msk $0xffff, v50  }
0x3c1: {  	[tilespmem:v1+s24+$0x0] =	vst.idx.msk $0xffff, v0  }
0x3c2: {  	s15 =	sor.u32 s8, s20;
	[tilespmem:v3+s24+$0x0] =	vst.idx.msk $0xffff, v2  }
0x3c3: {  	s15 =	sshrl.u32 s15, $0x3;
	[tilespmem:v5+s24+$0x0] =	vst.idx.msk $0xffff, v4  }
0x3c4: {  	s26 =	sadd.s32 s2, s15;
	s29 =	sor.u32 $0x4000, s15;
	[tilespmem:v63+s24+$0x0] =	vst.idx.msk $0xffff, v32  }
0x3c5: {  	[hbm4b:s26+s3] =	stream.linear.scatter [tilespmem:s24], [sflag:$0x5], $0x800, $0x38;
	[tilespmem:$0x16400] =	vst v63  }
0x3c6: {  	s21 =	simm.s32 $0x12C00;
	s20 =	sadd.s32 s2, s29  }
0x3c7: {  	[hbm4b:s20+s3] =	stream.linear.scatter [tilespmem:s21], [sflag:$0x5], $0x800, $0x38;
	[tilespmem:$0x16400] =	vst v63  }
0x3c8: {  	s25 =	simm.s32 $0x13400;
	s21 =	sor.u32 $0x8000, s15  }
0x3c9: {  	s19 =	sadd.s32 $0x1, s19;
	s26 =	sor.u32 $0xC000, s15;
	s20 =	sadd.s32 s2, s21  }
0x3ca: {  	[hbm4b:s20+s3] =	stream.linear.scatter [tilespmem:s25], [sflag:$0x5], $0x800, $0x38;
	[tilespmem:$0x16400] =	vst v63  }
0x3cb: {  	s29 =	simm.s32 $0x13C00;
	s21 =	sor.u32 $0x10000, s15;
	s20 =	sadd.s32 s2, s26  }
0x3cc: {  	[hbm4b:s20+s3] =	stream.linear.scatter [tilespmem:s29], [sflag:$0x5], $0x800, $0x38;
	[tilespmem:$0x16400] =	vst v63  }
0x3cd: {  	s25 =	simm.s32 $0x14400;
	s26 =	sor.u32 $0x14000, s15;
	s20 =	sadd.s32 s2, s21  }
0x3ce: {  	[hbm4b:s20+s3] =	stream.linear.scatter [tilespmem:s25], [sflag:$0x5], $0x800, $0x38;
	[tilespmem:$0x16400] =	vst v63  }
0x3cf: {  	p0 =	sne.s32 s19, $0x32;
	s20 =	sadd.s32 s2, s26  }
0x3d0: {  	[hbm4b:s20+s3] =	stream.linear.scatter [tilespmem:s16], [sflag:$0x5], $0x800, $0x38;
	[tilespmem:$0x16400] =	vst v63  }
.Ltmp5:
0x3d1: {  	s29 =	sor.u32 $0x18000, s15;
	(pc) =	sbr.rel @p0 .LBB2_2-.Ltmp5, $4  }
0x3d2: {  	s15 =	sor.u32 $0x1C000, s15;
	s20 =	sadd.s32 s2, s29  }
0x3d3: {  	v6 =	vlaneseq.u32;
	v0 =	vmov v7;
	v1 =	vmov v8;
	[hbm4b:s20+s3] =	stream.linear.scatter [tilespmem:s17], [sflag:$0x5], $0x800, $0x38;
	[tilespmem:$0x16400] =	vst v63  }
0x3d4: {  	v2 =	vmovc v30;
	v3 =	vmovc v21;
	v21 =	vmov v23;
	v23 =	vmov v52;
	v30 =	vmov v51;
	s15 =	sadd.s32 s2, s15  }
0x3d5: {  	v4 =	vmovc v31;
	v5 =	vmovc v46;
	v31 =	vmov v47;
	v7 =	vmov v55;
	v8 =	vmov v62;
	[hbm4b:s15+s3] =	stream.linear.scatter [tilespmem:s18], [sflag:$0x5], $0x800, $0x38;
	[tilespmem:$0x16400] =	vst v63  }
0x3d6: {  	s15 =	simm.s32 $0x4  }
0x3d7: {  	_ =	swait.ge [sflag:s15], $0x800  }
0x3d8: {  	[sflag:s15] =	ssyncset.done $0x0  }
0x3d9: {  	[sflag:s15] =	ssyncadd.s32 $0xFFFFF800  }
0x3da: {  	_ =	swait.ge [sflag:s15], $0x800  }
0x3db: {  	[sflag:s15] =	ssyncset.done $0x0  }
0x3dc: {  	[sflag:s15] =	ssyncadd.s32 $0xFFFFF800  }
0x3dd: {  	_ =	swait.ge [sflag:s15], $0x800  }
0x3de: {  	[sflag:s15] =	ssyncset.done $0x0  }
0x3df: {  	[sflag:s15] =	ssyncadd.s32 $0xFFFFF800  }
0x3e0: {  	_ =	swait.ge [sflag:s15], $0x800  }
0x3e1: {  	[sflag:s15] =	ssyncset.done $0x0  }
0x3e2: {  	[sflag:s15] =	ssyncadd.s32 $0xFFFFF800  }
0x3e3: {  	_ =	swait.ge [sflag:s15], $0x800  }
0x3e4: {  	[sflag:s15] =	ssyncset.done $0x0  }
0x3e5: {  	[sflag:s15] =	ssyncadd.s32 $0xFFFFF800  }
0x3e6: {  	_ =	swait.ge [sflag:s15], $0x800  }
0x3e7: {  	[sflag:s15] =	ssyncset.done $0x0  }
0x3e8: {  	[sflag:s15] =	ssyncadd.s32 $0xFFFFF800  }
0x3e9: {  	_ =	swait.ge [sflag:s15], $0x800  }
0x3ea: {  	[sflag:s15] =	ssyncset.done $0x0  }
0x3eb: {  	[sflag:s15] =	ssyncadd.s32 $0xFFFFF800  }
0x3ec: {  	_ =	swait.ge [sflag:s15], $0x800  }
0x3ed: {  	[sflag:s15] =	ssyncset.done $0x0  }
0x3ee: {  	[sflag:s15] =	ssyncadd.s32 $0xFFFFF800  }
0x3ef: {  	_ =	swait.ge [sflag:s23], $0x800  }
0x3f0: {  	[sflag:s23] =	ssyncset.done $0x0  }
0x3f1: {  	[sflag:s23] =	ssyncadd.s32 $0xFFFFF800  }
0x3f2: {  	_ =	swait.ge [sflag:s23], $0x800  }
0x3f3: {  	[sflag:s23] =	ssyncset.done $0x0  }
0x3f4: {  	[sflag:s23] =	ssyncadd.s32 $0xFFFFF800  }
0x3f5: {  	_ =	swait.ge [sflag:s23], $0x800  }
0x3f6: {  	[sflag:s23] =	ssyncset.done $0x0  }
0x3f7: {  	[sflag:s23] =	ssyncadd.s32 $0xFFFFF800  }
0x3f8: {  	_ =	swait.ge [sflag:s23], $0x800  }
0x3f9: {  	[sflag:s23] =	ssyncset.done $0x0  }
0x3fa: {  	[sflag:s23] =	ssyncadd.s32 $0xFFFFF800  }
0x3fb: {  	_ =	swait.ge [sflag:s23], $0x800  }
0x3fc: {  	[sflag:s23] =	ssyncset.done $0x0  }
0x3fd: {  	[sflag:s23] =	ssyncadd.s32 $0xFFFFF800  }
0x3fe: {  	_ =	swait.ge [sflag:s23], $0x800  }
0x3ff: {  	[sflag:s23] =	ssyncset.done $0x0  }
0x400: {  	[sflag:s23] =	ssyncadd.s32 $0xFFFFF800  }
0x401: {  	_ =	swait.ge [sflag:s23], $0x800  }
0x402: {  	[sflag:s23] =	ssyncset.done $0x0  }
0x403: {  	[sflag:s23] =	ssyncadd.s32 $0xFFFFF800  }
0x404: {  	_ =	swait.ge [sflag:s23], $0x800  }
0x405: {  	s19 =	sld [smem:$0x7E7]  }
0x406: {  	s29 =	sld [smem:$0x7FD];
	_ =	sdelay $0x1  }
0x407: {  	s19 =	sadd.s32 $0x1, s19  }
0x408: {  	p0 =	sne.s32 s19, s29  }
.Ltmp6:
0x409: {  	_ = 	snop;
	(pc) =	sbr.rel @p0 .LBB2_1-.Ltmp6, $3  }
0x40a: {  	_ =	sdelay $0x1  }
0x40b: {  	[sflag:s23] =	ssyncset.done $0x0  }
0x40c: {  	[sflag:s23] =	ssyncadd.s32 $0xFFFFF800  }
0x40d: {  	_ =	sfence.sel $0x180000  }
0x40e: {  	[bflag:$0x0] =	sbarrier.arrive $0xFFFF  }
0x40f: {  	_ =	strace $0x90000047  }
0x410: {  	s0 =	stileid.u32;
	[bflag:$0x2] =	sbarrier.arrive $0xFFFF  }
0x411: {  	p0 =	sne.s32 s0, $0x0;
	s0 =	rddreg [dreg:$0x2]  }
0x412: {  	s0 =	sadd.s32 @!p0 $0x100000, s0  }
0x413: {  	[sflag:s0] =	ssyncadd.tile.s32 @!p0 $0x1;
	_ =	shalt  }
.Lfunc_end2:
_tile_overlayer_lowered:
.L_overlay_start_2:
0x414: {  	(tag) =	ssettag $0x2  }
0x415: {  	s0 =	rddreg [dreg:$0x0];
	s2 =	stileid.u32  }
0x416: {  	s1 =	rddreg [dreg:$0x1];
	p0 =	sne.s32 s2, $0x0  }
0x417: {  	s3 =	rddreg [dreg:$0x2];
	[bflag:$0x3] =	sbarrier.arrive $0xFFFF;
	s2 =	simm.s32 @!p0 $0x1C06  }
0x418: {  	[timem:s3], [sflag:s2] =	dma.local @!p0 [hbm:s0], s1  }
0x419: {  	s0 =	simm.s32 @!p0 $0x6  }
0x41a: {  	_ =	swait.ge @!p0 [sflag:s0], s1  }
0x41b: {  	s1 =	ssub.s32 @!p0 $0x0, s1;
	[sflag:s0] =	ssyncset.done @!p0 $0x0  }
0x41c: {  	[sflag:s0] =	ssyncadd.s32 @!p0 s1  }
0x41d: {  	[bflag:$0x3] =	sbarrier.arrive $0xFFFF  }
0x41e: {  	_ =	shalt  }

</sc_bundles>
